<compile_context>
chip_gen: v7x
topology: tpu7x:2x2x1
jax: 0.10.2.dev20260603
libtpu: 0.0.44.dev20260713+nightly
codegen_flags: <defaults>
</compile_context>

<pallas_src>
import functools

import jax
import jax.numpy as jnp
from jax import lax
from jax.experimental import pallas as pl
from jax.experimental.pallas import tpu as pltpu
from jax.experimental.pallas import tpu_sc as plsc

VOCAB = 1000000
EMB = 64
NCLS = 20
L = 200
B = 4096

_R = 2048
_SH = _R.bit_length() - 1
_NBLK = (VOCAB + 4 * _R - 1) // (4 * _R)
_NPACK = _NBLK * _R
_NROWS = 4 * _NPACK

_info = plsc.get_sparse_core_info()
_NC, _NS = _info.num_cores, _info.num_subcores
_NW = _NC * _NS
_BPW = B // _NW


def _tc_pack(table):
    tab_t = table.T
    last_blk = (VOCAB - 1) // _R

    def body(a_ref, b_ref, c_ref, d_ref, o_ref):
        ii = lax.broadcasted_iota(jnp.int32, (EMB, EMB), 0)
        jj = lax.broadcasted_iota(jnp.int32, (EMB, EMB), 1)
        ident = (ii == jj).astype(jnp.float32)

        def pack_one(ref):
            at = lax.dot_general(ref[...], ident, (((0,), (0,)), ((), ())),
                                 preferred_element_type=jnp.float32)
            bits = lax.bitcast_convert_type(at, jnp.uint32)
            lo = (bits[:, :32] + jnp.uint32(0x8000)) >> 16
            hi = (bits[:, 32:] + jnp.uint32(0x8000)) & jnp.uint32(0xFFFF0000)
            return lax.bitcast_convert_type(lo | hi, jnp.int32)

        o_ref[...] = jnp.concatenate(
            [pack_one(a_ref), pack_one(b_ref), pack_one(c_ref),
             pack_one(d_ref)], axis=1)

    def mk_spec(q):
        return pl.BlockSpec(
            (EMB, _R), lambda i: (0, jnp.minimum(4 * i + q, last_blk)))

    return pl.pallas_call(
        body,
        grid=(_NBLK,),
        in_specs=[mk_spec(0), mk_spec(1), mk_spec(2), mk_spec(3)],
        out_specs=pl.BlockSpec((_R, 128), lambda i: (i, 0)),
        out_shape=jax.ShapeDtypeStruct((_NPACK, 128), jnp.int32),
    )(tab_t, tab_t, tab_t, tab_t)


def _sc_embed_sum(docs32, table_lin):
    mesh = plsc.VectorSubcoreMesh(core_axis_name="c", subcore_axis_name="s")
    nbuf = 4

    @functools.partial(
        pl.kernel,
        mesh=mesh,
        out_type=jax.ShapeDtypeStruct((B, EMB), jnp.float32),
        scratch_types=[
            pltpu.VMEM((L, _BPW), jnp.int32),
            pltpu.VMEM((nbuf, _BPW, 32), jnp.int32),
            pltpu.VMEM((_BPW, EMB), jnp.float32),
            pltpu.SemaphoreType.DMA,
            pltpu.SemaphoreType.DMA,
            pltpu.SemaphoreType.DMA,
            pltpu.SemaphoreType.DMA,
        ],
        compiler_params=pltpu.CompilerParams(use_tc_tiling_on_sc=False),
    )
    def k(docs_hbm, table_hbm, out_hbm, idx_v, bufs, acc, *sems):
        wid = lax.axis_index("s") * _NC + lax.axis_index("c")
        base = wid * _BPW
        pltpu.sync_copy(docs_hbm.at[:, pl.ds(base, _BPW)], idx_v)

        def xform_row(r, _):
            for c in range(_BPW // 16):
                s = pl.ds(c * 16, 16)
                t = idx_v[r, s]
                row = (
                    (t & jnp.int32(~(4 * _R - 1)))
                    | ((t & jnp.int32(_R - 1)) << 2)
                    | ((t >> _SH) & jnp.int32(3))
                )
                idx_v[r, s] = row
            return 0

        lax.fori_loop(0, L, xform_row, 0, unroll=4)

        himask = jnp.int32(-65536)

        def unpack2(x):
            lo = lax.bitcast_convert_type(x << 16, jnp.float32)
            hi = lax.bitcast_convert_type(x & himask, jnp.float32)
            return lo, hi

        def accum_pair(ba, bb, first):
            def row_body(r, _):
                for c in range(2):
                    s = pl.ds(c * 16, 16)
                    alo, ahi = unpack2(ba[r, s])
                    blo, bhi = unpack2(bb[r, s])
                    lo = alo + blo
                    hi = ahi + bhi
                    slo = pl.ds(c * 16, 16)
                    shi = pl.ds(32 + c * 16, 16)
                    if first:
                        acc[r, slo] = lo
                        acc[r, shi] = hi
                    else:
                        plsc.addupdate(acc.at[r, slo], lo)
                        plsc.addupdate(acc.at[r, shi], hi)
                return 0
            lax.fori_loop(0, _BPW, row_body, 0, unroll=4)

        def issue(tok, bslot):
            pltpu.async_copy(
                table_hbm.at[idx_v.at[tok]], bufs.at[bslot], sems[bslot])

        def wait(tok, bslot):
            pltpu.make_async_copy(
                table_hbm.at[idx_v.at[tok]], bufs.at[bslot],
                sems[bslot]).wait()

        for q in range(nbuf):
            issue(q, q)

        def quad(j, first):
            t0 = 4 * j
            wait(t0, 0)
            wait(t0 + 1, 1)
            accum_pair(bufs.at[0], bufs.at[1], first)

            @pl.when(j < (L // 4) - 1)
            def _():
                issue(t0 + 4, 0)
                issue(t0 + 5, 1)

            wait(t0 + 2, 2)
            wait(t0 + 3, 3)
            accum_pair(bufs.at[2], bufs.at[3], False)

            @pl.when(j < (L // 4) - 1)
            def _():
                issue(t0 + 6, 2)
                issue(t0 + 7, 3)

        quad(0, True)
        lax.fori_loop(1, L // 4, lambda j, _: (quad(j, False), 0)[1], 0)

        pltpu.sync_copy(acc, out_hbm.at[pl.ds(base, _BPW)])

    return k(docs32, table_lin)


def _tc_classifier(sums, W, b):

    def body(x_ref, w_ref, b_ref, o_ref):
        x = x_ref[...] * (1.0 / L)
        o_ref[...] = (
            lax.dot_general(x, w_ref[...], (((1,), (1,)), ((), ())),
                            preferred_element_type=jnp.float32)
            + b_ref[...]
        )

    return pl.pallas_call(
        body,
        out_shape=jax.ShapeDtypeStruct((B, NCLS), jnp.float32),
    )(sums, W, b.reshape(1, NCLS))


def kernel(docs, table, W, b):
    docs32 = docs.astype(jnp.int32)
    packed = _tc_pack(table)
    table_lin = packed.reshape(_NROWS, 32)
    sums = _sc_embed_sum(docs32, table_lin)
    return _tc_classifier(sums, W, b)

# --- scband reference (transcript-rebuilt; emitter-appended) ---
"""Pipeline reference for scband-bo-wtext-classifier-module-49349174231237 (READ-ONLY COPY).

The authoritative reference and input builder live on the scoring server;
editing this copy changes nothing except your own understanding.
"""

import jax, jax.numpy as jnp
import numpy as np

VOCAB = 1000000
EMB = 64
NCLS = 20
L = 200
B = 4096


def setup_inputs(seed: int = 0) -> dict:
    key = jax.random.key(seed)
    k_docs, k_tab, k_w = jax.random.split(key, 3)
    docs = jax.random.randint(k_docs, (L, B), 0, VOCAB, dtype=jnp.int64)
    table = jax.random.normal(k_tab, (VOCAB, EMB), dtype=jnp.float32) * 0.1
    # padding_idx=0 -> row 0 is zeros
    table = table.at[0].set(0.0)
    W = jax.random.normal(k_w, (NCLS, EMB), dtype=jnp.float32) * 0.05
    b = jnp.zeros((NCLS,), dtype=jnp.float32)
    return {"docs": docs, "table": table, "W": W, "b": b}


def reference(docs, table, W, b):
    # nn.Embedding lookup (gather)
    embedded = jnp.take(table, docs, axis=0)          # [L, B, EMB]
    # mean over token dimension (dim=0), i.e. CBOW
    cbow = embedded.mean(axis=0)                      # [B, EMB]
    # dropout p=0.0 -> identity (eval semantics)
    # top linear layer
    scores = cbow @ W.T + b                           # [B, NCLS]
    return scores

if __name__ == "__main__":
    import jax
    _d = setup_inputs()
    print(jax.jit(kernel)(*tuple(_d.values())))

</pallas_src>

<mosaic_0001>
#map = affine_map<(d0, d1) -> (0, 0)>
module attributes {stable_mosaic.version = 14 : i64} {
  func.func @k(%arg0: i32, %arg1: i32, %arg2: memref<200x4096xi32, #tpu.memory_space<hbm>>, %arg3: memref<1007616x32xi32, #tpu.memory_space<hbm>>, %arg4: memref<4096x64xf32, #tpu.memory_space<hbm>>, %arg5: memref<200x128xi32, #tpu.memory_space<vmem>>, %arg6: memref<4x128x32xi32, #tpu.memory_space<vmem>>, %arg7: memref<128x64xf32, #tpu.memory_space<vmem>>, %arg8: memref<!tpu.dma_semaphore, #tpu.memory_space<semaphore_mem>>, %arg9: memref<!tpu.dma_semaphore, #tpu.memory_space<semaphore_mem>>, %arg10: memref<!tpu.dma_semaphore, #tpu.memory_space<semaphore_mem>>, %arg11: memref<!tpu.dma_semaphore, #tpu.memory_space<semaphore_mem>>) attributes {dimension_semantics = [#tpu.dimension_semantics<core_parallel>, #tpu.dimension_semantics<subcore_parallel>], iteration_bounds = array<i64: 2, 16>, scalar_prefetch = 0 : i64, scratch_operands = 7 : i64, tpu.core_type = #tpu.core_type<sc_vector_subcore>, window_params = [{transform_indices = #map}, {transform_indices = #map}, {transform_indices = #map}]} {
    %mul3A = arith.constant 2 : i32
    %mul3A_0 = arith.muli %arg1, %mul3A : i32
    %add3A = arith.addi %mul3A_0, %arg0 : i32
    %mul3A_1 = arith.constant 128 : i32
    %mul3A_2 = arith.muli %add3A, %mul3A_1 : i32
    "tpu.region"() ({
      %run_scoped3A = tpu.sem_alloc : memref<!tpu.dma_semaphore, #tpu.memory_space<semaphore_mem>>
      %dma_start3A_179 = arith.constant 0 : i32
      %dma_start3A_180 = tpu.memref_slice %arg2[%dma_start3A_179, %mul3A_2] : memref<200x4096xi32, #tpu.memory_space<hbm>> -> memref<200x128xi32, #tpu.memory_space<hbm>>
      %dma_start3A_181 = arith.constant 0 : i32
      %dma_start3A_182 = tpu.memref_slice %arg2[%dma_start3A_181, %mul3A_2] : memref<200x4096xi32, #tpu.memory_space<hbm>> -> memref<200x128xi32, #tpu.memory_space<hbm>>
      tpu.enqueue_dma source(%dma_start3A_182 : memref<200x128xi32, #tpu.memory_space<hbm>>) target(%arg5 : memref<200x128xi32, #tpu.memory_space<vmem>>) target_semaphore(%run_scoped3A : memref<!tpu.dma_semaphore, #tpu.memory_space<semaphore_mem>>)
      %dma_wait3A_183 = arith.constant 0 : i32
      %dma_wait3A_184 = tpu.memref_slice %arg2[%dma_wait3A_183, %mul3A_2] : memref<200x4096xi32, #tpu.memory_space<hbm>> -> memref<200x128xi32, #tpu.memory_space<hbm>>
      %dma_wait3A_185 = arith.constant 0 : i32
      %dma_wait3A_186 = tpu.memref_slice %arg2[%dma_wait3A_185, %mul3A_2] : memref<200x4096xi32, #tpu.memory_space<hbm>> -> memref<200x128xi32, #tpu.memory_space<hbm>>
      tpu.wait_dma2 semaphore(%run_scoped3A : memref<!tpu.dma_semaphore, #tpu.memory_space<semaphore_mem>>) src(%dma_wait3A_186 : memref<200x128xi32, #tpu.memory_space<hbm>>) dst(%arg5 : memref<200x128xi32, #tpu.memory_space<vmem>>)
      tpu.yield
    }) : () -> ()
    %scan3A = arith.constant 0 : i32
    %scan3A_3 = arith.constant 0 : i32
    %scan3A_4 = arith.constant 200 : i32
    %scan3A_5 = arith.addi %scan3A_3, %scan3A_4 : i32
    %scan3A_6 = arith.constant 4 : i32
    %scan3A_7 = scf.for %scan3A_179 = %scan3A_3 to %scan3A_5 step %scan3A_6 iter_args(%scan3A_180 = %scan3A) -> (i32)  : i32 {
      %get3A = arith.index_cast %scan3A_179 : i32 to index
      %get3A_181 = arith.constant 0 : index
      %get3A_182 = tpu.vector_load %arg5[%get3A, %get3A_181] {strides = array<i32>} : memref<200x128xi32, #tpu.memory_space<vmem>>, vector<1x16xi32>,
      %get3A_183 = vector.shape_cast %get3A_182 : vector<1x16xi32> to vector<16xi32>
      %and3A = arith.constant -8192 : i32
      %and3A_184 = vector.broadcast %and3A : i32 to vector<16xi32>
      %and3A_185 = arith.andi %get3A_183, %and3A_184 : vector<16xi32>
      %and3A_186 = arith.constant 2047 : i32
      %and3A_187 = vector.broadcast %and3A_186 : i32 to vector<16xi32>
      %and3A_188 = arith.andi %get3A_183, %and3A_187 : vector<16xi32>
      %shift_left3A = arith.constant 2 : i32
      %shift_left3A_189 = vector.broadcast %shift_left3A : i32 to vector<16xi32>
      %shift_left3A_190 = arith.shli %and3A_188, %shift_left3A_189 : vector<16xi32>
      %or3A = arith.ori %and3A_185, %shift_left3A_190 : vector<16xi32>
      %shift_right_arithmetic3A = arith.constant 11 : i32
      %shift_right_arithmetic3A_191 = vector.broadcast %shift_right_arithmetic3A : i32 to vector<16xi32>
      %shift_right_arithmetic3A_192 = arith.shrsi %get3A_183, %shift_right_arithmetic3A_191 : vector<16xi32>
      %and3A_193 = arith.constant 3 : i32
      %and3A_194 = vector.broadcast %and3A_193 : i32 to vector<16xi32>
      %and3A_195 = arith.andi %shift_right_arithmetic3A_192, %and3A_194 : vector<16xi32>
      %or3A_196 = arith.ori %or3A, %and3A_195 : vector<16xi32>
      %swap3A = arith.index_cast %scan3A_179 : i32 to index
      %swap3A_197 = arith.constant 0 : index
      %swap3A_198 = tpu.vector_load %arg5[%swap3A, %swap3A_197] {strides = array<i32>} : memref<200x128xi32, #tpu.memory_space<vmem>>, vector<1x16xi32>,
      %swap3A_199 = vector.shape_cast %swap3A_198 : vector<1x16xi32> to vector<16xi32>
      %swap3A_200 = vector.shape_cast %or3A_196 : vector<16xi32> to vector<1x16xi32>
      tpu.vector_store %arg5[%swap3A, %swap3A_197], %swap3A_200 {strides = array<i32>} : memref<200x128xi32, #tpu.memory_space<vmem>>, vector<1x16xi32>,
      %get3A_201 = arith.index_cast %scan3A_179 : i32 to index
      %get3A_202 = arith.constant 16 : index
      %get3A_203 = tpu.vector_load %arg5[%get3A_201, %get3A_202] {strides = array<i32>} : memref<200x128xi32, #tpu.memory_space<vmem>>, vector<1x16xi32>,
      %get3A_204 = vector.shape_cast %get3A_203 : vector<1x16xi32> to vector<16xi32>
      %and3A_205 = arith.constant -8192 : i32
      %and3A_206 = vector.broadcast %and3A_205 : i32 to vector<16xi32>
      %and3A_207 = arith.andi %get3A_204, %and3A_206 : vector<16xi32>
      %and3A_208 = arith.constant 2047 : i32
      %and3A_209 = vector.broadcast %and3A_208 : i32 to vector<16xi32>
      %and3A_210 = arith.andi %get3A_204, %and3A_209 : vector<16xi32>
      %shift_left3A_211 = arith.constant 2 : i32
      %shift_left3A_212 = vector.broadcast %shift_left3A_211 : i32 to vector<16xi32>
      %shift_left3A_213 = arith.shli %and3A_210, %shift_left3A_212 : vector<16xi32>
      %or3A_214 = arith.ori %and3A_207, %shift_left3A_213 : vector<16xi32>
      %shift_right_arithmetic3A_215 = arith.constant 11 : i32
      %shift_right_arithmetic3A_216 = vector.broadcast %shift_right_arithmetic3A_215 : i32 to vector<16xi32>
      %shift_right_arithmetic3A_217 = arith.shrsi %get3A_204, %shift_right_arithmetic3A_216 : vector<16xi32>
      %and3A_218 = arith.constant 3 : i32
      %and3A_219 = vector.broadcast %and3A_218 : i32 to vector<16xi32>
      %and3A_220 = arith.andi %shift_right_arithmetic3A_217, %and3A_219 : vector<16xi32>
      %or3A_221 = arith.ori %or3A_214, %and3A_220 : vector<16xi32>
      %swap3A_222 = arith.index_cast %scan3A_179 : i32 to index
      %swap3A_223 = arith.constant 16 : index
      %swap3A_224 = tpu.vector_load %arg5[%swap3A_222, %swap3A_223] {strides = array<i32>} : memref<200x128xi32, #tpu.memory_space<vmem>>, vector<1x16xi32>,
      %swap3A_225 = vector.shape_cast %swap3A_224 : vector<1x16xi32> to vector<16xi32>
      %swap3A_226 = vector.shape_cast %or3A_221 : vector<16xi32> to vector<1x16xi32>
      tpu.vector_store %arg5[%swap3A_222, %swap3A_223], %swap3A_226 {strides = array<i32>} : memref<200x128xi32, #tpu.memory_space<vmem>>, vector<1x16xi32>,
      %get3A_227 = arith.index_cast %scan3A_179 : i32 to index
      %get3A_228 = arith.constant 32 : index
      %get3A_229 = tpu.vector_load %arg5[%get3A_227, %get3A_228] {strides = array<i32>} : memref<200x128xi32, #tpu.memory_space<vmem>>, vector<1x16xi32>,
      %get3A_230 = vector.shape_cast %get3A_229 : vector<1x16xi32> to vector<16xi32>
      %and3A_231 = arith.constant -8192 : i32
      %and3A_232 = vector.broadcast %and3A_231 : i32 to vector<16xi32>
      %and3A_233 = arith.andi %get3A_230, %and3A_232 : vector<16xi32>
      %and3A_234 = arith.constant 2047 : i32
      %and3A_235 = vector.broadcast %and3A_234 : i32 to vector<16xi32>
      %and3A_236 = arith.andi %get3A_230, %and3A_235 : vector<16xi32>
      %shift_left3A_237 = arith.constant 2 : i32
      %shift_left3A_238 = vector.broadcast %shift_left3A_237 : i32 to vector<16xi32>
      %shift_left3A_239 = arith.shli %and3A_236, %shift_left3A_238 : vector<16xi32>
      %or3A_240 = arith.ori %and3A_233, %shift_left3A_239 : vector<16xi32>
      %shift_right_arithmetic3A_241 = arith.constant 11 : i32
      %shift_right_arithmetic3A_242 = vector.broadcast %shift_right_arithmetic3A_241 : i32 to vector<16xi32>
      %shift_right_arithmetic3A_243 = arith.shrsi %get3A_230, %shift_right_arithmetic3A_242 : vector<16xi32>
      %and3A_244 = arith.constant 3 : i32
      %and3A_245 = vector.broadcast %and3A_244 : i32 to vector<16xi32>
      %and3A_246 = arith.andi %shift_right_arithmetic3A_243, %and3A_245 : vector<16xi32>
      %or3A_247 = arith.ori %or3A_240, %and3A_246 : vector<16xi32>
      %swap3A_248 = arith.index_cast %scan3A_179 : i32 to index
      %swap3A_249 = arith.constant 32 : index
      %swap3A_250 = tpu.vector_load %arg5[%swap3A_248, %swap3A_249] {strides = array<i32>} : memref<200x128xi32, #tpu.memory_space<vmem>>, vector<1x16xi32>,
      %swap3A_251 = vector.shape_cast %swap3A_250 : vector<1x16xi32> to vector<16xi32>
      %swap3A_252 = vector.shape_cast %or3A_247 : vector<16xi32> to vector<1x16xi32>
      tpu.vector_store %arg5[%swap3A_248, %swap3A_249], %swap3A_252 {strides = array<i32>} : memref<200x128xi32, #tpu.memory_space<vmem>>, vector<1x16xi32>,
      %get3A_253 = arith.index_cast %scan3A_179 : i32 to index
      %get3A_254 = arith.constant 48 : index
      %get3A_255 = tpu.vector_load %arg5[%get3A_253, %get3A_254] {strides = array<i32>} : memref<200x128xi32, #tpu.memory_space<vmem>>, vector<1x16xi32>,
      %get3A_256 = vector.shape_cast %get3A_255 : vector<1x16xi32> to vector<16xi32>
      %and3A_257 = arith.constant -8192 : i32
      %and3A_258 = vector.broadcast %and3A_257 : i32 to vector<16xi32>
      %and3A_259 = arith.andi %get3A_256, %and3A_258 : vector<16xi32>
      %and3A_260 = arith.constant 2047 : i32
      %and3A_261 = vector.broadcast %and3A_260 : i32 to vector<16xi32>
      %and3A_262 = arith.andi %get3A_256, %and3A_261 : vector<16xi32>
      %shift_left3A_263 = arith.constant 2 : i32
      %shift_left3A_264 = vector.broadcast %shift_left3A_263 : i32 to vector<16xi32>
      %shift_left3A_265 = arith.shli %and3A_262, %shift_left3A_264 : vector<16xi32>
      %or3A_266 = arith.ori %and3A_259, %shift_left3A_265 : vector<16xi32>
      %shift_right_arithmetic3A_267 = arith.constant 11 : i32
      %shift_right_arithmetic3A_268 = vector.broadcast %shift_right_arithmetic3A_267 : i32 to vector<16xi32>
      %shift_right_arithmetic3A_269 = arith.shrsi %get3A_256, %shift_right_arithmetic3A_268 : vector<16xi32>
      %and3A_270 = arith.constant 3 : i32
      %and3A_271 = vector.broadcast %and3A_270 : i32 to vector<16xi32>
      %and3A_272 = arith.andi %shift_right_arithmetic3A_269, %and3A_271 : vector<16xi32>
      %or3A_273 = arith.ori %or3A_266, %and3A_272 : vector<16xi32>
      %swap3A_274 = arith.index_cast %scan3A_179 : i32 to index
      %swap3A_275 = arith.constant 48 : index
      %swap3A_276 = tpu.vector_load %arg5[%swap3A_274, %swap3A_275] {strides = array<i32>} : memref<200x128xi32, #tpu.memory_space<vmem>>, vector<1x16xi32>,
      %swap3A_277 = vector.shape_cast %swap3A_276 : vector<1x16xi32> to vector<16xi32>
      %swap3A_278 = vector.shape_cast %or3A_273 : vector<16xi32> to vector<1x16xi32>
      tpu.vector_store %arg5[%swap3A_274, %swap3A_275], %swap3A_278 {strides = array<i32>} : memref<200x128xi32, #tpu.memory_space<vmem>>, vector<1x16xi32>,
      %get3A_279 = arith.index_cast %scan3A_179 : i32 to index
      %get3A_280 = arith.constant 64 : index
      %get3A_281 = tpu.vector_load %arg5[%get3A_279, %get3A_280] {strides = array<i32>} : memref<200x128xi32, #tpu.memory_space<vmem>>, vector<1x16xi32>,
      %get3A_282 = vector.shape_cast %get3A_281 : vector<1x16xi32> to vector<16xi32>
      %and3A_283 = arith.constant -8192 : i32
      %and3A_284 = vector.broadcast %and3A_283 : i32 to vector<16xi32>
      %and3A_285 = arith.andi %get3A_282, %and3A_284 : vector<16xi32>
      %and3A_286 = arith.constant 2047 : i32
      %and3A_287 = vector.broadcast %and3A_286 : i32 to vector<16xi32>
      %and3A_288 = arith.andi %get3A_282, %and3A_287 : vector<16xi32>
      %shift_left3A_289 = arith.constant 2 : i32
      %shift_left3A_290 = vector.broadcast %shift_left3A_289 : i32 to vector<16xi32>
      %shift_left3A_291 = arith.shli %and3A_288, %shift_left3A_290 : vector<16xi32>
      %or3A_292 = arith.ori %and3A_285, %shift_left3A_291 : vector<16xi32>
      %shift_right_arithmetic3A_293 = arith.constant 11 : i32
      %shift_right_arithmetic3A_294 = vector.broadcast %shift_right_arithmetic3A_293 : i32 to vector<16xi32>
      %shift_right_arithmetic3A_295 = arith.shrsi %get3A_282, %shift_right_arithmetic3A_294 : vector<16xi32>
      %and3A_296 = arith.constant 3 : i32
      %and3A_297 = vector.broadcast %and3A_296 : i32 to vector<16xi32>
      %and3A_298 = arith.andi %shift_right_arithmetic3A_295, %and3A_297 : vector<16xi32>
      %or3A_299 = arith.ori %or3A_292, %and3A_298 : vector<16xi32>
      %swap3A_300 = arith.index_cast %scan3A_179 : i32 to index
      %swap3A_301 = arith.constant 64 : index
      %swap3A_302 = tpu.vector_load %arg5[%swap3A_300, %swap3A_301] {strides = array<i32>} : memref<200x128xi32, #tpu.memory_space<vmem>>, vector<1x16xi32>,
      %swap3A_303 = vector.shape_cast %swap3A_302 : vector<1x16xi32> to vector<16xi32>
      %swap3A_304 = vector.shape_cast %or3A_299 : vector<16xi32> to vector<1x16xi32>
      tpu.vector_store %arg5[%swap3A_300, %swap3A_301], %swap3A_304 {strides = array<i32>} : memref<200x128xi32, #tpu.memory_space<vmem>>, vector<1x16xi32>,
      %get3A_305 = arith.index_cast %scan3A_179 : i32 to index
      %get3A_306 = arith.constant 80 : index
      %get3A_307 = tpu.vector_load %arg5[%get3A_305, %get3A_306] {strides = array<i32>} : memref<200x128xi32, #tpu.memory_space<vmem>>, vector<1x16xi32>,
      %get3A_308 = vector.shape_cast %get3A_307 : vector<1x16xi32> to vector<16xi32>
      %and3A_309 = arith.constant -8192 : i32
      %and3A_310 = vector.broadcast %and3A_309 : i32 to vector<16xi32>
      %and3A_311 = arith.andi %get3A_308, %and3A_310 : vector<16xi32>
      %and3A_312 = arith.constant 2047 : i32
      %and3A_313 = vector.broadcast %and3A_312 : i32 to vector<16xi32>
      %and3A_314 = arith.andi %get3A_308, %and3A_313 : vector<16xi32>
      %shift_left3A_315 = arith.constant 2 : i32
      %shift_left3A_316 = vector.broadcast %shift_left3A_315 : i32 to vector<16xi32>
      %shift_left3A_317 = arith.shli %and3A_314, %shift_left3A_316 : vector<16xi32>
      %or3A_318 = arith.ori %and3A_311, %shift_left3A_317 : vector<16xi32>
      %shift_right_arithmetic3A_319 = arith.constant 11 : i32
      %shift_right_arithmetic3A_320 = vector.broadcast %shift_right_arithmetic3A_319 : i32 to vector<16xi32>
      %shift_right_arithmetic3A_321 = arith.shrsi %get3A_308, %shift_right_arithmetic3A_320 : vector<16xi32>
      %and3A_322 = arith.constant 3 : i32
      %and3A_323 = vector.broadcast %and3A_322 : i32 to vector<16xi32>
      %and3A_324 = arith.andi %shift_right_arithmetic3A_321, %and3A_323 : vector<16xi32>
      %or3A_325 = arith.ori %or3A_318, %and3A_324 : vector<16xi32>
      %swap3A_326 = arith.index_cast %scan3A_179 : i32 to index
      %swap3A_327 = arith.constant 80 : index
      %swap3A_328 = tpu.vector_load %arg5[%swap3A_326, %swap3A_327] {strides = array<i32>} : memref<200x128xi32, #tpu.memory_space<vmem>>, vector<1x16xi32>,
      %swap3A_329 = vector.shape_cast %swap3A_328 : vector<1x16xi32> to vector<16xi32>
      %swap3A_330 = vector.shape_cast %or3A_325 : vector<16xi32> to vector<1x16xi32>
      tpu.vector_store %arg5[%swap3A_326, %swap3A_327], %swap3A_330 {strides = array<i32>} : memref<200x128xi32, #tpu.memory_space<vmem>>, vector<1x16xi32>,
      %get3A_331 = arith.index_cast %scan3A_179 : i32 to index
      %get3A_332 = arith.constant 96 : index
      %get3A_333 = tpu.vector_load %arg5[%get3A_331, %get3A_332] {strides = array<i32>} : memref<200x128xi32, #tpu.memory_space<vmem>>, vector<1x16xi32>,
      %get3A_334 = vector.shape_cast %get3A_333 : vector<1x16xi32> to vector<16xi32>
      %and3A_335 = arith.constant -8192 : i32
      %and3A_336 = vector.broadcast %and3A_335 : i32 to vector<16xi32>
      %and3A_337 = arith.andi %get3A_334, %and3A_336 : vector<16xi32>
      %and3A_338 = arith.constant 2047 : i32
      %and3A_339 = vector.broadcast %and3A_338 : i32 to vector<16xi32>
      %and3A_340 = arith.andi %get3A_334, %and3A_339 : vector<16xi32>
      %shift_left3A_341 = arith.constant 2 : i32
      %shift_left3A_342 = vector.broadcast %shift_left3A_341 : i32 to vector<16xi32>
      %shift_left3A_343 = arith.shli %and3A_340, %shift_left3A_342 : vector<16xi32>
      %or3A_344 = arith.ori %and3A_337, %shift_left3A_343 : vector<16xi32>
      %shift_right_arithmetic3A_345 = arith.constant 11 : i32
      %shift_right_arithmetic3A_346 = vector.broadcast %shift_right_arithmetic3A_345 : i32 to vector<16xi32>
      %shift_right_arithmetic3A_347 = arith.shrsi %get3A_334, %shift_right_arithmetic3A_346 : vector<16xi32>
      %and3A_348 = arith.constant 3 : i32
      %and3A_349 = vector.broadcast %and3A_348 : i32 to vector<16xi32>
      %and3A_350 = arith.andi %shift_right_arithmetic3A_347, %and3A_349 : vector<16xi32>
      %or3A_351 = arith.ori %or3A_344, %and3A_350 : vector<16xi32>
      %swap3A_352 = arith.index_cast %scan3A_179 : i32 to index
      %swap3A_353 = arith.constant 96 : index
      %swap3A_354 = tpu.vector_load %arg5[%swap3A_352, %swap3A_353] {strides = array<i32>} : memref<200x128xi32, #tpu.memory_space<vmem>>, vector<1x16xi32>,
      %swap3A_355 = vector.shape_cast %swap3A_354 : vector<1x16xi32> to vector<16xi32>
      %swap3A_356 = vector.shape_cast %or3A_351 : vector<16xi32> to vector<1x16xi32>
      tpu.vector_store %arg5[%swap3A_352, %swap3A_353], %swap3A_356 {strides = array<i32>} : memref<200x128xi32, #tpu.memory_space<vmem>>, vector<1x16xi32>,
      %get3A_357 = arith.index_cast %scan3A_179 : i32 to index
      %get3A_358 = arith.constant 112 : index
      %get3A_359 = tpu.vector_load %arg5[%get3A_357, %get3A_358] {strides = array<i32>} : memref<200x128xi32, #tpu.memory_space<vmem>>, vector<1x16xi32>,
      %get3A_360 = vector.shape_cast %get3A_359 : vector<1x16xi32> to vector<16xi32>
      %and3A_361 = arith.constant -8192 : i32
      %and3A_362 = vector.broadcast %and3A_361 : i32 to vector<16xi32>
      %and3A_363 = arith.andi %get3A_360, %and3A_362 : vector<16xi32>
      %and3A_364 = arith.constant 2047 : i32
      %and3A_365 = vector.broadcast %and3A_364 : i32 to vector<16xi32>
      %and3A_366 = arith.andi %get3A_360, %and3A_365 : vector<16xi32>
      %shift_left3A_367 = arith.constant 2 : i32
      %shift_left3A_368 = vector.broadcast %shift_left3A_367 : i32 to vector<16xi32>
      %shift_left3A_369 = arith.shli %and3A_366, %shift_left3A_368 : vector<16xi32>
      %or3A_370 = arith.ori %and3A_363, %shift_left3A_369 : vector<16xi32>
      %shift_right_arithmetic3A_371 = arith.constant 11 : i32
      %shift_right_arithmetic3A_372 = vector.broadcast %shift_right_arithmetic3A_371 : i32 to vector<16xi32>
      %shift_right_arithmetic3A_373 = arith.shrsi %get3A_360, %shift_right_arithmetic3A_372 : vector<16xi32>
      %and3A_374 = arith.constant 3 : i32
      %and3A_375 = vector.broadcast %and3A_374 : i32 to vector<16xi32>
      %and3A_376 = arith.andi %shift_right_arithmetic3A_373, %and3A_375 : vector<16xi32>
      %or3A_377 = arith.ori %or3A_370, %and3A_376 : vector<16xi32>
      %swap3A_378 = arith.index_cast %scan3A_179 : i32 to index
      %swap3A_379 = arith.constant 112 : index
      %swap3A_380 = tpu.vector_load %arg5[%swap3A_378, %swap3A_379] {strides = array<i32>} : memref<200x128xi32, #tpu.memory_space<vmem>>, vector<1x16xi32>,
      %swap3A_381 = vector.shape_cast %swap3A_380 : vector<1x16xi32> to vector<16xi32>
      %swap3A_382 = vector.shape_cast %or3A_377 : vector<16xi32> to vector<1x16xi32>
      tpu.vector_store %arg5[%swap3A_378, %swap3A_379], %swap3A_382 {strides = array<i32>} : memref<200x128xi32, #tpu.memory_space<vmem>>, vector<1x16xi32>,
      %scan3A_383 = arith.constant 0 : i32
      %scan3A_384 = arith.constant 1 : i32
      %scan3A_385 = arith.addi %scan3A_179, %scan3A_384 : i32
      %get3A_386 = arith.index_cast %scan3A_385 : i32 to index
      %get3A_387 = arith.constant 0 : index
      %get3A_388 = tpu.vector_load %arg5[%get3A_386, %get3A_387] {strides = array<i32>} : memref<200x128xi32, #tpu.memory_space<vmem>>, vector<1x16xi32>,
      %get3A_389 = vector.shape_cast %get3A_388 : vector<1x16xi32> to vector<16xi32>
      %and3A_390 = arith.constant -8192 : i32
      %and3A_391 = vector.broadcast %and3A_390 : i32 to vector<16xi32>
      %and3A_392 = arith.andi %get3A_389, %and3A_391 : vector<16xi32>
      %and3A_393 = arith.constant 2047 : i32
      %and3A_394 = vector.broadcast %and3A_393 : i32 to vector<16xi32>
      %and3A_395 = arith.andi %get3A_389, %and3A_394 : vector<16xi32>
      %shift_left3A_396 = arith.constant 2 : i32
      %shift_left3A_397 = vector.broadcast %shift_left3A_396 : i32 to vector<16xi32>
      %shift_left3A_398 = arith.shli %and3A_395, %shift_left3A_397 : vector<16xi32>
      %or3A_399 = arith.ori %and3A_392, %shift_left3A_398 : vector<16xi32>
      %shift_right_arithmetic3A_400 = arith.constant 11 : i32
      %shift_right_arithmetic3A_401 = vector.broadcast %shift_right_arithmetic3A_400 : i32 to vector<16xi32>
      %shift_right_arithmetic3A_402 = arith.shrsi %get3A_389, %shift_right_arithmetic3A_401 : vector<16xi32>
      %and3A_403 = arith.constant 3 : i32
      %and3A_404 = vector.broadcast %and3A_403 : i32 to vector<16xi32>
      %and3A_405 = arith.andi %shift_right_arithmetic3A_402, %and3A_404 : vector<16xi32>
      %or3A_406 = arith.ori %or3A_399, %and3A_405 : vector<16xi32>
      %swap3A_407 = arith.index_cast %scan3A_385 : i32 to index
      %swap3A_408 = arith.constant 0 : index
      %swap3A_409 = tpu.vector_load %arg5[%swap3A_407, %swap3A_408] {strides = array<i32>} : memref<200x128xi32, #tpu.memory_space<vmem>>, vector<1x16xi32>,
      %swap3A_410 = vector.shape_cast %swap3A_409 : vector<1x16xi32> to vector<16xi32>
      %swap3A_411 = vector.shape_cast %or3A_406 : vector<16xi32> to vector<1x16xi32>
      tpu.vector_store %arg5[%swap3A_407, %swap3A_408], %swap3A_411 {strides = array<i32>} : memref<200x128xi32, #tpu.memory_space<vmem>>, vector<1x16xi32>,
      %get3A_412 = arith.index_cast %scan3A_385 : i32 to index
      %get3A_413 = arith.constant 16 : index
      %get3A_414 = tpu.vector_load %arg5[%get3A_412, %get3A_413] {strides = array<i32>} : memref<200x128xi32, #tpu.memory_space<vmem>>, vector<1x16xi32>,
      %get3A_415 = vector.shape_cast %get3A_414 : vector<1x16xi32> to vector<16xi32>
      %and3A_416 = arith.constant -8192 : i32
      %and3A_417 = vector.broadcast %and3A_416 : i32 to vector<16xi32>
      %and3A_418 = arith.andi %get3A_415, %and3A_417 : vector<16xi32>
      %and3A_419 = arith.constant 2047 : i32
      %and3A_420 = vector.broadcast %and3A_419 : i32 to vector<16xi32>
      %and3A_421 = arith.andi %get3A_415, %and3A_420 : vector<16xi32>
      %shift_left3A_422 = arith.constant 2 : i32
      %shift_left3A_423 = vector.broadcast %shift_left3A_422 : i32 to vector<16xi32>
      %shift_left3A_424 = arith.shli %and3A_421, %shift_left3A_423 : vector<16xi32>
      %or3A_425 = arith.ori %and3A_418, %shift_left3A_424 : vector<16xi32>
      %shift_right_arithmetic3A_426 = arith.constant 11 : i32
      %shift_right_arithmetic3A_427 = vector.broadcast %shift_right_arithmetic3A_426 : i32 to vector<16xi32>
      %shift_right_arithmetic3A_428 = arith.shrsi %get3A_415, %shift_right_arithmetic3A_427 : vector<16xi32>
      %and3A_429 = arith.constant 3 : i32
      %and3A_430 = vector.broadcast %and3A_429 : i32 to vector<16xi32>
      %and3A_431 = arith.andi %shift_right_arithmetic3A_428, %and3A_430 : vector<16xi32>
      %or3A_432 = arith.ori %or3A_425, %and3A_431 : vector<16xi32>
      %swap3A_433 = arith.index_cast %scan3A_385 : i32 to index
      %swap3A_434 = arith.constant 16 : index
      %swap3A_435 = tpu.vector_load %arg5[%swap3A_433, %swap3A_434] {strides = array<i32>} : memref<200x128xi32, #tpu.memory_space<vmem>>, vector<1x16xi32>,
      %swap3A_436 = vector.shape_cast %swap3A_435 : vector<1x16xi32> to vector<16xi32>
      %swap3A_437 = vector.shape_cast %or3A_432 : vector<16xi32> to vector<1x16xi32>
      tpu.vector_store %arg5[%swap3A_433, %swap3A_434], %swap3A_437 {strides = array<i32>} : memref<200x128xi32, #tpu.memory_space<vmem>>, vector<1x16xi32>,
      %get3A_438 = arith.index_cast %scan3A_385 : i32 to index
      %get3A_439 = arith.constant 32 : index
      %get3A_440 = tpu.vector_load %arg5[%get3A_438, %get3A_439] {strides = array<i32>} : memref<200x128xi32, #tpu.memory_space<vmem>>, vector<1x16xi32>,
      %get3A_441 = vector.shape_cast %get3A_440 : vector<1x16xi32> to vector<16xi32>
      %and3A_442 = arith.constant -8192 : i32
      %and3A_443 = vector.broadcast %and3A_442 : i32 to vector<16xi32>
      %and3A_444 = arith.andi %get3A_441, %and3A_443 : vector<16xi32>
      %and3A_445 = arith.constant 2047 : i32
      %and3A_446 = vector.broadcast %and3A_445 : i32 to vector<16xi32>
      %and3A_447 = arith.andi %get3A_441, %and3A_446 : vector<16xi32>
      %shift_left3A_448 = arith.constant 2 : i32
      %shift_left3A_449 = vector.broadcast %shift_left3A_448 : i32 to vector<16xi32>
      %shift_left3A_450 = arith.shli %and3A_447, %shift_left3A_449 : vector<16xi32>
      %or3A_451 = arith.ori %and3A_444, %shift_left3A_450 : vector<16xi32>
      %shift_right_arithmetic3A_452 = arith.constant 11 : i32
      %shift_right_arithmetic3A_453 = vector.broadcast %shift_right_arithmetic3A_452 : i32 to vector<16xi32>
      %shift_right_arithmetic3A_454 = arith.shrsi %get3A_441, %shift_right_arithmetic3A_453 : vector<16xi32>
      %and3A_455 = arith.constant 3 : i32
      %and3A_456 = vector.broadcast %and3A_455 : i32 to vector<16xi32>
      %and3A_457 = arith.andi %shift_right_arithmetic3A_454, %and3A_456 : vector<16xi32>
      %or3A_458 = arith.ori %or3A_451, %and3A_457 : vector<16xi32>
      %swap3A_459 = arith.index_cast %scan3A_385 : i32 to index
      %swap3A_460 = arith.constant 32 : index
      %swap3A_461 = tpu.vector_load %arg5[%swap3A_459, %swap3A_460] {strides = array<i32>} : memref<200x128xi32, #tpu.memory_space<vmem>>, vector<1x16xi32>,
      %swap3A_462 = vector.shape_cast %swap3A_461 : vector<1x16xi32> to vector<16xi32>
      %swap3A_463 = vector.shape_cast %or3A_458 : vector<16xi32> to vector<1x16xi32>
      tpu.vector_store %arg5[%swap3A_459, %swap3A_460], %swap3A_463 {strides = array<i32>} : memref<200x128xi32, #tpu.memory_space<vmem>>, vector<1x16xi32>,
      %get3A_464 = arith.index_cast %scan3A_385 : i32 to index
      %get3A_465 = arith.constant 48 : index
      %get3A_466 = tpu.vector_load %arg5[%get3A_464, %get3A_465] {strides = array<i32>} : memref<200x128xi32, #tpu.memory_space<vmem>>, vector<1x16xi32>,
      %get3A_467 = vector.shape_cast %get3A_466 : vector<1x16xi32> to vector<16xi32>
      %and3A_468 = arith.constant -8192 : i32
      %and3A_469 = vector.broadcast %and3A_468 : i32 to vector<16xi32>
      %and3A_470 = arith.andi %get3A_467, %and3A_469 : vector<16xi32>
      %and3A_471 = arith.constant 2047 : i32
      %and3A_472 = vector.broadcast %and3A_471 : i32 to vector<16xi32>
      %and3A_473 = arith.andi %get3A_467, %and3A_472 : vector<16xi32>
      %shift_left3A_474 = arith.constant 2 : i32
      %shift_left3A_475 = vector.broadcast %shift_left3A_474 : i32 to vector<16xi32>
      %shift_left3A_476 = arith.shli %and3A_473, %shift_left3A_475 : vector<16xi32>
      %or3A_477 = arith.ori %and3A_470, %shift_left3A_476 : vector<16xi32>
      %shift_right_arithmetic3A_478 = arith.constant 11 : i32
      %shift_right_arithmetic3A_479 = vector.broadcast %shift_right_arithmetic3A_478 : i32 to vector<16xi32>
      %shift_right_arithmetic3A_480 = arith.shrsi %get3A_467, %shift_right_arithmetic3A_479 : vector<16xi32>
      %and3A_481 = arith.constant 3 : i32
      %and3A_482 = vector.broadcast %and3A_481 : i32 to vector<16xi32>
      %and3A_483 = arith.andi %shift_right_arithmetic3A_480, %and3A_482 : vector<16xi32>
      %or3A_484 = arith.ori %or3A_477, %and3A_483 : vector<16xi32>
      %swap3A_485 = arith.index_cast %scan3A_385 : i32 to index
      %swap3A_486 = arith.constant 48 : index
      %swap3A_487 = tpu.vector_load %arg5[%swap3A_485, %swap3A_486] {strides = array<i32>} : memref<200x128xi32, #tpu.memory_space<vmem>>, vector<1x16xi32>,
      %swap3A_488 = vector.shape_cast %swap3A_487 : vector<1x16xi32> to vector<16xi32>
      %swap3A_489 = vector.shape_cast %or3A_484 : vector<16xi32> to vector<1x16xi32>
      tpu.vector_store %arg5[%swap3A_485, %swap3A_486], %swap3A_489 {strides = array<i32>} : memref<200x128xi32, #tpu.memory_space<vmem>>, vector<1x16xi32>,
      %get3A_490 = arith.index_cast %scan3A_385 : i32 to index
      %get3A_491 = arith.constant 64 : index
      %get3A_492 = tpu.vector_load %arg5[%get3A_490, %get3A_491] {strides = array<i32>} : memref<200x128xi32, #tpu.memory_space<vmem>>, vector<1x16xi32>,
      %get3A_493 = vector.shape_cast %get3A_492 : vector<1x16xi32> to vector<16xi32>
      %and3A_494 = arith.constant -8192 : i32
      %and3A_495 = vector.broadcast %and3A_494 : i32 to vector<16xi32>
      %and3A_496 = arith.andi %get3A_493, %and3A_495 : vector<16xi32>
      %and3A_497 = arith.constant 2047 : i32
      %and3A_498 = vector.broadcast %and3A_497 : i32 to vector<16xi32>
      %and3A_499 = arith.andi %get3A_493, %and3A_498 : vector<16xi32>
      %shift_left3A_500 = arith.constant 2 : i32
      %shift_left3A_501 = vector.broadcast %shift_left3A_500 : i32 to vector<16xi32>
      %shift_left3A_502 = arith.shli %and3A_499, %shift_left3A_501 : vector<16xi32>
      %or3A_503 = arith.ori %and3A_496, %shift_left3A_502 : vector<16xi32>
      %shift_right_arithmetic3A_504 = arith.constant 11 : i32
      %shift_right_arithmetic3A_505 = vector.broadcast %shift_right_arithmetic3A_504 : i32 to vector<16xi32>
      %shift_right_arithmetic3A_506 = arith.shrsi %get3A_493, %shift_right_arithmetic3A_505 : vector<16xi32>
      %and3A_507 = arith.constant 3 : i32
      %and3A_508 = vector.broadcast %and3A_507 : i32 to vector<16xi32>
      %and3A_509 = arith.andi %shift_right_arithmetic3A_506, %and3A_508 : vector<16xi32>
      %or3A_510 = arith.ori %or3A_503, %and3A_509 : vector<16xi32>
      %swap3A_511 = arith.index_cast %scan3A_385 : i32 to index
      %swap3A_512 = arith.constant 64 : index
      %swap3A_513 = tpu.vector_load %arg5[%swap3A_511, %swap3A_512] {strides = array<i32>} : memref<200x128xi32, #tpu.memory_space<vmem>>, vector<1x16xi32>,
      %swap3A_514 = vector.shape_cast %swap3A_513 : vector<1x16xi32> to vector<16xi32>
      %swap3A_515 = vector.shape_cast %or3A_510 : vector<16xi32> to vector<1x16xi32>
      tpu.vector_store %arg5[%swap3A_511, %swap3A_512], %swap3A_515 {strides = array<i32>} : memref<200x128xi32, #tpu.memory_space<vmem>>, vector<1x16xi32>,
      %get3A_516 = arith.index_cast %scan3A_385 : i32 to index
      %get3A_517 = arith.constant 80 : index
      %get3A_518 = tpu.vector_load %arg5[%get3A_516, %get3A_517] {strides = array<i32>} : memref<200x128xi32, #tpu.memory_space<vmem>>, vector<1x16xi32>,
      %get3A_519 = vector.shape_cast %get3A_518 : vector<1x16xi32> to vector<16xi32>
      %and3A_520 = arith.constant -8192 : i32
      %and3A_521 = vector.broadcast %and3A_520 : i32 to vector<16xi32>
      %and3A_522 = arith.andi %get3A_519, %and3A_521 : vector<16xi32>
      %and3A_523 = arith.constant 2047 : i32
      %and3A_524 = vector.broadcast %and3A_523 : i32 to vector<16xi32>
      %and3A_525 = arith.andi %get3A_519, %and3A_524 : vector<16xi32>
      %shift_left3A_526 = arith.constant 2 : i32
      %shift_left3A_527 = vector.broadcast %shift_left3A_526 : i32 to vector<16xi32>
      %shift_left3A_528 = arith.shli %and3A_525, %shift_left3A_527 : vector<16xi32>
      %or3A_529 = arith.ori %and3A_522, %shift_left3A_528 : vector<16xi32>
      %shift_right_arithmetic3A_530 = arith.constant 11 : i32
      %shift_right_arithmetic3A_531 = vector.broadcast %shift_right_arithmetic3A_530 : i32 to vector<16xi32>
      %shift_right_arithmetic3A_532 = arith.shrsi %get3A_519, %shift_right_arithmetic3A_531 : vector<16xi32>
      %and3A_533 = arith.constant 3 : i32
      %and3A_534 = vector.broadcast %and3A_533 : i32 to vector<16xi32>
      %and3A_535 = arith.andi %shift_right_arithmetic3A_532, %and3A_534 : vector<16xi32>
      %or3A_536 = arith.ori %or3A_529, %and3A_535 : vector<16xi32>
      %swap3A_537 = arith.index_cast %scan3A_385 : i32 to index
      %swap3A_538 = arith.constant 80 : index
      %swap3A_539 = tpu.vector_load %arg5[%swap3A_537, %swap3A_538] {strides = array<i32>} : memref<200x128xi32, #tpu.memory_space<vmem>>, vector<1x16xi32>,
      %swap3A_540 = vector.shape_cast %swap3A_539 : vector<1x16xi32> to vector<16xi32>
      %swap3A_541 = vector.shape_cast %or3A_536 : vector<16xi32> to vector<1x16xi32>
      tpu.vector_store %arg5[%swap3A_537, %swap3A_538], %swap3A_541 {strides = array<i32>} : memref<200x128xi32, #tpu.memory_space<vmem>>, vector<1x16xi32>,
      %get3A_542 = arith.index_cast %scan3A_385 : i32 to index
      %get3A_543 = arith.constant 96 : index
      %get3A_544 = tpu.vector_load %arg5[%get3A_542, %get3A_543] {strides = array<i32>} : memref<200x128xi32, #tpu.memory_space<vmem>>, vector<1x16xi32>,
      %get3A_545 = vector.shape_cast %get3A_544 : vector<1x16xi32> to vector<16xi32>
      %and3A_546 = arith.constant -8192 : i32
      %and3A_547 = vector.broadcast %and3A_546 : i32 to vector<16xi32>
      %and3A_548 = arith.andi %get3A_545, %and3A_547 : vector<16xi32>
      %and3A_549 = arith.constant 2047 : i32
      %and3A_550 = vector.broadcast %and3A_549 : i32 to vector<16xi32>
      %and3A_551 = arith.andi %get3A_545, %and3A_550 : vector<16xi32>
      %shift_left3A_552 = arith.constant 2 : i32
      %shift_left3A_553 = vector.broadcast %shift_left3A_552 : i32 to vector<16xi32>
      %shift_left3A_554 = arith.shli %and3A_551, %shift_left3A_553 : vector<16xi32>
      %or3A_555 = arith.ori %and3A_548, %shift_left3A_554 : vector<16xi32>
      %shift_right_arithmetic3A_556 = arith.constant 11 : i32
      %shift_right_arithmetic3A_557 = vector.broadcast %shift_right_arithmetic3A_556 : i32 to vector<16xi32>
      %shift_right_arithmetic3A_558 = arith.shrsi %get3A_545, %shift_right_arithmetic3A_557 : vector<16xi32>
      %and3A_559 = arith.constant 3 : i32
      %and3A_560 = vector.broadcast %and3A_559 : i32 to vector<16xi32>
      %and3A_561 = arith.andi %shift_right_arithmetic3A_558, %and3A_560 : vector<16xi32>
      %or3A_562 = arith.ori %or3A_555, %and3A_561 : vector<16xi32>
      %swap3A_563 = arith.index_cast %scan3A_385 : i32 to index
      %swap3A_564 = arith.constant 96 : index
      %swap3A_565 = tpu.vector_load %arg5[%swap3A_563, %swap3A_564] {strides = array<i32>} : memref<200x128xi32, #tpu.memory_space<vmem>>, vector<1x16xi32>,
      %swap3A_566 = vector.shape_cast %swap3A_565 : vector<1x16xi32> to vector<16xi32>
      %swap3A_567 = vector.shape_cast %or3A_562 : vector<16xi32> to vector<1x16xi32>
      tpu.vector_store %arg5[%swap3A_563, %swap3A_564], %swap3A_567 {strides = array<i32>} : memref<200x128xi32, #tpu.memory_space<vmem>>, vector<1x16xi32>,
      %get3A_568 = arith.index_cast %scan3A_385 : i32 to index
      %get3A_569 = arith.constant 112 : index
      %get3A_570 = tpu.vector_load %arg5[%get3A_568, %get3A_569] {strides = array<i32>} : memref<200x128xi32, #tpu.memory_space<vmem>>, vector<1x16xi32>,
      %get3A_571 = vector.shape_cast %get3A_570 : vector<1x16xi32> to vector<16xi32>
      %and3A_572 = arith.constant -8192 : i32
      %and3A_573 = vector.broadcast %and3A_572 : i32 to vector<16xi32>
      %and3A_574 = arith.andi %get3A_571, %and3A_573 : vector<16xi32>
      %and3A_575 = arith.constant 2047 : i32
      %and3A_576 = vector.broadcast %and3A_575 : i32 to vector<16xi32>
      %and3A_577 = arith.andi %get3A_571, %and3A_576 : vector<16xi32>
      %shift_left3A_578 = arith.constant 2 : i32
      %shift_left3A_579 = vector.broadcast %shift_left3A_578 : i32 to vector<16xi32>
      %shift_left3A_580 = arith.shli %and3A_577, %shift_left3A_579 : vector<16xi32>
      %or3A_581 = arith.ori %and3A_574, %shift_left3A_580 : vector<16xi32>
      %shift_right_arithmetic3A_582 = arith.constant 11 : i32
      %shift_right_arithmetic3A_583 = vector.broadcast %shift_right_arithmetic3A_582 : i32 to vector<16xi32>
      %shift_right_arithmetic3A_584 = arith.shrsi %get3A_571, %shift_right_arithmetic3A_583 : vector<16xi32>
      %and3A_585 = arith.constant 3 : i32
      %and3A_586 = vector.broadcast %and3A_585 : i32 to vector<16xi32>
      %and3A_587 = arith.andi %shift_right_arithmetic3A_584, %and3A_586 : vector<16xi32>
      %or3A_588 = arith.ori %or3A_581, %and3A_587 : vector<16xi32>
      %swap3A_589 = arith.index_cast %scan3A_385 : i32 to index
      %swap3A_590 = arith.constant 112 : index
      %swap3A_591 = tpu.vector_load %arg5[%swap3A_589, %swap3A_590] {strides = array<i32>} : memref<200x128xi32, #tpu.memory_space<vmem>>, vector<1x16xi32>,
      %swap3A_592 = vector.shape_cast %swap3A_591 : vector<1x16xi32> to vector<16xi32>
      %swap3A_593 = vector.shape_cast %or3A_588 : vector<16xi32> to vector<1x16xi32>
      tpu.vector_store %arg5[%swap3A_589, %swap3A_590], %swap3A_593 {strides = array<i32>} : memref<200x128xi32, #tpu.memory_space<vmem>>, vector<1x16xi32>,
      %scan3A_594 = arith.constant 0 : i32
      %scan3A_595 = arith.constant 2 : i32
      %scan3A_596 = arith.addi %scan3A_179, %scan3A_595 : i32
      %get3A_597 = arith.index_cast %scan3A_596 : i32 to index
      %get3A_598 = arith.constant 0 : index
      %get3A_599 = tpu.vector_load %arg5[%get3A_597, %get3A_598] {strides = array<i32>} : memref<200x128xi32, #tpu.memory_space<vmem>>, vector<1x16xi32>,
      %get3A_600 = vector.shape_cast %get3A_599 : vector<1x16xi32> to vector<16xi32>
      %and3A_601 = arith.constant -8192 : i32
      %and3A_602 = vector.broadcast %and3A_601 : i32 to vector<16xi32>
      %and3A_603 = arith.andi %get3A_600, %and3A_602 : vector<16xi32>
      %and3A_604 = arith.constant 2047 : i32
      %and3A_605 = vector.broadcast %and3A_604 : i32 to vector<16xi32>
      %and3A_606 = arith.andi %get3A_600, %and3A_605 : vector<16xi32>
      %shift_left3A_607 = arith.constant 2 : i32
      %shift_left3A_608 = vector.broadcast %shift_left3A_607 : i32 to vector<16xi32>
      %shift_left3A_609 = arith.shli %and3A_606, %shift_left3A_608 : vector<16xi32>
      %or3A_610 = arith.ori %and3A_603, %shift_left3A_609 : vector<16xi32>
      %shift_right_arithmetic3A_611 = arith.constant 11 : i32
      %shift_right_arithmetic3A_612 = vector.broadcast %shift_right_arithmetic3A_611 : i32 to vector<16xi32>
      %shift_right_arithmetic3A_613 = arith.shrsi %get3A_600, %shift_right_arithmetic3A_612 : vector<16xi32>
      %and3A_614 = arith.constant 3 : i32
      %and3A_615 = vector.broadcast %and3A_614 : i32 to vector<16xi32>
      %and3A_616 = arith.andi %shift_right_arithmetic3A_613, %and3A_615 : vector<16xi32>
      %or3A_617 = arith.ori %or3A_610, %and3A_616 : vector<16xi32>
      %swap3A_618 = arith.index_cast %scan3A_596 : i32 to index
      %swap3A_619 = arith.constant 0 : index
      %swap3A_620 = tpu.vector_load %arg5[%swap3A_618, %swap3A_619] {strides = array<i32>} : memref<200x128xi32, #tpu.memory_space<vmem>>, vector<1x16xi32>,
      %swap3A_621 = vector.shape_cast %swap3A_620 : vector<1x16xi32> to vector<16xi32>
      %swap3A_622 = vector.shape_cast %or3A_617 : vector<16xi32> to vector<1x16xi32>
      tpu.vector_store %arg5[%swap3A_618, %swap3A_619], %swap3A_622 {strides = array<i32>} : memref<200x128xi32, #tpu.memory_space<vmem>>, vector<1x16xi32>,
      %get3A_623 = arith.index_cast %scan3A_596 : i32 to index
      %get3A_624 = arith.constant 16 : index
      %get3A_625 = tpu.vector_load %arg5[%get3A_623, %get3A_624] {strides = array<i32>} : memref<200x128xi32, #tpu.memory_space<vmem>>, vector<1x16xi32>,
      %get3A_626 = vector.shape_cast %get3A_625 : vector<1x16xi32> to vector<16xi32>
      %and3A_627 = arith.constant -8192 : i32
      %and3A_628 = vector.broadcast %and3A_627 : i32 to vector<16xi32>
      %and3A_629 = arith.andi %get3A_626, %and3A_628 : vector<16xi32>
      %and3A_630 = arith.constant 2047 : i32
      %and3A_631 = vector.broadcast %and3A_630 : i32 to vector<16xi32>
      %and3A_632 = arith.andi %get3A_626, %and3A_631 : vector<16xi32>
      %shift_left3A_633 = arith.constant 2 : i32
      %shift_left3A_634 = vector.broadcast %shift_left3A_633 : i32 to vector<16xi32>
      %shift_left3A_635 = arith.shli %and3A_632, %shift_left3A_634 : vector<16xi32>
      %or3A_636 = arith.ori %and3A_629, %shift_left3A_635 : vector<16xi32>
      %shift_right_arithmetic3A_637 = arith.constant 11 : i32
      %shift_right_arithmetic3A_638 = vector.broadcast %shift_right_arithmetic3A_637 : i32 to vector<16xi32>
      %shift_right_arithmetic3A_639 = arith.shrsi %get3A_626, %shift_right_arithmetic3A_638 : vector<16xi32>
      %and3A_640 = arith.constant 3 : i32
      %and3A_641 = vector.broadcast %and3A_640 : i32 to vector<16xi32>
      %and3A_642 = arith.andi %shift_right_arithmetic3A_639, %and3A_641 : vector<16xi32>
      %or3A_643 = arith.ori %or3A_636, %and3A_642 : vector<16xi32>
      %swap3A_644 = arith.index_cast %scan3A_596 : i32 to index
      %swap3A_645 = arith.constant 16 : index
      %swap3A_646 = tpu.vector_load %arg5[%swap3A_644, %swap3A_645] {strides = array<i32>} : memref<200x128xi32, #tpu.memory_space<vmem>>, vector<1x16xi32>,
      %swap3A_647 = vector.shape_cast %swap3A_646 : vector<1x16xi32> to vector<16xi32>
      %swap3A_648 = vector.shape_cast %or3A_643 : vector<16xi32> to vector<1x16xi32>
      tpu.vector_store %arg5[%swap3A_644, %swap3A_645], %swap3A_648 {strides = array<i32>} : memref<200x128xi32, #tpu.memory_space<vmem>>, vector<1x16xi32>,
      %get3A_649 = arith.index_cast %scan3A_596 : i32 to index
      %get3A_650 = arith.constant 32 : index
      %get3A_651 = tpu.vector_load %arg5[%get3A_649, %get3A_650] {strides = array<i32>} : memref<200x128xi32, #tpu.memory_space<vmem>>, vector<1x16xi32>,
      %get3A_652 = vector.shape_cast %get3A_651 : vector<1x16xi32> to vector<16xi32>
      %and3A_653 = arith.constant -8192 : i32
      %and3A_654 = vector.broadcast %and3A_653 : i32 to vector<16xi32>
      %and3A_655 = arith.andi %get3A_652, %and3A_654 : vector<16xi32>
      %and3A_656 = arith.constant 2047 : i32
      %and3A_657 = vector.broadcast %and3A_656 : i32 to vector<16xi32>
      %and3A_658 = arith.andi %get3A_652, %and3A_657 : vector<16xi32>
      %shift_left3A_659 = arith.constant 2 : i32
      %shift_left3A_660 = vector.broadcast %shift_left3A_659 : i32 to vector<16xi32>
      %shift_left3A_661 = arith.shli %and3A_658, %shift_left3A_660 : vector<16xi32>
      %or3A_662 = arith.ori %and3A_655, %shift_left3A_661 : vector<16xi32>
      %shift_right_arithmetic3A_663 = arith.constant 11 : i32
      %shift_right_arithmetic3A_664 = vector.broadcast %shift_right_arithmetic3A_663 : i32 to vector<16xi32>
      %shift_right_arithmetic3A_665 = arith.shrsi %get3A_652, %shift_right_arithmetic3A_664 : vector<16xi32>
      %and3A_666 = arith.constant 3 : i32
      %and3A_667 = vector.broadcast %and3A_666 : i32 to vector<16xi32>
      %and3A_668 = arith.andi %shift_right_arithmetic3A_665, %and3A_667 : vector<16xi32>
      %or3A_669 = arith.ori %or3A_662, %and3A_668 : vector<16xi32>
      %swap3A_670 = arith.index_cast %scan3A_596 : i32 to index
      %swap3A_671 = arith.constant 32 : index
      %swap3A_672 = tpu.vector_load %arg5[%swap3A_670, %swap3A_671] {strides = array<i32>} : memref<200x128xi32, #tpu.memory_space<vmem>>, vector<1x16xi32>,
      %swap3A_673 = vector.shape_cast %swap3A_672 : vector<1x16xi32> to vector<16xi32>
      %swap3A_674 = vector.shape_cast %or3A_669 : vector<16xi32> to vector<1x16xi32>
      tpu.vector_store %arg5[%swap3A_670, %swap3A_671], %swap3A_674 {strides = array<i32>} : memref<200x128xi32, #tpu.memory_space<vmem>>, vector<1x16xi32>,
      %get3A_675 = arith.index_cast %scan3A_596 : i32 to index
      %get3A_676 = arith.constant 48 : index
      %get3A_677 = tpu.vector_load %arg5[%get3A_675, %get3A_676] {strides = array<i32>} : memref<200x128xi32, #tpu.memory_space<vmem>>, vector<1x16xi32>,
      %get3A_678 = vector.shape_cast %get3A_677 : vector<1x16xi32> to vector<16xi32>
      %and3A_679 = arith.constant -8192 : i32
      %and3A_680 = vector.broadcast %and3A_679 : i32 to vector<16xi32>
      %and3A_681 = arith.andi %get3A_678, %and3A_680 : vector<16xi32>
      %and3A_682 = arith.constant 2047 : i32
      %and3A_683 = vector.broadcast %and3A_682 : i32 to vector<16xi32>
      %and3A_684 = arith.andi %get3A_678, %and3A_683 : vector<16xi32>
      %shift_left3A_685 = arith.constant 2 : i32
      %shift_left3A_686 = vector.broadcast %shift_left3A_685 : i32 to vector<16xi32>
      %shift_left3A_687 = arith.shli %and3A_684, %shift_left3A_686 : vector<16xi32>
      %or3A_688 = arith.ori %and3A_681, %shift_left3A_687 : vector<16xi32>
      %shift_right_arithmetic3A_689 = arith.constant 11 : i32
      %shift_right_arithmetic3A_690 = vector.broadcast %shift_right_arithmetic3A_689 : i32 to vector<16xi32>
      %shift_right_arithmetic3A_691 = arith.shrsi %get3A_678, %shift_right_arithmetic3A_690 : vector<16xi32>
      %and3A_692 = arith.constant 3 : i32
      %and3A_693 = vector.broadcast %and3A_692 : i32 to vector<16xi32>
      %and3A_694 = arith.andi %shift_right_arithmetic3A_691, %and3A_693 : vector<16xi32>
      %or3A_695 = arith.ori %or3A_688, %and3A_694 : vector<16xi32>
      %swap3A_696 = arith.index_cast %scan3A_596 : i32 to index
      %swap3A_697 = arith.constant 48 : index
      %swap3A_698 = tpu.vector_load %arg5[%swap3A_696, %swap3A_697] {strides = array<i32>} : memref<200x128xi32, #tpu.memory_space<vmem>>, vector<1x16xi32>,
      %swap3A_699 = vector.shape_cast %swap3A_698 : vector<1x16xi32> to vector<16xi32>
      %swap3A_700 = vector.shape_cast %or3A_695 : vector<16xi32> to vector<1x16xi32>
      tpu.vector_store %arg5[%swap3A_696, %swap3A_697], %swap3A_700 {strides = array<i32>} : memref<200x128xi32, #tpu.memory_space<vmem>>, vector<1x16xi32>,
      %get3A_701 = arith.index_cast %scan3A_596 : i32 to index
      %get3A_702 = arith.constant 64 : index
      %get3A_703 = tpu.vector_load %arg5[%get3A_701, %get3A_702] {strides = array<i32>} : memref<200x128xi32, #tpu.memory_space<vmem>>, vector<1x16xi32>,
      %get3A_704 = vector.shape_cast %get3A_703 : vector<1x16xi32> to vector<16xi32>
      %and3A_705 = arith.constant -8192 : i32
      %and3A_706 = vector.broadcast %and3A_705 : i32 to vector<16xi32>
      %and3A_707 = arith.andi %get3A_704, %and3A_706 : vector<16xi32>
      %and3A_708 = arith.constant 2047 : i32
      %and3A_709 = vector.broadcast %and3A_708 : i32 to vector<16xi32>
      %and3A_710 = arith.andi %get3A_704, %and3A_709 : vector<16xi32>
      %shift_left3A_711 = arith.constant 2 : i32
      %shift_left3A_712 = vector.broadcast %shift_left3A_711 : i32 to vector<16xi32>
      %shift_left3A_713 = arith.shli %and3A_710, %shift_left3A_712 : vector<16xi32>
      %or3A_714 = arith.ori %and3A_707, %shift_left3A_713 : vector<16xi32>
      %shift_right_arithmetic3A_715 = arith.constant 11 : i32
      %shift_right_arithmetic3A_716 = vector.broadcast %shift_right_arithmetic3A_715 : i32 to vector<16xi32>
      %shift_right_arithmetic3A_717 = arith.shrsi %get3A_704, %shift_right_arithmetic3A_716 : vector<16xi32>
      %and3A_718 = arith.constant 3 : i32
      %and3A_719 = vector.broadcast %and3A_718 : i32 to vector<16xi32>
      %and3A_720 = arith.andi %shift_right_arithmetic3A_717, %and3A_719 : vector<16xi32>
      %or3A_721 = arith.ori %or3A_714, %and3A_720 : vector<16xi32>
      %swap3A_722 = arith.index_cast %scan3A_596 : i32 to index
      %swap3A_723 = arith.constant 64 : index
      %swap3A_724 = tpu.vector_load %arg5[%swap3A_722, %swap3A_723] {strides = array<i32>} : memref<200x128xi32, #tpu.memory_space<vmem>>, vector<1x16xi32>,
      %swap3A_725 = vector.shape_cast %swap3A_724 : vector<1x16xi32> to vector<16xi32>
      %swap3A_726 = vector.shape_cast %or3A_721 : vector<16xi32> to vector<1x16xi32>
      tpu.vector_store %arg5[%swap3A_722, %swap3A_723], %swap3A_726 {strides = array<i32>} : memref<200x128xi32, #tpu.memory_space<vmem>>, vector<1x16xi32>,
      %get3A_727 = arith.index_cast %scan3A_596 : i32 to index
      %get3A_728 = arith.constant 80 : index
      %get3A_729 = tpu.vector_load %arg5[%get3A_727, %get3A_728] {strides = array<i32>} : memref<200x128xi32, #tpu.memory_space<vmem>>, vector<1x16xi32>,
      %get3A_730 = vector.shape_cast %get3A_729 : vector<1x16xi32> to vector<16xi32>
      %and3A_731 = arith.constant -8192 : i32
      %and3A_732 = vector.broadcast %and3A_731 : i32 to vector<16xi32>
      %and3A_733 = arith.andi %get3A_730, %and3A_732 : vector<16xi32>
      %and3A_734 = arith.constant 2047 : i32
      %and3A_735 = vector.broadcast %and3A_734 : i32 to vector<16xi32>
      %and3A_736 = arith.andi %get3A_730, %and3A_735 : vector<16xi32>
      %shift_left3A_737 = arith.constant 2 : i32
      %shift_left3A_738 = vector.broadcast %shift_left3A_737 : i32 to vector<16xi32>
      %shift_left3A_739 = arith.shli %and3A_736, %shift_left3A_738 : vector<16xi32>
      %or3A_740 = arith.ori %and3A_733, %shift_left3A_739 : vector<16xi32>
      %shift_right_arithmetic3A_741 = arith.constant 11 : i32
      %shift_right_arithmetic3A_742 = vector.broadcast %shift_right_arithmetic3A_741 : i32 to vector<16xi32>
      %shift_right_arithmetic3A_743 = arith.shrsi %get3A_730, %shift_right_arithmetic3A_742 : vector<16xi32>
      %and3A_744 = arith.constant 3 : i32
      %and3A_745 = vector.broadcast %and3A_744 : i32 to vector<16xi32>
      %and3A_746 = arith.andi %shift_right_arithmetic3A_743, %and3A_745 : vector<16xi32>
      %or3A_747 = arith.ori %or3A_740, %and3A_746 : vector<16xi32>
      %swap3A_748 = arith.index_cast %scan3A_596 : i32 to index
      %swap3A_749 = arith.constant 80 : index
      %swap3A_750 = tpu.vector_load %arg5[%swap3A_748, %swap3A_749] {strides = array<i32>} : memref<200x128xi32, #tpu.memory_space<vmem>>, vector<1x16xi32>,
      %swap3A_751 = vector.shape_cast %swap3A_750 : vector<1x16xi32> to vector<16xi32>
      %swap3A_752 = vector.shape_cast %or3A_747 : vector<16xi32> to vector<1x16xi32>
      tpu.vector_store %arg5[%swap3A_748, %swap3A_749], %swap3A_752 {strides = array<i32>} : memref<200x128xi32, #tpu.memory_space<vmem>>, vector<1x16xi32>,
      %get3A_753 = arith.index_cast %scan3A_596 : i32 to index
      %get3A_754 = arith.constant 96 : index
      %get3A_755 = tpu.vector_load %arg5[%get3A_753, %get3A_754] {strides = array<i32>} : memref<200x128xi32, #tpu.memory_space<vmem>>, vector<1x16xi32>,
      %get3A_756 = vector.shape_cast %get3A_755 : vector<1x16xi32> to vector<16xi32>
      %and3A_757 = arith.constant -8192 : i32
      %and3A_758 = vector.broadcast %and3A_757 : i32 to vector<16xi32>
      %and3A_759 = arith.andi %get3A_756, %and3A_758 : vector<16xi32>
      %and3A_760 = arith.constant 2047 : i32
      %and3A_761 = vector.broadcast %and3A_760 : i32 to vector<16xi32>
      %and3A_762 = arith.andi %get3A_756, %and3A_761 : vector<16xi32>
      %shift_left3A_763 = arith.constant 2 : i32
      %shift_left3A_764 = vector.broadcast %shift_left3A_763 : i32 to vector<16xi32>
      %shift_left3A_765 = arith.shli %and3A_762, %shift_left3A_764 : vector<16xi32>
      %or3A_766 = arith.ori %and3A_759, %shift_left3A_765 : vector<16xi32>
      %shift_right_arithmetic3A_767 = arith.constant 11 : i32
      %shift_right_arithmetic3A_768 = vector.broadcast %shift_right_arithmetic3A_767 : i32 to vector<16xi32>
      %shift_right_arithmetic3A_769 = arith.shrsi %get3A_756, %shift_right_arithmetic3A_768 : vector<16xi32>
      %and3A_770 = arith.constant 3 : i32
      %and3A_771 = vector.broadcast %and3A_770 : i32 to vector<16xi32>
      %and3A_772 = arith.andi %shift_right_arithmetic3A_769, %and3A_771 : vector<16xi32>
      %or3A_773 = arith.ori %or3A_766, %and3A_772 : vector<16xi32>
      %swap3A_774 = arith.index_cast %scan3A_596 : i32 to index
      %swap3A_775 = arith.constant 96 : index
      %swap3A_776 = tpu.vector_load %arg5[%swap3A_774, %swap3A_775] {strides = array<i32>} : memref<200x128xi32, #tpu.memory_space<vmem>>, vector<1x16xi32>,
      %swap3A_777 = vector.shape_cast %swap3A_776 : vector<1x16xi32> to vector<16xi32>
      %swap3A_778 = vector.shape_cast %or3A_773 : vector<16xi32> to vector<1x16xi32>
      tpu.vector_store %arg5[%swap3A_774, %swap3A_775], %swap3A_778 {strides = array<i32>} : memref<200x128xi32, #tpu.memory_space<vmem>>, vector<1x16xi32>,
      %get3A_779 = arith.index_cast %scan3A_596 : i32 to index
      %get3A_780 = arith.constant 112 : index
      %get3A_781 = tpu.vector_load %arg5[%get3A_779, %get3A_780] {strides = array<i32>} : memref<200x128xi32, #tpu.memory_space<vmem>>, vector<1x16xi32>,
      %get3A_782 = vector.shape_cast %get3A_781 : vector<1x16xi32> to vector<16xi32>
      %and3A_783 = arith.constant -8192 : i32
      %and3A_784 = vector.broadcast %and3A_783 : i32 to vector<16xi32>
      %and3A_785 = arith.andi %get3A_782, %and3A_784 : vector<16xi32>
      %and3A_786 = arith.constant 2047 : i32
      %and3A_787 = vector.broadcast %and3A_786 : i32 to vector<16xi32>
      %and3A_788 = arith.andi %get3A_782, %and3A_787 : vector<16xi32>
      %shift_left3A_789 = arith.constant 2 : i32
      %shift_left3A_790 = vector.broadcast %shift_left3A_789 : i32 to vector<16xi32>
      %shift_left3A_791 = arith.shli %and3A_788, %shift_left3A_790 : vector<16xi32>
      %or3A_792 = arith.ori %and3A_785, %shift_left3A_791 : vector<16xi32>
      %shift_right_arithmetic3A_793 = arith.constant 11 : i32
      %shift_right_arithmetic3A_794 = vector.broadcast %shift_right_arithmetic3A_793 : i32 to vector<16xi32>
      %shift_right_arithmetic3A_795 = arith.shrsi %get3A_782, %shift_right_arithmetic3A_794 : vector<16xi32>
      %and3A_796 = arith.constant 3 : i32
      %and3A_797 = vector.broadcast %and3A_796 : i32 to vector<16xi32>
      %and3A_798 = arith.andi %shift_right_arithmetic3A_795, %and3A_797 : vector<16xi32>
      %or3A_799 = arith.ori %or3A_792, %and3A_798 : vector<16xi32>
      %swap3A_800 = arith.index_cast %scan3A_596 : i32 to index
      %swap3A_801 = arith.constant 112 : index
      %swap3A_802 = tpu.vector_load %arg5[%swap3A_800, %swap3A_801] {strides = array<i32>} : memref<200x128xi32, #tpu.memory_space<vmem>>, vector<1x16xi32>,
      %swap3A_803 = vector.shape_cast %swap3A_802 : vector<1x16xi32> to vector<16xi32>
      %swap3A_804 = vector.shape_cast %or3A_799 : vector<16xi32> to vector<1x16xi32>
      tpu.vector_store %arg5[%swap3A_800, %swap3A_801], %swap3A_804 {strides = array<i32>} : memref<200x128xi32, #tpu.memory_space<vmem>>, vector<1x16xi32>,
      %scan3A_805 = arith.constant 0 : i32
      %scan3A_806 = arith.constant 3 : i32
      %scan3A_807 = arith.addi %scan3A_179, %scan3A_806 : i32
      %get3A_808 = arith.index_cast %scan3A_807 : i32 to index
      %get3A_809 = arith.constant 0 : index
      %get3A_810 = tpu.vector_load %arg5[%get3A_808, %get3A_809] {strides = array<i32>} : memref<200x128xi32, #tpu.memory_space<vmem>>, vector<1x16xi32>,
      %get3A_811 = vector.shape_cast %get3A_810 : vector<1x16xi32> to vector<16xi32>
      %and3A_812 = arith.constant -8192 : i32
      %and3A_813 = vector.broadcast %and3A_812 : i32 to vector<16xi32>
      %and3A_814 = arith.andi %get3A_811, %and3A_813 : vector<16xi32>
      %and3A_815 = arith.constant 2047 : i32
      %and3A_816 = vector.broadcast %and3A_815 : i32 to vector<16xi32>
      %and3A_817 = arith.andi %get3A_811, %and3A_816 : vector<16xi32>
      %shift_left3A_818 = arith.constant 2 : i32
      %shift_left3A_819 = vector.broadcast %shift_left3A_818 : i32 to vector<16xi32>
      %shift_left3A_820 = arith.shli %and3A_817, %shift_left3A_819 : vector<16xi32>
      %or3A_821 = arith.ori %and3A_814, %shift_left3A_820 : vector<16xi32>
      %shift_right_arithmetic3A_822 = arith.constant 11 : i32
      %shift_right_arithmetic3A_823 = vector.broadcast %shift_right_arithmetic3A_822 : i32 to vector<16xi32>
      %shift_right_arithmetic3A_824 = arith.shrsi %get3A_811, %shift_right_arithmetic3A_823 : vector<16xi32>
      %and3A_825 = arith.constant 3 : i32
      %and3A_826 = vector.broadcast %and3A_825 : i32 to vector<16xi32>
      %and3A_827 = arith.andi %shift_right_arithmetic3A_824, %and3A_826 : vector<16xi32>
      %or3A_828 = arith.ori %or3A_821, %and3A_827 : vector<16xi32>
      %swap3A_829 = arith.index_cast %scan3A_807 : i32 to index
      %swap3A_830 = arith.constant 0 : index
      %swap3A_831 = tpu.vector_load %arg5[%swap3A_829, %swap3A_830] {strides = array<i32>} : memref<200x128xi32, #tpu.memory_space<vmem>>, vector<1x16xi32>,
      %swap3A_832 = vector.shape_cast %swap3A_831 : vector<1x16xi32> to vector<16xi32>
      %swap3A_833 = vector.shape_cast %or3A_828 : vector<16xi32> to vector<1x16xi32>
      tpu.vector_store %arg5[%swap3A_829, %swap3A_830], %swap3A_833 {strides = array<i32>} : memref<200x128xi32, #tpu.memory_space<vmem>>, vector<1x16xi32>,
      %get3A_834 = arith.index_cast %scan3A_807 : i32 to index
      %get3A_835 = arith.constant 16 : index
      %get3A_836 = tpu.vector_load %arg5[%get3A_834, %get3A_835] {strides = array<i32>} : memref<200x128xi32, #tpu.memory_space<vmem>>, vector<1x16xi32>,
      %get3A_837 = vector.shape_cast %get3A_836 : vector<1x16xi32> to vector<16xi32>
      %and3A_838 = arith.constant -8192 : i32
      %and3A_839 = vector.broadcast %and3A_838 : i32 to vector<16xi32>
      %and3A_840 = arith.andi %get3A_837, %and3A_839 : vector<16xi32>
      %and3A_841 = arith.constant 2047 : i32
      %and3A_842 = vector.broadcast %and3A_841 : i32 to vector<16xi32>
      %and3A_843 = arith.andi %get3A_837, %and3A_842 : vector<16xi32>
      %shift_left3A_844 = arith.constant 2 : i32
      %shift_left3A_845 = vector.broadcast %shift_left3A_844 : i32 to vector<16xi32>
      %shift_left3A_846 = arith.shli %and3A_843, %shift_left3A_845 : vector<16xi32>
      %or3A_847 = arith.ori %and3A_840, %shift_left3A_846 : vector<16xi32>
      %shift_right_arithmetic3A_848 = arith.constant 11 : i32
      %shift_right_arithmetic3A_849 = vector.broadcast %shift_right_arithmetic3A_848 : i32 to vector<16xi32>
      %shift_right_arithmetic3A_850 = arith.shrsi %get3A_837, %shift_right_arithmetic3A_849 : vector<16xi32>
      %and3A_851 = arith.constant 3 : i32
      %and3A_852 = vector.broadcast %and3A_851 : i32 to vector<16xi32>
      %and3A_853 = arith.andi %shift_right_arithmetic3A_850, %and3A_852 : vector<16xi32>
      %or3A_854 = arith.ori %or3A_847, %and3A_853 : vector<16xi32>
      %swap3A_855 = arith.index_cast %scan3A_807 : i32 to index
      %swap3A_856 = arith.constant 16 : index
      %swap3A_857 = tpu.vector_load %arg5[%swap3A_855, %swap3A_856] {strides = array<i32>} : memref<200x128xi32, #tpu.memory_space<vmem>>, vector<1x16xi32>,
      %swap3A_858 = vector.shape_cast %swap3A_857 : vector<1x16xi32> to vector<16xi32>
      %swap3A_859 = vector.shape_cast %or3A_854 : vector<16xi32> to vector<1x16xi32>
      tpu.vector_store %arg5[%swap3A_855, %swap3A_856], %swap3A_859 {strides = array<i32>} : memref<200x128xi32, #tpu.memory_space<vmem>>, vector<1x16xi32>,
      %get3A_860 = arith.index_cast %scan3A_807 : i32 to index
      %get3A_861 = arith.constant 32 : index
      %get3A_862 = tpu.vector_load %arg5[%get3A_860, %get3A_861] {strides = array<i32>} : memref<200x128xi32, #tpu.memory_space<vmem>>, vector<1x16xi32>,
      %get3A_863 = vector.shape_cast %get3A_862 : vector<1x16xi32> to vector<16xi32>
      %and3A_864 = arith.constant -8192 : i32
      %and3A_865 = vector.broadcast %and3A_864 : i32 to vector<16xi32>
      %and3A_866 = arith.andi %get3A_863, %and3A_865 : vector<16xi32>
      %and3A_867 = arith.constant 2047 : i32
      %and3A_868 = vector.broadcast %and3A_867 : i32 to vector<16xi32>
      %and3A_869 = arith.andi %get3A_863, %and3A_868 : vector<16xi32>
      %shift_left3A_870 = arith.constant 2 : i32
      %shift_left3A_871 = vector.broadcast %shift_left3A_870 : i32 to vector<16xi32>
      %shift_left3A_872 = arith.shli %and3A_869, %shift_left3A_871 : vector<16xi32>
      %or3A_873 = arith.ori %and3A_866, %shift_left3A_872 : vector<16xi32>
      %shift_right_arithmetic3A_874 = arith.constant 11 : i32
      %shift_right_arithmetic3A_875 = vector.broadcast %shift_right_arithmetic3A_874 : i32 to vector<16xi32>
      %shift_right_arithmetic3A_876 = arith.shrsi %get3A_863, %shift_right_arithmetic3A_875 : vector<16xi32>
      %and3A_877 = arith.constant 3 : i32
      %and3A_878 = vector.broadcast %and3A_877 : i32 to vector<16xi32>
      %and3A_879 = arith.andi %shift_right_arithmetic3A_876, %and3A_878 : vector<16xi32>
      %or3A_880 = arith.ori %or3A_873, %and3A_879 : vector<16xi32>
      %swap3A_881 = arith.index_cast %scan3A_807 : i32 to index
      %swap3A_882 = arith.constant 32 : index
      %swap3A_883 = tpu.vector_load %arg5[%swap3A_881, %swap3A_882] {strides = array<i32>} : memref<200x128xi32, #tpu.memory_space<vmem>>, vector<1x16xi32>,
      %swap3A_884 = vector.shape_cast %swap3A_883 : vector<1x16xi32> to vector<16xi32>
      %swap3A_885 = vector.shape_cast %or3A_880 : vector<16xi32> to vector<1x16xi32>
      tpu.vector_store %arg5[%swap3A_881, %swap3A_882], %swap3A_885 {strides = array<i32>} : memref<200x128xi32, #tpu.memory_space<vmem>>, vector<1x16xi32>,
      %get3A_886 = arith.index_cast %scan3A_807 : i32 to index
      %get3A_887 = arith.constant 48 : index
      %get3A_888 = tpu.vector_load %arg5[%get3A_886, %get3A_887] {strides = array<i32>} : memref<200x128xi32, #tpu.memory_space<vmem>>, vector<1x16xi32>,
      %get3A_889 = vector.shape_cast %get3A_888 : vector<1x16xi32> to vector<16xi32>
      %and3A_890 = arith.constant -8192 : i32
      %and3A_891 = vector.broadcast %and3A_890 : i32 to vector<16xi32>
      %and3A_892 = arith.andi %get3A_889, %and3A_891 : vector<16xi32>
      %and3A_893 = arith.constant 2047 : i32
      %and3A_894 = vector.broadcast %and3A_893 : i32 to vector<16xi32>
      %and3A_895 = arith.andi %get3A_889, %and3A_894 : vector<16xi32>
      %shift_left3A_896 = arith.constant 2 : i32
      %shift_left3A_897 = vector.broadcast %shift_left3A_896 : i32 to vector<16xi32>
      %shift_left3A_898 = arith.shli %and3A_895, %shift_left3A_897 : vector<16xi32>
      %or3A_899 = arith.ori %and3A_892, %shift_left3A_898 : vector<16xi32>
      %shift_right_arithmetic3A_900 = arith.constant 11 : i32
      %shift_right_arithmetic3A_901 = vector.broadcast %shift_right_arithmetic3A_900 : i32 to vector<16xi32>
      %shift_right_arithmetic3A_902 = arith.shrsi %get3A_889, %shift_right_arithmetic3A_901 : vector<16xi32>
      %and3A_903 = arith.constant 3 : i32
      %and3A_904 = vector.broadcast %and3A_903 : i32 to vector<16xi32>
      %and3A_905 = arith.andi %shift_right_arithmetic3A_902, %and3A_904 : vector<16xi32>
      %or3A_906 = arith.ori %or3A_899, %and3A_905 : vector<16xi32>
      %swap3A_907 = arith.index_cast %scan3A_807 : i32 to index
      %swap3A_908 = arith.constant 48 : index
      %swap3A_909 = tpu.vector_load %arg5[%swap3A_907, %swap3A_908] {strides = array<i32>} : memref<200x128xi32, #tpu.memory_space<vmem>>, vector<1x16xi32>,
      %swap3A_910 = vector.shape_cast %swap3A_909 : vector<1x16xi32> to vector<16xi32>
      %swap3A_911 = vector.shape_cast %or3A_906 : vector<16xi32> to vector<1x16xi32>
      tpu.vector_store %arg5[%swap3A_907, %swap3A_908], %swap3A_911 {strides = array<i32>} : memref<200x128xi32, #tpu.memory_space<vmem>>, vector<1x16xi32>,
      %get3A_912 = arith.index_cast %scan3A_807 : i32 to index
      %get3A_913 = arith.constant 64 : index
      %get3A_914 = tpu.vector_load %arg5[%get3A_912, %get3A_913] {strides = array<i32>} : memref<200x128xi32, #tpu.memory_space<vmem>>, vector<1x16xi32>,
      %get3A_915 = vector.shape_cast %get3A_914 : vector<1x16xi32> to vector<16xi32>
      %and3A_916 = arith.constant -8192 : i32
      %and3A_917 = vector.broadcast %and3A_916 : i32 to vector<16xi32>
      %and3A_918 = arith.andi %get3A_915, %and3A_917 : vector<16xi32>
      %and3A_919 = arith.constant 2047 : i32
      %and3A_920 = vector.broadcast %and3A_919 : i32 to vector<16xi32>
      %and3A_921 = arith.andi %get3A_915, %and3A_920 : vector<16xi32>
      %shift_left3A_922 = arith.constant 2 : i32
      %shift_left3A_923 = vector.broadcast %shift_left3A_922 : i32 to vector<16xi32>
      %shift_left3A_924 = arith.shli %and3A_921, %shift_left3A_923 : vector<16xi32>
      %or3A_925 = arith.ori %and3A_918, %shift_left3A_924 : vector<16xi32>
      %shift_right_arithmetic3A_926 = arith.constant 11 : i32
      %shift_right_arithmetic3A_927 = vector.broadcast %shift_right_arithmetic3A_926 : i32 to vector<16xi32>
      %shift_right_arithmetic3A_928 = arith.shrsi %get3A_915, %shift_right_arithmetic3A_927 : vector<16xi32>
      %and3A_929 = arith.constant 3 : i32
      %and3A_930 = vector.broadcast %and3A_929 : i32 to vector<16xi32>
      %and3A_931 = arith.andi %shift_right_arithmetic3A_928, %and3A_930 : vector<16xi32>
      %or3A_932 = arith.ori %or3A_925, %and3A_931 : vector<16xi32>
      %swap3A_933 = arith.index_cast %scan3A_807 : i32 to index
      %swap3A_934 = arith.constant 64 : index
      %swap3A_935 = tpu.vector_load %arg5[%swap3A_933, %swap3A_934] {strides = array<i32>} : memref<200x128xi32, #tpu.memory_space<vmem>>, vector<1x16xi32>,
      %swap3A_936 = vector.shape_cast %swap3A_935 : vector<1x16xi32> to vector<16xi32>
      %swap3A_937 = vector.shape_cast %or3A_932 : vector<16xi32> to vector<1x16xi32>
      tpu.vector_store %arg5[%swap3A_933, %swap3A_934], %swap3A_937 {strides = array<i32>} : memref<200x128xi32, #tpu.memory_space<vmem>>, vector<1x16xi32>,
      %get3A_938 = arith.index_cast %scan3A_807 : i32 to index
      %get3A_939 = arith.constant 80 : index
      %get3A_940 = tpu.vector_load %arg5[%get3A_938, %get3A_939] {strides = array<i32>} : memref<200x128xi32, #tpu.memory_space<vmem>>, vector<1x16xi32>,
      %get3A_941 = vector.shape_cast %get3A_940 : vector<1x16xi32> to vector<16xi32>
      %and3A_942 = arith.constant -8192 : i32
      %and3A_943 = vector.broadcast %and3A_942 : i32 to vector<16xi32>
      %and3A_944 = arith.andi %get3A_941, %and3A_943 : vector<16xi32>
      %and3A_945 = arith.constant 2047 : i32
      %and3A_946 = vector.broadcast %and3A_945 : i32 to vector<16xi32>
      %and3A_947 = arith.andi %get3A_941, %and3A_946 : vector<16xi32>
      %shift_left3A_948 = arith.constant 2 : i32
      %shift_left3A_949 = vector.broadcast %shift_left3A_948 : i32 to vector<16xi32>
      %shift_left3A_950 = arith.shli %and3A_947, %shift_left3A_949 : vector<16xi32>
      %or3A_951 = arith.ori %and3A_944, %shift_left3A_950 : vector<16xi32>
      %shift_right_arithmetic3A_952 = arith.constant 11 : i32
      %shift_right_arithmetic3A_953 = vector.broadcast %shift_right_arithmetic3A_952 : i32 to vector<16xi32>
      %shift_right_arithmetic3A_954 = arith.shrsi %get3A_941, %shift_right_arithmetic3A_953 : vector<16xi32>
      %and3A_955 = arith.constant 3 : i32
      %and3A_956 = vector.broadcast %and3A_955 : i32 to vector<16xi32>
      %and3A_957 = arith.andi %shift_right_arithmetic3A_954, %and3A_956 : vector<16xi32>
      %or3A_958 = arith.ori %or3A_951, %and3A_957 : vector<16xi32>
      %swap3A_959 = arith.index_cast %scan3A_807 : i32 to index
      %swap3A_960 = arith.constant 80 : index
      %swap3A_961 = tpu.vector_load %arg5[%swap3A_959, %swap3A_960] {strides = array<i32>} : memref<200x128xi32, #tpu.memory_space<vmem>>, vector<1x16xi32>,
      %swap3A_962 = vector.shape_cast %swap3A_961 : vector<1x16xi32> to vector<16xi32>
      %swap3A_963 = vector.shape_cast %or3A_958 : vector<16xi32> to vector<1x16xi32>
      tpu.vector_store %arg5[%swap3A_959, %swap3A_960], %swap3A_963 {strides = array<i32>} : memref<200x128xi32, #tpu.memory_space<vmem>>, vector<1x16xi32>,
      %get3A_964 = arith.index_cast %scan3A_807 : i32 to index
      %get3A_965 = arith.constant 96 : index
      %get3A_966 = tpu.vector_load %arg5[%get3A_964, %get3A_965] {strides = array<i32>} : memref<200x128xi32, #tpu.memory_space<vmem>>, vector<1x16xi32>,
      %get3A_967 = vector.shape_cast %get3A_966 : vector<1x16xi32> to vector<16xi32>
      %and3A_968 = arith.constant -8192 : i32
      %and3A_969 = vector.broadcast %and3A_968 : i32 to vector<16xi32>
      %and3A_970 = arith.andi %get3A_967, %and3A_969 : vector<16xi32>
      %and3A_971 = arith.constant 2047 : i32
      %and3A_972 = vector.broadcast %and3A_971 : i32 to vector<16xi32>
      %and3A_973 = arith.andi %get3A_967, %and3A_972 : vector<16xi32>
      %shift_left3A_974 = arith.constant 2 : i32
      %shift_left3A_975 = vector.broadcast %shift_left3A_974 : i32 to vector<16xi32>
      %shift_left3A_976 = arith.shli %and3A_973, %shift_left3A_975 : vector<16xi32>
      %or3A_977 = arith.ori %and3A_970, %shift_left3A_976 : vector<16xi32>
      %shift_right_arithmetic3A_978 = arith.constant 11 : i32
      %shift_right_arithmetic3A_979 = vector.broadcast %shift_right_arithmetic3A_978 : i32 to vector<16xi32>
      %shift_right_arithmetic3A_980 = arith.shrsi %get3A_967, %shift_right_arithmetic3A_979 : vector<16xi32>
      %and3A_981 = arith.constant 3 : i32
      %and3A_982 = vector.broadcast %and3A_981 : i32 to vector<16xi32>
      %and3A_983 = arith.andi %shift_right_arithmetic3A_980, %and3A_982 : vector<16xi32>
      %or3A_984 = arith.ori %or3A_977, %and3A_983 : vector<16xi32>
      %swap3A_985 = arith.index_cast %scan3A_807 : i32 to index
      %swap3A_986 = arith.constant 96 : index
      %swap3A_987 = tpu.vector_load %arg5[%swap3A_985, %swap3A_986] {strides = array<i32>} : memref<200x128xi32, #tpu.memory_space<vmem>>, vector<1x16xi32>,
      %swap3A_988 = vector.shape_cast %swap3A_987 : vector<1x16xi32> to vector<16xi32>
      %swap3A_989 = vector.shape_cast %or3A_984 : vector<16xi32> to vector<1x16xi32>
      tpu.vector_store %arg5[%swap3A_985, %swap3A_986], %swap3A_989 {strides = array<i32>} : memref<200x128xi32, #tpu.memory_space<vmem>>, vector<1x16xi32>,
      %get3A_990 = arith.index_cast %scan3A_807 : i32 to index
      %get3A_991 = arith.constant 112 : index
      %get3A_992 = tpu.vector_load %arg5[%get3A_990, %get3A_991] {strides = array<i32>} : memref<200x128xi32, #tpu.memory_space<vmem>>, vector<1x16xi32>,
      %get3A_993 = vector.shape_cast %get3A_992 : vector<1x16xi32> to vector<16xi32>
      %and3A_994 = arith.constant -8192 : i32
      %and3A_995 = vector.broadcast %and3A_994 : i32 to vector<16xi32>
      %and3A_996 = arith.andi %get3A_993, %and3A_995 : vector<16xi32>
      %and3A_997 = arith.constant 2047 : i32
      %and3A_998 = vector.broadcast %and3A_997 : i32 to vector<16xi32>
      %and3A_999 = arith.andi %get3A_993, %and3A_998 : vector<16xi32>
      %shift_left3A_1000 = arith.constant 2 : i32
      %shift_left3A_1001 = vector.broadcast %shift_left3A_1000 : i32 to vector<16xi32>
      %shift_left3A_1002 = arith.shli %and3A_999, %shift_left3A_1001 : vector<16xi32>
      %or3A_1003 = arith.ori %and3A_996, %shift_left3A_1002 : vector<16xi32>
      %shift_right_arithmetic3A_1004 = arith.constant 11 : i32
      %shift_right_arithmetic3A_1005 = vector.broadcast %shift_right_arithmetic3A_1004 : i32 to vector<16xi32>
      %shift_right_arithmetic3A_1006 = arith.shrsi %get3A_993, %shift_right_arithmetic3A_1005 : vector<16xi32>
      %and3A_1007 = arith.constant 3 : i32
      %and3A_1008 = vector.broadcast %and3A_1007 : i32 to vector<16xi32>
      %and3A_1009 = arith.andi %shift_right_arithmetic3A_1006, %and3A_1008 : vector<16xi32>
      %or3A_1010 = arith.ori %or3A_1003, %and3A_1009 : vector<16xi32>
      %swap3A_1011 = arith.index_cast %scan3A_807 : i32 to index
      %swap3A_1012 = arith.constant 112 : index
      %swap3A_1013 = tpu.vector_load %arg5[%swap3A_1011, %swap3A_1012] {strides = array<i32>} : memref<200x128xi32, #tpu.memory_space<vmem>>, vector<1x16xi32>,
      %swap3A_1014 = vector.shape_cast %swap3A_1013 : vector<1x16xi32> to vector<16xi32>
      %swap3A_1015 = vector.shape_cast %or3A_1010 : vector<16xi32> to vector<1x16xi32>
      tpu.vector_store %arg5[%swap3A_1011, %swap3A_1012], %swap3A_1015 {strides = array<i32>} : memref<200x128xi32, #tpu.memory_space<vmem>>, vector<1x16xi32>,
      %scan3A_1016 = arith.constant 0 : i32
      scf.yield %scan3A_1016 : i32
    }
    %scan3A_8 = arith.constant 200 : i32
    %dma_start3A = arith.constant 0 : i32
    %dma_start3A_9 = arith.constant 0 : i32
    %dma_start3A_10 = arith.constant 0 : i32
    %dma_start3A_11 = arith.constant 0 : i32
    %dma_start3A_12 = tpu.memref_slice %arg6[%dma_start3A_9, %dma_start3A_10, %dma_start3A_11] : memref<4x128x32xi32, #tpu.memory_space<vmem>> -> memref<1x128x32xi32, #tpu.memory_space<vmem>>
    %dma_start3A_13 = tpu.memref_squeeze %dma_start3A_12 : memref<1x128x32xi32, #tpu.memory_space<vmem>> -> memref<128x32xi32, #tpu.memory_space<vmem>>
    %dma_start3A_14 = arith.constant 0 : i32
    %dma_start3A_15 = tpu.memref_slice %arg5[%dma_start3A, %dma_start3A_14] : memref<200x128xi32, #tpu.memory_space<vmem>> -> memref<1x128xi32, #tpu.memory_space<vmem>>
    %dma_start3A_16 = tpu.memref_squeeze %dma_start3A_15 : memref<1x128xi32, #tpu.memory_space<vmem>> -> memref<128xi32, #tpu.memory_space<vmem>>
    %dma_start3A_17 = arith.constant 0 : i32
    %dma_start3A_18 = arith.constant 0 : i32
    %dma_start3A_19 = tpu.memref_slice %arg3[%dma_start3A_17, %dma_start3A_18] : memref<1007616x32xi32, #tpu.memory_space<hbm>> -> memref<1007616x32xi32, #tpu.memory_space<hbm>>
    tpu.enqueue_indirect_dma source(%dma_start3A_19 : memref<1007616x32xi32, #tpu.memory_space<hbm>>) target(%dma_start3A_13 : memref<128x32xi32, #tpu.memory_space<vmem>>) offsets(%dma_start3A_16 : memref<128xi32, #tpu.memory_space<vmem>>) semaphore(%arg8 : memref<!tpu.dma_semaphore, #tpu.memory_space<semaphore_mem>>)
    %dma_start3A_20 = arith.constant 1 : i32
    %dma_start3A_21 = arith.constant 1 : i32
    %dma_start3A_22 = arith.constant 0 : i32
    %dma_start3A_23 = arith.constant 0 : i32
    %dma_start3A_24 = tpu.memref_slice %arg6[%dma_start3A_21, %dma_start3A_22, %dma_start3A_23] : memref<4x128x32xi32, #tpu.memory_space<vmem>> -> memref<1x128x32xi32, #tpu.memory_space<vmem>>
    %dma_start3A_25 = tpu.memref_squeeze %dma_start3A_24 : memref<1x128x32xi32, #tpu.memory_space<vmem>> -> memref<128x32xi32, #tpu.memory_space<vmem>>
    %dma_start3A_26 = arith.constant 0 : i32
    %dma_start3A_27 = tpu.memref_slice %arg5[%dma_start3A_20, %dma_start3A_26] : memref<200x128xi32, #tpu.memory_space<vmem>> -> memref<1x128xi32, #tpu.memory_space<vmem>>
    %dma_start3A_28 = tpu.memref_squeeze %dma_start3A_27 : memref<1x128xi32, #tpu.memory_space<vmem>> -> memref<128xi32, #tpu.memory_space<vmem>>
    %dma_start3A_29 = arith.constant 0 : i32
    %dma_start3A_30 = arith.constant 0 : i32
    %dma_start3A_31 = tpu.memref_slice %arg3[%dma_start3A_29, %dma_start3A_30] : memref<1007616x32xi32, #tpu.memory_space<hbm>> -> memref<1007616x32xi32, #tpu.memory_space<hbm>>
    tpu.enqueue_indirect_dma source(%dma_start3A_31 : memref<1007616x32xi32, #tpu.memory_space<hbm>>) target(%dma_start3A_25 : memref<128x32xi32, #tpu.memory_space<vmem>>) offsets(%dma_start3A_28 : memref<128xi32, #tpu.memory_space<vmem>>) semaphore(%arg9 : memref<!tpu.dma_semaphore, #tpu.memory_space<semaphore_mem>>)
    %dma_start3A_32 = arith.constant 2 : i32
    %dma_start3A_33 = arith.constant 2 : i32
    %dma_start3A_34 = arith.constant 0 : i32
    %dma_start3A_35 = arith.constant 0 : i32
    %dma_start3A_36 = tpu.memref_slice %arg6[%dma_start3A_33, %dma_start3A_34, %dma_start3A_35] : memref<4x128x32xi32, #tpu.memory_space<vmem>> -> memref<1x128x32xi32, #tpu.memory_space<vmem>>
    %dma_start3A_37 = tpu.memref_squeeze %dma_start3A_36 : memref<1x128x32xi32, #tpu.memory_space<vmem>> -> memref<128x32xi32, #tpu.memory_space<vmem>>
    %dma_start3A_38 = arith.constant 0 : i32
    %dma_start3A_39 = tpu.memref_slice %arg5[%dma_start3A_32, %dma_start3A_38] : memref<200x128xi32, #tpu.memory_space<vmem>> -> memref<1x128xi32, #tpu.memory_space<vmem>>
    %dma_start3A_40 = tpu.memref_squeeze %dma_start3A_39 : memref<1x128xi32, #tpu.memory_space<vmem>> -> memref<128xi32, #tpu.memory_space<vmem>>
    %dma_start3A_41 = arith.constant 0 : i32
    %dma_start3A_42 = arith.constant 0 : i32
    %dma_start3A_43 = tpu.memref_slice %arg3[%dma_start3A_41, %dma_start3A_42] : memref<1007616x32xi32, #tpu.memory_space<hbm>> -> memref<1007616x32xi32, #tpu.memory_space<hbm>>
    tpu.enqueue_indirect_dma source(%dma_start3A_43 : memref<1007616x32xi32, #tpu.memory_space<hbm>>) target(%dma_start3A_37 : memref<128x32xi32, #tpu.memory_space<vmem>>) offsets(%dma_start3A_40 : memref<128xi32, #tpu.memory_space<vmem>>) semaphore(%arg10 : memref<!tpu.dma_semaphore, #tpu.memory_space<semaphore_mem>>)
    %dma_start3A_44 = arith.constant 3 : i32
    %dma_start3A_45 = arith.constant 3 : i32
    %dma_start3A_46 = arith.constant 0 : i32
    %dma_start3A_47 = arith.constant 0 : i32
    %dma_start3A_48 = tpu.memref_slice %arg6[%dma_start3A_45, %dma_start3A_46, %dma_start3A_47] : memref<4x128x32xi32, #tpu.memory_space<vmem>> -> memref<1x128x32xi32, #tpu.memory_space<vmem>>
    %dma_start3A_49 = tpu.memref_squeeze %dma_start3A_48 : memref<1x128x32xi32, #tpu.memory_space<vmem>> -> memref<128x32xi32, #tpu.memory_space<vmem>>
    %dma_start3A_50 = arith.constant 0 : i32
    %dma_start3A_51 = tpu.memref_slice %arg5[%dma_start3A_44, %dma_start3A_50] : memref<200x128xi32, #tpu.memory_space<vmem>> -> memref<1x128xi32, #tpu.memory_space<vmem>>
    %dma_start3A_52 = tpu.memref_squeeze %dma_start3A_51 : memref<1x128xi32, #tpu.memory_space<vmem>> -> memref<128xi32, #tpu.memory_space<vmem>>
    %dma_start3A_53 = arith.constant 0 : i32
    %dma_start3A_54 = arith.constant 0 : i32
    %dma_start3A_55 = tpu.memref_slice %arg3[%dma_start3A_53, %dma_start3A_54] : memref<1007616x32xi32, #tpu.memory_space<hbm>> -> memref<1007616x32xi32, #tpu.memory_space<hbm>>
    tpu.enqueue_indirect_dma source(%dma_start3A_55 : memref<1007616x32xi32, #tpu.memory_space<hbm>>) target(%dma_start3A_49 : memref<128x32xi32, #tpu.memory_space<vmem>>) offsets(%dma_start3A_52 : memref<128xi32, #tpu.memory_space<vmem>>) semaphore(%arg11 : memref<!tpu.dma_semaphore, #tpu.memory_space<semaphore_mem>>)
    %dma_wait3A = arith.constant 0 : i32
    %dma_wait3A_56 = arith.constant 0 : i32
    %dma_wait3A_57 = arith.constant 0 : i32
    %dma_wait3A_58 = arith.constant 0 : i32
    %dma_wait3A_59 = tpu.memref_slice %arg6[%dma_wait3A_56, %dma_wait3A_57, %dma_wait3A_58] : memref<4x128x32xi32, #tpu.memory_space<vmem>> -> memref<1x128x32xi32, #tpu.memory_space<vmem>>
    %dma_wait3A_60 = tpu.memref_squeeze %dma_wait3A_59 : memref<1x128x32xi32, #tpu.memory_space<vmem>> -> memref<128x32xi32, #tpu.memory_space<vmem>>
    %dma_wait3A_61 = arith.constant 0 : i32
    %dma_wait3A_62 = tpu.memref_slice %arg5[%dma_wait3A, %dma_wait3A_61] : memref<200x128xi32, #tpu.memory_space<vmem>> -> memref<1x128xi32, #tpu.memory_space<vmem>>
    %dma_wait3A_63 = tpu.memref_squeeze %dma_wait3A_62 : memref<1x128xi32, #tpu.memory_space<vmem>> -> memref<128xi32, #tpu.memory_space<vmem>>
    %dma_wait3A_64 = arith.constant 0 : i32
    %dma_wait3A_65 = arith.constant 0 : i32
    %dma_wait3A_66 = tpu.memref_slice %arg3[%dma_wait3A_64, %dma_wait3A_65] : memref<1007616x32xi32, #tpu.memory_space<hbm>> -> memref<1007616x32xi32, #tpu.memory_space<hbm>>
    tpu.wait_indirect_dma semaphore(%arg8 : memref<!tpu.dma_semaphore, #tpu.memory_space<semaphore_mem>>) src(%dma_wait3A_66 : memref<1007616x32xi32, #tpu.memory_space<hbm>>) dst(%dma_wait3A_60 : memref<128x32xi32, #tpu.memory_space<vmem>>)
    %dma_wait3A_67 = arith.constant 1 : i32
    %dma_wait3A_68 = arith.constant 1 : i32
    %dma_wait3A_69 = arith.constant 0 : i32
    %dma_wait3A_70 = arith.constant 0 : i32
    %dma_wait3A_71 = tpu.memref_slice %arg6[%dma_wait3A_68, %dma_wait3A_69, %dma_wait3A_70] : memref<4x128x32xi32, #tpu.memory_space<vmem>> -> memref<1x128x32xi32, #tpu.memory_space<vmem>>
    %dma_wait3A_72 = tpu.memref_squeeze %dma_wait3A_71 : memref<1x128x32xi32, #tpu.memory_space<vmem>> -> memref<128x32xi32, #tpu.memory_space<vmem>>
    %dma_wait3A_73 = arith.constant 0 : i32
    %dma_wait3A_74 = tpu.memref_slice %arg5[%dma_wait3A_67, %dma_wait3A_73] : memref<200x128xi32, #tpu.memory_space<vmem>> -> memref<1x128xi32, #tpu.memory_space<vmem>>
    %dma_wait3A_75 = tpu.memref_squeeze %dma_wait3A_74 : memref<1x128xi32, #tpu.memory_space<vmem>> -> memref<128xi32, #tpu.memory_space<vmem>>
    %dma_wait3A_76 = arith.constant 0 : i32
    %dma_wait3A_77 = arith.constant 0 : i32
    %dma_wait3A_78 = tpu.memref_slice %arg3[%dma_wait3A_76, %dma_wait3A_77] : memref<1007616x32xi32, #tpu.memory_space<hbm>> -> memref<1007616x32xi32, #tpu.memory_space<hbm>>
    tpu.wait_indirect_dma semaphore(%arg9 : memref<!tpu.dma_semaphore, #tpu.memory_space<semaphore_mem>>) src(%dma_wait3A_78 : memref<1007616x32xi32, #tpu.memory_space<hbm>>) dst(%dma_wait3A_72 : memref<128x32xi32, #tpu.memory_space<vmem>>)
    %scan3A_79 = arith.constant 0 : i32
    %scan3A_80 = arith.constant -65536 : i32
    %scan3A_81 = arith.constant 1 : i32
    %scan3A_82 = arith.constant 0 : i32
    %scan3A_83 = arith.constant 0 : i32
    %scan3A_84 = arith.constant 128 : i32
    %scan3A_85 = arith.addi %scan3A_83, %scan3A_84 : i32
    %scan3A_86 = arith.constant 4 : i32
    %scan3A_87 = scf.for %scan3A_179 = %scan3A_83 to %scan3A_85 step %scan3A_86 iter_args(%scan3A_180 = %scan3A_82) -> (i32)  : i32 {
      %get3A = arith.constant 0 : i32
      %get3A_181 = arith.constant 0 : i32
      %get3A_182 = tpu.memref_slice %arg6[%scan3A_79, %get3A, %get3A_181] : memref<4x128x32xi32, #tpu.memory_space<vmem>> -> memref<1x128x32xi32, #tpu.memory_space<vmem>>
      %get3A_183 = tpu.memref_squeeze %get3A_182 : memref<1x128x32xi32, #tpu.memory_space<vmem>> -> memref<128x32xi32, #tpu.memory_space<vmem>>
      %get3A_184 = arith.index_cast %scan3A_179 : i32 to index
      %get3A_185 = arith.constant 0 : index
      %get3A_186 = tpu.vector_load %get3A_183[%get3A_184, %get3A_185] {strides = array<i32>} : memref<128x32xi32, #tpu.memory_space<vmem>>, vector<1x16xi32>,
      %get3A_187 = vector.shape_cast %get3A_186 : vector<1x16xi32> to vector<16xi32>
      %shift_left3A = arith.constant 16 : i32
      %shift_left3A_188 = vector.broadcast %shift_left3A : i32 to vector<16xi32>
      %shift_left3A_189 = arith.shli %get3A_187, %shift_left3A_188 : vector<16xi32>
      %bitcast_convert_type3A = tpu.bitcast %shift_left3A_189 : vector<16xi32> -> vector<16xf32>
      %and3A = vector.broadcast %scan3A_80 : i32 to vector<16xi32>
      %and3A_190 = arith.andi %get3A_187, %and3A : vector<16xi32>
      %bitcast_convert_type3A_191 = tpu.bitcast %and3A_190 : vector<16xi32> -> vector<16xf32>
      %get3A_192 = arith.constant 0 : i32
      %get3A_193 = arith.constant 0 : i32
      %get3A_194 = tpu.memref_slice %arg6[%scan3A_81, %get3A_192, %get3A_193] : memref<4x128x32xi32, #tpu.memory_space<vmem>> -> memref<1x128x32xi32, #tpu.memory_space<vmem>>
      %get3A_195 = tpu.memref_squeeze %get3A_194 : memref<1x128x32xi32, #tpu.memory_space<vmem>> -> memref<128x32xi32, #tpu.memory_space<vmem>>
      %get3A_196 = arith.index_cast %scan3A_179 : i32 to index
      %get3A_197 = arith.constant 0 : index
      %get3A_198 = tpu.vector_load %get3A_195[%get3A_196, %get3A_197] {strides = array<i32>} : memref<128x32xi32, #tpu.memory_space<vmem>>, vector<1x16xi32>,
      %get3A_199 = vector.shape_cast %get3A_198 : vector<1x16xi32> to vector<16xi32>
      %shift_left3A_200 = arith.constant 16 : i32
      %shift_left3A_201 = vector.broadcast %shift_left3A_200 : i32 to vector<16xi32>
      %shift_left3A_202 = arith.shli %get3A_199, %shift_left3A_201 : vector<16xi32>
      %bitcast_convert_type3A_203 = tpu.bitcast %shift_left3A_202 : vector<16xi32> -> vector<16xf32>
      %and3A_204 = vector.broadcast %scan3A_80 : i32 to vector<16xi32>
      %and3A_205 = arith.andi %get3A_199, %and3A_204 : vector<16xi32>
      %bitcast_convert_type3A_206 = tpu.bitcast %and3A_205 : vector<16xi32> -> vector<16xf32>
      %add3A_207 = arith.addf %bitcast_convert_type3A, %bitcast_convert_type3A_203 : vector<16xf32>
      %add3A_208 = arith.addf %bitcast_convert_type3A_191, %bitcast_convert_type3A_206 : vector<16xf32>
      %swap3A = arith.index_cast %scan3A_179 : i32 to index
      %swap3A_209 = arith.constant 0 : index
      %swap3A_210 = tpu.vector_load %arg7[%swap3A, %swap3A_209] {strides = array<i32>} : memref<128x64xf32, #tpu.memory_space<vmem>>, vector<1x16xf32>,
      %swap3A_211 = vector.shape_cast %swap3A_210 : vector<1x16xf32> to vector<16xf32>
      %swap3A_212 = vector.shape_cast %add3A_207 : vector<16xf32> to vector<1x16xf32>
      tpu.vector_store %arg7[%swap3A, %swap3A_209], %swap3A_212 {strides = array<i32>} : memref<128x64xf32, #tpu.memory_space<vmem>>, vector<1x16xf32>,
      %swap3A_213 = arith.index_cast %scan3A_179 : i32 to index
      %swap3A_214 = arith.constant 32 : index
      %swap3A_215 = tpu.vector_load %arg7[%swap3A_213, %swap3A_214] {strides = array<i32>} : memref<128x64xf32, #tpu.memory_space<vmem>>, vector<1x16xf32>,
      %swap3A_216 = vector.shape_cast %swap3A_215 : vector<1x16xf32> to vector<16xf32>
      %swap3A_217 = vector.shape_cast %add3A_208 : vector<16xf32> to vector<1x16xf32>
      tpu.vector_store %arg7[%swap3A_213, %swap3A_214], %swap3A_217 {strides = array<i32>} : memref<128x64xf32, #tpu.memory_space<vmem>>, vector<1x16xf32>,
      %get3A_218 = arith.constant 0 : i32
      %get3A_219 = arith.constant 0 : i32
      %get3A_220 = tpu.memref_slice %arg6[%scan3A_79, %get3A_218, %get3A_219] : memref<4x128x32xi32, #tpu.memory_space<vmem>> -> memref<1x128x32xi32, #tpu.memory_space<vmem>>
      %get3A_221 = tpu.memref_squeeze %get3A_220 : memref<1x128x32xi32, #tpu.memory_space<vmem>> -> memref<128x32xi32, #tpu.memory_space<vmem>>
      %get3A_222 = arith.index_cast %scan3A_179 : i32 to index
      %get3A_223 = arith.constant 16 : index
      %get3A_224 = tpu.vector_load %get3A_221[%get3A_222, %get3A_223] {strides = array<i32>} : memref<128x32xi32, #tpu.memory_space<vmem>>, vector<1x16xi32>,
      %get3A_225 = vector.shape_cast %get3A_224 : vector<1x16xi32> to vector<16xi32>
      %shift_left3A_226 = arith.constant 16 : i32
      %shift_left3A_227 = vector.broadcast %shift_left3A_226 : i32 to vector<16xi32>
      %shift_left3A_228 = arith.shli %get3A_225, %shift_left3A_227 : vector<16xi32>
      %bitcast_convert_type3A_229 = tpu.bitcast %shift_left3A_228 : vector<16xi32> -> vector<16xf32>
      %and3A_230 = vector.broadcast %scan3A_80 : i32 to vector<16xi32>
      %and3A_231 = arith.andi %get3A_225, %and3A_230 : vector<16xi32>
      %bitcast_convert_type3A_232 = tpu.bitcast %and3A_231 : vector<16xi32> -> vector<16xf32>
      %get3A_233 = arith.constant 0 : i32
      %get3A_234 = arith.constant 0 : i32
      %get3A_235 = tpu.memref_slice %arg6[%scan3A_81, %get3A_233, %get3A_234] : memref<4x128x32xi32, #tpu.memory_space<vmem>> -> memref<1x128x32xi32, #tpu.memory_space<vmem>>
      %get3A_236 = tpu.memref_squeeze %get3A_235 : memref<1x128x32xi32, #tpu.memory_space<vmem>> -> memref<128x32xi32, #tpu.memory_space<vmem>>
      %get3A_237 = arith.index_cast %scan3A_179 : i32 to index
      %get3A_238 = arith.constant 16 : index
      %get3A_239 = tpu.vector_load %get3A_236[%get3A_237, %get3A_238] {strides = array<i32>} : memref<128x32xi32, #tpu.memory_space<vmem>>, vector<1x16xi32>,
      %get3A_240 = vector.shape_cast %get3A_239 : vector<1x16xi32> to vector<16xi32>
      %shift_left3A_241 = arith.constant 16 : i32
      %shift_left3A_242 = vector.broadcast %shift_left3A_241 : i32 to vector<16xi32>
      %shift_left3A_243 = arith.shli %get3A_240, %shift_left3A_242 : vector<16xi32>
      %bitcast_convert_type3A_244 = tpu.bitcast %shift_left3A_243 : vector<16xi32> -> vector<16xf32>
      %and3A_245 = vector.broadcast %scan3A_80 : i32 to vector<16xi32>
      %and3A_246 = arith.andi %get3A_240, %and3A_245 : vector<16xi32>
      %bitcast_convert_type3A_247 = tpu.bitcast %and3A_246 : vector<16xi32> -> vector<16xf32>
      %add3A_248 = arith.addf %bitcast_convert_type3A_229, %bitcast_convert_type3A_244 : vector<16xf32>
      %add3A_249 = arith.addf %bitcast_convert_type3A_232, %bitcast_convert_type3A_247 : vector<16xf32>
      %swap3A_250 = arith.index_cast %scan3A_179 : i32 to index
      %swap3A_251 = arith.constant 16 : index
      %swap3A_252 = tpu.vector_load %arg7[%swap3A_250, %swap3A_251] {strides = array<i32>} : memref<128x64xf32, #tpu.memory_space<vmem>>, vector<1x16xf32>,
      %swap3A_253 = vector.shape_cast %swap3A_252 : vector<1x16xf32> to vector<16xf32>
      %swap3A_254 = vector.shape_cast %add3A_248 : vector<16xf32> to vector<1x16xf32>
      tpu.vector_store %arg7[%swap3A_250, %swap3A_251], %swap3A_254 {strides = array<i32>} : memref<128x64xf32, #tpu.memory_space<vmem>>, vector<1x16xf32>,
      %swap3A_255 = arith.index_cast %scan3A_179 : i32 to index
      %swap3A_256 = arith.constant 48 : index
      %swap3A_257 = tpu.vector_load %arg7[%swap3A_255, %swap3A_256] {strides = array<i32>} : memref<128x64xf32, #tpu.memory_space<vmem>>, vector<1x16xf32>,
      %swap3A_258 = vector.shape_cast %swap3A_257 : vector<1x16xf32> to vector<16xf32>
      %swap3A_259 = vector.shape_cast %add3A_249 : vector<16xf32> to vector<1x16xf32>
      tpu.vector_store %arg7[%swap3A_255, %swap3A_256], %swap3A_259 {strides = array<i32>} : memref<128x64xf32, #tpu.memory_space<vmem>>, vector<1x16xf32>,
      %scan3A_260 = arith.constant 0 : i32
      %scan3A_261 = arith.constant 1 : i32
      %scan3A_262 = arith.addi %scan3A_179, %scan3A_261 : i32
      %get3A_263 = arith.constant 0 : i32
      %get3A_264 = arith.constant 0 : i32
      %get3A_265 = tpu.memref_slice %arg6[%scan3A_79, %get3A_263, %get3A_264] : memref<4x128x32xi32, #tpu.memory_space<vmem>> -> memref<1x128x32xi32, #tpu.memory_space<vmem>>
      %get3A_266 = tpu.memref_squeeze %get3A_265 : memref<1x128x32xi32, #tpu.memory_space<vmem>> -> memref<128x32xi32, #tpu.memory_space<vmem>>
      %get3A_267 = arith.index_cast %scan3A_262 : i32 to index
      %get3A_268 = arith.constant 0 : index
      %get3A_269 = tpu.vector_load %get3A_266[%get3A_267, %get3A_268] {strides = array<i32>} : memref<128x32xi32, #tpu.memory_space<vmem>>, vector<1x16xi32>,
      %get3A_270 = vector.shape_cast %get3A_269 : vector<1x16xi32> to vector<16xi32>
      %shift_left3A_271 = arith.constant 16 : i32
      %shift_left3A_272 = vector.broadcast %shift_left3A_271 : i32 to vector<16xi32>
      %shift_left3A_273 = arith.shli %get3A_270, %shift_left3A_272 : vector<16xi32>
      %bitcast_convert_type3A_274 = tpu.bitcast %shift_left3A_273 : vector<16xi32> -> vector<16xf32>
      %and3A_275 = vector.broadcast %scan3A_80 : i32 to vector<16xi32>
      %and3A_276 = arith.andi %get3A_270, %and3A_275 : vector<16xi32>
      %bitcast_convert_type3A_277 = tpu.bitcast %and3A_276 : vector<16xi32> -> vector<16xf32>
      %get3A_278 = arith.constant 0 : i32
      %get3A_279 = arith.constant 0 : i32
      %get3A_280 = tpu.memref_slice %arg6[%scan3A_81, %get3A_278, %get3A_279] : memref<4x128x32xi32, #tpu.memory_space<vmem>> -> memref<1x128x32xi32, #tpu.memory_space<vmem>>
      %get3A_281 = tpu.memref_squeeze %get3A_280 : memref<1x128x32xi32, #tpu.memory_space<vmem>> -> memref<128x32xi32, #tpu.memory_space<vmem>>
      %get3A_282 = arith.index_cast %scan3A_262 : i32 to index
      %get3A_283 = arith.constant 0 : index
      %get3A_284 = tpu.vector_load %get3A_281[%get3A_282, %get3A_283] {strides = array<i32>} : memref<128x32xi32, #tpu.memory_space<vmem>>, vector<1x16xi32>,
      %get3A_285 = vector.shape_cast %get3A_284 : vector<1x16xi32> to vector<16xi32>
      %shift_left3A_286 = arith.constant 16 : i32
      %shift_left3A_287 = vector.broadcast %shift_left3A_286 : i32 to vector<16xi32>
      %shift_left3A_288 = arith.shli %get3A_285, %shift_left3A_287 : vector<16xi32>
      %bitcast_convert_type3A_289 = tpu.bitcast %shift_left3A_288 : vector<16xi32> -> vector<16xf32>
      %and3A_290 = vector.broadcast %scan3A_80 : i32 to vector<16xi32>
      %and3A_291 = arith.andi %get3A_285, %and3A_290 : vector<16xi32>
      %bitcast_convert_type3A_292 = tpu.bitcast %and3A_291 : vector<16xi32> -> vector<16xf32>
      %add3A_293 = arith.addf %bitcast_convert_type3A_274, %bitcast_convert_type3A_289 : vector<16xf32>
      %add3A_294 = arith.addf %bitcast_convert_type3A_277, %bitcast_convert_type3A_292 : vector<16xf32>
      %swap3A_295 = arith.index_cast %scan3A_262 : i32 to index
      %swap3A_296 = arith.constant 0 : index
      %swap3A_297 = tpu.vector_load %arg7[%swap3A_295, %swap3A_296] {strides = array<i32>} : memref<128x64xf32, #tpu.memory_space<vmem>>, vector<1x16xf32>,
      %swap3A_298 = vector.shape_cast %swap3A_297 : vector<1x16xf32> to vector<16xf32>
      %swap3A_299 = vector.shape_cast %add3A_293 : vector<16xf32> to vector<1x16xf32>
      tpu.vector_store %arg7[%swap3A_295, %swap3A_296], %swap3A_299 {strides = array<i32>} : memref<128x64xf32, #tpu.memory_space<vmem>>, vector<1x16xf32>,
      %swap3A_300 = arith.index_cast %scan3A_262 : i32 to index
      %swap3A_301 = arith.constant 32 : index
      %swap3A_302 = tpu.vector_load %arg7[%swap3A_300, %swap3A_301] {strides = array<i32>} : memref<128x64xf32, #tpu.memory_space<vmem>>, vector<1x16xf32>,
      %swap3A_303 = vector.shape_cast %swap3A_302 : vector<1x16xf32> to vector<16xf32>
      %swap3A_304 = vector.shape_cast %add3A_294 : vector<16xf32> to vector<1x16xf32>
      tpu.vector_store %arg7[%swap3A_300, %swap3A_301], %swap3A_304 {strides = array<i32>} : memref<128x64xf32, #tpu.memory_space<vmem>>, vector<1x16xf32>,
      %get3A_305 = arith.constant 0 : i32
      %get3A_306 = arith.constant 0 : i32
      %get3A_307 = tpu.memref_slice %arg6[%scan3A_79, %get3A_305, %get3A_306] : memref<4x128x32xi32, #tpu.memory_space<vmem>> -> memref<1x128x32xi32, #tpu.memory_space<vmem>>
      %get3A_308 = tpu.memref_squeeze %get3A_307 : memref<1x128x32xi32, #tpu.memory_space<vmem>> -> memref<128x32xi32, #tpu.memory_space<vmem>>
      %get3A_309 = arith.index_cast %scan3A_262 : i32 to index
      %get3A_310 = arith.constant 16 : index
      %get3A_311 = tpu.vector_load %get3A_308[%get3A_309, %get3A_310] {strides = array<i32>} : memref<128x32xi32, #tpu.memory_space<vmem>>, vector<1x16xi32>,
      %get3A_312 = vector.shape_cast %get3A_311 : vector<1x16xi32> to vector<16xi32>
      %shift_left3A_313 = arith.constant 16 : i32
      %shift_left3A_314 = vector.broadcast %shift_left3A_313 : i32 to vector<16xi32>
      %shift_left3A_315 = arith.shli %get3A_312, %shift_left3A_314 : vector<16xi32>
      %bitcast_convert_type3A_316 = tpu.bitcast %shift_left3A_315 : vector<16xi32> -> vector<16xf32>
      %and3A_317 = vector.broadcast %scan3A_80 : i32 to vector<16xi32>
      %and3A_318 = arith.andi %get3A_312, %and3A_317 : vector<16xi32>
      %bitcast_convert_type3A_319 = tpu.bitcast %and3A_318 : vector<16xi32> -> vector<16xf32>
      %get3A_320 = arith.constant 0 : i32
      %get3A_321 = arith.constant 0 : i32
      %get3A_322 = tpu.memref_slice %arg6[%scan3A_81, %get3A_320, %get3A_321] : memref<4x128x32xi32, #tpu.memory_space<vmem>> -> memref<1x128x32xi32, #tpu.memory_space<vmem>>
      %get3A_323 = tpu.memref_squeeze %get3A_322 : memref<1x128x32xi32, #tpu.memory_space<vmem>> -> memref<128x32xi32, #tpu.memory_space<vmem>>
      %get3A_324 = arith.index_cast %scan3A_262 : i32 to index
      %get3A_325 = arith.constant 16 : index
      %get3A_326 = tpu.vector_load %get3A_323[%get3A_324, %get3A_325] {strides = array<i32>} : memref<128x32xi32, #tpu.memory_space<vmem>>, vector<1x16xi32>,
      %get3A_327 = vector.shape_cast %get3A_326 : vector<1x16xi32> to vector<16xi32>
      %shift_left3A_328 = arith.constant 16 : i32
      %shift_left3A_329 = vector.broadcast %shift_left3A_328 : i32 to vector<16xi32>
      %shift_left3A_330 = arith.shli %get3A_327, %shift_left3A_329 : vector<16xi32>
      %bitcast_convert_type3A_331 = tpu.bitcast %shift_left3A_330 : vector<16xi32> -> vector<16xf32>
      %and3A_332 = vector.broadcast %scan3A_80 : i32 to vector<16xi32>
      %and3A_333 = arith.andi %get3A_327, %and3A_332 : vector<16xi32>
      %bitcast_convert_type3A_334 = tpu.bitcast %and3A_333 : vector<16xi32> -> vector<16xf32>
      %add3A_335 = arith.addf %bitcast_convert_type3A_316, %bitcast_convert_type3A_331 : vector<16xf32>
      %add3A_336 = arith.addf %bitcast_convert_type3A_319, %bitcast_convert_type3A_334 : vector<16xf32>
      %swap3A_337 = arith.index_cast %scan3A_262 : i32 to index
      %swap3A_338 = arith.constant 16 : index
      %swap3A_339 = tpu.vector_load %arg7[%swap3A_337, %swap3A_338] {strides = array<i32>} : memref<128x64xf32, #tpu.memory_space<vmem>>, vector<1x16xf32>,
      %swap3A_340 = vector.shape_cast %swap3A_339 : vector<1x16xf32> to vector<16xf32>
      %swap3A_341 = vector.shape_cast %add3A_335 : vector<16xf32> to vector<1x16xf32>
      tpu.vector_store %arg7[%swap3A_337, %swap3A_338], %swap3A_341 {strides = array<i32>} : memref<128x64xf32, #tpu.memory_space<vmem>>, vector<1x16xf32>,
      %swap3A_342 = arith.index_cast %scan3A_262 : i32 to index
      %swap3A_343 = arith.constant 48 : index
      %swap3A_344 = tpu.vector_load %arg7[%swap3A_342, %swap3A_343] {strides = array<i32>} : memref<128x64xf32, #tpu.memory_space<vmem>>, vector<1x16xf32>,
      %swap3A_345 = vector.shape_cast %swap3A_344 : vector<1x16xf32> to vector<16xf32>
      %swap3A_346 = vector.shape_cast %add3A_336 : vector<16xf32> to vector<1x16xf32>
      tpu.vector_store %arg7[%swap3A_342, %swap3A_343], %swap3A_346 {strides = array<i32>} : memref<128x64xf32, #tpu.memory_space<vmem>>, vector<1x16xf32>,
      %scan3A_347 = arith.constant 0 : i32
      %scan3A_348 = arith.constant 2 : i32
      %scan3A_349 = arith.addi %scan3A_179, %scan3A_348 : i32
      %get3A_350 = arith.constant 0 : i32
      %get3A_351 = arith.constant 0 : i32
      %get3A_352 = tpu.memref_slice %arg6[%scan3A_79, %get3A_350, %get3A_351] : memref<4x128x32xi32, #tpu.memory_space<vmem>> -> memref<1x128x32xi32, #tpu.memory_space<vmem>>
      %get3A_353 = tpu.memref_squeeze %get3A_352 : memref<1x128x32xi32, #tpu.memory_space<vmem>> -> memref<128x32xi32, #tpu.memory_space<vmem>>
      %get3A_354 = arith.index_cast %scan3A_349 : i32 to index
      %get3A_355 = arith.constant 0 : index
      %get3A_356 = tpu.vector_load %get3A_353[%get3A_354, %get3A_355] {strides = array<i32>} : memref<128x32xi32, #tpu.memory_space<vmem>>, vector<1x16xi32>,
      %get3A_357 = vector.shape_cast %get3A_356 : vector<1x16xi32> to vector<16xi32>
      %shift_left3A_358 = arith.constant 16 : i32
      %shift_left3A_359 = vector.broadcast %shift_left3A_358 : i32 to vector<16xi32>
      %shift_left3A_360 = arith.shli %get3A_357, %shift_left3A_359 : vector<16xi32>
      %bitcast_convert_type3A_361 = tpu.bitcast %shift_left3A_360 : vector<16xi32> -> vector<16xf32>
      %and3A_362 = vector.broadcast %scan3A_80 : i32 to vector<16xi32>
      %and3A_363 = arith.andi %get3A_357, %and3A_362 : vector<16xi32>
      %bitcast_convert_type3A_364 = tpu.bitcast %and3A_363 : vector<16xi32> -> vector<16xf32>
      %get3A_365 = arith.constant 0 : i32
      %get3A_366 = arith.constant 0 : i32
      %get3A_367 = tpu.memref_slice %arg6[%scan3A_81, %get3A_365, %get3A_366] : memref<4x128x32xi32, #tpu.memory_space<vmem>> -> memref<1x128x32xi32, #tpu.memory_space<vmem>>
      %get3A_368 = tpu.memref_squeeze %get3A_367 : memref<1x128x32xi32, #tpu.memory_space<vmem>> -> memref<128x32xi32, #tpu.memory_space<vmem>>
      %get3A_369 = arith.index_cast %scan3A_349 : i32 to index
      %get3A_370 = arith.constant 0 : index
      %get3A_371 = tpu.vector_load %get3A_368[%get3A_369, %get3A_370] {strides = array<i32>} : memref<128x32xi32, #tpu.memory_space<vmem>>, vector<1x16xi32>,
      %get3A_372 = vector.shape_cast %get3A_371 : vector<1x16xi32> to vector<16xi32>
      %shift_left3A_373 = arith.constant 16 : i32
      %shift_left3A_374 = vector.broadcast %shift_left3A_373 : i32 to vector<16xi32>
      %shift_left3A_375 = arith.shli %get3A_372, %shift_left3A_374 : vector<16xi32>
      %bitcast_convert_type3A_376 = tpu.bitcast %shift_left3A_375 : vector<16xi32> -> vector<16xf32>
      %and3A_377 = vector.broadcast %scan3A_80 : i32 to vector<16xi32>
      %and3A_378 = arith.andi %get3A_372, %and3A_377 : vector<16xi32>
      %bitcast_convert_type3A_379 = tpu.bitcast %and3A_378 : vector<16xi32> -> vector<16xf32>
      %add3A_380 = arith.addf %bitcast_convert_type3A_361, %bitcast_convert_type3A_376 : vector<16xf32>
      %add3A_381 = arith.addf %bitcast_convert_type3A_364, %bitcast_convert_type3A_379 : vector<16xf32>
      %swap3A_382 = arith.index_cast %scan3A_349 : i32 to index
      %swap3A_383 = arith.constant 0 : index
      %swap3A_384 = tpu.vector_load %arg7[%swap3A_382, %swap3A_383] {strides = array<i32>} : memref<128x64xf32, #tpu.memory_space<vmem>>, vector<1x16xf32>,
      %swap3A_385 = vector.shape_cast %swap3A_384 : vector<1x16xf32> to vector<16xf32>
      %swap3A_386 = vector.shape_cast %add3A_380 : vector<16xf32> to vector<1x16xf32>
      tpu.vector_store %arg7[%swap3A_382, %swap3A_383], %swap3A_386 {strides = array<i32>} : memref<128x64xf32, #tpu.memory_space<vmem>>, vector<1x16xf32>,
      %swap3A_387 = arith.index_cast %scan3A_349 : i32 to index
      %swap3A_388 = arith.constant 32 : index
      %swap3A_389 = tpu.vector_load %arg7[%swap3A_387, %swap3A_388] {strides = array<i32>} : memref<128x64xf32, #tpu.memory_space<vmem>>, vector<1x16xf32>,
      %swap3A_390 = vector.shape_cast %swap3A_389 : vector<1x16xf32> to vector<16xf32>
      %swap3A_391 = vector.shape_cast %add3A_381 : vector<16xf32> to vector<1x16xf32>
      tpu.vector_store %arg7[%swap3A_387, %swap3A_388], %swap3A_391 {strides = array<i32>} : memref<128x64xf32, #tpu.memory_space<vmem>>, vector<1x16xf32>,
      %get3A_392 = arith.constant 0 : i32
      %get3A_393 = arith.constant 0 : i32
      %get3A_394 = tpu.memref_slice %arg6[%scan3A_79, %get3A_392, %get3A_393] : memref<4x128x32xi32, #tpu.memory_space<vmem>> -> memref<1x128x32xi32, #tpu.memory_space<vmem>>
      %get3A_395 = tpu.memref_squeeze %get3A_394 : memref<1x128x32xi32, #tpu.memory_space<vmem>> -> memref<128x32xi32, #tpu.memory_space<vmem>>
      %get3A_396 = arith.index_cast %scan3A_349 : i32 to index
      %get3A_397 = arith.constant 16 : index
      %get3A_398 = tpu.vector_load %get3A_395[%get3A_396, %get3A_397] {strides = array<i32>} : memref<128x32xi32, #tpu.memory_space<vmem>>, vector<1x16xi32>,
      %get3A_399 = vector.shape_cast %get3A_398 : vector<1x16xi32> to vector<16xi32>
      %shift_left3A_400 = arith.constant 16 : i32
      %shift_left3A_401 = vector.broadcast %shift_left3A_400 : i32 to vector<16xi32>
      %shift_left3A_402 = arith.shli %get3A_399, %shift_left3A_401 : vector<16xi32>
      %bitcast_convert_type3A_403 = tpu.bitcast %shift_left3A_402 : vector<16xi32> -> vector<16xf32>
      %and3A_404 = vector.broadcast %scan3A_80 : i32 to vector<16xi32>
      %and3A_405 = arith.andi %get3A_399, %and3A_404 : vector<16xi32>
      %bitcast_convert_type3A_406 = tpu.bitcast %and3A_405 : vector<16xi32> -> vector<16xf32>
      %get3A_407 = arith.constant 0 : i32
      %get3A_408 = arith.constant 0 : i32
      %get3A_409 = tpu.memref_slice %arg6[%scan3A_81, %get3A_407, %get3A_408] : memref<4x128x32xi32, #tpu.memory_space<vmem>> -> memref<1x128x32xi32, #tpu.memory_space<vmem>>
      %get3A_410 = tpu.memref_squeeze %get3A_409 : memref<1x128x32xi32, #tpu.memory_space<vmem>> -> memref<128x32xi32, #tpu.memory_space<vmem>>
      %get3A_411 = arith.index_cast %scan3A_349 : i32 to index
      %get3A_412 = arith.constant 16 : index
      %get3A_413 = tpu.vector_load %get3A_410[%get3A_411, %get3A_412] {strides = array<i32>} : memref<128x32xi32, #tpu.memory_space<vmem>>, vector<1x16xi32>,
      %get3A_414 = vector.shape_cast %get3A_413 : vector<1x16xi32> to vector<16xi32>
      %shift_left3A_415 = arith.constant 16 : i32
      %shift_left3A_416 = vector.broadcast %shift_left3A_415 : i32 to vector<16xi32>
      %shift_left3A_417 = arith.shli %get3A_414, %shift_left3A_416 : vector<16xi32>
      %bitcast_convert_type3A_418 = tpu.bitcast %shift_left3A_417 : vector<16xi32> -> vector<16xf32>
      %and3A_419 = vector.broadcast %scan3A_80 : i32 to vector<16xi32>
      %and3A_420 = arith.andi %get3A_414, %and3A_419 : vector<16xi32>
      %bitcast_convert_type3A_421 = tpu.bitcast %and3A_420 : vector<16xi32> -> vector<16xf32>
      %add3A_422 = arith.addf %bitcast_convert_type3A_403, %bitcast_convert_type3A_418 : vector<16xf32>
      %add3A_423 = arith.addf %bitcast_convert_type3A_406, %bitcast_convert_type3A_421 : vector<16xf32>
      %swap3A_424 = arith.index_cast %scan3A_349 : i32 to index
      %swap3A_425 = arith.constant 16 : index
      %swap3A_426 = tpu.vector_load %arg7[%swap3A_424, %swap3A_425] {strides = array<i32>} : memref<128x64xf32, #tpu.memory_space<vmem>>, vector<1x16xf32>,
      %swap3A_427 = vector.shape_cast %swap3A_426 : vector<1x16xf32> to vector<16xf32>
      %swap3A_428 = vector.shape_cast %add3A_422 : vector<16xf32> to vector<1x16xf32>
      tpu.vector_store %arg7[%swap3A_424, %swap3A_425], %swap3A_428 {strides = array<i32>} : memref<128x64xf32, #tpu.memory_space<vmem>>, vector<1x16xf32>,
      %swap3A_429 = arith.index_cast %scan3A_349 : i32 to index
      %swap3A_430 = arith.constant 48 : index
      %swap3A_431 = tpu.vector_load %arg7[%swap3A_429, %swap3A_430] {strides = array<i32>} : memref<128x64xf32, #tpu.memory_space<vmem>>, vector<1x16xf32>,
      %swap3A_432 = vector.shape_cast %swap3A_431 : vector<1x16xf32> to vector<16xf32>
      %swap3A_433 = vector.shape_cast %add3A_423 : vector<16xf32> to vector<1x16xf32>
      tpu.vector_store %arg7[%swap3A_429, %swap3A_430], %swap3A_433 {strides = array<i32>} : memref<128x64xf32, #tpu.memory_space<vmem>>, vector<1x16xf32>,
      %scan3A_434 = arith.constant 0 : i32
      %scan3A_435 = arith.constant 3 : i32
      %scan3A_436 = arith.addi %scan3A_179, %scan3A_435 : i32
      %get3A_437 = arith.constant 0 : i32
      %get3A_438 = arith.constant 0 : i32
      %get3A_439 = tpu.memref_slice %arg6[%scan3A_79, %get3A_437, %get3A_438] : memref<4x128x32xi32, #tpu.memory_space<vmem>> -> memref<1x128x32xi32, #tpu.memory_space<vmem>>
      %get3A_440 = tpu.memref_squeeze %get3A_439 : memref<1x128x32xi32, #tpu.memory_space<vmem>> -> memref<128x32xi32, #tpu.memory_space<vmem>>
      %get3A_441 = arith.index_cast %scan3A_436 : i32 to index
      %get3A_442 = arith.constant 0 : index
      %get3A_443 = tpu.vector_load %get3A_440[%get3A_441, %get3A_442] {strides = array<i32>} : memref<128x32xi32, #tpu.memory_space<vmem>>, vector<1x16xi32>,
      %get3A_444 = vector.shape_cast %get3A_443 : vector<1x16xi32> to vector<16xi32>
      %shift_left3A_445 = arith.constant 16 : i32
      %shift_left3A_446 = vector.broadcast %shift_left3A_445 : i32 to vector<16xi32>
      %shift_left3A_447 = arith.shli %get3A_444, %shift_left3A_446 : vector<16xi32>
      %bitcast_convert_type3A_448 = tpu.bitcast %shift_left3A_447 : vector<16xi32> -> vector<16xf32>
      %and3A_449 = vector.broadcast %scan3A_80 : i32 to vector<16xi32>
      %and3A_450 = arith.andi %get3A_444, %and3A_449 : vector<16xi32>
      %bitcast_convert_type3A_451 = tpu.bitcast %and3A_450 : vector<16xi32> -> vector<16xf32>
      %get3A_452 = arith.constant 0 : i32
      %get3A_453 = arith.constant 0 : i32
      %get3A_454 = tpu.memref_slice %arg6[%scan3A_81, %get3A_452, %get3A_453] : memref<4x128x32xi32, #tpu.memory_space<vmem>> -> memref<1x128x32xi32, #tpu.memory_space<vmem>>
      %get3A_455 = tpu.memref_squeeze %get3A_454 : memref<1x128x32xi32, #tpu.memory_space<vmem>> -> memref<128x32xi32, #tpu.memory_space<vmem>>
      %get3A_456 = arith.index_cast %scan3A_436 : i32 to index
      %get3A_457 = arith.constant 0 : index
      %get3A_458 = tpu.vector_load %get3A_455[%get3A_456, %get3A_457] {strides = array<i32>} : memref<128x32xi32, #tpu.memory_space<vmem>>, vector<1x16xi32>,
      %get3A_459 = vector.shape_cast %get3A_458 : vector<1x16xi32> to vector<16xi32>
      %shift_left3A_460 = arith.constant 16 : i32
      %shift_left3A_461 = vector.broadcast %shift_left3A_460 : i32 to vector<16xi32>
      %shift_left3A_462 = arith.shli %get3A_459, %shift_left3A_461 : vector<16xi32>
      %bitcast_convert_type3A_463 = tpu.bitcast %shift_left3A_462 : vector<16xi32> -> vector<16xf32>
      %and3A_464 = vector.broadcast %scan3A_80 : i32 to vector<16xi32>
      %and3A_465 = arith.andi %get3A_459, %and3A_464 : vector<16xi32>
      %bitcast_convert_type3A_466 = tpu.bitcast %and3A_465 : vector<16xi32> -> vector<16xf32>
      %add3A_467 = arith.addf %bitcast_convert_type3A_448, %bitcast_convert_type3A_463 : vector<16xf32>
      %add3A_468 = arith.addf %bitcast_convert_type3A_451, %bitcast_convert_type3A_466 : vector<16xf32>
      %swap3A_469 = arith.index_cast %scan3A_436 : i32 to index
      %swap3A_470 = arith.constant 0 : index
      %swap3A_471 = tpu.vector_load %arg7[%swap3A_469, %swap3A_470] {strides = array<i32>} : memref<128x64xf32, #tpu.memory_space<vmem>>, vector<1x16xf32>,
      %swap3A_472 = vector.shape_cast %swap3A_471 : vector<1x16xf32> to vector<16xf32>
      %swap3A_473 = vector.shape_cast %add3A_467 : vector<16xf32> to vector<1x16xf32>
      tpu.vector_store %arg7[%swap3A_469, %swap3A_470], %swap3A_473 {strides = array<i32>} : memref<128x64xf32, #tpu.memory_space<vmem>>, vector<1x16xf32>,
      %swap3A_474 = arith.index_cast %scan3A_436 : i32 to index
      %swap3A_475 = arith.constant 32 : index
      %swap3A_476 = tpu.vector_load %arg7[%swap3A_474, %swap3A_475] {strides = array<i32>} : memref<128x64xf32, #tpu.memory_space<vmem>>, vector<1x16xf32>,
      %swap3A_477 = vector.shape_cast %swap3A_476 : vector<1x16xf32> to vector<16xf32>
      %swap3A_478 = vector.shape_cast %add3A_468 : vector<16xf32> to vector<1x16xf32>
      tpu.vector_store %arg7[%swap3A_474, %swap3A_475], %swap3A_478 {strides = array<i32>} : memref<128x64xf32, #tpu.memory_space<vmem>>, vector<1x16xf32>,
      %get3A_479 = arith.constant 0 : i32
      %get3A_480 = arith.constant 0 : i32
      %get3A_481 = tpu.memref_slice %arg6[%scan3A_79, %get3A_479, %get3A_480] : memref<4x128x32xi32, #tpu.memory_space<vmem>> -> memref<1x128x32xi32, #tpu.memory_space<vmem>>
      %get3A_482 = tpu.memref_squeeze %get3A_481 : memref<1x128x32xi32, #tpu.memory_space<vmem>> -> memref<128x32xi32, #tpu.memory_space<vmem>>
      %get3A_483 = arith.index_cast %scan3A_436 : i32 to index
      %get3A_484 = arith.constant 16 : index
      %get3A_485 = tpu.vector_load %get3A_482[%get3A_483, %get3A_484] {strides = array<i32>} : memref<128x32xi32, #tpu.memory_space<vmem>>, vector<1x16xi32>,
      %get3A_486 = vector.shape_cast %get3A_485 : vector<1x16xi32> to vector<16xi32>
      %shift_left3A_487 = arith.constant 16 : i32
      %shift_left3A_488 = vector.broadcast %shift_left3A_487 : i32 to vector<16xi32>
      %shift_left3A_489 = arith.shli %get3A_486, %shift_left3A_488 : vector<16xi32>
      %bitcast_convert_type3A_490 = tpu.bitcast %shift_left3A_489 : vector<16xi32> -> vector<16xf32>
      %and3A_491 = vector.broadcast %scan3A_80 : i32 to vector<16xi32>
      %and3A_492 = arith.andi %get3A_486, %and3A_491 : vector<16xi32>
      %bitcast_convert_type3A_493 = tpu.bitcast %and3A_492 : vector<16xi32> -> vector<16xf32>
      %get3A_494 = arith.constant 0 : i32
      %get3A_495 = arith.constant 0 : i32
      %get3A_496 = tpu.memref_slice %arg6[%scan3A_81, %get3A_494, %get3A_495] : memref<4x128x32xi32, #tpu.memory_space<vmem>> -> memref<1x128x32xi32, #tpu.memory_space<vmem>>
      %get3A_497 = tpu.memref_squeeze %get3A_496 : memref<1x128x32xi32, #tpu.memory_space<vmem>> -> memref<128x32xi32, #tpu.memory_space<vmem>>
      %get3A_498 = arith.index_cast %scan3A_436 : i32 to index
      %get3A_499 = arith.constant 16 : index
      %get3A_500 = tpu.vector_load %get3A_497[%get3A_498, %get3A_499] {strides = array<i32>} : memref<128x32xi32, #tpu.memory_space<vmem>>, vector<1x16xi32>,
      %get3A_501 = vector.shape_cast %get3A_500 : vector<1x16xi32> to vector<16xi32>
      %shift_left3A_502 = arith.constant 16 : i32
      %shift_left3A_503 = vector.broadcast %shift_left3A_502 : i32 to vector<16xi32>
      %shift_left3A_504 = arith.shli %get3A_501, %shift_left3A_503 : vector<16xi32>
      %bitcast_convert_type3A_505 = tpu.bitcast %shift_left3A_504 : vector<16xi32> -> vector<16xf32>
      %and3A_506 = vector.broadcast %scan3A_80 : i32 to vector<16xi32>
      %and3A_507 = arith.andi %get3A_501, %and3A_506 : vector<16xi32>
      %bitcast_convert_type3A_508 = tpu.bitcast %and3A_507 : vector<16xi32> -> vector<16xf32>
      %add3A_509 = arith.addf %bitcast_convert_type3A_490, %bitcast_convert_type3A_505 : vector<16xf32>
      %add3A_510 = arith.addf %bitcast_convert_type3A_493, %bitcast_convert_type3A_508 : vector<16xf32>
      %swap3A_511 = arith.index_cast %scan3A_436 : i32 to index
      %swap3A_512 = arith.constant 16 : index
      %swap3A_513 = tpu.vector_load %arg7[%swap3A_511, %swap3A_512] {strides = array<i32>} : memref<128x64xf32, #tpu.memory_space<vmem>>, vector<1x16xf32>,
      %swap3A_514 = vector.shape_cast %swap3A_513 : vector<1x16xf32> to vector<16xf32>
      %swap3A_515 = vector.shape_cast %add3A_509 : vector<16xf32> to vector<1x16xf32>
      tpu.vector_store %arg7[%swap3A_511, %swap3A_512], %swap3A_515 {strides = array<i32>} : memref<128x64xf32, #tpu.memory_space<vmem>>, vector<1x16xf32>,
      %swap3A_516 = arith.index_cast %scan3A_436 : i32 to index
      %swap3A_517 = arith.constant 48 : index
      %swap3A_518 = tpu.vector_load %arg7[%swap3A_516, %swap3A_517] {strides = array<i32>} : memref<128x64xf32, #tpu.memory_space<vmem>>, vector<1x16xf32>,
      %swap3A_519 = vector.shape_cast %swap3A_518 : vector<1x16xf32> to vector<16xf32>
      %swap3A_520 = vector.shape_cast %add3A_510 : vector<16xf32> to vector<1x16xf32>
      tpu.vector_store %arg7[%swap3A_516, %swap3A_517], %swap3A_520 {strides = array<i32>} : memref<128x64xf32, #tpu.memory_space<vmem>>, vector<1x16xf32>,
      %scan3A_521 = arith.constant 0 : i32
      scf.yield %scan3A_521 : i32
    }
    %scan3A_88 = arith.constant 128 : i32
    %dma_start3A_89 = arith.constant 4 : i32
    %dma_start3A_90 = arith.constant 0 : i32
    %dma_start3A_91 = arith.constant 0 : i32
    %dma_start3A_92 = arith.constant 0 : i32
    %dma_start3A_93 = tpu.memref_slice %arg6[%dma_start3A_90, %dma_start3A_91, %dma_start3A_92] : memref<4x128x32xi32, #tpu.memory_space<vmem>> -> memref<1x128x32xi32, #tpu.memory_space<vmem>>
    %dma_start3A_94 = tpu.memref_squeeze %dma_start3A_93 : memref<1x128x32xi32, #tpu.memory_space<vmem>> -> memref<128x32xi32, #tpu.memory_space<vmem>>
    %dma_start3A_95 = arith.constant 0 : i32
    %dma_start3A_96 = tpu.memref_slice %arg5[%dma_start3A_89, %dma_start3A_95] : memref<200x128xi32, #tpu.memory_space<vmem>> -> memref<1x128xi32, #tpu.memory_space<vmem>>
    %dma_start3A_97 = tpu.memref_squeeze %dma_start3A_96 : memref<1x128xi32, #tpu.memory_space<vmem>> -> memref<128xi32, #tpu.memory_space<vmem>>
    %dma_start3A_98 = arith.constant 0 : i32
    %dma_start3A_99 = arith.constant 0 : i32
    %dma_start3A_100 = tpu.memref_slice %arg3[%dma_start3A_98, %dma_start3A_99] : memref<1007616x32xi32, #tpu.memory_space<hbm>> -> memref<1007616x32xi32, #tpu.memory_space<hbm>>
    tpu.enqueue_indirect_dma source(%dma_start3A_100 : memref<1007616x32xi32, #tpu.memory_space<hbm>>) target(%dma_start3A_94 : memref<128x32xi32, #tpu.memory_space<vmem>>) offsets(%dma_start3A_97 : memref<128xi32, #tpu.memory_space<vmem>>) semaphore(%arg8 : memref<!tpu.dma_semaphore, #tpu.memory_space<semaphore_mem>>)
    %dma_start3A_101 = arith.constant 5 : i32
    %dma_start3A_102 = arith.constant 1 : i32
    %dma_start3A_103 = arith.constant 0 : i32
    %dma_start3A_104 = arith.constant 0 : i32
    %dma_start3A_105 = tpu.memref_slice %arg6[%dma_start3A_102, %dma_start3A_103, %dma_start3A_104] : memref<4x128x32xi32, #tpu.memory_space<vmem>> -> memref<1x128x32xi32, #tpu.memory_space<vmem>>
    %dma_start3A_106 = tpu.memref_squeeze %dma_start3A_105 : memref<1x128x32xi32, #tpu.memory_space<vmem>> -> memref<128x32xi32, #tpu.memory_space<vmem>>
    %dma_start3A_107 = arith.constant 0 : i32
    %dma_start3A_108 = tpu.memref_slice %arg5[%dma_start3A_101, %dma_start3A_107] : memref<200x128xi32, #tpu.memory_space<vmem>> -> memref<1x128xi32, #tpu.memory_space<vmem>>
    %dma_start3A_109 = tpu.memref_squeeze %dma_start3A_108 : memref<1x128xi32, #tpu.memory_space<vmem>> -> memref<128xi32, #tpu.memory_space<vmem>>
    %dma_start3A_110 = arith.constant 0 : i32
    %dma_start3A_111 = arith.constant 0 : i32
    %dma_start3A_112 = tpu.memref_slice %arg3[%dma_start3A_110, %dma_start3A_111] : memref<1007616x32xi32, #tpu.memory_space<hbm>> -> memref<1007616x32xi32, #tpu.memory_space<hbm>>
    tpu.enqueue_indirect_dma source(%dma_start3A_112 : memref<1007616x32xi32, #tpu.memory_space<hbm>>) target(%dma_start3A_106 : memref<128x32xi32, #tpu.memory_space<vmem>>) offsets(%dma_start3A_109 : memref<128xi32, #tpu.memory_space<vmem>>) semaphore(%arg9 : memref<!tpu.dma_semaphore, #tpu.memory_space<semaphore_mem>>)
    %dma_wait3A_113 = arith.constant 2 : i32
    %dma_wait3A_114 = arith.constant 2 : i32
    %dma_wait3A_115 = arith.constant 0 : i32
    %dma_wait3A_116 = arith.constant 0 : i32
    %dma_wait3A_117 = tpu.memref_slice %arg6[%dma_wait3A_114, %dma_wait3A_115, %dma_wait3A_116] : memref<4x128x32xi32, #tpu.memory_space<vmem>> -> memref<1x128x32xi32, #tpu.memory_space<vmem>>
    %dma_wait3A_118 = tpu.memref_squeeze %dma_wait3A_117 : memref<1x128x32xi32, #tpu.memory_space<vmem>> -> memref<128x32xi32, #tpu.memory_space<vmem>>
    %dma_wait3A_119 = arith.constant 0 : i32
    %dma_wait3A_120 = tpu.memref_slice %arg5[%dma_wait3A_113, %dma_wait3A_119] : memref<200x128xi32, #tpu.memory_space<vmem>> -> memref<1x128xi32, #tpu.memory_space<vmem>>
    %dma_wait3A_121 = tpu.memref_squeeze %dma_wait3A_120 : memref<1x128xi32, #tpu.memory_space<vmem>> -> memref<128xi32, #tpu.memory_space<vmem>>
    %dma_wait3A_122 = arith.constant 0 : i32
    %dma_wait3A_123 = arith.constant 0 : i32
    %dma_wait3A_124 = tpu.memref_slice %arg3[%dma_wait3A_122, %dma_wait3A_123] : memref<1007616x32xi32, #tpu.memory_space<hbm>> -> memref<1007616x32xi32, #tpu.memory_space<hbm>>
    tpu.wait_indirect_dma semaphore(%arg10 : memref<!tpu.dma_semaphore, #tpu.memory_space<semaphore_mem>>) src(%dma_wait3A_124 : memref<1007616x32xi32, #tpu.memory_space<hbm>>) dst(%dma_wait3A_118 : memref<128x32xi32, #tpu.memory_space<vmem>>)
    %dma_wait3A_125 = arith.constant 3 : i32
    %dma_wait3A_126 = arith.constant 3 : i32
    %dma_wait3A_127 = arith.constant 0 : i32
    %dma_wait3A_128 = arith.constant 0 : i32
    %dma_wait3A_129 = tpu.memref_slice %arg6[%dma_wait3A_126, %dma_wait3A_127, %dma_wait3A_128] : memref<4x128x32xi32, #tpu.memory_space<vmem>> -> memref<1x128x32xi32, #tpu.memory_space<vmem>>
    %dma_wait3A_130 = tpu.memref_squeeze %dma_wait3A_129 : memref<1x128x32xi32, #tpu.memory_space<vmem>> -> memref<128x32xi32, #tpu.memory_space<vmem>>
    %dma_wait3A_131 = arith.constant 0 : i32
    %dma_wait3A_132 = tpu.memref_slice %arg5[%dma_wait3A_125, %dma_wait3A_131] : memref<200x128xi32, #tpu.memory_space<vmem>> -> memref<1x128xi32, #tpu.memory_space<vmem>>
    %dma_wait3A_133 = tpu.memref_squeeze %dma_wait3A_132 : memref<1x128xi32, #tpu.memory_space<vmem>> -> memref<128xi32, #tpu.memory_space<vmem>>
    %dma_wait3A_134 = arith.constant 0 : i32
    %dma_wait3A_135 = arith.constant 0 : i32
    %dma_wait3A_136 = tpu.memref_slice %arg3[%dma_wait3A_134, %dma_wait3A_135] : memref<1007616x32xi32, #tpu.memory_space<hbm>> -> memref<1007616x32xi32, #tpu.memory_space<hbm>>
    tpu.wait_indirect_dma semaphore(%arg11 : memref<!tpu.dma_semaphore, #tpu.memory_space<semaphore_mem>>) src(%dma_wait3A_136 : memref<1007616x32xi32, #tpu.memory_space<hbm>>) dst(%dma_wait3A_130 : memref<128x32xi32, #tpu.memory_space<vmem>>)
    %scan3A_137 = arith.constant 2 : i32
    %scan3A_138 = arith.constant -65536 : i32
    %scan3A_139 = arith.constant 3 : i32
    %scan3A_140 = arith.constant 0 : i32
    %scan3A_141 = arith.constant 0 : i32
    %scan3A_142 = arith.constant 128 : i32
    %scan3A_143 = arith.addi %scan3A_141, %scan3A_142 : i32
    %scan3A_144 = arith.constant 4 : i32
    %scan3A_145 = scf.for %scan3A_179 = %scan3A_141 to %scan3A_143 step %scan3A_144 iter_args(%scan3A_180 = %scan3A_140) -> (i32)  : i32 {
      %get3A = arith.constant 0 : i32
      %get3A_181 = arith.constant 0 : i32
      %get3A_182 = tpu.memref_slice %arg6[%scan3A_137, %get3A, %get3A_181] : memref<4x128x32xi32, #tpu.memory_space<vmem>> -> memref<1x128x32xi32, #tpu.memory_space<vmem>>
      %get3A_183 = tpu.memref_squeeze %get3A_182 : memref<1x128x32xi32, #tpu.memory_space<vmem>> -> memref<128x32xi32, #tpu.memory_space<vmem>>
      %get3A_184 = arith.index_cast %scan3A_179 : i32 to index
      %get3A_185 = arith.constant 0 : index
      %get3A_186 = tpu.vector_load %get3A_183[%get3A_184, %get3A_185] {strides = array<i32>} : memref<128x32xi32, #tpu.memory_space<vmem>>, vector<1x16xi32>,
      %get3A_187 = vector.shape_cast %get3A_186 : vector<1x16xi32> to vector<16xi32>
      %shift_left3A = arith.constant 16 : i32
      %shift_left3A_188 = vector.broadcast %shift_left3A : i32 to vector<16xi32>
      %shift_left3A_189 = arith.shli %get3A_187, %shift_left3A_188 : vector<16xi32>
      %bitcast_convert_type3A = tpu.bitcast %shift_left3A_189 : vector<16xi32> -> vector<16xf32>
      %and3A = vector.broadcast %scan3A_138 : i32 to vector<16xi32>
      %and3A_190 = arith.andi %get3A_187, %and3A : vector<16xi32>
      %bitcast_convert_type3A_191 = tpu.bitcast %and3A_190 : vector<16xi32> -> vector<16xf32>
      %get3A_192 = arith.constant 0 : i32
      %get3A_193 = arith.constant 0 : i32
      %get3A_194 = tpu.memref_slice %arg6[%scan3A_139, %get3A_192, %get3A_193] : memref<4x128x32xi32, #tpu.memory_space<vmem>> -> memref<1x128x32xi32, #tpu.memory_space<vmem>>
      %get3A_195 = tpu.memref_squeeze %get3A_194 : memref<1x128x32xi32, #tpu.memory_space<vmem>> -> memref<128x32xi32, #tpu.memory_space<vmem>>
      %get3A_196 = arith.index_cast %scan3A_179 : i32 to index
      %get3A_197 = arith.constant 0 : index
      %get3A_198 = tpu.vector_load %get3A_195[%get3A_196, %get3A_197] {strides = array<i32>} : memref<128x32xi32, #tpu.memory_space<vmem>>, vector<1x16xi32>,
      %get3A_199 = vector.shape_cast %get3A_198 : vector<1x16xi32> to vector<16xi32>
      %shift_left3A_200 = arith.constant 16 : i32
      %shift_left3A_201 = vector.broadcast %shift_left3A_200 : i32 to vector<16xi32>
      %shift_left3A_202 = arith.shli %get3A_199, %shift_left3A_201 : vector<16xi32>
      %bitcast_convert_type3A_203 = tpu.bitcast %shift_left3A_202 : vector<16xi32> -> vector<16xf32>
      %and3A_204 = vector.broadcast %scan3A_138 : i32 to vector<16xi32>
      %and3A_205 = arith.andi %get3A_199, %and3A_204 : vector<16xi32>
      %bitcast_convert_type3A_206 = tpu.bitcast %and3A_205 : vector<16xi32> -> vector<16xf32>
      %add3A_207 = arith.addf %bitcast_convert_type3A, %bitcast_convert_type3A_203 : vector<16xf32>
      %add3A_208 = arith.addf %bitcast_convert_type3A_191, %bitcast_convert_type3A_206 : vector<16xf32>
      %swap3A = arith.index_cast %scan3A_179 : i32 to index
      %swap3A_209 = arith.constant 0 : index
      %swap3A_210 = tpu.vector_load %arg7[%swap3A, %swap3A_209] {strides = array<i32>} : memref<128x64xf32, #tpu.memory_space<vmem>>, vector<1x16xf32>,
      %swap3A_211 = vector.shape_cast %swap3A_210 : vector<1x16xf32> to vector<16xf32>
      %swap3A_212 = vector.shape_cast %add3A_207 : vector<16xf32> to vector<1x16xf32>
      tpu.vector_store %arg7[%swap3A, %swap3A_209], %swap3A_212 {add = true, strides = array<i32>} : memref<128x64xf32, #tpu.memory_space<vmem>>, vector<1x16xf32>,
      %swap3A_213 = arith.index_cast %scan3A_179 : i32 to index
      %swap3A_214 = arith.constant 32 : index
      %swap3A_215 = tpu.vector_load %arg7[%swap3A_213, %swap3A_214] {strides = array<i32>} : memref<128x64xf32, #tpu.memory_space<vmem>>, vector<1x16xf32>,
      %swap3A_216 = vector.shape_cast %swap3A_215 : vector<1x16xf32> to vector<16xf32>
      %swap3A_217 = vector.shape_cast %add3A_208 : vector<16xf32> to vector<1x16xf32>
      tpu.vector_store %arg7[%swap3A_213, %swap3A_214], %swap3A_217 {add = true, strides = array<i32>} : memref<128x64xf32, #tpu.memory_space<vmem>>, vector<1x16xf32>,
      %get3A_218 = arith.constant 0 : i32
      %get3A_219 = arith.constant 0 : i32
      %get3A_220 = tpu.memref_slice %arg6[%scan3A_137, %get3A_218, %get3A_219] : memref<4x128x32xi32, #tpu.memory_space<vmem>> -> memref<1x128x32xi32, #tpu.memory_space<vmem>>
      %get3A_221 = tpu.memref_squeeze %get3A_220 : memref<1x128x32xi32, #tpu.memory_space<vmem>> -> memref<128x32xi32, #tpu.memory_space<vmem>>
      %get3A_222 = arith.index_cast %scan3A_179 : i32 to index
      %get3A_223 = arith.constant 16 : index
      %get3A_224 = tpu.vector_load %get3A_221[%get3A_222, %get3A_223] {strides = array<i32>} : memref<128x32xi32, #tpu.memory_space<vmem>>, vector<1x16xi32>,
      %get3A_225 = vector.shape_cast %get3A_224 : vector<1x16xi32> to vector<16xi32>
      %shift_left3A_226 = arith.constant 16 : i32
      %shift_left3A_227 = vector.broadcast %shift_left3A_226 : i32 to vector<16xi32>
      %shift_left3A_228 = arith.shli %get3A_225, %shift_left3A_227 : vector<16xi32>
      %bitcast_convert_type3A_229 = tpu.bitcast %shift_left3A_228 : vector<16xi32> -> vector<16xf32>
      %and3A_230 = vector.broadcast %scan3A_138 : i32 to vector<16xi32>
      %and3A_231 = arith.andi %get3A_225, %and3A_230 : vector<16xi32>
      %bitcast_convert_type3A_232 = tpu.bitcast %and3A_231 : vector<16xi32> -> vector<16xf32>
      %get3A_233 = arith.constant 0 : i32
      %get3A_234 = arith.constant 0 : i32
      %get3A_235 = tpu.memref_slice %arg6[%scan3A_139, %get3A_233, %get3A_234] : memref<4x128x32xi32, #tpu.memory_space<vmem>> -> memref<1x128x32xi32, #tpu.memory_space<vmem>>
      %get3A_236 = tpu.memref_squeeze %get3A_235 : memref<1x128x32xi32, #tpu.memory_space<vmem>> -> memref<128x32xi32, #tpu.memory_space<vmem>>
      %get3A_237 = arith.index_cast %scan3A_179 : i32 to index
      %get3A_238 = arith.constant 16 : index
      %get3A_239 = tpu.vector_load %get3A_236[%get3A_237, %get3A_238] {strides = array<i32>} : memref<128x32xi32, #tpu.memory_space<vmem>>, vector<1x16xi32>,
      %get3A_240 = vector.shape_cast %get3A_239 : vector<1x16xi32> to vector<16xi32>
      %shift_left3A_241 = arith.constant 16 : i32
      %shift_left3A_242 = vector.broadcast %shift_left3A_241 : i32 to vector<16xi32>
      %shift_left3A_243 = arith.shli %get3A_240, %shift_left3A_242 : vector<16xi32>
      %bitcast_convert_type3A_244 = tpu.bitcast %shift_left3A_243 : vector<16xi32> -> vector<16xf32>
      %and3A_245 = vector.broadcast %scan3A_138 : i32 to vector<16xi32>
      %and3A_246 = arith.andi %get3A_240, %and3A_245 : vector<16xi32>
      %bitcast_convert_type3A_247 = tpu.bitcast %and3A_246 : vector<16xi32> -> vector<16xf32>
      %add3A_248 = arith.addf %bitcast_convert_type3A_229, %bitcast_convert_type3A_244 : vector<16xf32>
      %add3A_249 = arith.addf %bitcast_convert_type3A_232, %bitcast_convert_type3A_247 : vector<16xf32>
      %swap3A_250 = arith.index_cast %scan3A_179 : i32 to index
      %swap3A_251 = arith.constant 16 : index
      %swap3A_252 = tpu.vector_load %arg7[%swap3A_250, %swap3A_251] {strides = array<i32>} : memref<128x64xf32, #tpu.memory_space<vmem>>, vector<1x16xf32>,
      %swap3A_253 = vector.shape_cast %swap3A_252 : vector<1x16xf32> to vector<16xf32>
      %swap3A_254 = vector.shape_cast %add3A_248 : vector<16xf32> to vector<1x16xf32>
      tpu.vector_store %arg7[%swap3A_250, %swap3A_251], %swap3A_254 {add = true, strides = array<i32>} : memref<128x64xf32, #tpu.memory_space<vmem>>, vector<1x16xf32>,
      %swap3A_255 = arith.index_cast %scan3A_179 : i32 to index
      %swap3A_256 = arith.constant 48 : index
      %swap3A_257 = tpu.vector_load %arg7[%swap3A_255, %swap3A_256] {strides = array<i32>} : memref<128x64xf32, #tpu.memory_space<vmem>>, vector<1x16xf32>,
      %swap3A_258 = vector.shape_cast %swap3A_257 : vector<1x16xf32> to vector<16xf32>
      %swap3A_259 = vector.shape_cast %add3A_249 : vector<16xf32> to vector<1x16xf32>
      tpu.vector_store %arg7[%swap3A_255, %swap3A_256], %swap3A_259 {add = true, strides = array<i32>} : memref<128x64xf32, #tpu.memory_space<vmem>>, vector<1x16xf32>,
      %scan3A_260 = arith.constant 0 : i32
      %scan3A_261 = arith.constant 1 : i32
      %scan3A_262 = arith.addi %scan3A_179, %scan3A_261 : i32
      %get3A_263 = arith.constant 0 : i32
      %get3A_264 = arith.constant 0 : i32
      %get3A_265 = tpu.memref_slice %arg6[%scan3A_137, %get3A_263, %get3A_264] : memref<4x128x32xi32, #tpu.memory_space<vmem>> -> memref<1x128x32xi32, #tpu.memory_space<vmem>>
      %get3A_266 = tpu.memref_squeeze %get3A_265 : memref<1x128x32xi32, #tpu.memory_space<vmem>> -> memref<128x32xi32, #tpu.memory_space<vmem>>
      %get3A_267 = arith.index_cast %scan3A_262 : i32 to index
      %get3A_268 = arith.constant 0 : index
      %get3A_269 = tpu.vector_load %get3A_266[%get3A_267, %get3A_268] {strides = array<i32>} : memref<128x32xi32, #tpu.memory_space<vmem>>, vector<1x16xi32>,
      %get3A_270 = vector.shape_cast %get3A_269 : vector<1x16xi32> to vector<16xi32>
      %shift_left3A_271 = arith.constant 16 : i32
      %shift_left3A_272 = vector.broadcast %shift_left3A_271 : i32 to vector<16xi32>
      %shift_left3A_273 = arith.shli %get3A_270, %shift_left3A_272 : vector<16xi32>
      %bitcast_convert_type3A_274 = tpu.bitcast %shift_left3A_273 : vector<16xi32> -> vector<16xf32>
      %and3A_275 = vector.broadcast %scan3A_138 : i32 to vector<16xi32>
      %and3A_276 = arith.andi %get3A_270, %and3A_275 : vector<16xi32>
      %bitcast_convert_type3A_277 = tpu.bitcast %and3A_276 : vector<16xi32> -> vector<16xf32>
      %get3A_278 = arith.constant 0 : i32
      %get3A_279 = arith.constant 0 : i32
      %get3A_280 = tpu.memref_slice %arg6[%scan3A_139, %get3A_278, %get3A_279] : memref<4x128x32xi32, #tpu.memory_space<vmem>> -> memref<1x128x32xi32, #tpu.memory_space<vmem>>
      %get3A_281 = tpu.memref_squeeze %get3A_280 : memref<1x128x32xi32, #tpu.memory_space<vmem>> -> memref<128x32xi32, #tpu.memory_space<vmem>>
      %get3A_282 = arith.index_cast %scan3A_262 : i32 to index
      %get3A_283 = arith.constant 0 : index
      %get3A_284 = tpu.vector_load %get3A_281[%get3A_282, %get3A_283] {strides = array<i32>} : memref<128x32xi32, #tpu.memory_space<vmem>>, vector<1x16xi32>,
      %get3A_285 = vector.shape_cast %get3A_284 : vector<1x16xi32> to vector<16xi32>
      %shift_left3A_286 = arith.constant 16 : i32
      %shift_left3A_287 = vector.broadcast %shift_left3A_286 : i32 to vector<16xi32>
      %shift_left3A_288 = arith.shli %get3A_285, %shift_left3A_287 : vector<16xi32>
      %bitcast_convert_type3A_289 = tpu.bitcast %shift_left3A_288 : vector<16xi32> -> vector<16xf32>
      %and3A_290 = vector.broadcast %scan3A_138 : i32 to vector<16xi32>
      %and3A_291 = arith.andi %get3A_285, %and3A_290 : vector<16xi32>
      %bitcast_convert_type3A_292 = tpu.bitcast %and3A_291 : vector<16xi32> -> vector<16xf32>
      %add3A_293 = arith.addf %bitcast_convert_type3A_274, %bitcast_convert_type3A_289 : vector<16xf32>
      %add3A_294 = arith.addf %bitcast_convert_type3A_277, %bitcast_convert_type3A_292 : vector<16xf32>
      %swap3A_295 = arith.index_cast %scan3A_262 : i32 to index
      %swap3A_296 = arith.constant 0 : index
      %swap3A_297 = tpu.vector_load %arg7[%swap3A_295, %swap3A_296] {strides = array<i32>} : memref<128x64xf32, #tpu.memory_space<vmem>>, vector<1x16xf32>,
      %swap3A_298 = vector.shape_cast %swap3A_297 : vector<1x16xf32> to vector<16xf32>
      %swap3A_299 = vector.shape_cast %add3A_293 : vector<16xf32> to vector<1x16xf32>
      tpu.vector_store %arg7[%swap3A_295, %swap3A_296], %swap3A_299 {add = true, strides = array<i32>} : memref<128x64xf32, #tpu.memory_space<vmem>>, vector<1x16xf32>,
      %swap3A_300 = arith.index_cast %scan3A_262 : i32 to index
      %swap3A_301 = arith.constant 32 : index
      %swap3A_302 = tpu.vector_load %arg7[%swap3A_300, %swap3A_301] {strides = array<i32>} : memref<128x64xf32, #tpu.memory_space<vmem>>, vector<1x16xf32>,
      %swap3A_303 = vector.shape_cast %swap3A_302 : vector<1x16xf32> to vector<16xf32>
      %swap3A_304 = vector.shape_cast %add3A_294 : vector<16xf32> to vector<1x16xf32>
      tpu.vector_store %arg7[%swap3A_300, %swap3A_301], %swap3A_304 {add = true, strides = array<i32>} : memref<128x64xf32, #tpu.memory_space<vmem>>, vector<1x16xf32>,
      %get3A_305 = arith.constant 0 : i32
      %get3A_306 = arith.constant 0 : i32
      %get3A_307 = tpu.memref_slice %arg6[%scan3A_137, %get3A_305, %get3A_306] : memref<4x128x32xi32, #tpu.memory_space<vmem>> -> memref<1x128x32xi32, #tpu.memory_space<vmem>>
      %get3A_308 = tpu.memref_squeeze %get3A_307 : memref<1x128x32xi32, #tpu.memory_space<vmem>> -> memref<128x32xi32, #tpu.memory_space<vmem>>
      %get3A_309 = arith.index_cast %scan3A_262 : i32 to index
      %get3A_310 = arith.constant 16 : index
      %get3A_311 = tpu.vector_load %get3A_308[%get3A_309, %get3A_310] {strides = array<i32>} : memref<128x32xi32, #tpu.memory_space<vmem>>, vector<1x16xi32>,
      %get3A_312 = vector.shape_cast %get3A_311 : vector<1x16xi32> to vector<16xi32>
      %shift_left3A_313 = arith.constant 16 : i32
      %shift_left3A_314 = vector.broadcast %shift_left3A_313 : i32 to vector<16xi32>
      %shift_left3A_315 = arith.shli %get3A_312, %shift_left3A_314 : vector<16xi32>
      %bitcast_convert_type3A_316 = tpu.bitcast %shift_left3A_315 : vector<16xi32> -> vector<16xf32>
      %and3A_317 = vector.broadcast %scan3A_138 : i32 to vector<16xi32>
      %and3A_318 = arith.andi %get3A_312, %and3A_317 : vector<16xi32>
      %bitcast_convert_type3A_319 = tpu.bitcast %and3A_318 : vector<16xi32> -> vector<16xf32>
      %get3A_320 = arith.constant 0 : i32
      %get3A_321 = arith.constant 0 : i32
      %get3A_322 = tpu.memref_slice %arg6[%scan3A_139, %get3A_320, %get3A_321] : memref<4x128x32xi32, #tpu.memory_space<vmem>> -> memref<1x128x32xi32, #tpu.memory_space<vmem>>
      %get3A_323 = tpu.memref_squeeze %get3A_322 : memref<1x128x32xi32, #tpu.memory_space<vmem>> -> memref<128x32xi32, #tpu.memory_space<vmem>>
      %get3A_324 = arith.index_cast %scan3A_262 : i32 to index
      %get3A_325 = arith.constant 16 : index
      %get3A_326 = tpu.vector_load %get3A_323[%get3A_324, %get3A_325] {strides = array<i32>} : memref<128x32xi32, #tpu.memory_space<vmem>>, vector<1x16xi32>,
      %get3A_327 = vector.shape_cast %get3A_326 : vector<1x16xi32> to vector<16xi32>
      %shift_left3A_328 = arith.constant 16 : i32
      %shift_left3A_329 = vector.broadcast %shift_left3A_328 : i32 to vector<16xi32>
      %shift_left3A_330 = arith.shli %get3A_327, %shift_left3A_329 : vector<16xi32>
      %bitcast_convert_type3A_331 = tpu.bitcast %shift_left3A_330 : vector<16xi32> -> vector<16xf32>
      %and3A_332 = vector.broadcast %scan3A_138 : i32 to vector<16xi32>
      %and3A_333 = arith.andi %get3A_327, %and3A_332 : vector<16xi32>
      %bitcast_convert_type3A_334 = tpu.bitcast %and3A_333 : vector<16xi32> -> vector<16xf32>
      %add3A_335 = arith.addf %bitcast_convert_type3A_316, %bitcast_convert_type3A_331 : vector<16xf32>
      %add3A_336 = arith.addf %bitcast_convert_type3A_319, %bitcast_convert_type3A_334 : vector<16xf32>
      %swap3A_337 = arith.index_cast %scan3A_262 : i32 to index
      %swap3A_338 = arith.constant 16 : index
      %swap3A_339 = tpu.vector_load %arg7[%swap3A_337, %swap3A_338] {strides = array<i32>} : memref<128x64xf32, #tpu.memory_space<vmem>>, vector<1x16xf32>,
      %swap3A_340 = vector.shape_cast %swap3A_339 : vector<1x16xf32> to vector<16xf32>
      %swap3A_341 = vector.shape_cast %add3A_335 : vector<16xf32> to vector<1x16xf32>
      tpu.vector_store %arg7[%swap3A_337, %swap3A_338], %swap3A_341 {add = true, strides = array<i32>} : memref<128x64xf32, #tpu.memory_space<vmem>>, vector<1x16xf32>,
      %swap3A_342 = arith.index_cast %scan3A_262 : i32 to index
      %swap3A_343 = arith.constant 48 : index
      %swap3A_344 = tpu.vector_load %arg7[%swap3A_342, %swap3A_343] {strides = array<i32>} : memref<128x64xf32, #tpu.memory_space<vmem>>, vector<1x16xf32>,
      %swap3A_345 = vector.shape_cast %swap3A_344 : vector<1x16xf32> to vector<16xf32>
      %swap3A_346 = vector.shape_cast %add3A_336 : vector<16xf32> to vector<1x16xf32>
      tpu.vector_store %arg7[%swap3A_342, %swap3A_343], %swap3A_346 {add = true, strides = array<i32>} : memref<128x64xf32, #tpu.memory_space<vmem>>, vector<1x16xf32>,
      %scan3A_347 = arith.constant 0 : i32
      %scan3A_348 = arith.constant 2 : i32
      %scan3A_349 = arith.addi %scan3A_179, %scan3A_348 : i32
      %get3A_350 = arith.constant 0 : i32
      %get3A_351 = arith.constant 0 : i32
      %get3A_352 = tpu.memref_slice %arg6[%scan3A_137, %get3A_350, %get3A_351] : memref<4x128x32xi32, #tpu.memory_space<vmem>> -> memref<1x128x32xi32, #tpu.memory_space<vmem>>
      %get3A_353 = tpu.memref_squeeze %get3A_352 : memref<1x128x32xi32, #tpu.memory_space<vmem>> -> memref<128x32xi32, #tpu.memory_space<vmem>>
      %get3A_354 = arith.index_cast %scan3A_349 : i32 to index
      %get3A_355 = arith.constant 0 : index
      %get3A_356 = tpu.vector_load %get3A_353[%get3A_354, %get3A_355] {strides = array<i32>} : memref<128x32xi32, #tpu.memory_space<vmem>>, vector<1x16xi32>,
      %get3A_357 = vector.shape_cast %get3A_356 : vector<1x16xi32> to vector<16xi32>
      %shift_left3A_358 = arith.constant 16 : i32
      %shift_left3A_359 = vector.broadcast %shift_left3A_358 : i32 to vector<16xi32>
      %shift_left3A_360 = arith.shli %get3A_357, %shift_left3A_359 : vector<16xi32>
      %bitcast_convert_type3A_361 = tpu.bitcast %shift_left3A_360 : vector<16xi32> -> vector<16xf32>
      %and3A_362 = vector.broadcast %scan3A_138 : i32 to vector<16xi32>
      %and3A_363 = arith.andi %get3A_357, %and3A_362 : vector<16xi32>
      %bitcast_convert_type3A_364 = tpu.bitcast %and3A_363 : vector<16xi32> -> vector<16xf32>
      %get3A_365 = arith.constant 0 : i32
      %get3A_366 = arith.constant 0 : i32
      %get3A_367 = tpu.memref_slice %arg6[%scan3A_139, %get3A_365, %get3A_366] : memref<4x128x32xi32, #tpu.memory_space<vmem>> -> memref<1x128x32xi32, #tpu.memory_space<vmem>>
      %get3A_368 = tpu.memref_squeeze %get3A_367 : memref<1x128x32xi32, #tpu.memory_space<vmem>> -> memref<128x32xi32, #tpu.memory_space<vmem>>
      %get3A_369 = arith.index_cast %scan3A_349 : i32 to index
      %get3A_370 = arith.constant 0 : index
      %get3A_371 = tpu.vector_load %get3A_368[%get3A_369, %get3A_370] {strides = array<i32>} : memref<128x32xi32, #tpu.memory_space<vmem>>, vector<1x16xi32>,
      %get3A_372 = vector.shape_cast %get3A_371 : vector<1x16xi32> to vector<16xi32>
      %shift_left3A_373 = arith.constant 16 : i32
      %shift_left3A_374 = vector.broadcast %shift_left3A_373 : i32 to vector<16xi32>
      %shift_left3A_375 = arith.shli %get3A_372, %shift_left3A_374 : vector<16xi32>
      %bitcast_convert_type3A_376 = tpu.bitcast %shift_left3A_375 : vector<16xi32> -> vector<16xf32>
      %and3A_377 = vector.broadcast %scan3A_138 : i32 to vector<16xi32>
      %and3A_378 = arith.andi %get3A_372, %and3A_377 : vector<16xi32>
      %bitcast_convert_type3A_379 = tpu.bitcast %and3A_378 : vector<16xi32> -> vector<16xf32>
      %add3A_380 = arith.addf %bitcast_convert_type3A_361, %bitcast_convert_type3A_376 : vector<16xf32>
      %add3A_381 = arith.addf %bitcast_convert_type3A_364, %bitcast_convert_type3A_379 : vector<16xf32>
      %swap3A_382 = arith.index_cast %scan3A_349 : i32 to index
      %swap3A_383 = arith.constant 0 : index
      %swap3A_384 = tpu.vector_load %arg7[%swap3A_382, %swap3A_383] {strides = array<i32>} : memref<128x64xf32, #tpu.memory_space<vmem>>, vector<1x16xf32>,
      %swap3A_385 = vector.shape_cast %swap3A_384 : vector<1x16xf32> to vector<16xf32>
      %swap3A_386 = vector.shape_cast %add3A_380 : vector<16xf32> to vector<1x16xf32>
      tpu.vector_store %arg7[%swap3A_382, %swap3A_383], %swap3A_386 {add = true, strides = array<i32>} : memref<128x64xf32, #tpu.memory_space<vmem>>, vector<1x16xf32>,
      %swap3A_387 = arith.index_cast %scan3A_349 : i32 to index
      %swap3A_388 = arith.constant 32 : index
      %swap3A_389 = tpu.vector_load %arg7[%swap3A_387, %swap3A_388] {strides = array<i32>} : memref<128x64xf32, #tpu.memory_space<vmem>>, vector<1x16xf32>,
      %swap3A_390 = vector.shape_cast %swap3A_389 : vector<1x16xf32> to vector<16xf32>
      %swap3A_391 = vector.shape_cast %add3A_381 : vector<16xf32> to vector<1x16xf32>
      tpu.vector_store %arg7[%swap3A_387, %swap3A_388], %swap3A_391 {add = true, strides = array<i32>} : memref<128x64xf32, #tpu.memory_space<vmem>>, vector<1x16xf32>,
      %get3A_392 = arith.constant 0 : i32
      %get3A_393 = arith.constant 0 : i32
      %get3A_394 = tpu.memref_slice %arg6[%scan3A_137, %get3A_392, %get3A_393] : memref<4x128x32xi32, #tpu.memory_space<vmem>> -> memref<1x128x32xi32, #tpu.memory_space<vmem>>
      %get3A_395 = tpu.memref_squeeze %get3A_394 : memref<1x128x32xi32, #tpu.memory_space<vmem>> -> memref<128x32xi32, #tpu.memory_space<vmem>>
      %get3A_396 = arith.index_cast %scan3A_349 : i32 to index
      %get3A_397 = arith.constant 16 : index
      %get3A_398 = tpu.vector_load %get3A_395[%get3A_396, %get3A_397] {strides = array<i32>} : memref<128x32xi32, #tpu.memory_space<vmem>>, vector<1x16xi32>,
      %get3A_399 = vector.shape_cast %get3A_398 : vector<1x16xi32> to vector<16xi32>
      %shift_left3A_400 = arith.constant 16 : i32
      %shift_left3A_401 = vector.broadcast %shift_left3A_400 : i32 to vector<16xi32>
      %shift_left3A_402 = arith.shli %get3A_399, %shift_left3A_401 : vector<16xi32>
      %bitcast_convert_type3A_403 = tpu.bitcast %shift_left3A_402 : vector<16xi32> -> vector<16xf32>
      %and3A_404 = vector.broadcast %scan3A_138 : i32 to vector<16xi32>
      %and3A_405 = arith.andi %get3A_399, %and3A_404 : vector<16xi32>
      %bitcast_convert_type3A_406 = tpu.bitcast %and3A_405 : vector<16xi32> -> vector<16xf32>
      %get3A_407 = arith.constant 0 : i32
      %get3A_408 = arith.constant 0 : i32
      %get3A_409 = tpu.memref_slice %arg6[%scan3A_139, %get3A_407, %get3A_408] : memref<4x128x32xi32, #tpu.memory_space<vmem>> -> memref<1x128x32xi32, #tpu.memory_space<vmem>>
      %get3A_410 = tpu.memref_squeeze %get3A_409 : memref<1x128x32xi32, #tpu.memory_space<vmem>> -> memref<128x32xi32, #tpu.memory_space<vmem>>
      %get3A_411 = arith.index_cast %scan3A_349 : i32 to index
      %get3A_412 = arith.constant 16 : index
      %get3A_413 = tpu.vector_load %get3A_410[%get3A_411, %get3A_412] {strides = array<i32>} : memref<128x32xi32, #tpu.memory_space<vmem>>, vector<1x16xi32>,
      %get3A_414 = vector.shape_cast %get3A_413 : vector<1x16xi32> to vector<16xi32>
      %shift_left3A_415 = arith.constant 16 : i32
      %shift_left3A_416 = vector.broadcast %shift_left3A_415 : i32 to vector<16xi32>
      %shift_left3A_417 = arith.shli %get3A_414, %shift_left3A_416 : vector<16xi32>
      %bitcast_convert_type3A_418 = tpu.bitcast %shift_left3A_417 : vector<16xi32> -> vector<16xf32>
      %and3A_419 = vector.broadcast %scan3A_138 : i32 to vector<16xi32>
      %and3A_420 = arith.andi %get3A_414, %and3A_419 : vector<16xi32>
      %bitcast_convert_type3A_421 = tpu.bitcast %and3A_420 : vector<16xi32> -> vector<16xf32>
      %add3A_422 = arith.addf %bitcast_convert_type3A_403, %bitcast_convert_type3A_418 : vector<16xf32>
      %add3A_423 = arith.addf %bitcast_convert_type3A_406, %bitcast_convert_type3A_421 : vector<16xf32>
      %swap3A_424 = arith.index_cast %scan3A_349 : i32 to index
      %swap3A_425 = arith.constant 16 : index
      %swap3A_426 = tpu.vector_load %arg7[%swap3A_424, %swap3A_425] {strides = array<i32>} : memref<128x64xf32, #tpu.memory_space<vmem>>, vector<1x16xf32>,
      %swap3A_427 = vector.shape_cast %swap3A_426 : vector<1x16xf32> to vector<16xf32>
      %swap3A_428 = vector.shape_cast %add3A_422 : vector<16xf32> to vector<1x16xf32>
      tpu.vector_store %arg7[%swap3A_424, %swap3A_425], %swap3A_428 {add = true, strides = array<i32>} : memref<128x64xf32, #tpu.memory_space<vmem>>, vector<1x16xf32>,
      %swap3A_429 = arith.index_cast %scan3A_349 : i32 to index
      %swap3A_430 = arith.constant 48 : index
      %swap3A_431 = tpu.vector_load %arg7[%swap3A_429, %swap3A_430] {strides = array<i32>} : memref<128x64xf32, #tpu.memory_space<vmem>>, vector<1x16xf32>,
      %swap3A_432 = vector.shape_cast %swap3A_431 : vector<1x16xf32> to vector<16xf32>
      %swap3A_433 = vector.shape_cast %add3A_423 : vector<16xf32> to vector<1x16xf32>
      tpu.vector_store %arg7[%swap3A_429, %swap3A_430], %swap3A_433 {add = true, strides = array<i32>} : memref<128x64xf32, #tpu.memory_space<vmem>>, vector<1x16xf32>,
      %scan3A_434 = arith.constant 0 : i32
      %scan3A_435 = arith.constant 3 : i32
      %scan3A_436 = arith.addi %scan3A_179, %scan3A_435 : i32
      %get3A_437 = arith.constant 0 : i32
      %get3A_438 = arith.constant 0 : i32
      %get3A_439 = tpu.memref_slice %arg6[%scan3A_137, %get3A_437, %get3A_438] : memref<4x128x32xi32, #tpu.memory_space<vmem>> -> memref<1x128x32xi32, #tpu.memory_space<vmem>>
      %get3A_440 = tpu.memref_squeeze %get3A_439 : memref<1x128x32xi32, #tpu.memory_space<vmem>> -> memref<128x32xi32, #tpu.memory_space<vmem>>
      %get3A_441 = arith.index_cast %scan3A_436 : i32 to index
      %get3A_442 = arith.constant 0 : index
      %get3A_443 = tpu.vector_load %get3A_440[%get3A_441, %get3A_442] {strides = array<i32>} : memref<128x32xi32, #tpu.memory_space<vmem>>, vector<1x16xi32>,
      %get3A_444 = vector.shape_cast %get3A_443 : vector<1x16xi32> to vector<16xi32>
      %shift_left3A_445 = arith.constant 16 : i32
      %shift_left3A_446 = vector.broadcast %shift_left3A_445 : i32 to vector<16xi32>
      %shift_left3A_447 = arith.shli %get3A_444, %shift_left3A_446 : vector<16xi32>
      %bitcast_convert_type3A_448 = tpu.bitcast %shift_left3A_447 : vector<16xi32> -> vector<16xf32>
      %and3A_449 = vector.broadcast %scan3A_138 : i32 to vector<16xi32>
      %and3A_450 = arith.andi %get3A_444, %and3A_449 : vector<16xi32>
      %bitcast_convert_type3A_451 = tpu.bitcast %and3A_450 : vector<16xi32> -> vector<16xf32>
      %get3A_452 = arith.constant 0 : i32
      %get3A_453 = arith.constant 0 : i32
      %get3A_454 = tpu.memref_slice %arg6[%scan3A_139, %get3A_452, %get3A_453] : memref<4x128x32xi32, #tpu.memory_space<vmem>> -> memref<1x128x32xi32, #tpu.memory_space<vmem>>
      %get3A_455 = tpu.memref_squeeze %get3A_454 : memref<1x128x32xi32, #tpu.memory_space<vmem>> -> memref<128x32xi32, #tpu.memory_space<vmem>>
      %get3A_456 = arith.index_cast %scan3A_436 : i32 to index
      %get3A_457 = arith.constant 0 : index
      %get3A_458 = tpu.vector_load %get3A_455[%get3A_456, %get3A_457] {strides = array<i32>} : memref<128x32xi32, #tpu.memory_space<vmem>>, vector<1x16xi32>,
      %get3A_459 = vector.shape_cast %get3A_458 : vector<1x16xi32> to vector<16xi32>
      %shift_left3A_460 = arith.constant 16 : i32
      %shift_left3A_461 = vector.broadcast %shift_left3A_460 : i32 to vector<16xi32>
      %shift_left3A_462 = arith.shli %get3A_459, %shift_left3A_461 : vector<16xi32>
      %bitcast_convert_type3A_463 = tpu.bitcast %shift_left3A_462 : vector<16xi32> -> vector<16xf32>
      %and3A_464 = vector.broadcast %scan3A_138 : i32 to vector<16xi32>
      %and3A_465 = arith.andi %get3A_459, %and3A_464 : vector<16xi32>
      %bitcast_convert_type3A_466 = tpu.bitcast %and3A_465 : vector<16xi32> -> vector<16xf32>
      %add3A_467 = arith.addf %bitcast_convert_type3A_448, %bitcast_convert_type3A_463 : vector<16xf32>
      %add3A_468 = arith.addf %bitcast_convert_type3A_451, %bitcast_convert_type3A_466 : vector<16xf32>
      %swap3A_469 = arith.index_cast %scan3A_436 : i32 to index
      %swap3A_470 = arith.constant 0 : index
      %swap3A_471 = tpu.vector_load %arg7[%swap3A_469, %swap3A_470] {strides = array<i32>} : memref<128x64xf32, #tpu.memory_space<vmem>>, vector<1x16xf32>,
      %swap3A_472 = vector.shape_cast %swap3A_471 : vector<1x16xf32> to vector<16xf32>
      %swap3A_473 = vector.shape_cast %add3A_467 : vector<16xf32> to vector<1x16xf32>
      tpu.vector_store %arg7[%swap3A_469, %swap3A_470], %swap3A_473 {add = true, strides = array<i32>} : memref<128x64xf32, #tpu.memory_space<vmem>>, vector<1x16xf32>,
      %swap3A_474 = arith.index_cast %scan3A_436 : i32 to index
      %swap3A_475 = arith.constant 32 : index
      %swap3A_476 = tpu.vector_load %arg7[%swap3A_474, %swap3A_475] {strides = array<i32>} : memref<128x64xf32, #tpu.memory_space<vmem>>, vector<1x16xf32>,
      %swap3A_477 = vector.shape_cast %swap3A_476 : vector<1x16xf32> to vector<16xf32>
      %swap3A_478 = vector.shape_cast %add3A_468 : vector<16xf32> to vector<1x16xf32>
      tpu.vector_store %arg7[%swap3A_474, %swap3A_475], %swap3A_478 {add = true, strides = array<i32>} : memref<128x64xf32, #tpu.memory_space<vmem>>, vector<1x16xf32>,
      %get3A_479 = arith.constant 0 : i32
      %get3A_480 = arith.constant 0 : i32
      %get3A_481 = tpu.memref_slice %arg6[%scan3A_137, %get3A_479, %get3A_480] : memref<4x128x32xi32, #tpu.memory_space<vmem>> -> memref<1x128x32xi32, #tpu.memory_space<vmem>>
      %get3A_482 = tpu.memref_squeeze %get3A_481 : memref<1x128x32xi32, #tpu.memory_space<vmem>> -> memref<128x32xi32, #tpu.memory_space<vmem>>
      %get3A_483 = arith.index_cast %scan3A_436 : i32 to index
      %get3A_484 = arith.constant 16 : index
      %get3A_485 = tpu.vector_load %get3A_482[%get3A_483, %get3A_484] {strides = array<i32>} : memref<128x32xi32, #tpu.memory_space<vmem>>, vector<1x16xi32>,
      %get3A_486 = vector.shape_cast %get3A_485 : vector<1x16xi32> to vector<16xi32>
      %shift_left3A_487 = arith.constant 16 : i32
      %shift_left3A_488 = vector.broadcast %shift_left3A_487 : i32 to vector<16xi32>
      %shift_left3A_489 = arith.shli %get3A_486, %shift_left3A_488 : vector<16xi32>
      %bitcast_convert_type3A_490 = tpu.bitcast %shift_left3A_489 : vector<16xi32> -> vector<16xf32>
      %and3A_491 = vector.broadcast %scan3A_138 : i32 to vector<16xi32>
      %and3A_492 = arith.andi %get3A_486, %and3A_491 : vector<16xi32>
      %bitcast_convert_type3A_493 = tpu.bitcast %and3A_492 : vector<16xi32> -> vector<16xf32>
      %get3A_494 = arith.constant 0 : i32
      %get3A_495 = arith.constant 0 : i32
      %get3A_496 = tpu.memref_slice %arg6[%scan3A_139, %get3A_494, %get3A_495] : memref<4x128x32xi32, #tpu.memory_space<vmem>> -> memref<1x128x32xi32, #tpu.memory_space<vmem>>
      %get3A_497 = tpu.memref_squeeze %get3A_496 : memref<1x128x32xi32, #tpu.memory_space<vmem>> -> memref<128x32xi32, #tpu.memory_space<vmem>>
      %get3A_498 = arith.index_cast %scan3A_436 : i32 to index
      %get3A_499 = arith.constant 16 : index
      %get3A_500 = tpu.vector_load %get3A_497[%get3A_498, %get3A_499] {strides = array<i32>} : memref<128x32xi32, #tpu.memory_space<vmem>>, vector<1x16xi32>,
      %get3A_501 = vector.shape_cast %get3A_500 : vector<1x16xi32> to vector<16xi32>
      %shift_left3A_502 = arith.constant 16 : i32
      %shift_left3A_503 = vector.broadcast %shift_left3A_502 : i32 to vector<16xi32>
      %shift_left3A_504 = arith.shli %get3A_501, %shift_left3A_503 : vector<16xi32>
      %bitcast_convert_type3A_505 = tpu.bitcast %shift_left3A_504 : vector<16xi32> -> vector<16xf32>
      %and3A_506 = vector.broadcast %scan3A_138 : i32 to vector<16xi32>
      %and3A_507 = arith.andi %get3A_501, %and3A_506 : vector<16xi32>
      %bitcast_convert_type3A_508 = tpu.bitcast %and3A_507 : vector<16xi32> -> vector<16xf32>
      %add3A_509 = arith.addf %bitcast_convert_type3A_490, %bitcast_convert_type3A_505 : vector<16xf32>
      %add3A_510 = arith.addf %bitcast_convert_type3A_493, %bitcast_convert_type3A_508 : vector<16xf32>
      %swap3A_511 = arith.index_cast %scan3A_436 : i32 to index
      %swap3A_512 = arith.constant 16 : index
      %swap3A_513 = tpu.vector_load %arg7[%swap3A_511, %swap3A_512] {strides = array<i32>} : memref<128x64xf32, #tpu.memory_space<vmem>>, vector<1x16xf32>,
      %swap3A_514 = vector.shape_cast %swap3A_513 : vector<1x16xf32> to vector<16xf32>
      %swap3A_515 = vector.shape_cast %add3A_509 : vector<16xf32> to vector<1x16xf32>
      tpu.vector_store %arg7[%swap3A_511, %swap3A_512], %swap3A_515 {add = true, strides = array<i32>} : memref<128x64xf32, #tpu.memory_space<vmem>>, vector<1x16xf32>,
      %swap3A_516 = arith.index_cast %scan3A_436 : i32 to index
      %swap3A_517 = arith.constant 48 : index
      %swap3A_518 = tpu.vector_load %arg7[%swap3A_516, %swap3A_517] {strides = array<i32>} : memref<128x64xf32, #tpu.memory_space<vmem>>, vector<1x16xf32>,
      %swap3A_519 = vector.shape_cast %swap3A_518 : vector<1x16xf32> to vector<16xf32>
      %swap3A_520 = vector.shape_cast %add3A_510 : vector<16xf32> to vector<1x16xf32>
      tpu.vector_store %arg7[%swap3A_516, %swap3A_517], %swap3A_520 {add = true, strides = array<i32>} : memref<128x64xf32, #tpu.memory_space<vmem>>, vector<1x16xf32>,
      %scan3A_521 = arith.constant 0 : i32
      scf.yield %scan3A_521 : i32
    }
    %scan3A_146 = arith.constant 128 : i32
    %dma_start3A_147 = arith.constant 6 : i32
    %dma_start3A_148 = arith.constant 2 : i32
    %dma_start3A_149 = arith.constant 0 : i32
    %dma_start3A_150 = arith.constant 0 : i32
    %dma_start3A_151 = tpu.memref_slice %arg6[%dma_start3A_148, %dma_start3A_149, %dma_start3A_150] : memref<4x128x32xi32, #tpu.memory_space<vmem>> -> memref<1x128x32xi32, #tpu.memory_space<vmem>>
    %dma_start3A_152 = tpu.memref_squeeze %dma_start3A_151 : memref<1x128x32xi32, #tpu.memory_space<vmem>> -> memref<128x32xi32, #tpu.memory_space<vmem>>
    %dma_start3A_153 = arith.constant 0 : i32
    %dma_start3A_154 = tpu.memref_slice %arg5[%dma_start3A_147, %dma_start3A_153] : memref<200x128xi32, #tpu.memory_space<vmem>> -> memref<1x128xi32, #tpu.memory_space<vmem>>
    %dma_start3A_155 = tpu.memref_squeeze %dma_start3A_154 : memref<1x128xi32, #tpu.memory_space<vmem>> -> memref<128xi32, #tpu.memory_space<vmem>>
    %dma_start3A_156 = arith.constant 0 : i32
    %dma_start3A_157 = arith.constant 0 : i32
    %dma_start3A_158 = tpu.memref_slice %arg3[%dma_start3A_156, %dma_start3A_157] : memref<1007616x32xi32, #tpu.memory_space<hbm>> -> memref<1007616x32xi32, #tpu.memory_space<hbm>>
    tpu.enqueue_indirect_dma source(%dma_start3A_158 : memref<1007616x32xi32, #tpu.memory_space<hbm>>) target(%dma_start3A_152 : memref<128x32xi32, #tpu.memory_space<vmem>>) offsets(%dma_start3A_155 : memref<128xi32, #tpu.memory_space<vmem>>) semaphore(%arg10 : memref<!tpu.dma_semaphore, #tpu.memory_space<semaphore_mem>>)
    %dma_start3A_159 = arith.constant 7 : i32
    %dma_start3A_160 = arith.constant 3 : i32
    %dma_start3A_161 = arith.constant 0 : i32
    %dma_start3A_162 = arith.constant 0 : i32
    %dma_start3A_163 = tpu.memref_slice %arg6[%dma_start3A_160, %dma_start3A_161, %dma_start3A_162] : memref<4x128x32xi32, #tpu.memory_space<vmem>> -> memref<1x128x32xi32, #tpu.memory_space<vmem>>
    %dma_start3A_164 = tpu.memref_squeeze %dma_start3A_163 : memref<1x128x32xi32, #tpu.memory_space<vmem>> -> memref<128x32xi32, #tpu.memory_space<vmem>>
    %dma_start3A_165 = arith.constant 0 : i32
    %dma_start3A_166 = tpu.memref_slice %arg5[%dma_start3A_159, %dma_start3A_165] : memref<200x128xi32, #tpu.memory_space<vmem>> -> memref<1x128xi32, #tpu.memory_space<vmem>>
    %dma_start3A_167 = tpu.memref_squeeze %dma_start3A_166 : memref<1x128xi32, #tpu.memory_space<vmem>> -> memref<128xi32, #tpu.memory_space<vmem>>
    %dma_start3A_168 = arith.constant 0 : i32
    %dma_start3A_169 = arith.constant 0 : i32
    %dma_start3A_170 = tpu.memref_slice %arg3[%dma_start3A_168, %dma_start3A_169] : memref<1007616x32xi32, #tpu.memory_space<hbm>> -> memref<1007616x32xi32, #tpu.memory_space<hbm>>
    tpu.enqueue_indirect_dma source(%dma_start3A_170 : memref<1007616x32xi32, #tpu.memory_space<hbm>>) target(%dma_start3A_164 : memref<128x32xi32, #tpu.memory_space<vmem>>) offsets(%dma_start3A_167 : memref<128xi32, #tpu.memory_space<vmem>>) semaphore(%arg11 : memref<!tpu.dma_semaphore, #tpu.memory_space<semaphore_mem>>)
    %scan3A_171 = arith.constant -65536 : i32
    %scan3A_172 = arith.constant 0 : i32
    %scan3A_173 = arith.constant 1 : i32
    %scan3A_174 = arith.constant 49 : i32
    %scan3A_175 = arith.addi %scan3A_173, %scan3A_174 : i32
    %scan3A_176 = arith.constant 1 : i32
    %scan3A_177 = scf.for %scan3A_179 = %scan3A_173 to %scan3A_175 step %scan3A_176 iter_args(%scan3A_180 = %scan3A_172) -> (i32)  : i32 {
      %mul3A_181 = arith.constant 4 : i32
      %mul3A_182 = arith.muli %mul3A_181, %scan3A_179 : i32
      %dma_wait3A_183 = arith.constant 0 : i32
      %dma_wait3A_184 = arith.constant 0 : i32
      %dma_wait3A_185 = arith.constant 0 : i32
      %dma_wait3A_186 = tpu.memref_slice %arg6[%dma_wait3A_183, %dma_wait3A_184, %dma_wait3A_185] : memref<4x128x32xi32, #tpu.memory_space<vmem>> -> memref<1x128x32xi32, #tpu.memory_space<vmem>>
      %dma_wait3A_187 = tpu.memref_squeeze %dma_wait3A_186 : memref<1x128x32xi32, #tpu.memory_space<vmem>> -> memref<128x32xi32, #tpu.memory_space<vmem>>
      %dma_wait3A_188 = arith.constant 0 : i32
      %dma_wait3A_189 = tpu.memref_slice %arg5[%mul3A_182, %dma_wait3A_188] : memref<200x128xi32, #tpu.memory_space<vmem>> -> memref<1x128xi32, #tpu.memory_space<vmem>>
      %dma_wait3A_190 = tpu.memref_squeeze %dma_wait3A_189 : memref<1x128xi32, #tpu.memory_space<vmem>> -> memref<128xi32, #tpu.memory_space<vmem>>
      %dma_wait3A_191 = arith.constant 0 : i32
      %dma_wait3A_192 = arith.constant 0 : i32
      %dma_wait3A_193 = tpu.memref_slice %arg3[%dma_wait3A_191, %dma_wait3A_192] : memref<1007616x32xi32, #tpu.memory_space<hbm>> -> memref<1007616x32xi32, #tpu.memory_space<hbm>>
      tpu.wait_indirect_dma semaphore(%arg8 : memref<!tpu.dma_semaphore, #tpu.memory_space<semaphore_mem>>) src(%dma_wait3A_193 : memref<1007616x32xi32, #tpu.memory_space<hbm>>) dst(%dma_wait3A_187 : memref<128x32xi32, #tpu.memory_space<vmem>>)
      %add3A_194 = arith.constant 1 : i32
      %add3A_195 = arith.addi %mul3A_182, %add3A_194 : i32
      %dma_wait3A_196 = arith.constant 1 : i32
      %dma_wait3A_197 = arith.constant 0 : i32
      %dma_wait3A_198 = arith.constant 0 : i32
      %dma_wait3A_199 = tpu.memref_slice %arg6[%dma_wait3A_196, %dma_wait3A_197, %dma_wait3A_198] : memref<4x128x32xi32, #tpu.memory_space<vmem>> -> memref<1x128x32xi32, #tpu.memory_space<vmem>>
      %dma_wait3A_200 = tpu.memref_squeeze %dma_wait3A_199 : memref<1x128x32xi32, #tpu.memory_space<vmem>> -> memref<128x32xi32, #tpu.memory_space<vmem>>
      %dma_wait3A_201 = arith.constant 0 : i32
      %dma_wait3A_202 = tpu.memref_slice %arg5[%add3A_195, %dma_wait3A_201] : memref<200x128xi32, #tpu.memory_space<vmem>> -> memref<1x128xi32, #tpu.memory_space<vmem>>
      %dma_wait3A_203 = tpu.memref_squeeze %dma_wait3A_202 : memref<1x128xi32, #tpu.memory_space<vmem>> -> memref<128xi32, #tpu.memory_space<vmem>>
      %dma_wait3A_204 = arith.constant 0 : i32
      %dma_wait3A_205 = arith.constant 0 : i32
      %dma_wait3A_206 = tpu.memref_slice %arg3[%dma_wait3A_204, %dma_wait3A_205] : memref<1007616x32xi32, #tpu.memory_space<hbm>> -> memref<1007616x32xi32, #tpu.memory_space<hbm>>
      tpu.wait_indirect_dma semaphore(%arg9 : memref<!tpu.dma_semaphore, #tpu.memory_space<semaphore_mem>>) src(%dma_wait3A_206 : memref<1007616x32xi32, #tpu.memory_space<hbm>>) dst(%dma_wait3A_200 : memref<128x32xi32, #tpu.memory_space<vmem>>)
      %scan3A_207 = arith.constant 0 : i32
      %scan3A_208 = arith.constant 1 : i32
      %scan3A_209 = arith.constant 0 : i32
      %scan3A_210 = arith.constant 0 : i32
      %scan3A_211 = arith.constant 128 : i32
      %scan3A_212 = arith.addi %scan3A_210, %scan3A_211 : i32
      %scan3A_213 = arith.constant 4 : i32
      %scan3A_214 = scf.for %scan3A_259 = %scan3A_210 to %scan3A_212 step %scan3A_213 iter_args(%scan3A_260 = %scan3A_209) -> (i32)  : i32 {
        %get3A = arith.constant 0 : i32
        %get3A_261 = arith.constant 0 : i32
        %get3A_262 = tpu.memref_slice %arg6[%scan3A_207, %get3A, %get3A_261] : memref<4x128x32xi32, #tpu.memory_space<vmem>> -> memref<1x128x32xi32, #tpu.memory_space<vmem>>
        %get3A_263 = tpu.memref_squeeze %get3A_262 : memref<1x128x32xi32, #tpu.memory_space<vmem>> -> memref<128x32xi32, #tpu.memory_space<vmem>>
        %get3A_264 = arith.index_cast %scan3A_259 : i32 to index
        %get3A_265 = arith.constant 0 : index
        %get3A_266 = tpu.vector_load %get3A_263[%get3A_264, %get3A_265] {strides = array<i32>} : memref<128x32xi32, #tpu.memory_space<vmem>>, vector<1x16xi32>,
        %get3A_267 = vector.shape_cast %get3A_266 : vector<1x16xi32> to vector<16xi32>
        %shift_left3A = arith.constant 16 : i32
        %shift_left3A_268 = vector.broadcast %shift_left3A : i32 to vector<16xi32>
        %shift_left3A_269 = arith.shli %get3A_267, %shift_left3A_268 : vector<16xi32>
        %bitcast_convert_type3A = tpu.bitcast %shift_left3A_269 : vector<16xi32> -> vector<16xf32>
        %and3A = vector.broadcast %scan3A_171 : i32 to vector<16xi32>
        %and3A_270 = arith.andi %get3A_267, %and3A : vector<16xi32>
        %bitcast_convert_type3A_271 = tpu.bitcast %and3A_270 : vector<16xi32> -> vector<16xf32>
        %get3A_272 = arith.constant 0 : i32
        %get3A_273 = arith.constant 0 : i32
        %get3A_274 = tpu.memref_slice %arg6[%scan3A_208, %get3A_272, %get3A_273] : memref<4x128x32xi32, #tpu.memory_space<vmem>> -> memref<1x128x32xi32, #tpu.memory_space<vmem>>
        %get3A_275 = tpu.memref_squeeze %get3A_274 : memref<1x128x32xi32, #tpu.memory_space<vmem>> -> memref<128x32xi32, #tpu.memory_space<vmem>>
        %get3A_276 = arith.index_cast %scan3A_259 : i32 to index
        %get3A_277 = arith.constant 0 : index
        %get3A_278 = tpu.vector_load %get3A_275[%get3A_276, %get3A_277] {strides = array<i32>} : memref<128x32xi32, #tpu.memory_space<vmem>>, vector<1x16xi32>,
        %get3A_279 = vector.shape_cast %get3A_278 : vector<1x16xi32> to vector<16xi32>
        %shift_left3A_280 = arith.constant 16 : i32
        %shift_left3A_281 = vector.broadcast %shift_left3A_280 : i32 to vector<16xi32>
        %shift_left3A_282 = arith.shli %get3A_279, %shift_left3A_281 : vector<16xi32>
        %bitcast_convert_type3A_283 = tpu.bitcast %shift_left3A_282 : vector<16xi32> -> vector<16xf32>
        %and3A_284 = vector.broadcast %scan3A_171 : i32 to vector<16xi32>
        %and3A_285 = arith.andi %get3A_279, %and3A_284 : vector<16xi32>
        %bitcast_convert_type3A_286 = tpu.bitcast %and3A_285 : vector<16xi32> -> vector<16xf32>
        %add3A_287 = arith.addf %bitcast_convert_type3A, %bitcast_convert_type3A_283 : vector<16xf32>
        %add3A_288 = arith.addf %bitcast_convert_type3A_271, %bitcast_convert_type3A_286 : vector<16xf32>
        %swap3A = arith.index_cast %scan3A_259 : i32 to index
        %swap3A_289 = arith.constant 0 : index
        %swap3A_290 = tpu.vector_load %arg7[%swap3A, %swap3A_289] {strides = array<i32>} : memref<128x64xf32, #tpu.memory_space<vmem>>, vector<1x16xf32>,
        %swap3A_291 = vector.shape_cast %swap3A_290 : vector<1x16xf32> to vector<16xf32>
        %swap3A_292 = vector.shape_cast %add3A_287 : vector<16xf32> to vector<1x16xf32>
        tpu.vector_store %arg7[%swap3A, %swap3A_289], %swap3A_292 {add = true, strides = array<i32>} : memref<128x64xf32, #tpu.memory_space<vmem>>, vector<1x16xf32>,
        %swap3A_293 = arith.index_cast %scan3A_259 : i32 to index
        %swap3A_294 = arith.constant 32 : index
        %swap3A_295 = tpu.vector_load %arg7[%swap3A_293, %swap3A_294] {strides = array<i32>} : memref<128x64xf32, #tpu.memory_space<vmem>>, vector<1x16xf32>,
        %swap3A_296 = vector.shape_cast %swap3A_295 : vector<1x16xf32> to vector<16xf32>
        %swap3A_297 = vector.shape_cast %add3A_288 : vector<16xf32> to vector<1x16xf32>
        tpu.vector_store %arg7[%swap3A_293, %swap3A_294], %swap3A_297 {add = true, strides = array<i32>} : memref<128x64xf32, #tpu.memory_space<vmem>>, vector<1x16xf32>,
        %get3A_298 = arith.constant 0 : i32
        %get3A_299 = arith.constant 0 : i32
        %get3A_300 = tpu.memref_slice %arg6[%scan3A_207, %get3A_298, %get3A_299] : memref<4x128x32xi32, #tpu.memory_space<vmem>> -> memref<1x128x32xi32, #tpu.memory_space<vmem>>
        %get3A_301 = tpu.memref_squeeze %get3A_300 : memref<1x128x32xi32, #tpu.memory_space<vmem>> -> memref<128x32xi32, #tpu.memory_space<vmem>>
        %get3A_302 = arith.index_cast %scan3A_259 : i32 to index
        %get3A_303 = arith.constant 16 : index
        %get3A_304 = tpu.vector_load %get3A_301[%get3A_302, %get3A_303] {strides = array<i32>} : memref<128x32xi32, #tpu.memory_space<vmem>>, vector<1x16xi32>,
        %get3A_305 = vector.shape_cast %get3A_304 : vector<1x16xi32> to vector<16xi32>
        %shift_left3A_306 = arith.constant 16 : i32
        %shift_left3A_307 = vector.broadcast %shift_left3A_306 : i32 to vector<16xi32>
        %shift_left3A_308 = arith.shli %get3A_305, %shift_left3A_307 : vector<16xi32>
        %bitcast_convert_type3A_309 = tpu.bitcast %shift_left3A_308 : vector<16xi32> -> vector<16xf32>
        %and3A_310 = vector.broadcast %scan3A_171 : i32 to vector<16xi32>
        %and3A_311 = arith.andi %get3A_305, %and3A_310 : vector<16xi32>
        %bitcast_convert_type3A_312 = tpu.bitcast %and3A_311 : vector<16xi32> -> vector<16xf32>
        %get3A_313 = arith.constant 0 : i32
        %get3A_314 = arith.constant 0 : i32
        %get3A_315 = tpu.memref_slice %arg6[%scan3A_208, %get3A_313, %get3A_314] : memref<4x128x32xi32, #tpu.memory_space<vmem>> -> memref<1x128x32xi32, #tpu.memory_space<vmem>>
        %get3A_316 = tpu.memref_squeeze %get3A_315 : memref<1x128x32xi32, #tpu.memory_space<vmem>> -> memref<128x32xi32, #tpu.memory_space<vmem>>
        %get3A_317 = arith.index_cast %scan3A_259 : i32 to index
        %get3A_318 = arith.constant 16 : index
        %get3A_319 = tpu.vector_load %get3A_316[%get3A_317, %get3A_318] {strides = array<i32>} : memref<128x32xi32, #tpu.memory_space<vmem>>, vector<1x16xi32>,
        %get3A_320 = vector.shape_cast %get3A_319 : vector<1x16xi32> to vector<16xi32>
        %shift_left3A_321 = arith.constant 16 : i32
        %shift_left3A_322 = vector.broadcast %shift_left3A_321 : i32 to vector<16xi32>
        %shift_left3A_323 = arith.shli %get3A_320, %shift_left3A_322 : vector<16xi32>
        %bitcast_convert_type3A_324 = tpu.bitcast %shift_left3A_323 : vector<16xi32> -> vector<16xf32>
        %and3A_325 = vector.broadcast %scan3A_171 : i32 to vector<16xi32>
        %and3A_326 = arith.andi %get3A_320, %and3A_325 : vector<16xi32>
        %bitcast_convert_type3A_327 = tpu.bitcast %and3A_326 : vector<16xi32> -> vector<16xf32>
        %add3A_328 = arith.addf %bitcast_convert_type3A_309, %bitcast_convert_type3A_324 : vector<16xf32>
        %add3A_329 = arith.addf %bitcast_convert_type3A_312, %bitcast_convert_type3A_327 : vector<16xf32>
        %swap3A_330 = arith.index_cast %scan3A_259 : i32 to index
        %swap3A_331 = arith.constant 16 : index
        %swap3A_332 = tpu.vector_load %arg7[%swap3A_330, %swap3A_331] {strides = array<i32>} : memref<128x64xf32, #tpu.memory_space<vmem>>, vector<1x16xf32>,
        %swap3A_333 = vector.shape_cast %swap3A_332 : vector<1x16xf32> to vector<16xf32>
        %swap3A_334 = vector.shape_cast %add3A_328 : vector<16xf32> to vector<1x16xf32>
        tpu.vector_store %arg7[%swap3A_330, %swap3A_331], %swap3A_334 {add = true, strides = array<i32>} : memref<128x64xf32, #tpu.memory_space<vmem>>, vector<1x16xf32>,
        %swap3A_335 = arith.index_cast %scan3A_259 : i32 to index
        %swap3A_336 = arith.constant 48 : index
        %swap3A_337 = tpu.vector_load %arg7[%swap3A_335, %swap3A_336] {strides = array<i32>} : memref<128x64xf32, #tpu.memory_space<vmem>>, vector<1x16xf32>,
        %swap3A_338 = vector.shape_cast %swap3A_337 : vector<1x16xf32> to vector<16xf32>
        %swap3A_339 = vector.shape_cast %add3A_329 : vector<16xf32> to vector<1x16xf32>
        tpu.vector_store %arg7[%swap3A_335, %swap3A_336], %swap3A_339 {add = true, strides = array<i32>} : memref<128x64xf32, #tpu.memory_space<vmem>>, vector<1x16xf32>,
        %scan3A_340 = arith.constant 0 : i32
        %scan3A_341 = arith.constant 1 : i32
        %scan3A_342 = arith.addi %scan3A_259, %scan3A_341 : i32
        %get3A_343 = arith.constant 0 : i32
        %get3A_344 = arith.constant 0 : i32
        %get3A_345 = tpu.memref_slice %arg6[%scan3A_207, %get3A_343, %get3A_344] : memref<4x128x32xi32, #tpu.memory_space<vmem>> -> memref<1x128x32xi32, #tpu.memory_space<vmem>>
        %get3A_346 = tpu.memref_squeeze %get3A_345 : memref<1x128x32xi32, #tpu.memory_space<vmem>> -> memref<128x32xi32, #tpu.memory_space<vmem>>
        %get3A_347 = arith.index_cast %scan3A_342 : i32 to index
        %get3A_348 = arith.constant 0 : index
        %get3A_349 = tpu.vector_load %get3A_346[%get3A_347, %get3A_348] {strides = array<i32>} : memref<128x32xi32, #tpu.memory_space<vmem>>, vector<1x16xi32>,
        %get3A_350 = vector.shape_cast %get3A_349 : vector<1x16xi32> to vector<16xi32>
        %shift_left3A_351 = arith.constant 16 : i32
        %shift_left3A_352 = vector.broadcast %shift_left3A_351 : i32 to vector<16xi32>
        %shift_left3A_353 = arith.shli %get3A_350, %shift_left3A_352 : vector<16xi32>
        %bitcast_convert_type3A_354 = tpu.bitcast %shift_left3A_353 : vector<16xi32> -> vector<16xf32>
        %and3A_355 = vector.broadcast %scan3A_171 : i32 to vector<16xi32>
        %and3A_356 = arith.andi %get3A_350, %and3A_355 : vector<16xi32>
        %bitcast_convert_type3A_357 = tpu.bitcast %and3A_356 : vector<16xi32> -> vector<16xf32>
        %get3A_358 = arith.constant 0 : i32
        %get3A_359 = arith.constant 0 : i32
        %get3A_360 = tpu.memref_slice %arg6[%scan3A_208, %get3A_358, %get3A_359] : memref<4x128x32xi32, #tpu.memory_space<vmem>> -> memref<1x128x32xi32, #tpu.memory_space<vmem>>
        %get3A_361 = tpu.memref_squeeze %get3A_360 : memref<1x128x32xi32, #tpu.memory_space<vmem>> -> memref<128x32xi32, #tpu.memory_space<vmem>>
        %get3A_362 = arith.index_cast %scan3A_342 : i32 to index
        %get3A_363 = arith.constant 0 : index
        %get3A_364 = tpu.vector_load %get3A_361[%get3A_362, %get3A_363] {strides = array<i32>} : memref<128x32xi32, #tpu.memory_space<vmem>>, vector<1x16xi32>,
        %get3A_365 = vector.shape_cast %get3A_364 : vector<1x16xi32> to vector<16xi32>
        %shift_left3A_366 = arith.constant 16 : i32
        %shift_left3A_367 = vector.broadcast %shift_left3A_366 : i32 to vector<16xi32>
        %shift_left3A_368 = arith.shli %get3A_365, %shift_left3A_367 : vector<16xi32>
        %bitcast_convert_type3A_369 = tpu.bitcast %shift_left3A_368 : vector<16xi32> -> vector<16xf32>
        %and3A_370 = vector.broadcast %scan3A_171 : i32 to vector<16xi32>
        %and3A_371 = arith.andi %get3A_365, %and3A_370 : vector<16xi32>
        %bitcast_convert_type3A_372 = tpu.bitcast %and3A_371 : vector<16xi32> -> vector<16xf32>
        %add3A_373 = arith.addf %bitcast_convert_type3A_354, %bitcast_convert_type3A_369 : vector<16xf32>
        %add3A_374 = arith.addf %bitcast_convert_type3A_357, %bitcast_convert_type3A_372 : vector<16xf32>
        %swap3A_375 = arith.index_cast %scan3A_342 : i32 to index
        %swap3A_376 = arith.constant 0 : index
        %swap3A_377 = tpu.vector_load %arg7[%swap3A_375, %swap3A_376] {strides = array<i32>} : memref<128x64xf32, #tpu.memory_space<vmem>>, vector<1x16xf32>,
        %swap3A_378 = vector.shape_cast %swap3A_377 : vector<1x16xf32> to vector<16xf32>
        %swap3A_379 = vector.shape_cast %add3A_373 : vector<16xf32> to vector<1x16xf32>
        tpu.vector_store %arg7[%swap3A_375, %swap3A_376], %swap3A_379 {add = true, strides = array<i32>} : memref<128x64xf32, #tpu.memory_space<vmem>>, vector<1x16xf32>,
        %swap3A_380 = arith.index_cast %scan3A_342 : i32 to index
        %swap3A_381 = arith.constant 32 : index
        %swap3A_382 = tpu.vector_load %arg7[%swap3A_380, %swap3A_381] {strides = array<i32>} : memref<128x64xf32, #tpu.memory_space<vmem>>, vector<1x16xf32>,
        %swap3A_383 = vector.shape_cast %swap3A_382 : vector<1x16xf32> to vector<16xf32>
        %swap3A_384 = vector.shape_cast %add3A_374 : vector<16xf32> to vector<1x16xf32>
        tpu.vector_store %arg7[%swap3A_380, %swap3A_381], %swap3A_384 {add = true, strides = array<i32>} : memref<128x64xf32, #tpu.memory_space<vmem>>, vector<1x16xf32>,
        %get3A_385 = arith.constant 0 : i32
        %get3A_386 = arith.constant 0 : i32
        %get3A_387 = tpu.memref_slice %arg6[%scan3A_207, %get3A_385, %get3A_386] : memref<4x128x32xi32, #tpu.memory_space<vmem>> -> memref<1x128x32xi32, #tpu.memory_space<vmem>>
        %get3A_388 = tpu.memref_squeeze %get3A_387 : memref<1x128x32xi32, #tpu.memory_space<vmem>> -> memref<128x32xi32, #tpu.memory_space<vmem>>
        %get3A_389 = arith.index_cast %scan3A_342 : i32 to index
        %get3A_390 = arith.constant 16 : index
        %get3A_391 = tpu.vector_load %get3A_388[%get3A_389, %get3A_390] {strides = array<i32>} : memref<128x32xi32, #tpu.memory_space<vmem>>, vector<1x16xi32>,
        %get3A_392 = vector.shape_cast %get3A_391 : vector<1x16xi32> to vector<16xi32>
        %shift_left3A_393 = arith.constant 16 : i32
        %shift_left3A_394 = vector.broadcast %shift_left3A_393 : i32 to vector<16xi32>
        %shift_left3A_395 = arith.shli %get3A_392, %shift_left3A_394 : vector<16xi32>
        %bitcast_convert_type3A_396 = tpu.bitcast %shift_left3A_395 : vector<16xi32> -> vector<16xf32>
        %and3A_397 = vector.broadcast %scan3A_171 : i32 to vector<16xi32>
        %and3A_398 = arith.andi %get3A_392, %and3A_397 : vector<16xi32>
        %bitcast_convert_type3A_399 = tpu.bitcast %and3A_398 : vector<16xi32> -> vector<16xf32>
        %get3A_400 = arith.constant 0 : i32
        %get3A_401 = arith.constant 0 : i32
        %get3A_402 = tpu.memref_slice %arg6[%scan3A_208, %get3A_400, %get3A_401] : memref<4x128x32xi32, #tpu.memory_space<vmem>> -> memref<1x128x32xi32, #tpu.memory_space<vmem>>
        %get3A_403 = tpu.memref_squeeze %get3A_402 : memref<1x128x32xi32, #tpu.memory_space<vmem>> -> memref<128x32xi32, #tpu.memory_space<vmem>>
        %get3A_404 = arith.index_cast %scan3A_342 : i32 to index
        %get3A_405 = arith.constant 16 : index
        %get3A_406 = tpu.vector_load %get3A_403[%get3A_404, %get3A_405] {strides = array<i32>} : memref<128x32xi32, #tpu.memory_space<vmem>>, vector<1x16xi32>,
        %get3A_407 = vector.shape_cast %get3A_406 : vector<1x16xi32> to vector<16xi32>
        %shift_left3A_408 = arith.constant 16 : i32
        %shift_left3A_409 = vector.broadcast %shift_left3A_408 : i32 to vector<16xi32>
        %shift_left3A_410 = arith.shli %get3A_407, %shift_left3A_409 : vector<16xi32>
        %bitcast_convert_type3A_411 = tpu.bitcast %shift_left3A_410 : vector<16xi32> -> vector<16xf32>
        %and3A_412 = vector.broadcast %scan3A_171 : i32 to vector<16xi32>
        %and3A_413 = arith.andi %get3A_407, %and3A_412 : vector<16xi32>
        %bitcast_convert_type3A_414 = tpu.bitcast %and3A_413 : vector<16xi32> -> vector<16xf32>
        %add3A_415 = arith.addf %bitcast_convert_type3A_396, %bitcast_convert_type3A_411 : vector<16xf32>
        %add3A_416 = arith.addf %bitcast_convert_type3A_399, %bitcast_convert_type3A_414 : vector<16xf32>
        %swap3A_417 = arith.index_cast %scan3A_342 : i32 to index
        %swap3A_418 = arith.constant 16 : index
        %swap3A_419 = tpu.vector_load %arg7[%swap3A_417, %swap3A_418] {strides = array<i32>} : memref<128x64xf32, #tpu.memory_space<vmem>>, vector<1x16xf32>,
        %swap3A_420 = vector.shape_cast %swap3A_419 : vector<1x16xf32> to vector<16xf32>
        %swap3A_421 = vector.shape_cast %add3A_415 : vector<16xf32> to vector<1x16xf32>
        tpu.vector_store %arg7[%swap3A_417, %swap3A_418], %swap3A_421 {add = true, strides = array<i32>} : memref<128x64xf32, #tpu.memory_space<vmem>>, vector<1x16xf32>,
        %swap3A_422 = arith.index_cast %scan3A_342 : i32 to index
        %swap3A_423 = arith.constant 48 : index
        %swap3A_424 = tpu.vector_load %arg7[%swap3A_422, %swap3A_423] {strides = array<i32>} : memref<128x64xf32, #tpu.memory_space<vmem>>, vector<1x16xf32>,
        %swap3A_425 = vector.shape_cast %swap3A_424 : vector<1x16xf32> to vector<16xf32>
        %swap3A_426 = vector.shape_cast %add3A_416 : vector<16xf32> to vector<1x16xf32>
        tpu.vector_store %arg7[%swap3A_422, %swap3A_423], %swap3A_426 {add = true, strides = array<i32>} : memref<128x64xf32, #tpu.memory_space<vmem>>, vector<1x16xf32>,
        %scan3A_427 = arith.constant 0 : i32
        %scan3A_428 = arith.constant 2 : i32
        %scan3A_429 = arith.addi %scan3A_259, %scan3A_428 : i32
        %get3A_430 = arith.constant 0 : i32
        %get3A_431 = arith.constant 0 : i32
        %get3A_432 = tpu.memref_slice %arg6[%scan3A_207, %get3A_430, %get3A_431] : memref<4x128x32xi32, #tpu.memory_space<vmem>> -> memref<1x128x32xi32, #tpu.memory_space<vmem>>
        %get3A_433 = tpu.memref_squeeze %get3A_432 : memref<1x128x32xi32, #tpu.memory_space<vmem>> -> memref<128x32xi32, #tpu.memory_space<vmem>>
        %get3A_434 = arith.index_cast %scan3A_429 : i32 to index
        %get3A_435 = arith.constant 0 : index
        %get3A_436 = tpu.vector_load %get3A_433[%get3A_434, %get3A_435] {strides = array<i32>} : memref<128x32xi32, #tpu.memory_space<vmem>>, vector<1x16xi32>,
        %get3A_437 = vector.shape_cast %get3A_436 : vector<1x16xi32> to vector<16xi32>
        %shift_left3A_438 = arith.constant 16 : i32
        %shift_left3A_439 = vector.broadcast %shift_left3A_438 : i32 to vector<16xi32>
        %shift_left3A_440 = arith.shli %get3A_437, %shift_left3A_439 : vector<16xi32>
        %bitcast_convert_type3A_441 = tpu.bitcast %shift_left3A_440 : vector<16xi32> -> vector<16xf32>
        %and3A_442 = vector.broadcast %scan3A_171 : i32 to vector<16xi32>
        %and3A_443 = arith.andi %get3A_437, %and3A_442 : vector<16xi32>
        %bitcast_convert_type3A_444 = tpu.bitcast %and3A_443 : vector<16xi32> -> vector<16xf32>
        %get3A_445 = arith.constant 0 : i32
        %get3A_446 = arith.constant 0 : i32
        %get3A_447 = tpu.memref_slice %arg6[%scan3A_208, %get3A_445, %get3A_446] : memref<4x128x32xi32, #tpu.memory_space<vmem>> -> memref<1x128x32xi32, #tpu.memory_space<vmem>>
        %get3A_448 = tpu.memref_squeeze %get3A_447 : memref<1x128x32xi32, #tpu.memory_space<vmem>> -> memref<128x32xi32, #tpu.memory_space<vmem>>
        %get3A_449 = arith.index_cast %scan3A_429 : i32 to index
        %get3A_450 = arith.constant 0 : index
        %get3A_451 = tpu.vector_load %get3A_448[%get3A_449, %get3A_450] {strides = array<i32>} : memref<128x32xi32, #tpu.memory_space<vmem>>, vector<1x16xi32>,
        %get3A_452 = vector.shape_cast %get3A_451 : vector<1x16xi32> to vector<16xi32>
        %shift_left3A_453 = arith.constant 16 : i32
        %shift_left3A_454 = vector.broadcast %shift_left3A_453 : i32 to vector<16xi32>
        %shift_left3A_455 = arith.shli %get3A_452, %shift_left3A_454 : vector<16xi32>
        %bitcast_convert_type3A_456 = tpu.bitcast %shift_left3A_455 : vector<16xi32> -> vector<16xf32>
        %and3A_457 = vector.broadcast %scan3A_171 : i32 to vector<16xi32>
        %and3A_458 = arith.andi %get3A_452, %and3A_457 : vector<16xi32>
        %bitcast_convert_type3A_459 = tpu.bitcast %and3A_458 : vector<16xi32> -> vector<16xf32>
        %add3A_460 = arith.addf %bitcast_convert_type3A_441, %bitcast_convert_type3A_456 : vector<16xf32>
        %add3A_461 = arith.addf %bitcast_convert_type3A_444, %bitcast_convert_type3A_459 : vector<16xf32>
        %swap3A_462 = arith.index_cast %scan3A_429 : i32 to index
        %swap3A_463 = arith.constant 0 : index
        %swap3A_464 = tpu.vector_load %arg7[%swap3A_462, %swap3A_463] {strides = array<i32>} : memref<128x64xf32, #tpu.memory_space<vmem>>, vector<1x16xf32>,
        %swap3A_465 = vector.shape_cast %swap3A_464 : vector<1x16xf32> to vector<16xf32>
        %swap3A_466 = vector.shape_cast %add3A_460 : vector<16xf32> to vector<1x16xf32>
        tpu.vector_store %arg7[%swap3A_462, %swap3A_463], %swap3A_466 {add = true, strides = array<i32>} : memref<128x64xf32, #tpu.memory_space<vmem>>, vector<1x16xf32>,
        %swap3A_467 = arith.index_cast %scan3A_429 : i32 to index
        %swap3A_468 = arith.constant 32 : index
        %swap3A_469 = tpu.vector_load %arg7[%swap3A_467, %swap3A_468] {strides = array<i32>} : memref<128x64xf32, #tpu.memory_space<vmem>>, vector<1x16xf32>,
        %swap3A_470 = vector.shape_cast %swap3A_469 : vector<1x16xf32> to vector<16xf32>
        %swap3A_471 = vector.shape_cast %add3A_461 : vector<16xf32> to vector<1x16xf32>
        tpu.vector_store %arg7[%swap3A_467, %swap3A_468], %swap3A_471 {add = true, strides = array<i32>} : memref<128x64xf32, #tpu.memory_space<vmem>>, vector<1x16xf32>,
        %get3A_472 = arith.constant 0 : i32
        %get3A_473 = arith.constant 0 : i32
        %get3A_474 = tpu.memref_slice %arg6[%scan3A_207, %get3A_472, %get3A_473] : memref<4x128x32xi32, #tpu.memory_space<vmem>> -> memref<1x128x32xi32, #tpu.memory_space<vmem>>
        %get3A_475 = tpu.memref_squeeze %get3A_474 : memref<1x128x32xi32, #tpu.memory_space<vmem>> -> memref<128x32xi32, #tpu.memory_space<vmem>>
        %get3A_476 = arith.index_cast %scan3A_429 : i32 to index
        %get3A_477 = arith.constant 16 : index
        %get3A_478 = tpu.vector_load %get3A_475[%get3A_476, %get3A_477] {strides = array<i32>} : memref<128x32xi32, #tpu.memory_space<vmem>>, vector<1x16xi32>,
        %get3A_479 = vector.shape_cast %get3A_478 : vector<1x16xi32> to vector<16xi32>
        %shift_left3A_480 = arith.constant 16 : i32
        %shift_left3A_481 = vector.broadcast %shift_left3A_480 : i32 to vector<16xi32>
        %shift_left3A_482 = arith.shli %get3A_479, %shift_left3A_481 : vector<16xi32>
        %bitcast_convert_type3A_483 = tpu.bitcast %shift_left3A_482 : vector<16xi32> -> vector<16xf32>
        %and3A_484 = vector.broadcast %scan3A_171 : i32 to vector<16xi32>
        %and3A_485 = arith.andi %get3A_479, %and3A_484 : vector<16xi32>
        %bitcast_convert_type3A_486 = tpu.bitcast %and3A_485 : vector<16xi32> -> vector<16xf32>
        %get3A_487 = arith.constant 0 : i32
        %get3A_488 = arith.constant 0 : i32
        %get3A_489 = tpu.memref_slice %arg6[%scan3A_208, %get3A_487, %get3A_488] : memref<4x128x32xi32, #tpu.memory_space<vmem>> -> memref<1x128x32xi32, #tpu.memory_space<vmem>>
        %get3A_490 = tpu.memref_squeeze %get3A_489 : memref<1x128x32xi32, #tpu.memory_space<vmem>> -> memref<128x32xi32, #tpu.memory_space<vmem>>
        %get3A_491 = arith.index_cast %scan3A_429 : i32 to index
        %get3A_492 = arith.constant 16 : index
        %get3A_493 = tpu.vector_load %get3A_490[%get3A_491, %get3A_492] {strides = array<i32>} : memref<128x32xi32, #tpu.memory_space<vmem>>, vector<1x16xi32>,
        %get3A_494 = vector.shape_cast %get3A_493 : vector<1x16xi32> to vector<16xi32>
        %shift_left3A_495 = arith.constant 16 : i32
        %shift_left3A_496 = vector.broadcast %shift_left3A_495 : i32 to vector<16xi32>
        %shift_left3A_497 = arith.shli %get3A_494, %shift_left3A_496 : vector<16xi32>
        %bitcast_convert_type3A_498 = tpu.bitcast %shift_left3A_497 : vector<16xi32> -> vector<16xf32>
        %and3A_499 = vector.broadcast %scan3A_171 : i32 to vector<16xi32>
        %and3A_500 = arith.andi %get3A_494, %and3A_499 : vector<16xi32>
        %bitcast_convert_type3A_501 = tpu.bitcast %and3A_500 : vector<16xi32> -> vector<16xf32>
        %add3A_502 = arith.addf %bitcast_convert_type3A_483, %bitcast_convert_type3A_498 : vector<16xf32>
        %add3A_503 = arith.addf %bitcast_convert_type3A_486, %bitcast_convert_type3A_501 : vector<16xf32>
        %swap3A_504 = arith.index_cast %scan3A_429 : i32 to index
        %swap3A_505 = arith.constant 16 : index
        %swap3A_506 = tpu.vector_load %arg7[%swap3A_504, %swap3A_505] {strides = array<i32>} : memref<128x64xf32, #tpu.memory_space<vmem>>, vector<1x16xf32>,
        %swap3A_507 = vector.shape_cast %swap3A_506 : vector<1x16xf32> to vector<16xf32>
        %swap3A_508 = vector.shape_cast %add3A_502 : vector<16xf32> to vector<1x16xf32>
        tpu.vector_store %arg7[%swap3A_504, %swap3A_505], %swap3A_508 {add = true, strides = array<i32>} : memref<128x64xf32, #tpu.memory_space<vmem>>, vector<1x16xf32>,
        %swap3A_509 = arith.index_cast %scan3A_429 : i32 to index
        %swap3A_510 = arith.constant 48 : index
        %swap3A_511 = tpu.vector_load %arg7[%swap3A_509, %swap3A_510] {strides = array<i32>} : memref<128x64xf32, #tpu.memory_space<vmem>>, vector<1x16xf32>,
        %swap3A_512 = vector.shape_cast %swap3A_511 : vector<1x16xf32> to vector<16xf32>
        %swap3A_513 = vector.shape_cast %add3A_503 : vector<16xf32> to vector<1x16xf32>
        tpu.vector_store %arg7[%swap3A_509, %swap3A_510], %swap3A_513 {add = true, strides = array<i32>} : memref<128x64xf32, #tpu.memory_space<vmem>>, vector<1x16xf32>,
        %scan3A_514 = arith.constant 0 : i32
        %scan3A_515 = arith.constant 3 : i32
        %scan3A_516 = arith.addi %scan3A_259, %scan3A_515 : i32
        %get3A_517 = arith.constant 0 : i32
        %get3A_518 = arith.constant 0 : i32
        %get3A_519 = tpu.memref_slice %arg6[%scan3A_207, %get3A_517, %get3A_518] : memref<4x128x32xi32, #tpu.memory_space<vmem>> -> memref<1x128x32xi32, #tpu.memory_space<vmem>>
        %get3A_520 = tpu.memref_squeeze %get3A_519 : memref<1x128x32xi32, #tpu.memory_space<vmem>> -> memref<128x32xi32, #tpu.memory_space<vmem>>
        %get3A_521 = arith.index_cast %scan3A_516 : i32 to index
        %get3A_522 = arith.constant 0 : index
        %get3A_523 = tpu.vector_load %get3A_520[%get3A_521, %get3A_522] {strides = array<i32>} : memref<128x32xi32, #tpu.memory_space<vmem>>, vector<1x16xi32>,
        %get3A_524 = vector.shape_cast %get3A_523 : vector<1x16xi32> to vector<16xi32>
        %shift_left3A_525 = arith.constant 16 : i32
        %shift_left3A_526 = vector.broadcast %shift_left3A_525 : i32 to vector<16xi32>
        %shift_left3A_527 = arith.shli %get3A_524, %shift_left3A_526 : vector<16xi32>
        %bitcast_convert_type3A_528 = tpu.bitcast %shift_left3A_527 : vector<16xi32> -> vector<16xf32>
        %and3A_529 = vector.broadcast %scan3A_171 : i32 to vector<16xi32>
        %and3A_530 = arith.andi %get3A_524, %and3A_529 : vector<16xi32>
        %bitcast_convert_type3A_531 = tpu.bitcast %and3A_530 : vector<16xi32> -> vector<16xf32>
        %get3A_532 = arith.constant 0 : i32
        %get3A_533 = arith.constant 0 : i32
        %get3A_534 = tpu.memref_slice %arg6[%scan3A_208, %get3A_532, %get3A_533] : memref<4x128x32xi32, #tpu.memory_space<vmem>> -> memref<1x128x32xi32, #tpu.memory_space<vmem>>
        %get3A_535 = tpu.memref_squeeze %get3A_534 : memref<1x128x32xi32, #tpu.memory_space<vmem>> -> memref<128x32xi32, #tpu.memory_space<vmem>>
        %get3A_536 = arith.index_cast %scan3A_516 : i32 to index
        %get3A_537 = arith.constant 0 : index
        %get3A_538 = tpu.vector_load %get3A_535[%get3A_536, %get3A_537] {strides = array<i32>} : memref<128x32xi32, #tpu.memory_space<vmem>>, vector<1x16xi32>,
        %get3A_539 = vector.shape_cast %get3A_538 : vector<1x16xi32> to vector<16xi32>
        %shift_left3A_540 = arith.constant 16 : i32
        %shift_left3A_541 = vector.broadcast %shift_left3A_540 : i32 to vector<16xi32>
        %shift_left3A_542 = arith.shli %get3A_539, %shift_left3A_541 : vector<16xi32>
        %bitcast_convert_type3A_543 = tpu.bitcast %shift_left3A_542 : vector<16xi32> -> vector<16xf32>
        %and3A_544 = vector.broadcast %scan3A_171 : i32 to vector<16xi32>
        %and3A_545 = arith.andi %get3A_539, %and3A_544 : vector<16xi32>
        %bitcast_convert_type3A_546 = tpu.bitcast %and3A_545 : vector<16xi32> -> vector<16xf32>
        %add3A_547 = arith.addf %bitcast_convert_type3A_528, %bitcast_convert_type3A_543 : vector<16xf32>
        %add3A_548 = arith.addf %bitcast_convert_type3A_531, %bitcast_convert_type3A_546 : vector<16xf32>
        %swap3A_549 = arith.index_cast %scan3A_516 : i32 to index
        %swap3A_550 = arith.constant 0 : index
        %swap3A_551 = tpu.vector_load %arg7[%swap3A_549, %swap3A_550] {strides = array<i32>} : memref<128x64xf32, #tpu.memory_space<vmem>>, vector<1x16xf32>,
        %swap3A_552 = vector.shape_cast %swap3A_551 : vector<1x16xf32> to vector<16xf32>
        %swap3A_553 = vector.shape_cast %add3A_547 : vector<16xf32> to vector<1x16xf32>
        tpu.vector_store %arg7[%swap3A_549, %swap3A_550], %swap3A_553 {add = true, strides = array<i32>} : memref<128x64xf32, #tpu.memory_space<vmem>>, vector<1x16xf32>,
        %swap3A_554 = arith.index_cast %scan3A_516 : i32 to index
        %swap3A_555 = arith.constant 32 : index
        %swap3A_556 = tpu.vector_load %arg7[%swap3A_554, %swap3A_555] {strides = array<i32>} : memref<128x64xf32, #tpu.memory_space<vmem>>, vector<1x16xf32>,
        %swap3A_557 = vector.shape_cast %swap3A_556 : vector<1x16xf32> to vector<16xf32>
        %swap3A_558 = vector.shape_cast %add3A_548 : vector<16xf32> to vector<1x16xf32>
        tpu.vector_store %arg7[%swap3A_554, %swap3A_555], %swap3A_558 {add = true, strides = array<i32>} : memref<128x64xf32, #tpu.memory_space<vmem>>, vector<1x16xf32>,
        %get3A_559 = arith.constant 0 : i32
        %get3A_560 = arith.constant 0 : i32
        %get3A_561 = tpu.memref_slice %arg6[%scan3A_207, %get3A_559, %get3A_560] : memref<4x128x32xi32, #tpu.memory_space<vmem>> -> memref<1x128x32xi32, #tpu.memory_space<vmem>>
        %get3A_562 = tpu.memref_squeeze %get3A_561 : memref<1x128x32xi32, #tpu.memory_space<vmem>> -> memref<128x32xi32, #tpu.memory_space<vmem>>
        %get3A_563 = arith.index_cast %scan3A_516 : i32 to index
        %get3A_564 = arith.constant 16 : index
        %get3A_565 = tpu.vector_load %get3A_562[%get3A_563, %get3A_564] {strides = array<i32>} : memref<128x32xi32, #tpu.memory_space<vmem>>, vector<1x16xi32>,
        %get3A_566 = vector.shape_cast %get3A_565 : vector<1x16xi32> to vector<16xi32>
        %shift_left3A_567 = arith.constant 16 : i32
        %shift_left3A_568 = vector.broadcast %shift_left3A_567 : i32 to vector<16xi32>
        %shift_left3A_569 = arith.shli %get3A_566, %shift_left3A_568 : vector<16xi32>
        %bitcast_convert_type3A_570 = tpu.bitcast %shift_left3A_569 : vector<16xi32> -> vector<16xf32>
        %and3A_571 = vector.broadcast %scan3A_171 : i32 to vector<16xi32>
        %and3A_572 = arith.andi %get3A_566, %and3A_571 : vector<16xi32>
        %bitcast_convert_type3A_573 = tpu.bitcast %and3A_572 : vector<16xi32> -> vector<16xf32>
        %get3A_574 = arith.constant 0 : i32
        %get3A_575 = arith.constant 0 : i32
        %get3A_576 = tpu.memref_slice %arg6[%scan3A_208, %get3A_574, %get3A_575] : memref<4x128x32xi32, #tpu.memory_space<vmem>> -> memref<1x128x32xi32, #tpu.memory_space<vmem>>
        %get3A_577 = tpu.memref_squeeze %get3A_576 : memref<1x128x32xi32, #tpu.memory_space<vmem>> -> memref<128x32xi32, #tpu.memory_space<vmem>>
        %get3A_578 = arith.index_cast %scan3A_516 : i32 to index
        %get3A_579 = arith.constant 16 : index
        %get3A_580 = tpu.vector_load %get3A_577[%get3A_578, %get3A_579] {strides = array<i32>} : memref<128x32xi32, #tpu.memory_space<vmem>>, vector<1x16xi32>,
        %get3A_581 = vector.shape_cast %get3A_580 : vector<1x16xi32> to vector<16xi32>
        %shift_left3A_582 = arith.constant 16 : i32
        %shift_left3A_583 = vector.broadcast %shift_left3A_582 : i32 to vector<16xi32>
        %shift_left3A_584 = arith.shli %get3A_581, %shift_left3A_583 : vector<16xi32>
        %bitcast_convert_type3A_585 = tpu.bitcast %shift_left3A_584 : vector<16xi32> -> vector<16xf32>
        %and3A_586 = vector.broadcast %scan3A_171 : i32 to vector<16xi32>
        %and3A_587 = arith.andi %get3A_581, %and3A_586 : vector<16xi32>
        %bitcast_convert_type3A_588 = tpu.bitcast %and3A_587 : vector<16xi32> -> vector<16xf32>
        %add3A_589 = arith.addf %bitcast_convert_type3A_570, %bitcast_convert_type3A_585 : vector<16xf32>
        %add3A_590 = arith.addf %bitcast_convert_type3A_573, %bitcast_convert_type3A_588 : vector<16xf32>
        %swap3A_591 = arith.index_cast %scan3A_516 : i32 to index
        %swap3A_592 = arith.constant 16 : index
        %swap3A_593 = tpu.vector_load %arg7[%swap3A_591, %swap3A_592] {strides = array<i32>} : memref<128x64xf32, #tpu.memory_space<vmem>>, vector<1x16xf32>,
        %swap3A_594 = vector.shape_cast %swap3A_593 : vector<1x16xf32> to vector<16xf32>
        %swap3A_595 = vector.shape_cast %add3A_589 : vector<16xf32> to vector<1x16xf32>
        tpu.vector_store %arg7[%swap3A_591, %swap3A_592], %swap3A_595 {add = true, strides = array<i32>} : memref<128x64xf32, #tpu.memory_space<vmem>>, vector<1x16xf32>,
        %swap3A_596 = arith.index_cast %scan3A_516 : i32 to index
        %swap3A_597 = arith.constant 48 : index
        %swap3A_598 = tpu.vector_load %arg7[%swap3A_596, %swap3A_597] {strides = array<i32>} : memref<128x64xf32, #tpu.memory_space<vmem>>, vector<1x16xf32>,
        %swap3A_599 = vector.shape_cast %swap3A_598 : vector<1x16xf32> to vector<16xf32>
        %swap3A_600 = vector.shape_cast %add3A_590 : vector<16xf32> to vector<1x16xf32>
        tpu.vector_store %arg7[%swap3A_596, %swap3A_597], %swap3A_600 {add = true, strides = array<i32>} : memref<128x64xf32, #tpu.memory_space<vmem>>, vector<1x16xf32>,
        %scan3A_601 = arith.constant 0 : i32
        scf.yield %scan3A_601 : i32
      }
      %scan3A_215 = arith.constant 128 : i32
      %lt3A = arith.constant 49 : i32
      %lt3A_216 = arith.cmpi slt, %scan3A_179, %lt3A : i32
      %convert_element_type3A = arith.extui %lt3A_216 : i1 to i32
      %cond3A = arith.constant 0 : i32
      %cond3A_217 = arith.cmpi ne, %convert_element_type3A, %cond3A : i32
      scf.if %cond3A_217 {
        %add3A_259 = arith.constant 4 : i32
        %add3A_260 = arith.addi %mul3A_182, %add3A_259 : i32
        %dma_start3A_261 = arith.constant 0 : i32
        %dma_start3A_262 = arith.constant 0 : i32
        %dma_start3A_263 = arith.constant 0 : i32
        %dma_start3A_264 = tpu.memref_slice %arg6[%dma_start3A_261, %dma_start3A_262, %dma_start3A_263] : memref<4x128x32xi32, #tpu.memory_space<vmem>> -> memref<1x128x32xi32, #tpu.memory_space<vmem>>
        %dma_start3A_265 = tpu.memref_squeeze %dma_start3A_264 : memref<1x128x32xi32, #tpu.memory_space<vmem>> -> memref<128x32xi32, #tpu.memory_space<vmem>>
        %dma_start3A_266 = arith.constant 0 : i32
        %dma_start3A_267 = tpu.memref_slice %arg5[%add3A_260, %dma_start3A_266] : memref<200x128xi32, #tpu.memory_space<vmem>> -> memref<1x128xi32, #tpu.memory_space<vmem>>
        %dma_start3A_268 = tpu.memref_squeeze %dma_start3A_267 : memref<1x128xi32, #tpu.memory_space<vmem>> -> memref<128xi32, #tpu.memory_space<vmem>>
        %dma_start3A_269 = arith.constant 0 : i32
        %dma_start3A_270 = arith.constant 0 : i32
        %dma_start3A_271 = tpu.memref_slice %arg3[%dma_start3A_269, %dma_start3A_270] : memref<1007616x32xi32, #tpu.memory_space<hbm>> -> memref<1007616x32xi32, #tpu.memory_space<hbm>>
        tpu.enqueue_indirect_dma source(%dma_start3A_271 : memref<1007616x32xi32, #tpu.memory_space<hbm>>) target(%dma_start3A_265 : memref<128x32xi32, #tpu.memory_space<vmem>>) offsets(%dma_start3A_268 : memref<128xi32, #tpu.memory_space<vmem>>) semaphore(%arg8 : memref<!tpu.dma_semaphore, #tpu.memory_space<semaphore_mem>>)
        %add3A_272 = arith.constant 5 : i32
        %add3A_273 = arith.addi %mul3A_182, %add3A_272 : i32
        %dma_start3A_274 = arith.constant 1 : i32
        %dma_start3A_275 = arith.constant 0 : i32
        %dma_start3A_276 = arith.constant 0 : i32
        %dma_start3A_277 = tpu.memref_slice %arg6[%dma_start3A_274, %dma_start3A_275, %dma_start3A_276] : memref<4x128x32xi32, #tpu.memory_space<vmem>> -> memref<1x128x32xi32, #tpu.memory_space<vmem>>
        %dma_start3A_278 = tpu.memref_squeeze %dma_start3A_277 : memref<1x128x32xi32, #tpu.memory_space<vmem>> -> memref<128x32xi32, #tpu.memory_space<vmem>>
        %dma_start3A_279 = arith.constant 0 : i32
        %dma_start3A_280 = tpu.memref_slice %arg5[%add3A_273, %dma_start3A_279] : memref<200x128xi32, #tpu.memory_space<vmem>> -> memref<1x128xi32, #tpu.memory_space<vmem>>
        %dma_start3A_281 = tpu.memref_squeeze %dma_start3A_280 : memref<1x128xi32, #tpu.memory_space<vmem>> -> memref<128xi32, #tpu.memory_space<vmem>>
        %dma_start3A_282 = arith.constant 0 : i32
        %dma_start3A_283 = arith.constant 0 : i32
        %dma_start3A_284 = tpu.memref_slice %arg3[%dma_start3A_282, %dma_start3A_283] : memref<1007616x32xi32, #tpu.memory_space<hbm>> -> memref<1007616x32xi32, #tpu.memory_space<hbm>>
        tpu.enqueue_indirect_dma source(%dma_start3A_284 : memref<1007616x32xi32, #tpu.memory_space<hbm>>) target(%dma_start3A_278 : memref<128x32xi32, #tpu.memory_space<vmem>>) offsets(%dma_start3A_281 : memref<128xi32, #tpu.memory_space<vmem>>) semaphore(%arg9 : memref<!tpu.dma_semaphore, #tpu.memory_space<semaphore_mem>>)
      } else {
      }
      %add3A_218 = arith.constant 2 : i32
      %add3A_219 = arith.addi %mul3A_182, %add3A_218 : i32
      %dma_wait3A_220 = arith.constant 2 : i32
      %dma_wait3A_221 = arith.constant 0 : i32
      %dma_wait3A_222 = arith.constant 0 : i32
      %dma_wait3A_223 = tpu.memref_slice %arg6[%dma_wait3A_220, %dma_wait3A_221, %dma_wait3A_222] : memref<4x128x32xi32, #tpu.memory_space<vmem>> -> memref<1x128x32xi32, #tpu.memory_space<vmem>>
      %dma_wait3A_224 = tpu.memref_squeeze %dma_wait3A_223 : memref<1x128x32xi32, #tpu.memory_space<vmem>> -> memref<128x32xi32, #tpu.memory_space<vmem>>
      %dma_wait3A_225 = arith.constant 0 : i32
      %dma_wait3A_226 = tpu.memref_slice %arg5[%add3A_219, %dma_wait3A_225] : memref<200x128xi32, #tpu.memory_space<vmem>> -> memref<1x128xi32, #tpu.memory_space<vmem>>
      %dma_wait3A_227 = tpu.memref_squeeze %dma_wait3A_226 : memref<1x128xi32, #tpu.memory_space<vmem>> -> memref<128xi32, #tpu.memory_space<vmem>>
      %dma_wait3A_228 = arith.constant 0 : i32
      %dma_wait3A_229 = arith.constant 0 : i32
      %dma_wait3A_230 = tpu.memref_slice %arg3[%dma_wait3A_228, %dma_wait3A_229] : memref<1007616x32xi32, #tpu.memory_space<hbm>> -> memref<1007616x32xi32, #tpu.memory_space<hbm>>
      tpu.wait_indirect_dma semaphore(%arg10 : memref<!tpu.dma_semaphore, #tpu.memory_space<semaphore_mem>>) src(%dma_wait3A_230 : memref<1007616x32xi32, #tpu.memory_space<hbm>>) dst(%dma_wait3A_224 : memref<128x32xi32, #tpu.memory_space<vmem>>)
      %add3A_231 = arith.constant 3 : i32
      %add3A_232 = arith.addi %mul3A_182, %add3A_231 : i32
      %dma_wait3A_233 = arith.constant 3 : i32
      %dma_wait3A_234 = arith.constant 0 : i32
      %dma_wait3A_235 = arith.constant 0 : i32
      %dma_wait3A_236 = tpu.memref_slice %arg6[%dma_wait3A_233, %dma_wait3A_234, %dma_wait3A_235] : memref<4x128x32xi32, #tpu.memory_space<vmem>> -> memref<1x128x32xi32, #tpu.memory_space<vmem>>
      %dma_wait3A_237 = tpu.memref_squeeze %dma_wait3A_236 : memref<1x128x32xi32, #tpu.memory_space<vmem>> -> memref<128x32xi32, #tpu.memory_space<vmem>>
      %dma_wait3A_238 = arith.constant 0 : i32
      %dma_wait3A_239 = tpu.memref_slice %arg5[%add3A_232, %dma_wait3A_238] : memref<200x128xi32, #tpu.memory_space<vmem>> -> memref<1x128xi32, #tpu.memory_space<vmem>>
      %dma_wait3A_240 = tpu.memref_squeeze %dma_wait3A_239 : memref<1x128xi32, #tpu.memory_space<vmem>> -> memref<128xi32, #tpu.memory_space<vmem>>
      %dma_wait3A_241 = arith.constant 0 : i32
      %dma_wait3A_242 = arith.constant 0 : i32
      %dma_wait3A_243 = tpu.memref_slice %arg3[%dma_wait3A_241, %dma_wait3A_242] : memref<1007616x32xi32, #tpu.memory_space<hbm>> -> memref<1007616x32xi32, #tpu.memory_space<hbm>>
      tpu.wait_indirect_dma semaphore(%arg11 : memref<!tpu.dma_semaphore, #tpu.memory_space<semaphore_mem>>) src(%dma_wait3A_243 : memref<1007616x32xi32, #tpu.memory_space<hbm>>) dst(%dma_wait3A_237 : memref<128x32xi32, #tpu.memory_space<vmem>>)
      %scan3A_244 = arith.constant 2 : i32
      %scan3A_245 = arith.constant 3 : i32
      %scan3A_246 = arith.constant 0 : i32
      %scan3A_247 = arith.constant 0 : i32
      %scan3A_248 = arith.constant 128 : i32
      %scan3A_249 = arith.addi %scan3A_247, %scan3A_248 : i32
      %scan3A_250 = arith.constant 4 : i32
      %scan3A_251 = scf.for %scan3A_259 = %scan3A_247 to %scan3A_249 step %scan3A_250 iter_args(%scan3A_260 = %scan3A_246) -> (i32)  : i32 {
        %get3A = arith.constant 0 : i32
        %get3A_261 = arith.constant 0 : i32
        %get3A_262 = tpu.memref_slice %arg6[%scan3A_244, %get3A, %get3A_261] : memref<4x128x32xi32, #tpu.memory_space<vmem>> -> memref<1x128x32xi32, #tpu.memory_space<vmem>>
        %get3A_263 = tpu.memref_squeeze %get3A_262 : memref<1x128x32xi32, #tpu.memory_space<vmem>> -> memref<128x32xi32, #tpu.memory_space<vmem>>
        %get3A_264 = arith.index_cast %scan3A_259 : i32 to index
        %get3A_265 = arith.constant 0 : index
        %get3A_266 = tpu.vector_load %get3A_263[%get3A_264, %get3A_265] {strides = array<i32>} : memref<128x32xi32, #tpu.memory_space<vmem>>, vector<1x16xi32>,
        %get3A_267 = vector.shape_cast %get3A_266 : vector<1x16xi32> to vector<16xi32>
        %shift_left3A = arith.constant 16 : i32
        %shift_left3A_268 = vector.broadcast %shift_left3A : i32 to vector<16xi32>
        %shift_left3A_269 = arith.shli %get3A_267, %shift_left3A_268 : vector<16xi32>
        %bitcast_convert_type3A = tpu.bitcast %shift_left3A_269 : vector<16xi32> -> vector<16xf32>
        %and3A = vector.broadcast %scan3A_171 : i32 to vector<16xi32>
        %and3A_270 = arith.andi %get3A_267, %and3A : vector<16xi32>
        %bitcast_convert_type3A_271 = tpu.bitcast %and3A_270 : vector<16xi32> -> vector<16xf32>
        %get3A_272 = arith.constant 0 : i32
        %get3A_273 = arith.constant 0 : i32
        %get3A_274 = tpu.memref_slice %arg6[%scan3A_245, %get3A_272, %get3A_273] : memref<4x128x32xi32, #tpu.memory_space<vmem>> -> memref<1x128x32xi32, #tpu.memory_space<vmem>>
        %get3A_275 = tpu.memref_squeeze %get3A_274 : memref<1x128x32xi32, #tpu.memory_space<vmem>> -> memref<128x32xi32, #tpu.memory_space<vmem>>
        %get3A_276 = arith.index_cast %scan3A_259 : i32 to index
        %get3A_277 = arith.constant 0 : index
        %get3A_278 = tpu.vector_load %get3A_275[%get3A_276, %get3A_277] {strides = array<i32>} : memref<128x32xi32, #tpu.memory_space<vmem>>, vector<1x16xi32>,
        %get3A_279 = vector.shape_cast %get3A_278 : vector<1x16xi32> to vector<16xi32>
        %shift_left3A_280 = arith.constant 16 : i32
        %shift_left3A_281 = vector.broadcast %shift_left3A_280 : i32 to vector<16xi32>
        %shift_left3A_282 = arith.shli %get3A_279, %shift_left3A_281 : vector<16xi32>
        %bitcast_convert_type3A_283 = tpu.bitcast %shift_left3A_282 : vector<16xi32> -> vector<16xf32>
        %and3A_284 = vector.broadcast %scan3A_171 : i32 to vector<16xi32>
        %and3A_285 = arith.andi %get3A_279, %and3A_284 : vector<16xi32>
        %bitcast_convert_type3A_286 = tpu.bitcast %and3A_285 : vector<16xi32> -> vector<16xf32>
        %add3A_287 = arith.addf %bitcast_convert_type3A, %bitcast_convert_type3A_283 : vector<16xf32>
        %add3A_288 = arith.addf %bitcast_convert_type3A_271, %bitcast_convert_type3A_286 : vector<16xf32>
        %swap3A = arith.index_cast %scan3A_259 : i32 to index
        %swap3A_289 = arith.constant 0 : index
        %swap3A_290 = tpu.vector_load %arg7[%swap3A, %swap3A_289] {strides = array<i32>} : memref<128x64xf32, #tpu.memory_space<vmem>>, vector<1x16xf32>,
        %swap3A_291 = vector.shape_cast %swap3A_290 : vector<1x16xf32> to vector<16xf32>
        %swap3A_292 = vector.shape_cast %add3A_287 : vector<16xf32> to vector<1x16xf32>
        tpu.vector_store %arg7[%swap3A, %swap3A_289], %swap3A_292 {add = true, strides = array<i32>} : memref<128x64xf32, #tpu.memory_space<vmem>>, vector<1x16xf32>,
        %swap3A_293 = arith.index_cast %scan3A_259 : i32 to index
        %swap3A_294 = arith.constant 32 : index
        %swap3A_295 = tpu.vector_load %arg7[%swap3A_293, %swap3A_294] {strides = array<i32>} : memref<128x64xf32, #tpu.memory_space<vmem>>, vector<1x16xf32>,
        %swap3A_296 = vector.shape_cast %swap3A_295 : vector<1x16xf32> to vector<16xf32>
        %swap3A_297 = vector.shape_cast %add3A_288 : vector<16xf32> to vector<1x16xf32>
        tpu.vector_store %arg7[%swap3A_293, %swap3A_294], %swap3A_297 {add = true, strides = array<i32>} : memref<128x64xf32, #tpu.memory_space<vmem>>, vector<1x16xf32>,
        %get3A_298 = arith.constant 0 : i32
        %get3A_299 = arith.constant 0 : i32
        %get3A_300 = tpu.memref_slice %arg6[%scan3A_244, %get3A_298, %get3A_299] : memref<4x128x32xi32, #tpu.memory_space<vmem>> -> memref<1x128x32xi32, #tpu.memory_space<vmem>>
        %get3A_301 = tpu.memref_squeeze %get3A_300 : memref<1x128x32xi32, #tpu.memory_space<vmem>> -> memref<128x32xi32, #tpu.memory_space<vmem>>
        %get3A_302 = arith.index_cast %scan3A_259 : i32 to index
        %get3A_303 = arith.constant 16 : index
        %get3A_304 = tpu.vector_load %get3A_301[%get3A_302, %get3A_303] {strides = array<i32>} : memref<128x32xi32, #tpu.memory_space<vmem>>, vector<1x16xi32>,
        %get3A_305 = vector.shape_cast %get3A_304 : vector<1x16xi32> to vector<16xi32>
        %shift_left3A_306 = arith.constant 16 : i32
        %shift_left3A_307 = vector.broadcast %shift_left3A_306 : i32 to vector<16xi32>
        %shift_left3A_308 = arith.shli %get3A_305, %shift_left3A_307 : vector<16xi32>
        %bitcast_convert_type3A_309 = tpu.bitcast %shift_left3A_308 : vector<16xi32> -> vector<16xf32>
        %and3A_310 = vector.broadcast %scan3A_171 : i32 to vector<16xi32>
        %and3A_311 = arith.andi %get3A_305, %and3A_310 : vector<16xi32>
        %bitcast_convert_type3A_312 = tpu.bitcast %and3A_311 : vector<16xi32> -> vector<16xf32>
        %get3A_313 = arith.constant 0 : i32
        %get3A_314 = arith.constant 0 : i32
        %get3A_315 = tpu.memref_slice %arg6[%scan3A_245, %get3A_313, %get3A_314] : memref<4x128x32xi32, #tpu.memory_space<vmem>> -> memref<1x128x32xi32, #tpu.memory_space<vmem>>
        %get3A_316 = tpu.memref_squeeze %get3A_315 : memref<1x128x32xi32, #tpu.memory_space<vmem>> -> memref<128x32xi32, #tpu.memory_space<vmem>>
        %get3A_317 = arith.index_cast %scan3A_259 : i32 to index
        %get3A_318 = arith.constant 16 : index
        %get3A_319 = tpu.vector_load %get3A_316[%get3A_317, %get3A_318] {strides = array<i32>} : memref<128x32xi32, #tpu.memory_space<vmem>>, vector<1x16xi32>,
        %get3A_320 = vector.shape_cast %get3A_319 : vector<1x16xi32> to vector<16xi32>
        %shift_left3A_321 = arith.constant 16 : i32
        %shift_left3A_322 = vector.broadcast %shift_left3A_321 : i32 to vector<16xi32>
        %shift_left3A_323 = arith.shli %get3A_320, %shift_left3A_322 : vector<16xi32>
        %bitcast_convert_type3A_324 = tpu.bitcast %shift_left3A_323 : vector<16xi32> -> vector<16xf32>
        %and3A_325 = vector.broadcast %scan3A_171 : i32 to vector<16xi32>
        %and3A_326 = arith.andi %get3A_320, %and3A_325 : vector<16xi32>
        %bitcast_convert_type3A_327 = tpu.bitcast %and3A_326 : vector<16xi32> -> vector<16xf32>
        %add3A_328 = arith.addf %bitcast_convert_type3A_309, %bitcast_convert_type3A_324 : vector<16xf32>
        %add3A_329 = arith.addf %bitcast_convert_type3A_312, %bitcast_convert_type3A_327 : vector<16xf32>
        %swap3A_330 = arith.index_cast %scan3A_259 : i32 to index
        %swap3A_331 = arith.constant 16 : index
        %swap3A_332 = tpu.vector_load %arg7[%swap3A_330, %swap3A_331] {strides = array<i32>} : memref<128x64xf32, #tpu.memory_space<vmem>>, vector<1x16xf32>,
        %swap3A_333 = vector.shape_cast %swap3A_332 : vector<1x16xf32> to vector<16xf32>
        %swap3A_334 = vector.shape_cast %add3A_328 : vector<16xf32> to vector<1x16xf32>
        tpu.vector_store %arg7[%swap3A_330, %swap3A_331], %swap3A_334 {add = true, strides = array<i32>} : memref<128x64xf32, #tpu.memory_space<vmem>>, vector<1x16xf32>,
        %swap3A_335 = arith.index_cast %scan3A_259 : i32 to index
        %swap3A_336 = arith.constant 48 : index
        %swap3A_337 = tpu.vector_load %arg7[%swap3A_335, %swap3A_336] {strides = array<i32>} : memref<128x64xf32, #tpu.memory_space<vmem>>, vector<1x16xf32>,
        %swap3A_338 = vector.shape_cast %swap3A_337 : vector<1x16xf32> to vector<16xf32>
        %swap3A_339 = vector.shape_cast %add3A_329 : vector<16xf32> to vector<1x16xf32>
        tpu.vector_store %arg7[%swap3A_335, %swap3A_336], %swap3A_339 {add = true, strides = array<i32>} : memref<128x64xf32, #tpu.memory_space<vmem>>, vector<1x16xf32>,
        %scan3A_340 = arith.constant 0 : i32
        %scan3A_341 = arith.constant 1 : i32
        %scan3A_342 = arith.addi %scan3A_259, %scan3A_341 : i32
        %get3A_343 = arith.constant 0 : i32
        %get3A_344 = arith.constant 0 : i32
        %get3A_345 = tpu.memref_slice %arg6[%scan3A_244, %get3A_343, %get3A_344] : memref<4x128x32xi32, #tpu.memory_space<vmem>> -> memref<1x128x32xi32, #tpu.memory_space<vmem>>
        %get3A_346 = tpu.memref_squeeze %get3A_345 : memref<1x128x32xi32, #tpu.memory_space<vmem>> -> memref<128x32xi32, #tpu.memory_space<vmem>>
        %get3A_347 = arith.index_cast %scan3A_342 : i32 to index
        %get3A_348 = arith.constant 0 : index
        %get3A_349 = tpu.vector_load %get3A_346[%get3A_347, %get3A_348] {strides = array<i32>} : memref<128x32xi32, #tpu.memory_space<vmem>>, vector<1x16xi32>,
        %get3A_350 = vector.shape_cast %get3A_349 : vector<1x16xi32> to vector<16xi32>
        %shift_left3A_351 = arith.constant 16 : i32
        %shift_left3A_352 = vector.broadcast %shift_left3A_351 : i32 to vector<16xi32>
        %shift_left3A_353 = arith.shli %get3A_350, %shift_left3A_352 : vector<16xi32>
        %bitcast_convert_type3A_354 = tpu.bitcast %shift_left3A_353 : vector<16xi32> -> vector<16xf32>
        %and3A_355 = vector.broadcast %scan3A_171 : i32 to vector<16xi32>
        %and3A_356 = arith.andi %get3A_350, %and3A_355 : vector<16xi32>
        %bitcast_convert_type3A_357 = tpu.bitcast %and3A_356 : vector<16xi32> -> vector<16xf32>
        %get3A_358 = arith.constant 0 : i32
        %get3A_359 = arith.constant 0 : i32
        %get3A_360 = tpu.memref_slice %arg6[%scan3A_245, %get3A_358, %get3A_359] : memref<4x128x32xi32, #tpu.memory_space<vmem>> -> memref<1x128x32xi32, #tpu.memory_space<vmem>>
        %get3A_361 = tpu.memref_squeeze %get3A_360 : memref<1x128x32xi32, #tpu.memory_space<vmem>> -> memref<128x32xi32, #tpu.memory_space<vmem>>
        %get3A_362 = arith.index_cast %scan3A_342 : i32 to index
        %get3A_363 = arith.constant 0 : index
        %get3A_364 = tpu.vector_load %get3A_361[%get3A_362, %get3A_363] {strides = array<i32>} : memref<128x32xi32, #tpu.memory_space<vmem>>, vector<1x16xi32>,
        %get3A_365 = vector.shape_cast %get3A_364 : vector<1x16xi32> to vector<16xi32>
        %shift_left3A_366 = arith.constant 16 : i32
        %shift_left3A_367 = vector.broadcast %shift_left3A_366 : i32 to vector<16xi32>
        %shift_left3A_368 = arith.shli %get3A_365, %shift_left3A_367 : vector<16xi32>
        %bitcast_convert_type3A_369 = tpu.bitcast %shift_left3A_368 : vector<16xi32> -> vector<16xf32>
        %and3A_370 = vector.broadcast %scan3A_171 : i32 to vector<16xi32>
        %and3A_371 = arith.andi %get3A_365, %and3A_370 : vector<16xi32>
        %bitcast_convert_type3A_372 = tpu.bitcast %and3A_371 : vector<16xi32> -> vector<16xf32>
        %add3A_373 = arith.addf %bitcast_convert_type3A_354, %bitcast_convert_type3A_369 : vector<16xf32>
        %add3A_374 = arith.addf %bitcast_convert_type3A_357, %bitcast_convert_type3A_372 : vector<16xf32>
        %swap3A_375 = arith.index_cast %scan3A_342 : i32 to index
        %swap3A_376 = arith.constant 0 : index
        %swap3A_377 = tpu.vector_load %arg7[%swap3A_375, %swap3A_376] {strides = array<i32>} : memref<128x64xf32, #tpu.memory_space<vmem>>, vector<1x16xf32>,
        %swap3A_378 = vector.shape_cast %swap3A_377 : vector<1x16xf32> to vector<16xf32>
        %swap3A_379 = vector.shape_cast %add3A_373 : vector<16xf32> to vector<1x16xf32>
        tpu.vector_store %arg7[%swap3A_375, %swap3A_376], %swap3A_379 {add = true, strides = array<i32>} : memref<128x64xf32, #tpu.memory_space<vmem>>, vector<1x16xf32>,
        %swap3A_380 = arith.index_cast %scan3A_342 : i32 to index
        %swap3A_381 = arith.constant 32 : index
        %swap3A_382 = tpu.vector_load %arg7[%swap3A_380, %swap3A_381] {strides = array<i32>} : memref<128x64xf32, #tpu.memory_space<vmem>>, vector<1x16xf32>,
        %swap3A_383 = vector.shape_cast %swap3A_382 : vector<1x16xf32> to vector<16xf32>
        %swap3A_384 = vector.shape_cast %add3A_374 : vector<16xf32> to vector<1x16xf32>
        tpu.vector_store %arg7[%swap3A_380, %swap3A_381], %swap3A_384 {add = true, strides = array<i32>} : memref<128x64xf32, #tpu.memory_space<vmem>>, vector<1x16xf32>,
        %get3A_385 = arith.constant 0 : i32
        %get3A_386 = arith.constant 0 : i32
        %get3A_387 = tpu.memref_slice %arg6[%scan3A_244, %get3A_385, %get3A_386] : memref<4x128x32xi32, #tpu.memory_space<vmem>> -> memref<1x128x32xi32, #tpu.memory_space<vmem>>
        %get3A_388 = tpu.memref_squeeze %get3A_387 : memref<1x128x32xi32, #tpu.memory_space<vmem>> -> memref<128x32xi32, #tpu.memory_space<vmem>>
        %get3A_389 = arith.index_cast %scan3A_342 : i32 to index
        %get3A_390 = arith.constant 16 : index
        %get3A_391 = tpu.vector_load %get3A_388[%get3A_389, %get3A_390] {strides = array<i32>} : memref<128x32xi32, #tpu.memory_space<vmem>>, vector<1x16xi32>,
        %get3A_392 = vector.shape_cast %get3A_391 : vector<1x16xi32> to vector<16xi32>
        %shift_left3A_393 = arith.constant 16 : i32
        %shift_left3A_394 = vector.broadcast %shift_left3A_393 : i32 to vector<16xi32>
        %shift_left3A_395 = arith.shli %get3A_392, %shift_left3A_394 : vector<16xi32>
        %bitcast_convert_type3A_396 = tpu.bitcast %shift_left3A_395 : vector<16xi32> -> vector<16xf32>
        %and3A_397 = vector.broadcast %scan3A_171 : i32 to vector<16xi32>
        %and3A_398 = arith.andi %get3A_392, %and3A_397 : vector<16xi32>
        %bitcast_convert_type3A_399 = tpu.bitcast %and3A_398 : vector<16xi32> -> vector<16xf32>
        %get3A_400 = arith.constant 0 : i32
        %get3A_401 = arith.constant 0 : i32
        %get3A_402 = tpu.memref_slice %arg6[%scan3A_245, %get3A_400, %get3A_401] : memref<4x128x32xi32, #tpu.memory_space<vmem>> -> memref<1x128x32xi32, #tpu.memory_space<vmem>>
        %get3A_403 = tpu.memref_squeeze %get3A_402 : memref<1x128x32xi32, #tpu.memory_space<vmem>> -> memref<128x32xi32, #tpu.memory_space<vmem>>
        %get3A_404 = arith.index_cast %scan3A_342 : i32 to index
        %get3A_405 = arith.constant 16 : index
        %get3A_406 = tpu.vector_load %get3A_403[%get3A_404, %get3A_405] {strides = array<i32>} : memref<128x32xi32, #tpu.memory_space<vmem>>, vector<1x16xi32>,
        %get3A_407 = vector.shape_cast %get3A_406 : vector<1x16xi32> to vector<16xi32>
        %shift_left3A_408 = arith.constant 16 : i32
        %shift_left3A_409 = vector.broadcast %shift_left3A_408 : i32 to vector<16xi32>
        %shift_left3A_410 = arith.shli %get3A_407, %shift_left3A_409 : vector<16xi32>
        %bitcast_convert_type3A_411 = tpu.bitcast %shift_left3A_410 : vector<16xi32> -> vector<16xf32>
        %and3A_412 = vector.broadcast %scan3A_171 : i32 to vector<16xi32>
        %and3A_413 = arith.andi %get3A_407, %and3A_412 : vector<16xi32>
        %bitcast_convert_type3A_414 = tpu.bitcast %and3A_413 : vector<16xi32> -> vector<16xf32>
        %add3A_415 = arith.addf %bitcast_convert_type3A_396, %bitcast_convert_type3A_411 : vector<16xf32>
        %add3A_416 = arith.addf %bitcast_convert_type3A_399, %bitcast_convert_type3A_414 : vector<16xf32>
        %swap3A_417 = arith.index_cast %scan3A_342 : i32 to index
        %swap3A_418 = arith.constant 16 : index
        %swap3A_419 = tpu.vector_load %arg7[%swap3A_417, %swap3A_418] {strides = array<i32>} : memref<128x64xf32, #tpu.memory_space<vmem>>, vector<1x16xf32>,
        %swap3A_420 = vector.shape_cast %swap3A_419 : vector<1x16xf32> to vector<16xf32>
        %swap3A_421 = vector.shape_cast %add3A_415 : vector<16xf32> to vector<1x16xf32>
        tpu.vector_store %arg7[%swap3A_417, %swap3A_418], %swap3A_421 {add = true, strides = array<i32>} : memref<128x64xf32, #tpu.memory_space<vmem>>, vector<1x16xf32>,
        %swap3A_422 = arith.index_cast %scan3A_342 : i32 to index
        %swap3A_423 = arith.constant 48 : index
        %swap3A_424 = tpu.vector_load %arg7[%swap3A_422, %swap3A_423] {strides = array<i32>} : memref<128x64xf32, #tpu.memory_space<vmem>>, vector<1x16xf32>,
        %swap3A_425 = vector.shape_cast %swap3A_424 : vector<1x16xf32> to vector<16xf32>
        %swap3A_426 = vector.shape_cast %add3A_416 : vector<16xf32> to vector<1x16xf32>
        tpu.vector_store %arg7[%swap3A_422, %swap3A_423], %swap3A_426 {add = true, strides = array<i32>} : memref<128x64xf32, #tpu.memory_space<vmem>>, vector<1x16xf32>,
        %scan3A_427 = arith.constant 0 : i32
        %scan3A_428 = arith.constant 2 : i32
        %scan3A_429 = arith.addi %scan3A_259, %scan3A_428 : i32
        %get3A_430 = arith.constant 0 : i32
        %get3A_431 = arith.constant 0 : i32
        %get3A_432 = tpu.memref_slice %arg6[%scan3A_244, %get3A_430, %get3A_431] : memref<4x128x32xi32, #tpu.memory_space<vmem>> -> memref<1x128x32xi32, #tpu.memory_space<vmem>>
        %get3A_433 = tpu.memref_squeeze %get3A_432 : memref<1x128x32xi32, #tpu.memory_space<vmem>> -> memref<128x32xi32, #tpu.memory_space<vmem>>
        %get3A_434 = arith.index_cast %scan3A_429 : i32 to index
        %get3A_435 = arith.constant 0 : index
        %get3A_436 = tpu.vector_load %get3A_433[%get3A_434, %get3A_435] {strides = array<i32>} : memref<128x32xi32, #tpu.memory_space<vmem>>, vector<1x16xi32>,
        %get3A_437 = vector.shape_cast %get3A_436 : vector<1x16xi32> to vector<16xi32>
        %shift_left3A_438 = arith.constant 16 : i32
        %shift_left3A_439 = vector.broadcast %shift_left3A_438 : i32 to vector<16xi32>
        %shift_left3A_440 = arith.shli %get3A_437, %shift_left3A_439 : vector<16xi32>
        %bitcast_convert_type3A_441 = tpu.bitcast %shift_left3A_440 : vector<16xi32> -> vector<16xf32>
        %and3A_442 = vector.broadcast %scan3A_171 : i32 to vector<16xi32>
        %and3A_443 = arith.andi %get3A_437, %and3A_442 : vector<16xi32>
        %bitcast_convert_type3A_444 = tpu.bitcast %and3A_443 : vector<16xi32> -> vector<16xf32>
        %get3A_445 = arith.constant 0 : i32
        %get3A_446 = arith.constant 0 : i32
        %get3A_447 = tpu.memref_slice %arg6[%scan3A_245, %get3A_445, %get3A_446] : memref<4x128x32xi32, #tpu.memory_space<vmem>> -> memref<1x128x32xi32, #tpu.memory_space<vmem>>
        %get3A_448 = tpu.memref_squeeze %get3A_447 : memref<1x128x32xi32, #tpu.memory_space<vmem>> -> memref<128x32xi32, #tpu.memory_space<vmem>>
        %get3A_449 = arith.index_cast %scan3A_429 : i32 to index
        %get3A_450 = arith.constant 0 : index
        %get3A_451 = tpu.vector_load %get3A_448[%get3A_449, %get3A_450] {strides = array<i32>} : memref<128x32xi32, #tpu.memory_space<vmem>>, vector<1x16xi32>,
        %get3A_452 = vector.shape_cast %get3A_451 : vector<1x16xi32> to vector<16xi32>
        %shift_left3A_453 = arith.constant 16 : i32
        %shift_left3A_454 = vector.broadcast %shift_left3A_453 : i32 to vector<16xi32>
        %shift_left3A_455 = arith.shli %get3A_452, %shift_left3A_454 : vector<16xi32>
        %bitcast_convert_type3A_456 = tpu.bitcast %shift_left3A_455 : vector<16xi32> -> vector<16xf32>
        %and3A_457 = vector.broadcast %scan3A_171 : i32 to vector<16xi32>
        %and3A_458 = arith.andi %get3A_452, %and3A_457 : vector<16xi32>
        %bitcast_convert_type3A_459 = tpu.bitcast %and3A_458 : vector<16xi32> -> vector<16xf32>
        %add3A_460 = arith.addf %bitcast_convert_type3A_441, %bitcast_convert_type3A_456 : vector<16xf32>
        %add3A_461 = arith.addf %bitcast_convert_type3A_444, %bitcast_convert_type3A_459 : vector<16xf32>
        %swap3A_462 = arith.index_cast %scan3A_429 : i32 to index
        %swap3A_463 = arith.constant 0 : index
        %swap3A_464 = tpu.vector_load %arg7[%swap3A_462, %swap3A_463] {strides = array<i32>} : memref<128x64xf32, #tpu.memory_space<vmem>>, vector<1x16xf32>,
        %swap3A_465 = vector.shape_cast %swap3A_464 : vector<1x16xf32> to vector<16xf32>
        %swap3A_466 = vector.shape_cast %add3A_460 : vector<16xf32> to vector<1x16xf32>
        tpu.vector_store %arg7[%swap3A_462, %swap3A_463], %swap3A_466 {add = true, strides = array<i32>} : memref<128x64xf32, #tpu.memory_space<vmem>>, vector<1x16xf32>,
        %swap3A_467 = arith.index_cast %scan3A_429 : i32 to index
        %swap3A_468 = arith.constant 32 : index
        %swap3A_469 = tpu.vector_load %arg7[%swap3A_467, %swap3A_468] {strides = array<i32>} : memref<128x64xf32, #tpu.memory_space<vmem>>, vector<1x16xf32>,
        %swap3A_470 = vector.shape_cast %swap3A_469 : vector<1x16xf32> to vector<16xf32>
        %swap3A_471 = vector.shape_cast %add3A_461 : vector<16xf32> to vector<1x16xf32>
        tpu.vector_store %arg7[%swap3A_467, %swap3A_468], %swap3A_471 {add = true, strides = array<i32>} : memref<128x64xf32, #tpu.memory_space<vmem>>, vector<1x16xf32>,
        %get3A_472 = arith.constant 0 : i32
        %get3A_473 = arith.constant 0 : i32
        %get3A_474 = tpu.memref_slice %arg6[%scan3A_244, %get3A_472, %get3A_473] : memref<4x128x32xi32, #tpu.memory_space<vmem>> -> memref<1x128x32xi32, #tpu.memory_space<vmem>>
        %get3A_475 = tpu.memref_squeeze %get3A_474 : memref<1x128x32xi32, #tpu.memory_space<vmem>> -> memref<128x32xi32, #tpu.memory_space<vmem>>
        %get3A_476 = arith.index_cast %scan3A_429 : i32 to index
        %get3A_477 = arith.constant 16 : index
        %get3A_478 = tpu.vector_load %get3A_475[%get3A_476, %get3A_477] {strides = array<i32>} : memref<128x32xi32, #tpu.memory_space<vmem>>, vector<1x16xi32>,
        %get3A_479 = vector.shape_cast %get3A_478 : vector<1x16xi32> to vector<16xi32>
        %shift_left3A_480 = arith.constant 16 : i32
        %shift_left3A_481 = vector.broadcast %shift_left3A_480 : i32 to vector<16xi32>
        %shift_left3A_482 = arith.shli %get3A_479, %shift_left3A_481 : vector<16xi32>
        %bitcast_convert_type3A_483 = tpu.bitcast %shift_left3A_482 : vector<16xi32> -> vector<16xf32>
        %and3A_484 = vector.broadcast %scan3A_171 : i32 to vector<16xi32>
        %and3A_485 = arith.andi %get3A_479, %and3A_484 : vector<16xi32>
        %bitcast_convert_type3A_486 = tpu.bitcast %and3A_485 : vector<16xi32> -> vector<16xf32>
        %get3A_487 = arith.constant 0 : i32
        %get3A_488 = arith.constant 0 : i32
        %get3A_489 = tpu.memref_slice %arg6[%scan3A_245, %get3A_487, %get3A_488] : memref<4x128x32xi32, #tpu.memory_space<vmem>> -> memref<1x128x32xi32, #tpu.memory_space<vmem>>
        %get3A_490 = tpu.memref_squeeze %get3A_489 : memref<1x128x32xi32, #tpu.memory_space<vmem>> -> memref<128x32xi32, #tpu.memory_space<vmem>>
        %get3A_491 = arith.index_cast %scan3A_429 : i32 to index
        %get3A_492 = arith.constant 16 : index
        %get3A_493 = tpu.vector_load %get3A_490[%get3A_491, %get3A_492] {strides = array<i32>} : memref<128x32xi32, #tpu.memory_space<vmem>>, vector<1x16xi32>,
        %get3A_494 = vector.shape_cast %get3A_493 : vector<1x16xi32> to vector<16xi32>
        %shift_left3A_495 = arith.constant 16 : i32
        %shift_left3A_496 = vector.broadcast %shift_left3A_495 : i32 to vector<16xi32>
        %shift_left3A_497 = arith.shli %get3A_494, %shift_left3A_496 : vector<16xi32>
        %bitcast_convert_type3A_498 = tpu.bitcast %shift_left3A_497 : vector<16xi32> -> vector<16xf32>
        %and3A_499 = vector.broadcast %scan3A_171 : i32 to vector<16xi32>
        %and3A_500 = arith.andi %get3A_494, %and3A_499 : vector<16xi32>
        %bitcast_convert_type3A_501 = tpu.bitcast %and3A_500 : vector<16xi32> -> vector<16xf32>
        %add3A_502 = arith.addf %bitcast_convert_type3A_483, %bitcast_convert_type3A_498 : vector<16xf32>
        %add3A_503 = arith.addf %bitcast_convert_type3A_486, %bitcast_convert_type3A_501 : vector<16xf32>
        %swap3A_504 = arith.index_cast %scan3A_429 : i32 to index
        %swap3A_505 = arith.constant 16 : index
        %swap3A_506 = tpu.vector_load %arg7[%swap3A_504, %swap3A_505] {strides = array<i32>} : memref<128x64xf32, #tpu.memory_space<vmem>>, vector<1x16xf32>,
        %swap3A_507 = vector.shape_cast %swap3A_506 : vector<1x16xf32> to vector<16xf32>
        %swap3A_508 = vector.shape_cast %add3A_502 : vector<16xf32> to vector<1x16xf32>
        tpu.vector_store %arg7[%swap3A_504, %swap3A_505], %swap3A_508 {add = true, strides = array<i32>} : memref<128x64xf32, #tpu.memory_space<vmem>>, vector<1x16xf32>,
        %swap3A_509 = arith.index_cast %scan3A_429 : i32 to index
        %swap3A_510 = arith.constant 48 : index
        %swap3A_511 = tpu.vector_load %arg7[%swap3A_509, %swap3A_510] {strides = array<i32>} : memref<128x64xf32, #tpu.memory_space<vmem>>, vector<1x16xf32>,
        %swap3A_512 = vector.shape_cast %swap3A_511 : vector<1x16xf32> to vector<16xf32>
        %swap3A_513 = vector.shape_cast %add3A_503 : vector<16xf32> to vector<1x16xf32>
        tpu.vector_store %arg7[%swap3A_509, %swap3A_510], %swap3A_513 {add = true, strides = array<i32>} : memref<128x64xf32, #tpu.memory_space<vmem>>, vector<1x16xf32>,
        %scan3A_514 = arith.constant 0 : i32
        %scan3A_515 = arith.constant 3 : i32
        %scan3A_516 = arith.addi %scan3A_259, %scan3A_515 : i32
        %get3A_517 = arith.constant 0 : i32
        %get3A_518 = arith.constant 0 : i32
        %get3A_519 = tpu.memref_slice %arg6[%scan3A_244, %get3A_517, %get3A_518] : memref<4x128x32xi32, #tpu.memory_space<vmem>> -> memref<1x128x32xi32, #tpu.memory_space<vmem>>
        %get3A_520 = tpu.memref_squeeze %get3A_519 : memref<1x128x32xi32, #tpu.memory_space<vmem>> -> memref<128x32xi32, #tpu.memory_space<vmem>>
        %get3A_521 = arith.index_cast %scan3A_516 : i32 to index
        %get3A_522 = arith.constant 0 : index
        %get3A_523 = tpu.vector_load %get3A_520[%get3A_521, %get3A_522] {strides = array<i32>} : memref<128x32xi32, #tpu.memory_space<vmem>>, vector<1x16xi32>,
        %get3A_524 = vector.shape_cast %get3A_523 : vector<1x16xi32> to vector<16xi32>
        %shift_left3A_525 = arith.constant 16 : i32
        %shift_left3A_526 = vector.broadcast %shift_left3A_525 : i32 to vector<16xi32>
        %shift_left3A_527 = arith.shli %get3A_524, %shift_left3A_526 : vector<16xi32>
        %bitcast_convert_type3A_528 = tpu.bitcast %shift_left3A_527 : vector<16xi32> -> vector<16xf32>
        %and3A_529 = vector.broadcast %scan3A_171 : i32 to vector<16xi32>
        %and3A_530 = arith.andi %get3A_524, %and3A_529 : vector<16xi32>
        %bitcast_convert_type3A_531 = tpu.bitcast %and3A_530 : vector<16xi32> -> vector<16xf32>
        %get3A_532 = arith.constant 0 : i32
        %get3A_533 = arith.constant 0 : i32
        %get3A_534 = tpu.memref_slice %arg6[%scan3A_245, %get3A_532, %get3A_533] : memref<4x128x32xi32, #tpu.memory_space<vmem>> -> memref<1x128x32xi32, #tpu.memory_space<vmem>>
        %get3A_535 = tpu.memref_squeeze %get3A_534 : memref<1x128x32xi32, #tpu.memory_space<vmem>> -> memref<128x32xi32, #tpu.memory_space<vmem>>
        %get3A_536 = arith.index_cast %scan3A_516 : i32 to index
        %get3A_537 = arith.constant 0 : index
        %get3A_538 = tpu.vector_load %get3A_535[%get3A_536, %get3A_537] {strides = array<i32>} : memref<128x32xi32, #tpu.memory_space<vmem>>, vector<1x16xi32>,
        %get3A_539 = vector.shape_cast %get3A_538 : vector<1x16xi32> to vector<16xi32>
        %shift_left3A_540 = arith.constant 16 : i32
        %shift_left3A_541 = vector.broadcast %shift_left3A_540 : i32 to vector<16xi32>
        %shift_left3A_542 = arith.shli %get3A_539, %shift_left3A_541 : vector<16xi32>
        %bitcast_convert_type3A_543 = tpu.bitcast %shift_left3A_542 : vector<16xi32> -> vector<16xf32>
        %and3A_544 = vector.broadcast %scan3A_171 : i32 to vector<16xi32>
        %and3A_545 = arith.andi %get3A_539, %and3A_544 : vector<16xi32>
        %bitcast_convert_type3A_546 = tpu.bitcast %and3A_545 : vector<16xi32> -> vector<16xf32>
        %add3A_547 = arith.addf %bitcast_convert_type3A_528, %bitcast_convert_type3A_543 : vector<16xf32>
        %add3A_548 = arith.addf %bitcast_convert_type3A_531, %bitcast_convert_type3A_546 : vector<16xf32>
        %swap3A_549 = arith.index_cast %scan3A_516 : i32 to index
        %swap3A_550 = arith.constant 0 : index
        %swap3A_551 = tpu.vector_load %arg7[%swap3A_549, %swap3A_550] {strides = array<i32>} : memref<128x64xf32, #tpu.memory_space<vmem>>, vector<1x16xf32>,
        %swap3A_552 = vector.shape_cast %swap3A_551 : vector<1x16xf32> to vector<16xf32>
        %swap3A_553 = vector.shape_cast %add3A_547 : vector<16xf32> to vector<1x16xf32>
        tpu.vector_store %arg7[%swap3A_549, %swap3A_550], %swap3A_553 {add = true, strides = array<i32>} : memref<128x64xf32, #tpu.memory_space<vmem>>, vector<1x16xf32>,
        %swap3A_554 = arith.index_cast %scan3A_516 : i32 to index
        %swap3A_555 = arith.constant 32 : index
        %swap3A_556 = tpu.vector_load %arg7[%swap3A_554, %swap3A_555] {strides = array<i32>} : memref<128x64xf32, #tpu.memory_space<vmem>>, vector<1x16xf32>,
        %swap3A_557 = vector.shape_cast %swap3A_556 : vector<1x16xf32> to vector<16xf32>
        %swap3A_558 = vector.shape_cast %add3A_548 : vector<16xf32> to vector<1x16xf32>
        tpu.vector_store %arg7[%swap3A_554, %swap3A_555], %swap3A_558 {add = true, strides = array<i32>} : memref<128x64xf32, #tpu.memory_space<vmem>>, vector<1x16xf32>,
        %get3A_559 = arith.constant 0 : i32
        %get3A_560 = arith.constant 0 : i32
        %get3A_561 = tpu.memref_slice %arg6[%scan3A_244, %get3A_559, %get3A_560] : memref<4x128x32xi32, #tpu.memory_space<vmem>> -> memref<1x128x32xi32, #tpu.memory_space<vmem>>
        %get3A_562 = tpu.memref_squeeze %get3A_561 : memref<1x128x32xi32, #tpu.memory_space<vmem>> -> memref<128x32xi32, #tpu.memory_space<vmem>>
        %get3A_563 = arith.index_cast %scan3A_516 : i32 to index
        %get3A_564 = arith.constant 16 : index
        %get3A_565 = tpu.vector_load %get3A_562[%get3A_563, %get3A_564] {strides = array<i32>} : memref<128x32xi32, #tpu.memory_space<vmem>>, vector<1x16xi32>,
        %get3A_566 = vector.shape_cast %get3A_565 : vector<1x16xi32> to vector<16xi32>
        %shift_left3A_567 = arith.constant 16 : i32
        %shift_left3A_568 = vector.broadcast %shift_left3A_567 : i32 to vector<16xi32>
        %shift_left3A_569 = arith.shli %get3A_566, %shift_left3A_568 : vector<16xi32>
        %bitcast_convert_type3A_570 = tpu.bitcast %shift_left3A_569 : vector<16xi32> -> vector<16xf32>
        %and3A_571 = vector.broadcast %scan3A_171 : i32 to vector<16xi32>
        %and3A_572 = arith.andi %get3A_566, %and3A_571 : vector<16xi32>
        %bitcast_convert_type3A_573 = tpu.bitcast %and3A_572 : vector<16xi32> -> vector<16xf32>
        %get3A_574 = arith.constant 0 : i32
        %get3A_575 = arith.constant 0 : i32
        %get3A_576 = tpu.memref_slice %arg6[%scan3A_245, %get3A_574, %get3A_575] : memref<4x128x32xi32, #tpu.memory_space<vmem>> -> memref<1x128x32xi32, #tpu.memory_space<vmem>>
        %get3A_577 = tpu.memref_squeeze %get3A_576 : memref<1x128x32xi32, #tpu.memory_space<vmem>> -> memref<128x32xi32, #tpu.memory_space<vmem>>
        %get3A_578 = arith.index_cast %scan3A_516 : i32 to index
        %get3A_579 = arith.constant 16 : index
        %get3A_580 = tpu.vector_load %get3A_577[%get3A_578, %get3A_579] {strides = array<i32>} : memref<128x32xi32, #tpu.memory_space<vmem>>, vector<1x16xi32>,
        %get3A_581 = vector.shape_cast %get3A_580 : vector<1x16xi32> to vector<16xi32>
        %shift_left3A_582 = arith.constant 16 : i32
        %shift_left3A_583 = vector.broadcast %shift_left3A_582 : i32 to vector<16xi32>
        %shift_left3A_584 = arith.shli %get3A_581, %shift_left3A_583 : vector<16xi32>
        %bitcast_convert_type3A_585 = tpu.bitcast %shift_left3A_584 : vector<16xi32> -> vector<16xf32>
        %and3A_586 = vector.broadcast %scan3A_171 : i32 to vector<16xi32>
        %and3A_587 = arith.andi %get3A_581, %and3A_586 : vector<16xi32>
        %bitcast_convert_type3A_588 = tpu.bitcast %and3A_587 : vector<16xi32> -> vector<16xf32>
        %add3A_589 = arith.addf %bitcast_convert_type3A_570, %bitcast_convert_type3A_585 : vector<16xf32>
        %add3A_590 = arith.addf %bitcast_convert_type3A_573, %bitcast_convert_type3A_588 : vector<16xf32>
        %swap3A_591 = arith.index_cast %scan3A_516 : i32 to index
        %swap3A_592 = arith.constant 16 : index
        %swap3A_593 = tpu.vector_load %arg7[%swap3A_591, %swap3A_592] {strides = array<i32>} : memref<128x64xf32, #tpu.memory_space<vmem>>, vector<1x16xf32>,
        %swap3A_594 = vector.shape_cast %swap3A_593 : vector<1x16xf32> to vector<16xf32>
        %swap3A_595 = vector.shape_cast %add3A_589 : vector<16xf32> to vector<1x16xf32>
        tpu.vector_store %arg7[%swap3A_591, %swap3A_592], %swap3A_595 {add = true, strides = array<i32>} : memref<128x64xf32, #tpu.memory_space<vmem>>, vector<1x16xf32>,
        %swap3A_596 = arith.index_cast %scan3A_516 : i32 to index
        %swap3A_597 = arith.constant 48 : index
        %swap3A_598 = tpu.vector_load %arg7[%swap3A_596, %swap3A_597] {strides = array<i32>} : memref<128x64xf32, #tpu.memory_space<vmem>>, vector<1x16xf32>,
        %swap3A_599 = vector.shape_cast %swap3A_598 : vector<1x16xf32> to vector<16xf32>
        %swap3A_600 = vector.shape_cast %add3A_590 : vector<16xf32> to vector<1x16xf32>
        tpu.vector_store %arg7[%swap3A_596, %swap3A_597], %swap3A_600 {add = true, strides = array<i32>} : memref<128x64xf32, #tpu.memory_space<vmem>>, vector<1x16xf32>,
        %scan3A_601 = arith.constant 0 : i32
        scf.yield %scan3A_601 : i32
      }
      %scan3A_252 = arith.constant 128 : i32
      %lt3A_253 = arith.constant 49 : i32
      %lt3A_254 = arith.cmpi slt, %scan3A_179, %lt3A_253 : i32
      %convert_element_type3A_255 = arith.extui %lt3A_254 : i1 to i32
      %cond3A_256 = arith.constant 0 : i32
      %cond3A_257 = arith.cmpi ne, %convert_element_type3A_255, %cond3A_256 : i32
      scf.if %cond3A_257 {
        %add3A_259 = arith.constant 6 : i32
        %add3A_260 = arith.addi %mul3A_182, %add3A_259 : i32
        %dma_start3A_261 = arith.constant 2 : i32
        %dma_start3A_262 = arith.constant 0 : i32
        %dma_start3A_263 = arith.constant 0 : i32
        %dma_start3A_264 = tpu.memref_slice %arg6[%dma_start3A_261, %dma_start3A_262, %dma_start3A_263] : memref<4x128x32xi32, #tpu.memory_space<vmem>> -> memref<1x128x32xi32, #tpu.memory_space<vmem>>
        %dma_start3A_265 = tpu.memref_squeeze %dma_start3A_264 : memref<1x128x32xi32, #tpu.memory_space<vmem>> -> memref<128x32xi32, #tpu.memory_space<vmem>>
        %dma_start3A_266 = arith.constant 0 : i32
        %dma_start3A_267 = tpu.memref_slice %arg5[%add3A_260, %dma_start3A_266] : memref<200x128xi32, #tpu.memory_space<vmem>> -> memref<1x128xi32, #tpu.memory_space<vmem>>
        %dma_start3A_268 = tpu.memref_squeeze %dma_start3A_267 : memref<1x128xi32, #tpu.memory_space<vmem>> -> memref<128xi32, #tpu.memory_space<vmem>>
        %dma_start3A_269 = arith.constant 0 : i32
        %dma_start3A_270 = arith.constant 0 : i32
        %dma_start3A_271 = tpu.memref_slice %arg3[%dma_start3A_269, %dma_start3A_270] : memref<1007616x32xi32, #tpu.memory_space<hbm>> -> memref<1007616x32xi32, #tpu.memory_space<hbm>>
        tpu.enqueue_indirect_dma source(%dma_start3A_271 : memref<1007616x32xi32, #tpu.memory_space<hbm>>) target(%dma_start3A_265 : memref<128x32xi32, #tpu.memory_space<vmem>>) offsets(%dma_start3A_268 : memref<128xi32, #tpu.memory_space<vmem>>) semaphore(%arg10 : memref<!tpu.dma_semaphore, #tpu.memory_space<semaphore_mem>>)
        %add3A_272 = arith.constant 7 : i32
        %add3A_273 = arith.addi %mul3A_182, %add3A_272 : i32
        %dma_start3A_274 = arith.constant 3 : i32
        %dma_start3A_275 = arith.constant 0 : i32
        %dma_start3A_276 = arith.constant 0 : i32
        %dma_start3A_277 = tpu.memref_slice %arg6[%dma_start3A_274, %dma_start3A_275, %dma_start3A_276] : memref<4x128x32xi32, #tpu.memory_space<vmem>> -> memref<1x128x32xi32, #tpu.memory_space<vmem>>
        %dma_start3A_278 = tpu.memref_squeeze %dma_start3A_277 : memref<1x128x32xi32, #tpu.memory_space<vmem>> -> memref<128x32xi32, #tpu.memory_space<vmem>>
        %dma_start3A_279 = arith.constant 0 : i32
        %dma_start3A_280 = tpu.memref_slice %arg5[%add3A_273, %dma_start3A_279] : memref<200x128xi32, #tpu.memory_space<vmem>> -> memref<1x128xi32, #tpu.memory_space<vmem>>
        %dma_start3A_281 = tpu.memref_squeeze %dma_start3A_280 : memref<1x128xi32, #tpu.memory_space<vmem>> -> memref<128xi32, #tpu.memory_space<vmem>>
        %dma_start3A_282 = arith.constant 0 : i32
        %dma_start3A_283 = arith.constant 0 : i32
        %dma_start3A_284 = tpu.memref_slice %arg3[%dma_start3A_282, %dma_start3A_283] : memref<1007616x32xi32, #tpu.memory_space<hbm>> -> memref<1007616x32xi32, #tpu.memory_space<hbm>>
        tpu.enqueue_indirect_dma source(%dma_start3A_284 : memref<1007616x32xi32, #tpu.memory_space<hbm>>) target(%dma_start3A_278 : memref<128x32xi32, #tpu.memory_space<vmem>>) offsets(%dma_start3A_281 : memref<128xi32, #tpu.memory_space<vmem>>) semaphore(%arg11 : memref<!tpu.dma_semaphore, #tpu.memory_space<semaphore_mem>>)
      } else {
      }
      %scan3A_258 = arith.constant 0 : i32
      scf.yield %scan3A_258 : i32
    }
    %scan3A_178 = arith.constant 49 : i32
    "tpu.region"() ({
      %run_scoped3A = tpu.sem_alloc : memref<!tpu.dma_semaphore, #tpu.memory_space<semaphore_mem>>
      %dma_start3A_179 = arith.constant 0 : i32
      %dma_start3A_180 = tpu.memref_slice %arg4[%mul3A_2, %dma_start3A_179] : memref<4096x64xf32, #tpu.memory_space<hbm>> -> memref<128x64xf32, #tpu.memory_space<hbm>>
      %dma_start3A_181 = arith.constant 0 : i32
      %dma_start3A_182 = tpu.memref_slice %arg4[%mul3A_2, %dma_start3A_181] : memref<4096x64xf32, #tpu.memory_space<hbm>> -> memref<128x64xf32, #tpu.memory_space<hbm>>
      tpu.enqueue_dma source(%arg7 : memref<128x64xf32, #tpu.memory_space<vmem>>) target(%dma_start3A_182 : memref<128x64xf32, #tpu.memory_space<hbm>>) target_semaphore(%run_scoped3A : memref<!tpu.dma_semaphore, #tpu.memory_space<semaphore_mem>>)
      %dma_wait3A_183 = arith.constant 0 : i32
      %dma_wait3A_184 = tpu.memref_slice %arg4[%mul3A_2, %dma_wait3A_183] : memref<4096x64xf32, #tpu.memory_space<hbm>> -> memref<128x64xf32, #tpu.memory_space<hbm>>
      %dma_wait3A_185 = arith.constant 0 : i32
      %dma_wait3A_186 = tpu.memref_slice %arg4[%mul3A_2, %dma_wait3A_185] : memref<4096x64xf32, #tpu.memory_space<hbm>> -> memref<128x64xf32, #tpu.memory_space<hbm>>
      tpu.wait_dma2 semaphore(%run_scoped3A : memref<!tpu.dma_semaphore, #tpu.memory_space<semaphore_mem>>) src(%arg7 : memref<128x64xf32, #tpu.memory_space<vmem>>) dst(%dma_wait3A_186 : memref<128x64xf32, #tpu.memory_space<hbm>>)
      tpu.yield
    }) : () -> ()
    return
  }
}

module attributes {stable_mosaic.version = 14 : i64} {
  func.func @body(%arg0: i32, %arg1: memref<64x2048xf32, #tpu.memory_space<vmem>>, %arg2: memref<64x2048xf32, #tpu.memory_space<vmem>>, %arg3: memref<64x2048xf32, #tpu.memory_space<vmem>>, %arg4: memref<64x2048xf32, #tpu.memory_space<vmem>>, %arg5: memref<2048x128xi32, #tpu.memory_space<vmem>>) attributes {dimension_semantics = [#tpu.dimension_semantics<arbitrary>], iteration_bounds = array<i64: 123>, scalar_prefetch = 0 : i64, scratch_operands = 0 : i64, tpu.core_type = #tpu.core_type<tc>, window_params = [{transform_indices = @transform_0, window_bounds = array<i64: 64, 2048>}, {transform_indices = @transform_1, window_bounds = array<i64: 64, 2048>}, {transform_indices = @transform_2, window_bounds = array<i64: 64, 2048>}, {transform_indices = @transform_3, window_bounds = array<i64: 64, 2048>}, {transform_indices = @transform_4, window_bounds = array<i64: 2048, 128>}]} {
    %iota3A = tpu.iota {dimensions = array<i32: 0>} : vector<64x64xi32>
    %iota3A_0 = tpu.iota {dimensions = array<i32: 1>} : vector<64x64xi32>
    %eq3A = arith.cmpi eq, %iota3A, %iota3A_0 : vector<64x64xi32>
    %convert_element_type3A = arith.extui %eq3A : vector<64x64xi1> to vector<64x64xi32>
    %convert_element_type3A_1 = arith.sitofp %convert_element_type3A : vector<64x64xi32> to vector<64x64xf32>
    %get3A = arith.constant 0 : index
    %get3A_2 = arith.constant 0 : index
    %get3A_3 = vector.load %arg1[%get3A, %get3A_2] : memref<64x2048xf32, #tpu.memory_space<vmem>>, vector<64x2048xf32>
    %dot_general3A = arith.constant dense<0.000000e+00> : vector<2048x64xf32>
    %dot_general3A_4 = tpu.matmul %get3A_3, %convert_element_type3A_1, %dot_general3A {dimension_numbers = #tpu.dot_dimension_numbers<[0], [0], [1], [1], [0, 1, 1, 1], [], []>, transpose_lhs_hint = false} : vector<64x2048xf32>, vector<64x64xf32>, vector<2048x64xf32> -> vector<2048x64xf32>
    %bitcast_convert_type3A = tpu.bitcast %dot_general3A_4 : vector<2048x64xf32> -> vector<2048x64xi32>
    %slice3A = vector.extract_strided_slice %bitcast_convert_type3A {offsets = [0, 0], sizes = [2048, 32], strides = [1, 1]} : vector<2048x64xi32> to vector<2048x32xi32>
    %add3A = arith.constant 32768 : i32
    %add3A_5 = vector.broadcast %add3A : i32 to vector<2048x32xi32>
    %add3A_6 = arith.addi %slice3A, %add3A_5 : vector<2048x32xi32>
    %shift_right_logical3A = arith.constant 16 : i32
    %shift_right_logical3A_7 = vector.broadcast %shift_right_logical3A : i32 to vector<2048x32xi32>
    %shift_right_logical3A_8 = arith.shrui %add3A_6, %shift_right_logical3A_7 : vector<2048x32xi32>
    %slice3A_9 = vector.extract_strided_slice %bitcast_convert_type3A {offsets = [0, 32], sizes = [2048, 32], strides = [1, 1]} : vector<2048x64xi32> to vector<2048x32xi32>
    %add3A_10 = arith.constant 32768 : i32
    %add3A_11 = vector.broadcast %add3A_10 : i32 to vector<2048x32xi32>
    %add3A_12 = arith.addi %slice3A_9, %add3A_11 : vector<2048x32xi32>
    %and3A = arith.constant -65536 : i32
    %and3A_13 = vector.broadcast %and3A : i32 to vector<2048x32xi32>
    %and3A_14 = arith.andi %add3A_12, %and3A_13 : vector<2048x32xi32>
    %or3A = arith.ori %shift_right_logical3A_8, %and3A_14 : vector<2048x32xi32>
    %bitcast_convert_type3A_15 = tpu.bitcast %or3A : vector<2048x32xi32> -> vector<2048x32xi32>
    %get3A_16 = arith.constant 0 : index
    %get3A_17 = arith.constant 0 : index
    %get3A_18 = vector.load %arg2[%get3A_16, %get3A_17] : memref<64x2048xf32, #tpu.memory_space<vmem>>, vector<64x2048xf32>
    %dot_general3A_19 = arith.constant dense<0.000000e+00> : vector<2048x64xf32>
    %dot_general3A_20 = tpu.matmul %get3A_18, %convert_element_type3A_1, %dot_general3A_19 {dimension_numbers = #tpu.dot_dimension_numbers<[0], [0], [1], [1], [0, 1, 1, 1], [], []>, transpose_lhs_hint = false} : vector<64x2048xf32>, vector<64x64xf32>, vector<2048x64xf32> -> vector<2048x64xf32>
    %bitcast_convert_type3A_21 = tpu.bitcast %dot_general3A_20 : vector<2048x64xf32> -> vector<2048x64xi32>
    %slice3A_22 = vector.extract_strided_slice %bitcast_convert_type3A_21 {offsets = [0, 0], sizes = [2048, 32], strides = [1, 1]} : vector<2048x64xi32> to vector<2048x32xi32>
    %add3A_23 = arith.constant 32768 : i32
    %add3A_24 = vector.broadcast %add3A_23 : i32 to vector<2048x32xi32>
    %add3A_25 = arith.addi %slice3A_22, %add3A_24 : vector<2048x32xi32>
    %shift_right_logical3A_26 = arith.constant 16 : i32
    %shift_right_logical3A_27 = vector.broadcast %shift_right_logical3A_26 : i32 to vector<2048x32xi32>
    %shift_right_logical3A_28 = arith.shrui %add3A_25, %shift_right_logical3A_27 : vector<2048x32xi32>
    %slice3A_29 = vector.extract_strided_slice %bitcast_convert_type3A_21 {offsets = [0, 32], sizes = [2048, 32], strides = [1, 1]} : vector<2048x64xi32> to vector<2048x32xi32>
    %add3A_30 = arith.constant 32768 : i32
    %add3A_31 = vector.broadcast %add3A_30 : i32 to vector<2048x32xi32>
    %add3A_32 = arith.addi %slice3A_29, %add3A_31 : vector<2048x32xi32>
    %and3A_33 = arith.constant -65536 : i32
    %and3A_34 = vector.broadcast %and3A_33 : i32 to vector<2048x32xi32>
    %and3A_35 = arith.andi %add3A_32, %and3A_34 : vector<2048x32xi32>
    %or3A_36 = arith.ori %shift_right_logical3A_28, %and3A_35 : vector<2048x32xi32>
    %bitcast_convert_type3A_37 = tpu.bitcast %or3A_36 : vector<2048x32xi32> -> vector<2048x32xi32>
    %get3A_38 = arith.constant 0 : index
    %get3A_39 = arith.constant 0 : index
    %get3A_40 = vector.load %arg3[%get3A_38, %get3A_39] : memref<64x2048xf32, #tpu.memory_space<vmem>>, vector<64x2048xf32>
    %dot_general3A_41 = arith.constant dense<0.000000e+00> : vector<2048x64xf32>
    %dot_general3A_42 = tpu.matmul %get3A_40, %convert_element_type3A_1, %dot_general3A_41 {dimension_numbers = #tpu.dot_dimension_numbers<[0], [0], [1], [1], [0, 1, 1, 1], [], []>, transpose_lhs_hint = false} : vector<64x2048xf32>, vector<64x64xf32>, vector<2048x64xf32> -> vector<2048x64xf32>
    %bitcast_convert_type3A_43 = tpu.bitcast %dot_general3A_42 : vector<2048x64xf32> -> vector<2048x64xi32>
    %slice3A_44 = vector.extract_strided_slice %bitcast_convert_type3A_43 {offsets = [0, 0], sizes = [2048, 32], strides = [1, 1]} : vector<2048x64xi32> to vector<2048x32xi32>
    %add3A_45 = arith.constant 32768 : i32
    %add3A_46 = vector.broadcast %add3A_45 : i32 to vector<2048x32xi32>
    %add3A_47 = arith.addi %slice3A_44, %add3A_46 : vector<2048x32xi32>
    %shift_right_logical3A_48 = arith.constant 16 : i32
    %shift_right_logical3A_49 = vector.broadcast %shift_right_logical3A_48 : i32 to vector<2048x32xi32>
    %shift_right_logical3A_50 = arith.shrui %add3A_47, %shift_right_logical3A_49 : vector<2048x32xi32>
    %slice3A_51 = vector.extract_strided_slice %bitcast_convert_type3A_43 {offsets = [0, 32], sizes = [2048, 32], strides = [1, 1]} : vector<2048x64xi32> to vector<2048x32xi32>
    %add3A_52 = arith.constant 32768 : i32
    %add3A_53 = vector.broadcast %add3A_52 : i32 to vector<2048x32xi32>
    %add3A_54 = arith.addi %slice3A_51, %add3A_53 : vector<2048x32xi32>
    %and3A_55 = arith.constant -65536 : i32
    %and3A_56 = vector.broadcast %and3A_55 : i32 to vector<2048x32xi32>
    %and3A_57 = arith.andi %add3A_54, %and3A_56 : vector<2048x32xi32>
    %or3A_58 = arith.ori %shift_right_logical3A_50, %and3A_57 : vector<2048x32xi32>
    %bitcast_convert_type3A_59 = tpu.bitcast %or3A_58 : vector<2048x32xi32> -> vector<2048x32xi32>
    %get3A_60 = arith.constant 0 : index
    %get3A_61 = arith.constant 0 : index
    %get3A_62 = vector.load %arg4[%get3A_60, %get3A_61] : memref<64x2048xf32, #tpu.memory_space<vmem>>, vector<64x2048xf32>
    %dot_general3A_63 = arith.constant dense<0.000000e+00> : vector<2048x64xf32>
    %dot_general3A_64 = tpu.matmul %get3A_62, %convert_element_type3A_1, %dot_general3A_63 {dimension_numbers = #tpu.dot_dimension_numbers<[0], [0], [1], [1], [0, 1, 1, 1], [], []>, transpose_lhs_hint = false} : vector<64x2048xf32>, vector<64x64xf32>, vector<2048x64xf32> -> vector<2048x64xf32>
    %bitcast_convert_type3A_65 = tpu.bitcast %dot_general3A_64 : vector<2048x64xf32> -> vector<2048x64xi32>
    %slice3A_66 = vector.extract_strided_slice %bitcast_convert_type3A_65 {offsets = [0, 0], sizes = [2048, 32], strides = [1, 1]} : vector<2048x64xi32> to vector<2048x32xi32>
    %add3A_67 = arith.constant 32768 : i32
    %add3A_68 = vector.broadcast %add3A_67 : i32 to vector<2048x32xi32>
    %add3A_69 = arith.addi %slice3A_66, %add3A_68 : vector<2048x32xi32>
    %shift_right_logical3A_70 = arith.constant 16 : i32
    %shift_right_logical3A_71 = vector.broadcast %shift_right_logical3A_70 : i32 to vector<2048x32xi32>
    %shift_right_logical3A_72 = arith.shrui %add3A_69, %shift_right_logical3A_71 : vector<2048x32xi32>
    %slice3A_73 = vector.extract_strided_slice %bitcast_convert_type3A_65 {offsets = [0, 32], sizes = [2048, 32], strides = [1, 1]} : vector<2048x64xi32> to vector<2048x32xi32>
    %add3A_74 = arith.constant 32768 : i32
    %add3A_75 = vector.broadcast %add3A_74 : i32 to vector<2048x32xi32>
    %add3A_76 = arith.addi %slice3A_73, %add3A_75 : vector<2048x32xi32>
    %and3A_77 = arith.constant -65536 : i32
    %and3A_78 = vector.broadcast %and3A_77 : i32 to vector<2048x32xi32>
    %and3A_79 = arith.andi %add3A_76, %and3A_78 : vector<2048x32xi32>
    %or3A_80 = arith.ori %shift_right_logical3A_72, %and3A_79 : vector<2048x32xi32>
    %bitcast_convert_type3A_81 = tpu.bitcast %or3A_80 : vector<2048x32xi32> -> vector<2048x32xi32>
    %concatenate3A = tpu.concatenate %bitcast_convert_type3A_15, %bitcast_convert_type3A_37, %bitcast_convert_type3A_59, %bitcast_convert_type3A_81 in 1 : vector<2048x32xi32>, vector<2048x32xi32>, vector<2048x32xi32>, vector<2048x32xi32> -> vector<2048x128xi32>
    %swap3A = arith.constant 0 : index
    %swap3A_82 = arith.constant 0 : index
    %swap3A_83 = vector.load %arg5[%swap3A, %swap3A_82] : memref<2048x128xi32, #tpu.memory_space<vmem>>, vector<2048x128xi32>
    tpu.vector_store %arg5[%swap3A, %swap3A_82], %concatenate3A {strides = array<i32>} : memref<2048x128xi32, #tpu.memory_space<vmem>>, vector<2048x128xi32>,
    return
  }
  func.func @transform_0(%arg0: i32) -> (i32, i32) {
    %mul3A = arith.constant 4 : i32
    %mul3A_0 = arith.muli %mul3A, %arg0 : i32
    %add3A = arith.constant 0 : i32
    %add3A_1 = arith.addi %mul3A_0, %add3A : i32
    %min3A = arith.constant 488 : i32
    %min3A_2 = arith.minsi %add3A_1, %min3A : i32
    %c0_i32 = arith.constant 0 : i32
    %c0_i32_3 = arith.constant 0 : i32
    return %c0_i32, %min3A_2 : i32, i32
  }
  func.func @transform_1(%arg0: i32) -> (i32, i32) {
    %mul3A = arith.constant 4 : i32
    %mul3A_0 = arith.muli %mul3A, %arg0 : i32
    %add3A = arith.constant 1 : i32
    %add3A_1 = arith.addi %mul3A_0, %add3A : i32
    %min3A = arith.constant 488 : i32
    %min3A_2 = arith.minsi %add3A_1, %min3A : i32
    %c0_i32 = arith.constant 0 : i32
    %c0_i32_3 = arith.constant 0 : i32
    return %c0_i32, %min3A_2 : i32, i32
  }
  func.func @transform_2(%arg0: i32) -> (i32, i32) {
    %mul3A = arith.constant 4 : i32
    %mul3A_0 = arith.muli %mul3A, %arg0 : i32
    %add3A = arith.constant 2 : i32
    %add3A_1 = arith.addi %mul3A_0, %add3A : i32
    %min3A = arith.constant 488 : i32
    %min3A_2 = arith.minsi %add3A_1, %min3A : i32
    %c0_i32 = arith.constant 0 : i32
    %c0_i32_3 = arith.constant 0 : i32
    return %c0_i32, %min3A_2 : i32, i32
  }
  func.func @transform_3(%arg0: i32) -> (i32, i32) {
    %mul3A = arith.constant 4 : i32
    %mul3A_0 = arith.muli %mul3A, %arg0 : i32
    %add3A = arith.constant 3 : i32
    %add3A_1 = arith.addi %mul3A_0, %add3A : i32
    %min3A = arith.constant 488 : i32
    %min3A_2 = arith.minsi %add3A_1, %min3A : i32
    %c0_i32 = arith.constant 0 : i32
    %c0_i32_3 = arith.constant 0 : i32
    return %c0_i32, %min3A_2 : i32, i32
  }
  func.func @transform_4(%arg0: i32) -> (i32, i32) {
    %c0_i32 = arith.constant 0 : i32
    %c0_i32_0 = arith.constant 0 : i32
    return %arg0, %c0_i32 : i32, i32
  }
}

module attributes {stable_mosaic.version = 14 : i64} {
  func.func @body(%arg0: memref<4096x64xf32, #tpu.memory_space<vmem>>, %arg1: memref<20x64xf32, #tpu.memory_space<vmem>>, %arg2: memref<1x20xf32, #tpu.memory_space<vmem>>, %arg3: memref<4096x20xf32, #tpu.memory_space<vmem>>) attributes {dimension_semantics = [], scalar_prefetch = 0 : i64, scratch_operands = 0 : i64, tpu.core_type = #tpu.core_type<tc>} {
    %get3A = arith.constant 0 : index
    %get3A_0 = arith.constant 0 : index
    %get3A_1 = vector.load %arg0[%get3A, %get3A_0] : memref<4096x64xf32, #tpu.memory_space<vmem>>, vector<4096x64xf32>
    %mul3A = arith.constant 5.000000e-03 : f32
    %mul3A_2 = vector.broadcast %mul3A : f32 to vector<4096x64xf32>
    %mul3A_3 = arith.mulf %get3A_1, %mul3A_2 : vector<4096x64xf32>
    %get3A_4 = arith.constant 0 : index
    %get3A_5 = arith.constant 0 : index
    %get3A_6 = vector.load %arg1[%get3A_4, %get3A_5] : memref<20x64xf32, #tpu.memory_space<vmem>>, vector<20x64xf32>
    %dot_general3A = arith.constant dense<0.000000e+00> : vector<4096x20xf32>
    %dot_general3A_7 = tpu.matmul %mul3A_3, %get3A_6, %dot_general3A {dimension_numbers = #tpu.dot_dimension_numbers<[1], [1], [0], [0], [0, 0, 1, 0], [], []>, transpose_lhs_hint = false} : vector<4096x64xf32>, vector<20x64xf32>, vector<4096x20xf32> -> vector<4096x20xf32>
    %get3A_8 = arith.constant 0 : index
    %get3A_9 = arith.constant 0 : index
    %get3A_10 = vector.load %arg2[%get3A_8, %get3A_9] : memref<1x20xf32, #tpu.memory_space<vmem>>, vector<1x20xf32>
    %add3A = vector.broadcast %get3A_10 : vector<1x20xf32> to vector<4096x20xf32>
    %add3A_11 = arith.addf %dot_general3A_7, %add3A : vector<4096x20xf32>
    %swap3A = arith.constant 0 : index
    %swap3A_12 = arith.constant 0 : index
    %swap3A_13 = vector.load %arg3[%swap3A, %swap3A_12] : memref<4096x20xf32, #tpu.memory_space<vmem>>, vector<4096x20xf32>
    tpu.vector_store %arg3[%swap3A, %swap3A_12], %add3A_11 {strides = array<i32>} : memref<4096x20xf32, #tpu.memory_space<vmem>>, vector<4096x20xf32>,
    return
  }
}

</mosaic_0001>

<sc_bundles>
// kernel: kernel.5.cloned.1.call-start
scs
__scs_entry_jumppad:
0x0: {  	(pc) =	sbr.rel $0x88, $3  }
0x1: {  	(tag) =	ssettag $0x0;
	lr =	simm.s32 $0x1  }
0x2: {  	[smem:$0x3F9D] =	sst lr;
	_ =	strace $0xD0000000  }
0x3: {  	_ = 	snop  }
0x4: {  	_ = 	snop  }
0x5: {  	_ = 	snop  }
0x6: {  	_ = 	snop  }
0x7: {  	_ = 	snop  }
__scs_overlays_trampoline_lowered:
0x8: {  	[smem:$0x3FAC] =	sst s0  }
0x9: {  	[smem:$0x3FAD] =	sst s1  }
0xa: {  	[smem:$0x3FAE] =	sst s2  }
0xb: {  	[smem:$0x3FAF] =	sst s3  }
0xc: {  	[smem:$0x3FB0] =	sst s4  }
0xd: {  	[smem:$0x3FB1] =	sst s5  }
0xe: {  	[smem:$0x3FB2] =	sst s6  }
0xf: {  	[smem:$0x3FB3] =	sst s7  }
0x10: {  	[smem:$0x3FB4] =	sst s8  }
0x11: {  	[smem:$0x3FB5] =	sst s9;
	s0 =	simm.s32 @!p0 $0x0  }
0x12: {  	s1 =	sld [smem:$0x3F9B];
	s0 =	simm.s32 @p0 $0x1  }
0x13: {  	[smem:$0x3FB6] =	sst s0;
	s0 =	simm.s32 @!p1 $0x0  }
0x14: {  	s2 =	sld [smem:$0x3F9A];
	s0 =	simm.s32 @p1 $0x1  }
0x15: {  	[smem:$0x3FB7] =	sst s0;
	s0 =	simm.s32 @!p2 $0x0  }
0x16: {  	s3 =	sld [smem:$0x3FDB];
	s0 =	simm.s32 @p2 $0x1  }
0x17: {  	s4 =	simm.s32 $0x1BF5;
	[smem:$0x3FB9] =	sst s0  }
0x18: {  	s0 =	sld [smem:$0x3F9C];
	_ =	swait.ge [sflag:s4], $0x0  }
0x19: {  	s7 =	sld [smem:$0x3F9D]  }
0x1a: {  	s8 =	sadd.s32 $0xFFFFE003, lr  }
0x1b: {  	s9 =	sadd.s32 $0xFFFFFEF7, lr;
	s5 =	simm.s32 $0xFFFFFFFF;
	p2 =	slt.u32 s8, $0xFFFFF086  }
0x1c: {  	p1 =	slt.u32 s9, $0xF7A;
	s5 =	simm.s32 @!p2 $0x0  }
0x1d: {  	s5 =	simm.s32 @p1 $0x1;
	p0 =	seq.s32 s7, s2  }
0x1e: {  	s7 =	smul.u32 @!p0 $0xF7A, s2;
	p2 =	seq.s32 @!p0 s5, $0x0  }
0x1f: {  	s9 =	smul.u32 $0xF7A, s1;
	s8 =	simm.s32 @!p0 $0x1BF5;
	p2 =	por !p2, p0  }
0x20: {  	[sflag:s8] =	ssyncset.s32 @!p0 $0xFFFFF086;
	s6 =	sadd.s32 @!p0 s3, s7;
	s7 =	simm.s32 @!p0 $0x108  }
0x21: {  	s3 =	sadd.s32 s3, s9;
	s6 =	sadd.s32 @!p0 $0x88, s6;
	s7 =	simm.s32 @p2 $0x1082  }
0x22: {  	[simem:s7], [sflag:s8] =	dma.local @!p0 [hbm:s6], $0xF7A  }
0x23: {  	s9 =	sor.u32 $0xD0000000, s2;
	s6 =	simm.s32 $0x108;
	_ =	swait.ge @!p0 [sflag:s8], $0x0  }
0x24: {  	s3 =	sadd.s32 $0x88, s3;
	s6 =	simm.s32 @!p1 $0x1082;
	[sflag:s4] =	ssyncset.s32 $0xFFFFF086  }
0x25: {  	[simem:s6], [sflag:s4] =	dma.local [hbm:s3], $0xF7A  }
0x26: {  	[smem:$0x3F9D] =	sst s1;
	(tag) =	ssettag s2;
	_ =	strace s9  }
0x27: {  	s1 =	sld [smem:$0x3FAD]  }
0x28: {  	s2 =	sld [smem:$0x3FAE]  }
0x29: {  	s4 =	sld [smem:$0x3FB0]  }
0x2a: {  	p0 =	seq.s32 s5, $0x0;
	s5 =	sld [smem:$0x3FB1]  }
0x2b: {  	s6 =	sld [smem:$0x3FB2]  }
0x2c: {  	s7 =	sld [smem:$0x3FB3]  }
0x2d: {  	s3 =	simm.s32 $0x108;
	s8 =	sld [smem:$0x3FB4]  }
0x2e: {  	s3 =	simm.s32 @!p0 $0x1082;
	s9 =	sld [smem:$0x3FB5]  }
0x2f: {  	lr =	sadd.s32 s0, s3;
	s0 =	sld [smem:$0x3FAC]  }
0x30: {  	s3 =	sld [smem:$0x3FAF]  }
0x31: {  	[smem:$0x3FB8] =	sst s10  }
0x32: {  	s10 =	sld [smem:$0x3FB6];
	_ =	sdelay $0x3  }
0x33: {  	p0 =	seq.s32 s10, $0x1;
	s10 =	sld [smem:$0x3FB8];
	_ =	sdelay $0x3  }
0x34: {  	[smem:$0x3FB8] =	sst s10  }
0x35: {  	s10 =	sld [smem:$0x3FB7];
	_ =	sdelay $0x3  }
0x36: {  	p1 =	seq.s32 s10, $0x1;
	s10 =	sld [smem:$0x3FB8];
	_ =	sdelay $0x3  }
0x37: {  	[smem:$0x3FB8] =	sst s10  }
0x38: {  	s10 =	sld [smem:$0x3FB9]  }
0x39: {  	_ = 	snop;
	(pc) =	sbr.ind lr, $3  }
0x3a: {  	_ = 	snop  }
0x3b: {  	_ = 	snop  }
0x3c: {  	p2 =	seq.s32 s10, $0x1;
	s10 =	sld [smem:$0x3FB8]  }
0x3d: {  	_ =	shalt  }
0x3e: {  	_ =	shalt  }
0x3f: {  	_ =	shalt  }
0x40: {  	_ =	shalt  }
0x41: {  	_ =	shalt  }
0x42: {  	_ =	shalt  }
0x43: {  	_ =	shalt  }
0x44: {  	_ =	shalt  }
0x45: {  	_ =	shalt  }
0x46: {  	_ =	shalt  }
0x47: {  	_ =	shalt  }
0x48: {  	_ =	shalt  }
0x49: {  	_ =	shalt  }
0x4a: {  	_ =	shalt  }
0x4b: {  	_ =	shalt  }
0x4c: {  	_ =	shalt  }
0x4d: {  	_ =	shalt  }
0x4e: {  	_ =	shalt  }
0x4f: {  	_ =	shalt  }
0x50: {  	_ =	shalt  }
0x51: {  	_ =	shalt  }
0x52: {  	_ =	shalt  }
0x53: {  	_ =	shalt  }
0x54: {  	_ =	shalt  }
0x55: {  	_ =	shalt  }
0x56: {  	_ =	shalt  }
0x57: {  	_ =	shalt  }
0x58: {  	_ =	shalt  }
0x59: {  	_ =	shalt  }
0x5a: {  	_ =	shalt  }
0x5b: {  	_ =	shalt  }
0x5c: {  	_ =	shalt  }
0x5d: {  	_ =	shalt  }
0x5e: {  	_ =	shalt  }
0x5f: {  	_ =	shalt  }
0x60: {  	_ =	shalt  }
0x61: {  	_ =	shalt  }
0x62: {  	_ =	shalt  }
0x63: {  	_ =	shalt  }
0x64: {  	_ =	shalt  }
0x65: {  	_ =	shalt  }
0x66: {  	_ =	shalt  }
0x67: {  	_ =	shalt  }
0x68: {  	_ =	shalt  }
0x69: {  	_ =	shalt  }
0x6a: {  	_ =	shalt  }
0x6b: {  	_ =	shalt  }
0x6c: {  	_ =	shalt  }
0x6d: {  	_ =	shalt  }
0x6e: {  	_ =	shalt  }
0x6f: {  	_ =	shalt  }
0x70: {  	_ =	shalt  }
0x71: {  	_ =	shalt  }
0x72: {  	_ =	shalt  }
0x73: {  	_ =	shalt  }
0x74: {  	_ =	shalt  }
0x75: {  	_ =	shalt  }
0x76: {  	_ =	shalt  }
0x77: {  	_ =	shalt  }
0x78: {  	_ =	shalt  }
0x79: {  	_ =	shalt  }
0x7a: {  	_ =	shalt  }
0x7b: {  	_ =	shalt  }
0x7c: {  	_ =	shalt  }
0x7d: {  	_ =	shalt  }
0x7e: {  	_ =	shalt  }
0x7f: {  	_ =	shalt  }
0x80: {  	_ =	shalt  }
0x81: {  	_ =	shalt  }
0x82: {  	_ =	shalt  }
0x83: {  	_ =	shalt  }
0x84: {  	_ =	shalt  }
0x85: {  	_ =	shalt  }
0x86: {  	_ =	shalt  }
0x87: {  	_ =	shalt  }
.Lfunc_end0:
.L_simem_size_0:
called_computation_lowered:
.L_overlay_start_0:
0x88: {  	s2 =	sld [smem:$0x3FD9]  }
0x89: {  	s3 =	sld [smem:$0x3FFE];
	_ =	sdelay $0x1  }
0x8a: {  	s1 =	srdreg.scid  }
0x8b: {  	s0 =	sand.u32 $0x1, s1  }
0x8c: {  	s16 =	sshll.u32 s0, $0xA;
	s2 =	sadd.s32 s3, s2  }
0x8d: {  	s2 =	sadd.s32 s2, s16  }
0x8e: {  	[smem:$0x3FC4] =	sst s2  }
0x8f: {  	_ = 	snop  }
0x90: {  	(tm) =	ssettm $0x1  }
0x91: {  	s17 =	sld [smem:$0x3FFB];
	_ =	sdelay $0x3  }
0x92: {  	_ =	strace s17  }
0x93: {  	s2 =	sld [smem:$0x3FFC];
	_ =	sdelay $0x3  }
0x94: {  	_ =	strace s2  }
0x95: {  	s2 =	sld [smem:$0x3FFD];
	_ =	sdelay $0x3  }
0x96: {  	_ =	strace s2  }
0x97: {  	_ =	strace $0x8FFFFFFF  }
0x98: {  	s18 =	sld [smem:$0x3FDB];
	_ =	sdelay $0x1  }
0x99: {  	s19 =	simm.s32 $_scs_section_size  }
0x9a: {  	s4 =	simm.s32 $_size__tile_overlayer_lowered;
	s5 =	simm.s32 $_tile_overlayer_lowered  }
0x9b: {  	s22 =	simm.s32 $0x1BFF;
	s21 =	sshll.u32 s5, $0x1;
	s2 =	sadd.s32 s19, s18  }
0x9c: {  	s6 =	simm.s32 $0x0;
	s20 =	sshll.u32 s4, $0x1;
	s4 =	sadd.s32 s21, s2  }
0x9d: {  	[timem:s6], [sflag:s22] =	dma.local [hbm:s4], s20  }
0x9e: {  	_ =	swait.ge [sflag:s22], s20  }
0x9f: {  	s3 =	ssub.s32 $0x0, s20;
	[sflag:s22] =	ssyncset.done $0x0  }
0xa0: {  	[sflag:s22] =	ssyncadd.s32 s3;
	_ =	sdelay $0x1  }
0xa1: {  	s23 =	simm.s32 $0x1B8B  }
0xa2: {  	_ =	swait.ge [sflag:s23], $0x1  }
0xa3: {  	[sflag:s23] =	ssyncset.done $0x0  }
0xa4: {  	s25 =	simm.s32 $0x1B8E;
	s24 =	sld [smem:$0x3FFE];
	[sflag:s23] =	ssyncadd.s32 $0xFFFFFFFF  }
0xa5: {  	s26 =	simm.s32 $execute0_lowered;
	[smem:$0x3FD2] =	sst s25  }
0xa6: {  	s4 =	sshll.u32 s26, $0x1;
	_ =	strace $0x80000046;
	[dreg:$0x1] =	wrdreg $0xFFFFFFFF  }
0xa7: {  	s28 =	simm.s32 $_size_execute0_lowered;
	s2 =	sadd.s32 s2, s4;
	[dreg:$0x0] =	wrdreg $0x0  }
0xa8: {  	s4 =	sshll.u32 s28, $0x1;
	[dreg:$0x2] =	wrdreg s2  }
0xa9: {  	[dreg:$0x3] =	wrdreg s4  }
0xaa: {  	[dreg:$0x4] =	wrdreg $0xC0  }
0xab: {  	_ =	task [dreg:s6], $0x5FFFF  }
0xac: {  	[dreg:$0x1] =	wrdreg $0xFFFFFFFF  }
0xad: {  	[dreg:$0x0] =	wrdreg $0x60  }
0xae: {  	[dreg:$0x2] =	wrdreg s24  }
0xaf: {  	[dreg:$0x3] =	wrdreg $0x9  }
0xb0: {  	_ =	task.clear_ibuf [dreg:s6], $0x4FFFF;
	_ =	strace $0x90000046  }
0xb1: {  	s29 =	simm.s32 $0x9;
	_ =	strace $0x80000048  }
0xb2: {  	_ =	swait.ge [sflag:s29], $0x1  }
0xb3: {  	[sflag:s29] =	ssyncadd.s32 $0xFFFFFFFF  }
0xb4: {  	_ =	strace $0x90000048  }
0xb5: {  	_ =	sfence  }
0xb6: {  	s30 =	sld [smem:$0x0];
	_ =	sdelay $0x2  }
0xb7: {  	s31 =	sshll.u32 s1, $0xD;
	s1 =	sshrl.u32 s1, $0x2  }
0xb8: {  	s3 =	sand.u32 $0x4000, s31;
	s1 =	sadd.s32 s1, s30  }
0xb9: {  	s0 =	sor.u32 s3, s0;
	s1 =	sshll.u32 s1, $0x11  }
0xba: {  	s0 =	sor.u32 s1, s0  }
0xbb: {  	s0 =	sadd.s32 $0x8F2B, s0  }
0xbc: {  	[sflag:s0] =	ssyncadd.remote.s32 $0x1  }
0xbd: {  	_ =	sfence.sel $0xFFFF  }
0xbe: {  	[dreg:$0x0] =	wrdreg $0xFFFFFFFF;
	(pc) =	sbr.abs _section_cstart, $3  }
0xbf: {  	[dreg:$0x1] =	wrdreg $0xFFFFFFFF  }
0xc0: {  	_ =	task.clear_ibuf [dreg:s6], $0x2FFFF;
	_ =	strace $0x9FFFFFFF  }
0xc1: {  	(tm) =	ssettm $0x7FFFFFFF  }
tec
execute0_lowered:
.L_overlay_start_1:
0x0: {  	(tag) =	ssettag $0x1  }
0x1: {  	s1 =	srdreg.scid;
	s0 =	stileid.u32  }
0x2: {  	s4 =	rddreg [dreg:$0x0];
	s2 =	simm.s32 $0x0;
	s8 =	simm.s32 $0x1000  }
0x3: {  	s9 =	simm.s32 $0x5;
	s10 =	simm.s32 $0x6400;
	s11 =	simm.s32 $0x100  }
0x4: {  	s12 =	simm.s32 $0x8400;
	s13 =	simm.s32 $0x180;
	s14 =	simm.s32 $0x9400  }
0x5: {  	s15 =	simm.s32 $0x1;
	s16 =	simm.s32 $0x2;
	s17 =	simm.s32 $0x200  }
0x6: {  	s18 =	simm.s32 $0x280;
	s19 =	simm.s32 $0x7400;
	s20 =	simm.s32 $0x3  }
0x7: {  	s21 =	simm.s32 $0x4;
	s22 =	simm.s32 $0x300;
	s23 =	simm.s32 $0x380  }
0x8: {  	s24 =	simm.s32 $0xA400;
	s25 =	simm.s32 $0x0;
	s1 =	sand.u32 $0x1, s1  }
0x9: {  	s3 =	sshll.u32 s0, $0x8;
	[smem:$0x7FF] =	sst s2;
	s5 =	sshll.u32 s1, $0x7  }
.Ltmp0:
0xa: {  	s1 =	ssub.s32 $0x2, s1;
	s5 =	sor.u32 s5, s3;
	(pc) =	sbr.rel .LBB2_1-.Ltmp0, $4  }
0xb: {  	_ =	strace $0x80000047;
	s7 =	sshrl.u32 s1, $0x1;
	s3 =	sshrl.u32 s5, $0x3  }
0xc: {  	s5 =	sshll.u32 s5, $0x3;
	s1 =	ssub.s32 s1, s7;
	s7 =	simm.s32 $0x80  }
0xd: {  	s6 =	sadd.s32 s3, s4;
	s3 =	sadd.s32 $0x19800, s4;
	s5 =	sadd.s32 s5, s4  }
0xe: {  	s4 =	sadd.s32 $0x800, s6;
	s5 =	sadd.s32 $0x3F1800, s5;
	s6 =	smax.u32 s1, $0x1  }
.LBB2_14:
0xf: {  	s25 =	sadd.s32 $0x1, s25  }
0x10: {  	p0 =	sne.s32 s25, s6  }
.Ltmp1:
0x11: {  	_ = 	snop;
	(pc) =	sbr.rel @!p0 .LBB2_15-.Ltmp1, $4  }
0x12: {  	[hbm4b:s5+s2] =	stream.linear.scatter [tilespmem:s24], [sflag:$0x5], $0x2000, $0x38;
	[tilespmem:$0xC400] =	vst v63  }
0x13: {  	_ =	swait.ge [sflag:s9], $0x2000  }
0x14: {  	[sflag:s9] =	ssyncset.done $0x0  }
0x15: {  	[sflag:s9] =	ssyncadd.s32 $0xFFFFE000  }
.LBB2_1:
0x16: {  	[tilespmem:s2], [sflag:$0x5] =	stream.strided.gather [hbm4b:s4+s7], $0x6400, s8, s7, $0x38;
	[tilespmem:$0xC400] =	vst v63  }
0x17: {  	_ =	swait.ge [sflag:s9], $0x6400  }
0x18: {  	[sflag:s9] =	ssyncset.done $0x0  }
0x19: {  	[sflag:s9] =	ssyncadd.s32 $0xFFFF9C00  }
0x1a: {  	v0 =	vld [tilespmem:s11+$0xFFFFFF00]  }
0x1b: {  	v1 =	vld [tilespmem:s11+$0xFFFFFF10]  }
0x1c: {  	v3 =	vld [tilespmem:s11+$0xFFFFFF20]  }
0x1d: {  	v31 =	vld [tilespmem:s11+$0x40]  }
0x1e: {  	v28 =	vld [tilespmem:s11+$0x70]  }
0x1f: {  	v38 =	vld [tilespmem:s11+$0x90]  }
0x20: {  	v48 =	vld [tilespmem:s11+$0xC0];
	v4 =	vshll.u32 v0, $0x2;
	v5 =	vand.u32 $0xFFFFE000, v0  }
0x21: {  	v51 =	vld [tilespmem:s11+$0xE0];
	v0 =	vshrl.u32 v0, $0xB;
	v6 =	vshll.u32 v1, $0x2;
	v8 =	vand.u32 $0xFFFFE000, v1  }
0x22: {  	v1 =	vshrl.u32 v1, $0xB;
	v9 =	vshll.u32 v3, $0x2;
	v11 =	vand.u32 $0xFFFFE000, v3  }
0x23: {  	v3 =	vshrl.u32 v3, $0xB;
	v22 =	vand.u32 $0xFFFFE000, v31;
	v37 =	vshll.u32 v28, $0x2  }
0x24: {  	v2 =	vld [tilespmem:s11+$0xFFFFFFF0];
	v39 =	vand.u32 $0xFFFFE000, v28;
	v28 =	vshrl.u32 v28, $0xB;
	v44 =	vshll.u32 v38, $0x2  }
0x25: {  	v10 =	vld [tilespmem:s11+$0xFFFFFF40];
	v45 =	vand.u32 $0xFFFFE000, v38;
	v52 =	vshll.u32 v48, $0x2;
	v53 =	vand.u32 $0xFFFFE000, v48  }
0x26: {  	v7 =	vld [tilespmem:s11+$0xFFFFFF30];
	v61 =	vshll.u32 v51, $0x2;
	v62 =	vand.u32 $0xFFFFE000, v51;
	v4 =	vand.u32 $0x1FFC, v4  }
0x27: {  	v6 =	vand.u32 $0x1FFC, v6;
	v1 =	vand.u32 $0x3, v1;
	v9 =	vand.u32 $0x1FFC, v9  }
0x28: {  	v3 =	vand.u32 $0x3, v3;
	v4 =	vor.u32 v5, v4;
	v5 =	vand.u32 $0x3, v0  }
0x29: {  	v0 =	vshll.u32 v2, $0x2;
	v6 =	vor.u32 v8, v6;
	v8 =	vor.u32 v11, v9  }
0x2a: {  	v9 =	vshrl.u32 v10, $0xB;
	v21 =	vor.u32 v5, v4;
	v18 =	vor.u32 v1, v6  }
0x2b: {  	v4 =	vld [tilespmem:s11+$0xFFFFFF50];
	v13 =	vor.u32 v3, v8;
	v1 =	vshll.u32 v7, $0x2;
	v3 =	vand.u32 $0xFFFFE000, v7  }
0x2c: {  	v5 =	vshrl.u32 v7, $0xB;
	v6 =	vshll.u32 v10, $0x2;
	v7 =	vld [tilespmem:s11+$0xFFFFFF60];
	v8 =	vand.u32 $0xFFFFE000, v10  }
0x2d: {  	v1 =	vand.u32 $0x1FFC, v1;
	v5 =	vand.u32 $0x3, v5;
	v6 =	vand.u32 $0x1FFC, v6  }
0x2e: {  	v1 =	vor.u32 v3, v1;
	v3 =	vor.u32 v8, v6;
	v6 =	vand.u32 $0x3, v9;
	v9 =	vld [tilespmem:s11+$0xFFFFFF70]  }
0x2f: {  	v28 =	vand.u32 $0x3, v28;
	v0 =	vand.u32 $0x1FFC, v0;
	v27 =	vor.u32 v5, v1  }
0x30: {  	v17 =	vor.u32 v6, v3;
	v8 =	vshll.u32 v4, $0x2;
	v1 =	vand.u32 $0xFFFFE000, v4  }
0x31: {  	v3 =	vshrl.u32 v4, $0xB;
	v4 =	vld [tilespmem:s11+$0xFFFFFF80];
	v6 =	vand.u32 $0xFFFFE000, v7;
	v5 =	vand.u32 $0x1FFC, v8  }
0x32: {  	v3 =	vand.u32 $0x3, v3;
	v1 =	vor.u32 v1, v5;
	v5 =	vshll.u32 v7, $0x2  }
0x33: {  	v7 =	vshrl.u32 v7, $0xB;
	v8 =	vshrl.u32 v9, $0xB;
	v5 =	vand.u32 $0x1FFC, v5  }
0x34: {  	v10 =	vld [tilespmem:s11+$0xFFFFFFA0];
	v23 =	vor.u32 v3, v1;
	v3 =	vand.u32 $0x3, v7;
	v7 =	vand.u32 $0xFFFFE000, v9  }
0x35: {  	v8 =	vand.u32 $0x3, v8;
	v1 =	vor.u32 v6, v5;
	v5 =	vshll.u32 v9, $0x2;
	v6 =	vld [tilespmem:s11+$0xFFFFFF90]  }
0x36: {  	v5 =	vand.u32 $0x1FFC, v5;
	v9 =	vshll.u32 v4, $0x2;
	v11 =	vand.u32 $0xFFFFE000, v4  }
0x37: {  	v4 =	vshrl.u32 v4, $0xB;
	v26 =	vor.u32 v3, v1;
	v9 =	vand.u32 $0x1FFC, v9  }
0x38: {  	v1 =	vld [tilespmem:s11+$0xFFFFFFB0];
	v5 =	vor.u32 v7, v5;
	v4 =	vand.u32 $0x3, v4;
	v7 =	vor.u32 v11, v9  }
0x39: {  	v24 =	vor.u32 v8, v5;
	v9 =	vand.u32 $0xFFFFE000, v10;
	v8 =	vor.u32 v4, v7  }
0x3a: {  	v3 =	vshll.u32 v6, $0x2;
	v4 =	vand.u32 $0xFFFFE000, v6;
	v5 =	vshrl.u32 v6, $0xB  }
0x3b: {  	v7 =	vld [tilespmem:s11+$0xFFFFFFC0];
	v6 =	vshll.u32 v10, $0x2;
	v10 =	vshrl.u32 v10, $0xB;
	v3 =	vand.u32 $0x1FFC, v3  }
0x3c: {  	v5 =	vand.u32 $0x3, v5;
	v6 =	vand.u32 $0x1FFC, v6;
	v3 =	vor.u32 v4, v3  }
0x3d: {  	v4 =	vor.u32 v9, v6;
	v6 =	vand.u32 $0x3, v10;
	v9 =	vshll.u32 v1, $0x2;
	v10 =	vld [tilespmem:s11+$0xFFFFFFD0]  }
0x3e: {  	v20 =	vor.u32 v5, v3;
	v3 =	vand.u32 $0xFFFFE000, v1;
	v5 =	vand.u32 $0x1FFC, v9  }
0x3f: {  	v9 =	vor.u32 v6, v4;
	v1 =	vshrl.u32 v1, $0xB;
	v4 =	vld [tilespmem:s11+$0xFFFFFFE0];
	v3 =	vor.u32 v3, v5  }
0x40: {  	v1 =	vand.u32 $0x3, v1;
	v5 =	vshll.u32 v7, $0x2;
	v6 =	vand.u32 $0xFFFFE000, v7  }
0x41: {  	v7 =	vshrl.u32 v7, $0xB;
	v5 =	vand.u32 $0x1FFC, v5;
	v15 =	vor.u32 v1, v3  }
0x42: {  	v12 =	vld [tilespmem:s11+$0x10];
	v3 =	vand.u32 $0x3, v7;
	v1 =	vor.u32 v6, v5;
	v5 =	vshll.u32 v10, $0x2  }
0x43: {  	v6 =	vld [tilespmem:s11+$0x0];
	v7 =	vand.u32 $0xFFFFE000, v10;
	v10 =	vshrl.u32 v10, $0xB;
	v19 =	vor.u32 v3, v1  }
0x44: {  	v5 =	vand.u32 $0x1FFC, v5;
	v10 =	vand.u32 $0x3, v10;
	v11 =	vshll.u32 v4, $0x2  }
0x45: {  	v14 =	vand.u32 $0xFFFFE000, v4;
	v4 =	vshrl.u32 v4, $0xB;
	v11 =	vand.u32 $0x1FFC, v11  }
0x46: {  	v1 =	vld [tilespmem:s11+$0x20];
	v5 =	vor.u32 v7, v5;
	v4 =	vand.u32 $0x3, v4;
	v7 =	vor.u32 v14, v11  }
0x47: {  	v16 =	vor.u32 v10, v5;
	v11 =	vand.u32 $0xFFFFE000, v12;
	v14 =	vshrl.u32 v31, $0xB  }
0x48: {  	v4 =	vor.u32 v4, v7;
	v3 =	vshll.u32 v6, $0x2;
	v5 =	vand.u32 $0xFFFFE000, v6  }
0x49: {  	v33 =	vld [tilespmem:s11+$0x60];
	v6 =	vshrl.u32 v6, $0xB;
	v7 =	vshll.u32 v12, $0x2;
	v12 =	vshrl.u32 v12, $0xB  }
0x4a: {  	v10 =	vld [tilespmem:s11+$0x30];
	v25 =	vand.u32 $0x3, v14;
	v3 =	vand.u32 $0x1FFC, v3;
	v6 =	vand.u32 $0x3, v6  }
0x4b: {  	v7 =	vand.u32 $0x1FFC, v7;
	v30 =	vshll.u32 v1, $0x2;
	v3 =	vor.u32 v5, v3  }
0x4c: {  	v5 =	vor.u32 v11, v7;
	v11 =	vand.u32 $0x3, v12;
	v7 =	vor.u32 v6, v3  }
0x4d: {  	v3 =	vand.u32 $0xFFFFE000, v1;
	v6 =	vand.u32 $0x1FFC, v30;
	v5 =	vor.u32 v11, v5;
	v11 =	vld [tilespmem:s11+$0x50]  }
0x4e: {  	v12 =	vshrl.u32 v33, $0xB;
	v1 =	vshrl.u32 v1, $0xB;
	v3 =	vor.u32 v3, v6  }
0x4f: {  	v30 =	vld [tilespmem:s11+$0x80];
	v1 =	vand.u32 $0x3, v1;
	v6 =	vshll.u32 v10, $0x2;
	v32 =	vand.u32 $0xFFFFE000, v10  }
0x50: {  	v56 =	vld [tilespmem:s11+$0xF0];
	[tilespmem:s11+$0xFFFFFF00] =	vst v21;
	v10 =	vshrl.u32 v10, $0xB;
	v6 =	vand.u32 $0x1FFC, v6;
	v3 =	vor.u32 v1, v3  }
0x51: {  	[tilespmem:s11+$0xFFFFFF10] =	vst v18;
	v1 =	vor.u32 v32, v6;
	v6 =	vand.u32 $0x3, v10;
	v10 =	vshll.u32 v31, $0x2  }
0x52: {  	[tilespmem:s11+$0xFFFFFF20] =	vst v13;
	v12 =	vand.u32 $0x3, v12;
	v10 =	vand.u32 $0x1FFC, v10;
	v34 =	vshll.u32 v11, $0x2  }
0x53: {  	s26 =	simm.s32 $0x300;
	[tilespmem:s11+$0xFFFFFF30] =	vst v27;
	v29 =	vand.u32 $0xFFFFE000, v11;
	v11 =	vshrl.u32 v11, $0xB;
	v10 =	vor.u32 v22, v10  }
0x54: {  	v63 =	vld [tilespmem:s26+$0xFFFFFF00];
	v22 =	vand.u32 $0x1FFC, v37;
	v40 =	vshll.u32 v30, $0x2;
	v41 =	vand.u32 $0xFFFFE000, v30  }
0x55: {  	v42 =	vshrl.u32 v30, $0xB;
	v30 =	vshrl.u32 v48, $0xB;
	v37 =	vshll.u32 v56, $0x2  }
0x56: {  	v43 =	vld [tilespmem:s11+$0xB0];
	v14 =	vand.u32 $0x1FFC, v34;
	v36 =	vand.u32 $0x3, v11;
	v11 =	vor.u32 v25, v10  }
0x57: {  	v31 =	vld [tilespmem:s11+$0xA0];
	v10 =	vand.u32 $0xFFFFE000, v33;
	v22 =	vor.u32 v39, v22;
	v25 =	vshrl.u32 v38, $0xB  }
0x58: {  	v54 =	vand.u32 $0x3, v30;
	v38 =	vand.u32 $0xFFFFE000, v56;
	v39 =	vand.u32 $0x1FFC, v37  }
0x59: {  	v30 =	vshrl.u32 v63, $0xB;
	v35 =	vor.u32 v29, v14;
	v14 =	vor.u32 v6, v1  }
0x5a: {  	v6 =	vshll.u32 v33, $0x2;
	v29 =	vand.u32 $0x1FFC, v40;
	v25 =	vand.u32 $0x3, v25  }
0x5b: {  	v33 =	vshll.u32 v43, $0x2;
	v40 =	vshrl.u32 v56, $0xB;
	v48 =	vand.u32 $0x3, v30  }
0x5c: {  	v1 =	vor.u32 v36, v35;
	v6 =	vand.u32 $0x1FFC, v6;
	v47 =	vshll.u32 v31, $0x2  }
0x5d: {  	v32 =	vand.u32 $0xFFFFE000, v31;
	v31 =	vshrl.u32 v31, $0xB;
	v35 =	vand.u32 $0xFFFFE000, v43  }
0x5e: {  	v33 =	vand.u32 $0x1FFC, v33;
	v6 =	vor.u32 v10, v6;
	v31 =	vand.u32 $0x3, v31  }
0x5f: {  	v34 =	vld [tilespmem:s11+$0xD0];
	v49 =	vor.u32 v35, v33;
	v35 =	vshrl.u32 v51, $0xB;
	v10 =	vor.u32 v12, v6  }
0x60: {  	v6 =	vor.u32 v28, v22;
	v12 =	vor.u32 v41, v29;
	v22 =	vand.u32 $0x3, v42  }
0x61: {  	[tilespmem:s11+$0xFFFFFF40] =	vst v17;
	v29 =	vand.u32 $0x1FFC, v44;
	v28 =	vshrl.u32 v43, $0xB;
	v36 =	vand.u32 $0x3, v35  }
0x62: {  	[tilespmem:s11+$0xFFFFFF50] =	vst v23;
	v42 =	vor.u32 v38, v39;
	v43 =	vand.u32 $0x3, v40;
	v44 =	vand.u32 $0xFFFFE000, v2  }
0x63: {  	[tilespmem:s11+$0xFFFFFF60] =	vst v26;
	v2 =	vshrl.u32 v2, $0xB;
	v12 =	vor.u32 v22, v12;
	v46 =	vor.u32 v45, v29  }
0x64: {  	[tilespmem:s11+$0xFFFFFF70] =	vst v24;
	v29 =	vand.u32 $0x1FFC, v47;
	v50 =	vand.u32 $0x3, v28;
	v55 =	vshll.u32 v34, $0x2  }
0x65: {  	[tilespmem:s11+$0xFFFFFF80] =	vst v8;
	v57 =	vand.u32 $0xFFFFE000, v34;
	v59 =	vshrl.u32 v34, $0xB;
	v47 =	vand.u32 $0xFFFFE000, v63  }
0x66: {  	[tilespmem:s11+$0xFFFFFF90] =	vst v20;
	v41 =	vld [tilespmem:s26+$0xFFFFFF10];
	v0 =	vor.u32 v44, v0;
	v29 =	vor.u32 v32, v29;
	v28 =	vor.u32 v25, v46  }
0x67: {  	[tilespmem:s11+$0xFFFFFFA0] =	vst v9;
	v22 =	vor.u32 v50, v49;
	v58 =	vand.u32 $0x1FFC, v55;
	v60 =	vand.u32 $0x3, v59  }
0x68: {  	v39 =	vld [tilespmem:s26+$0xFFFFFF70];
	v46 =	vshll.u32 v63, $0x2;
	v25 =	vor.u32 v31, v29;
	v29 =	vand.u32 $0x1FFC, v52  }
0x69: {  	v13 =	vor.u32 v57, v58;
	v23 =	vand.u32 $0x1FFC, v46;
	v21 =	vor.u32 v53, v29  }
0x6a: {  	v45 =	vld [tilespmem:s26+$0xFFFFFF20];
	v29 =	vand.u32 $0x1FFC, v61;
	v13 =	vor.u32 v60, v13;
	v23 =	vor.u32 v47, v23  }
0x6b: {  	v18 =	vor.u32 v54, v21;
	v21 =	vor.u32 v62, v29;
	v49 =	vand.u32 $0xFFFFE000, v41  }
0x6c: {  	v52 =	vld [tilespmem:s26+$0xFFFFFF30];
	v50 =	vshll.u32 v41, $0x2;
	v51 =	vshrl.u32 v41, $0xB;
	v24 =	vor.u32 v48, v23  }
0x6d: {  	v57 =	vld [tilespmem:s26+$0xFFFFFF50];
	v46 =	vand.u32 $0xFFFFE000, v39;
	v47 =	vshll.u32 v39, $0x2;
	v17 =	vor.u32 v36, v21  }
0x6e: {  	v21 =	vor.u32 v43, v42;
	v27 =	vand.u32 $0x1FFC, v50;
	v30 =	vand.u32 $0x3, v51  }
0x6f: {  	v53 =	vshll.u32 v45, $0x2;
	v55 =	vand.u32 $0xFFFFE000, v45;
	v29 =	vshrl.u32 v45, $0xB  }
0x70: {  	[tilespmem:s11+$0xFFFFFFB0] =	vst v15;
	v54 =	vld [tilespmem:s26+$0xFFFFFF40];
	v32 =	vand.u32 $0x1FFC, v53;
	v8 =	vor.u32 v49, v27;
	v29 =	vand.u32 $0x3, v29  }
0x71: {  	[tilespmem:s11+$0xFFFFFFC0] =	vst v19;
	v56 =	vor.u32 v55, v32;
	v23 =	vor.u32 v30, v8;
	v58 =	vand.u32 $0xFFFFE000, v52  }
0x72: {  	[tilespmem:s11+$0xFFFFFFD0] =	vst v16;
	v62 =	vld [tilespmem:s26+$0xFFFFFF60];
	v59 =	vshll.u32 v52, $0x2;
	v60 =	vshrl.u32 v52, $0xB;
	v38 =	vshll.u32 v57, $0x2  }
0x73: {  	[tilespmem:s11+$0x0] =	vst v7;
	v41 =	vld [tilespmem:s26+$0xFFFFFF80];
	v40 =	vand.u32 $0xFFFFE000, v57;
	v26 =	vshrl.u32 v57, $0xB;
	v8 =	vor.u32 v29, v56  }
0x74: {  	[tilespmem:s11+$0x10] =	vst v5;
	v48 =	vld [tilespmem:s26+$0xFFFFFF90];
	v27 =	vand.u32 $0x1FFC, v59;
	v29 =	vand.u32 $0x3, v60;
	v20 =	vand.u32 $0x1FFC, v38  }
0x75: {  	[tilespmem:s11+$0x20] =	vst v3;
	v26 =	vand.u32 $0x3, v26;
	v61 =	vshll.u32 v54, $0x2;
	v63 =	vand.u32 $0xFFFFE000, v54  }
0x76: {  	[tilespmem:s11+$0x40] =	vst v11;
	v33 =	vshrl.u32 v54, $0xB;
	v9 =	vor.u32 v58, v27;
	v20 =	vor.u32 v40, v20  }
0x77: {  	[tilespmem:s11+$0x30] =	vst v14;
	v42 =	vshll.u32 v62, $0x2;
	v43 =	vand.u32 $0xFFFFE000, v62;
	v31 =	vshrl.u32 v62, $0xB  }
0x78: {  	[tilespmem:s11+$0x50] =	vst v1;
	v50 =	vld [tilespmem:s26+$0xFFFFFFA0];
	v27 =	vshrl.u32 v39, $0xB;
	v49 =	vshll.u32 v41, $0x2;
	v51 =	vand.u32 $0xFFFFE000, v41  }
0x79: {  	[tilespmem:s11+$0x70] =	vst v6;
	v6 =	vld [tilespmem:s26+$0x20];
	v54 =	vand.u32 $0xFFFFE000, v48;
	v55 =	vshll.u32 v48, $0x2;
	v56 =	vshrl.u32 v48, $0xB  }
0x7a: {  	v30 =	vand.u32 $0x1FFC, v61;
	v37 =	vand.u32 $0x3, v33;
	v15 =	vor.u32 v29, v9  }
0x7b: {  	[tilespmem:s11+$0xFFFFFFE0] =	vst v4;
	v29 =	vand.u32 $0x1FFC, v42;
	v19 =	vor.u32 v26, v20;
	v45 =	vand.u32 $0x3, v31  }
0x7c: {  	v53 =	vld [tilespmem:s26+$0xFFFFFFB0];
	v27 =	vand.u32 $0x3, v27;
	v32 =	vand.u32 $0x1FFC, v49;
	v7 =	vand.u32 $0x1FFC, v55  }
0x7d: {  	v57 =	vand.u32 $0x3, v56;
	v58 =	vshll.u32 v50, $0x2;
	v5 =	vand.u32 $0xFFFFE000, v50  }
0x7e: {  	v60 =	vshrl.u32 v50, $0xB;
	v56 =	vand.u32 $0xFFFFE000, v6;
	v36 =	vor.u32 v63, v30  }
0x7f: {  	v44 =	vor.u32 v43, v29;
	v29 =	vand.u32 $0x1FFC, v47;
	v30 =	vshrl.u32 v41, $0xB  }
0x80: {  	[tilespmem:s11+$0x60] =	vst v10;
	v52 =	vor.u32 v51, v32;
	v7 =	vor.u32 v54, v7;
	v62 =	vand.u32 $0x3, v60  }
0x81: {  	[tilespmem:s11+$0x80] =	vst v12;
	v59 =	vld [tilespmem:s26+$0xFFFFFFC0];
	v35 =	vshll.u32 v53, $0x2;
	v26 =	vshrl.u32 v53, $0xB;
	v54 =	vshll.u32 v6, $0x2  }
0x82: {  	[tilespmem:s11+$0x90] =	vst v28;
	v6 =	vshrl.u32 v6, $0xB;
	v9 =	vor.u32 v37, v36;
	v4 =	vor.u32 v46, v29  }
0x83: {  	[tilespmem:s11+$0xB0] =	vst v22;
	v30 =	vand.u32 $0x3, v30;
	v20 =	vor.u32 v45, v44;
	v7 =	vor.u32 v57, v7  }
0x84: {  	[tilespmem:s11+$0xA0] =	vst v25;
	v39 =	vld [tilespmem:s26+$0x0];
	v36 =	vand.u32 $0xFFFFE000, v53;
	v26 =	vand.u32 $0x3, v26;
	v22 =	vand.u32 $0x1FFC, v54  }
0x85: {  	v34 =	vld [tilespmem:s26+$0x70];
	v6 =	vand.u32 $0x3, v6;
	v16 =	vor.u32 v27, v4;
	v4 =	vor.u32 v30, v52  }
0x86: {  	v61 =	vld [tilespmem:s26+$0xFFFFFFD0];
	v30 =	vand.u32 $0x1FFC, v58;
	v27 =	vand.u32 $0x1FFC, v35;
	v37 =	vshll.u32 v59, $0x2  }
0x87: {  	[tilespmem:s11+$0xD0] =	vst v13;
	v38 =	vand.u32 $0xFFFFE000, v59;
	v43 =	vshrl.u32 v59, $0xB;
	v13 =	vor.u32 v56, v22  }
0x88: {  	v49 =	vld [tilespmem:s26+$0x30];
	v5 =	vor.u32 v5, v30;
	v3 =	vor.u32 v36, v27;
	v27 =	vand.u32 $0x1FFC, v37  }
0x89: {  	v55 =	vld [tilespmem:s26+$0x40];
	v45 =	vshll.u32 v39, $0x2;
	v50 =	vshrl.u32 v39, $0xB;
	v6 =	vor.u32 v6, v13  }
0x8a: {  	v63 =	vld [tilespmem:s26+$0xFFFFFFE0];
	[tilespmem:s26+$0xFFFFFF80] =	vst v4;
	v4 =	vand.u32 $0xFFFFE000, v34;
	v5 =	vor.u32 v62, v5;
	v26 =	vor.u32 v26, v3  }
0x8b: {  	v3 =	vand.u32 $0xFFFFE000, v61;
	v11 =	vshll.u32 v61, $0x2;
	v14 =	vor.u32 v38, v27  }
0x8c: {  	v41 =	vld [tilespmem:s26+$0x10];
	v44 =	vshrl.u32 v61, $0xB;
	v27 =	vand.u32 $0x3, v43;
	v47 =	vand.u32 $0x1FFC, v45  }
0x8d: {  	v52 =	vand.u32 $0x3, v50;
	v58 =	vshll.u32 v49, $0x2;
	v59 =	vand.u32 $0xFFFFE000, v49  }
0x8e: {  	v60 =	vshrl.u32 v49, $0xB;
	v29 =	vshll.u32 v55, $0x2;
	v43 =	vshll.u32 v34, $0x2  }
0x8f: {  	[tilespmem:s11+$0xC0] =	vst v18;
	v45 =	vshrl.u32 v34, $0xB;
	v40 =	vshll.u32 v63, $0x2;
	v11 =	vand.u32 $0x1FFC, v11  }
0x90: {  	[tilespmem:s11+$0xE0] =	vst v17;
	v57 =	vld [tilespmem:s26+$0x50];
	v42 =	vand.u32 $0xFFFFE000, v63;
	v30 =	vshrl.u32 v63, $0xB;
	v31 =	vand.u32 $0x3, v44  }
0x91: {  	[tilespmem:s11+$0xF0] =	vst v21;
	v10 =	vor.u32 v27, v14;
	v46 =	vshll.u32 v41, $0x2;
	v48 =	vand.u32 $0xFFFFE000, v41  }
0x92: {  	[tilespmem:s26+$0xFFFFFF20] =	vst v8;
	v51 =	vshrl.u32 v41, $0xB;
	v17 =	vand.u32 $0x1FFC, v58;
	v62 =	vand.u32 $0x3, v60  }
0x93: {  	[tilespmem:s26+$0xFFFFFF60] =	vst v20;
	v56 =	vld [tilespmem:s26+$0xC0];
	v63 =	vand.u32 $0xFFFFE000, v55;
	v8 =	vand.u32 $0x1FFC, v29;
	v20 =	vand.u32 $0x1FFC, v43  }
0x94: {  	v32 =	vand.u32 $0x1FFC, v40;
	v3 =	vor.u32 v3, v11;
	v30 =	vand.u32 $0x3, v30  }
0x95: {  	v37 =	vld [tilespmem:s26+$0x80];
	v53 =	vand.u32 $0x3, v51;
	v61 =	vor.u32 v59, v17;
	v33 =	vshll.u32 v57, $0x2  }
0x96: {  	v35 =	vand.u32 $0xFFFFE000, v57;
	v8 =	vor.u32 v63, v8;
	v4 =	vor.u32 v4, v20  }
0x97: {  	v49 =	vld [tilespmem:s26+$0xB0];
	v11 =	vor.u32 v42, v32;
	v14 =	vor.u32 v31, v3;
	v3 =	vand.u32 $0xFFFFE000, v39  }
0x98: {  	[tilespmem:s26+$0xFFFFFF10] =	vst v23;
	v23 =	vand.u32 $0x1FFC, v33;
	v13 =	vor.u32 v62, v61;
	v61 =	vshrl.u32 v56, $0xB  }
0x99: {  	[tilespmem:s26+$0xFFFFFF30] =	vst v15;
	v44 =	vld [tilespmem:s26+$0x90];
	v11 =	vor.u32 v30, v11;
	v30 =	vand.u32 $0x1FFC, v46;
	v12 =	vor.u32 v3, v47  }
0x9a: {  	[tilespmem:s26+$0xFFFFFF40] =	vst v9;
	v9 =	vor.u32 v35, v23;
	v46 =	vand.u32 $0x3, v45;
	v15 =	vshrl.u32 v37, $0xB  }
0x9b: {  	[tilespmem:s26+$0x20] =	vst v6;
	v58 =	vld [tilespmem:s26+$0xD0];
	v27 =	vor.u32 v48, v30;
	v12 =	vor.u32 v52, v12;
	v30 =	vshrl.u32 v55, $0xB  }
0x9c: {  	[tilespmem:s26+$0xFFFFFFC0] =	vst v10;
	v48 =	vand.u32 $0xFFFFE000, v37;
	v10 =	vand.u32 $0x3, v15;
	v6 =	vand.u32 $0xFFFFE000, v49  }
0x9d: {  	[tilespmem:s26+$0xFFFFFF50] =	vst v19;
	v31 =	vld [tilespmem:s26+$0x60];
	v19 =	vshrl.u32 v49, $0xB;
	v18 =	vor.u32 v53, v27;
	v32 =	vand.u32 $0x3, v30  }
0x9e: {  	v27 =	vshrl.u32 v57, $0xB;
	v50 =	vshll.u32 v44, $0x2;
	v51 =	vand.u32 $0xFFFFE000, v44  }
0x9f: {  	[tilespmem:s26+$0xFFFFFF00] =	vst v24;
	v52 =	vshrl.u32 v44, $0xB;
	v57 =	vshll.u32 v49, $0x2;
	v59 =	vand.u32 $0x3, v19  }
0xa0: {  	[tilespmem:s26+$0xFFFFFF90] =	vst v7;
	v62 =	vshll.u32 v58, $0x2;
	v36 =	vand.u32 $0x3, v27;
	v8 =	vor.u32 v32, v8  }
0xa1: {  	v47 =	vld [tilespmem:s26+$0xA0];
	[tilespmem:s26+$0xFFFFFFE0] =	vst v11;
	v15 =	vand.u32 $0x1FFC, v50;
	v11 =	vand.u32 $0x3, v52;
	v17 =	vand.u32 $0x1FFC, v57  }
0xa2: {  	[tilespmem:s26+$0x30] =	vst v13;
	v13 =	vand.u32 $0x1FFC, v62;
	v9 =	vor.u32 v36, v9;
	v39 =	vshll.u32 v31, $0x2  }
0xa3: {  	[tilespmem:s26+$0xFFFFFF70] =	vst v16;
	v38 =	vand.u32 $0xFFFFE000, v31;
	v40 =	vshrl.u32 v31, $0xB;
	v41 =	vand.u32 $0x1FFC, v39  }
0xa4: {  	[tilespmem:s26+$0xFFFFFFA0] =	vst v5;
	v6 =	vor.u32 v6, v17;
	v42 =	vand.u32 $0x3, v40;
	v7 =	vor.u32 v38, v41  }
0xa5: {  	[tilespmem:s26+$0xFFFFFFB0] =	vst v26;
	v5 =	vor.u32 v42, v7;
	v7 =	vor.u32 v46, v4;
	v4 =	vshll.u32 v37, $0x2  }
0xa6: {  	[tilespmem:s26+$0xFFFFFFD0] =	vst v14;
	v53 =	vand.u32 $0xFFFFE000, v47;
	v54 =	vshll.u32 v47, $0x2;
	v4 =	vand.u32 $0x1FFC, v4  }
0xa7: {  	v55 =	vshrl.u32 v47, $0xB;
	[tilespmem:s26+$0x50] =	vst v9;
	v9 =	vshll.u32 v56, $0x2;
	v4 =	vor.u32 v48, v4  }
0xa8: {  	v1 =	vld [tilespmem:s26+$0xFFFFFFF0];
	[tilespmem:s26+$0x60] =	vst v5;
	v5 =	vand.u32 $0x1FFC, v9;
	v10 =	vor.u32 v10, v4;
	v4 =	vor.u32 v51, v15  }
0xa9: {  	v60 =	vld [tilespmem:s26+$0xE0];
	[tilespmem:s26+$0x40] =	vst v8;
	v8 =	vor.u32 v11, v4;
	v4 =	vor.u32 v59, v6;
	v6 =	vand.u32 $0xFFFFE000, v56  }
0xaa: {  	v9 =	vand.u32 $0x3, v61;
	[tilespmem:s26+$0x70] =	vst v7;
	v7 =	vand.u32 $0xFFFFE000, v58;
	v5 =	vor.u32 v6, v5  }
0xab: {  	[tilespmem:s26+$0x0] =	vst v12;
	v14 =	vand.u32 $0x1FFC, v54;
	v6 =	vor.u32 v7, v13;
	v7 =	vor.u32 v9, v5;
	v5 =	vld [tilespmem:s26+$0xF0]  }
0xac: {  	v2 =	vand.u32 $0x3, v2;
	[tilespmem:s26+$0x10] =	vst v18;
	v12 =	vor.u32 v53, v14;
	v15 =	vand.u32 $0x3, v55  }
0xad: {  	v3 =	vshll.u32 v1, $0x2;
	v63 =	vshrl.u32 v58, $0xB;
	v11 =	vor.u32 v15, v12;
	[tilespmem:s26+$0x80] =	vst v10  }
0xae: {  	v10 =	vand.u32 $0x3, v63;
	[tilespmem:s26+$0x90] =	vst v8;
	v8 =	vand.u32 $0xFFFFE000, v60;
	v9 =	vshll.u32 v60, $0x2  }
0xaf: {  	s29 =	simm.s32 $0x4;
	s30 =	simm.s32 $0x500;
	s28 =	simm.s32 $0x100;
	[tilespmem:s26+$0xA0] =	vst v11;
	v6 =	vor.u32 v10, v6;
	v10 =	vand.u32 $0x1FFC, v9;
	v9 =	vshrl.u32 v60, $0xB  }
.LBB2_2:
0xb0: {  	v11 =	vld [tilespmem:s30+$0xFFFFFF00];
	[tilespmem:s26+$0xB0] =	vst v4;
	v4 =	vor.u32 v8, v10;
	v8 =	vand.u32 $0x3, v9;
	v9 =	vshll.u32 v5, $0x2  }
0xb1: {  	v10 =	vld [tilespmem:s30+$0xFFFFFFF0];
	[tilespmem:s26+$0xC0] =	vst v7;
	v7 =	vand.u32 $0xFFFFE000, v5;
	v9 =	vand.u32 $0x1FFC, v9;
	v5 =	vshrl.u32 v5, $0xB  }
0xb2: {  	v4 =	vor.u32 v8, v4;
	[tilespmem:s26+$0xD0] =	vst v6;
	v6 =	vor.u32 v7, v9;
	v5 =	vand.u32 $0x3, v5  }
0xb3: {  	v3 =	vand.u32 $0x1FFC, v3;
	v8 =	vand.u32 $0xFFFFE000, v1;
	v7 =	vld [tilespmem:s30+$0xFFFFFF10];
	[tilespmem:s26+$0xE0] =	vst v4;
	v4 =	vor.u32 v5, v6  }
0xb4: {  	v9 =	vshrl.u32 v1, $0xB;
	v5 =	vld [tilespmem:s30+$0xFFFFFF20];
	[tilespmem:s26+$0xF0] =	vst v4;
	v4 =	vor.u32 v2, v0;
	v0 =	vor.u32 v8, v3  }
0xb5: {  	v2 =	vand.u32 $0x3, v9;
	v3 =	vshll.u32 v11, $0x2;
	[tilespmem:s28+$0xFFFFFFF0] =	vst v4;
	s28 =	smov.u32 s26;
	s26 =	smov.u32 s30  }
0xb6: {  	v4 =	vand.u32 $0xFFFFE000, v11;
	v6 =	vshrl.u32 v11, $0xB;
	v3 =	vand.u32 $0x1FFC, v3;
	v1 =	vmovc v10  }
0xb7: {  	v6 =	vand.u32 $0x3, v6;
	v4 =	vor.u32 v4, v3;
	v3 =	vshll.u32 v1, $0x2  }
0xb8: {  	v8 =	vand.u32 $0xFFFFE000, v7;
	v9 =	vshll.u32 v7, $0x2;
	v7 =	vshrl.u32 v7, $0xB;
	v10 =	vld [tilespmem:s30+$0xFFFFFF30]  }
0xb9: {  	v9 =	vand.u32 $0x1FFC, v9;
	v7 =	vand.u32 $0x3, v7;
	v11 =	vshll.u32 v5, $0x2;
	v12 =	vld [tilespmem:s30+$0xFFFFFF40]  }
0xba: {  	v13 =	vand.u32 $0xFFFFE000, v5;
	v5 =	vshrl.u32 v5, $0xB;
	v11 =	vand.u32 $0x1FFC, v11  }
0xbb: {  	v8 =	vor.u32 v8, v9;
	v9 =	vor.u32 v13, v11;
	v11 =	vand.u32 $0x3, v5  }
0xbc: {  	v6 =	vor.u32 v6, v4;
	v5 =	vor.u32 v7, v8;
	v4 =	vor.u32 v11, v9;
	v9 =	vld [tilespmem:s30+$0xFFFFFF50]  }
0xbd: {  	v7 =	vand.u32 $0xFFFFE000, v10;
	v8 =	vshll.u32 v10, $0x2;
	v10 =	vshrl.u32 v10, $0xB  }
0xbe: {  	v8 =	vand.u32 $0x1FFC, v8;
	v10 =	vand.u32 $0x3, v10;
	v11 =	vshll.u32 v12, $0x2;
	v13 =	vld [tilespmem:s30+$0xFFFFFF60]  }
0xbf: {  	v14 =	vand.u32 $0xFFFFE000, v12;
	v12 =	vshrl.u32 v12, $0xB;
	v11 =	vand.u32 $0x1FFC, v11  }
0xc0: {  	v7 =	vor.u32 v7, v8;
	v12 =	vand.u32 $0x3, v12;
	v11 =	vor.u32 v14, v11  }
0xc1: {  	v8 =	vor.u32 v10, v7;
	v7 =	vor.u32 v12, v11;
	v10 =	vshll.u32 v9, $0x2;
	v11 =	vld [tilespmem:s30+$0xFFFFFF70]  }
0xc2: {  	v12 =	vand.u32 $0xFFFFE000, v9;
	v9 =	vshrl.u32 v9, $0xB;
	v10 =	vand.u32 $0x1FFC, v10;
	v14 =	vld [tilespmem:s30+$0xFFFFFF80]  }
0xc3: {  	v9 =	vand.u32 $0x3, v9;
	v10 =	vor.u32 v12, v10;
	v12 =	vshll.u32 v13, $0x2  }
0xc4: {  	v15 =	vand.u32 $0xFFFFE000, v13;
	v13 =	vshrl.u32 v13, $0xB;
	v12 =	vand.u32 $0x1FFC, v12  }
0xc5: {  	v9 =	vor.u32 v9, v10;
	v10 =	vor.u32 v15, v12;
	v12 =	vand.u32 $0x3, v13  }
0xc6: {  	v13 =	vand.u32 $0xFFFFE000, v11;
	v15 =	vshll.u32 v11, $0x2;
	v11 =	vshrl.u32 v11, $0xB;
	v16 =	vld [tilespmem:s30+$0xFFFFFF90]  }
0xc7: {  	v15 =	vand.u32 $0x1FFC, v15;
	v11 =	vand.u32 $0x3, v11;
	v17 =	vshll.u32 v14, $0x2;
	v18 =	vld [tilespmem:s30+$0xFFFFFFA0]  }
0xc8: {  	v19 =	vand.u32 $0xFFFFE000, v14;
	v14 =	vshrl.u32 v14, $0xB;
	v17 =	vand.u32 $0x1FFC, v17  }
0xc9: {  	v13 =	vor.u32 v13, v15;
	v14 =	vand.u32 $0x3, v14;
	v15 =	vor.u32 v19, v17  }
0xca: {  	v12 =	vor.u32 v12, v10;
	v11 =	vor.u32 v11, v13;
	v10 =	vor.u32 v14, v15;
	v15 =	vld [tilespmem:s30+$0xFFFFFFB0]  }
0xcb: {  	v13 =	vand.u32 $0xFFFFE000, v16;
	v14 =	vshll.u32 v16, $0x2;
	v16 =	vshrl.u32 v16, $0xB  }
0xcc: {  	v14 =	vand.u32 $0x1FFC, v14;
	v16 =	vand.u32 $0x3, v16;
	v17 =	vshll.u32 v18, $0x2;
	v19 =	vld [tilespmem:s30+$0xFFFFFFC0]  }
0xcd: {  	v20 =	vand.u32 $0xFFFFE000, v18;
	v18 =	vshrl.u32 v18, $0xB;
	v17 =	vand.u32 $0x1FFC, v17  }
0xce: {  	v13 =	vor.u32 v13, v14;
	v18 =	vand.u32 $0x3, v18;
	v17 =	vor.u32 v20, v17  }
0xcf: {  	v14 =	vor.u32 v16, v13;
	v13 =	vor.u32 v18, v17;
	v16 =	vshll.u32 v15, $0x2;
	v17 =	vld [tilespmem:s30+$0xFFFFFFD0]  }
0xd0: {  	v18 =	vand.u32 $0xFFFFE000, v15;
	v15 =	vshrl.u32 v15, $0xB;
	v16 =	vand.u32 $0x1FFC, v16;
	v20 =	vld [tilespmem:s30+$0xFFFFFFE0]  }
0xd1: {  	v15 =	vand.u32 $0x3, v15;
	v16 =	vor.u32 v18, v16;
	v18 =	vshll.u32 v19, $0x2  }
0xd2: {  	v21 =	vand.u32 $0xFFFFE000, v19;
	v19 =	vshrl.u32 v19, $0xB;
	v18 =	vand.u32 $0x1FFC, v18  }
0xd3: {  	v15 =	vor.u32 v15, v16;
	v16 =	vor.u32 v21, v18;
	v18 =	vand.u32 $0x3, v19  }
0xd4: {  	v19 =	vand.u32 $0xFFFFE000, v17;
	v21 =	vshll.u32 v17, $0x2;
	v17 =	vshrl.u32 v17, $0xB;
	v22 =	vld [tilespmem:s30+$0x0]  }
0xd5: {  	v21 =	vand.u32 $0x1FFC, v21;
	v17 =	vand.u32 $0x3, v17;
	v23 =	vshll.u32 v20, $0x2;
	v24 =	vld [tilespmem:s30+$0x10]  }
0xd6: {  	v25 =	vand.u32 $0xFFFFE000, v20;
	v20 =	vshrl.u32 v20, $0xB;
	v23 =	vand.u32 $0x1FFC, v23  }
0xd7: {  	v19 =	vor.u32 v19, v21;
	v20 =	vand.u32 $0x3, v20;
	v21 =	vor.u32 v25, v23  }
0xd8: {  	v16 =	vor.u32 v18, v16;
	v17 =	vor.u32 v17, v19;
	v18 =	vor.u32 v20, v21;
	v19 =	vld [tilespmem:s30+$0x20]  }
0xd9: {  	v20 =	vand.u32 $0xFFFFE000, v22;
	v21 =	vshll.u32 v22, $0x2;
	v22 =	vshrl.u32 v22, $0xB  }
0xda: {  	v21 =	vand.u32 $0x1FFC, v21;
	v22 =	vand.u32 $0x3, v22;
	v23 =	vshll.u32 v24, $0x2;
	v25 =	vld [tilespmem:s30+$0x30]  }
0xdb: {  	v26 =	vand.u32 $0xFFFFE000, v24;
	v24 =	vshrl.u32 v24, $0xB;
	v23 =	vand.u32 $0x1FFC, v23  }
0xdc: {  	v20 =	vor.u32 v20, v21;
	v21 =	vor.u32 v26, v23;
	v23 =	vand.u32 $0x3, v24  }
0xdd: {  	v20 =	vor.u32 v22, v20;
	v21 =	vor.u32 v23, v21;
	v22 =	vshll.u32 v19, $0x2;
	v23 =	vld [tilespmem:s30+$0x40]  }
0xde: {  	v24 =	vand.u32 $0xFFFFE000, v19;
	v19 =	vshrl.u32 v19, $0xB;
	v22 =	vand.u32 $0x1FFC, v22;
	v26 =	vld [tilespmem:s30+$0x50]  }
0xdf: {  	v19 =	vand.u32 $0x3, v19;
	v22 =	vor.u32 v24, v22;
	v24 =	vshll.u32 v25, $0x2  }
0xe0: {  	v27 =	vand.u32 $0xFFFFE000, v25;
	v25 =	vshrl.u32 v25, $0xB;
	v24 =	vand.u32 $0x1FFC, v24  }
0xe1: {  	[tilespmem:s30+$0xFFFFFF00] =	vst v6;
	v6 =	vor.u32 v19, v22;
	v19 =	vor.u32 v27, v24;
	v22 =	vand.u32 $0x3, v25  }
0xe2: {  	[tilespmem:s30+$0xFFFFFF10] =	vst v5;
	v5 =	vand.u32 $0xFFFFE000, v23;
	v24 =	vshll.u32 v23, $0x2;
	v23 =	vshrl.u32 v23, $0xB;
	v25 =	vld [tilespmem:s30+$0x60]  }
0xe3: {  	[tilespmem:s30+$0xFFFFFF20] =	vst v4;
	v4 =	vand.u32 $0x1FFC, v24;
	v23 =	vand.u32 $0x3, v23;
	v24 =	vshll.u32 v26, $0x2;
	v27 =	vld [tilespmem:s30+$0x70]  }
0xe4: {  	[tilespmem:s30+$0xFFFFFF30] =	vst v8;
	v8 =	vand.u32 $0xFFFFE000, v26;
	v24 =	vand.u32 $0x1FFC, v24;
	v26 =	vshrl.u32 v26, $0xB  }
0xe5: {  	v4 =	vor.u32 v5, v4;
	[tilespmem:s30+$0xFFFFFF40] =	vst v7;
	v5 =	vor.u32 v8, v24;
	v7 =	vand.u32 $0x3, v26  }
0xe6: {  	v8 =	vor.u32 v22, v19;
	v4 =	vor.u32 v23, v4;
	[tilespmem:s30+$0xFFFFFF50] =	vst v9;
	v5 =	vor.u32 v7, v5;
	v7 =	vld [tilespmem:s30+$0x80]  }
0xe7: {  	[tilespmem:s30+$0xFFFFFF60] =	vst v12;
	v9 =	vand.u32 $0xFFFFE000, v25;
	v12 =	vshll.u32 v25, $0x2;
	v19 =	vshrl.u32 v25, $0xB  }
0xe8: {  	[tilespmem:s30+$0xFFFFFF70] =	vst v11;
	v11 =	vand.u32 $0x1FFC, v12;
	v12 =	vand.u32 $0x3, v19;
	v19 =	vshll.u32 v27, $0x2;
	v22 =	vld [tilespmem:s30+$0x90]  }
0xe9: {  	v23 =	vshrl.u32 v27, $0xB;
	[tilespmem:s30+$0xFFFFFF80] =	vst v10;
	v10 =	vand.u32 $0xFFFFE000, v27;
	v19 =	vand.u32 $0x1FFC, v19  }
0xea: {  	v9 =	vor.u32 v9, v11;
	v11 =	vand.u32 $0x3, v23;
	[tilespmem:s30+$0xFFFFFF90] =	vst v14;
	v10 =	vor.u32 v10, v19  }
0xeb: {  	v9 =	vor.u32 v12, v9;
	[tilespmem:s30+$0xFFFFFFA0] =	vst v13;
	v10 =	vor.u32 v11, v10;
	v11 =	vshll.u32 v7, $0x2;
	v12 =	vld [tilespmem:s30+$0xA0]  }
0xec: {  	v13 =	vand.u32 $0xFFFFE000, v7;
	v7 =	vshrl.u32 v7, $0xB;
	[tilespmem:s30+$0xFFFFFFB0] =	vst v15;
	v11 =	vand.u32 $0x1FFC, v11;
	v14 =	vld [tilespmem:s30+$0xB0]  }
0xed: {  	v7 =	vand.u32 $0x3, v7;
	[tilespmem:s30+$0xFFFFFFC0] =	vst v16;
	v11 =	vor.u32 v13, v11;
	v13 =	vshll.u32 v22, $0x2  }
0xee: {  	v15 =	vand.u32 $0xFFFFE000, v22;
	v16 =	vshrl.u32 v22, $0xB;
	[tilespmem:s30+$0xFFFFFFD0] =	vst v17;
	v13 =	vand.u32 $0x1FFC, v13  }
0xef: {  	v7 =	vor.u32 v7, v11;
	[tilespmem:s30+$0xFFFFFFE0] =	vst v18;
	v11 =	vor.u32 v15, v13;
	v13 =	vand.u32 $0x3, v16  }
0xf0: {  	[tilespmem:s30+$0x0] =	vst v20;
	v15 =	vand.u32 $0xFFFFE000, v12;
	v16 =	vshll.u32 v12, $0x2;
	v12 =	vshrl.u32 v12, $0xB;
	v17 =	vld [tilespmem:s30+$0xC0]  }
0xf1: {  	[tilespmem:s30+$0x10] =	vst v21;
	v16 =	vand.u32 $0x1FFC, v16;
	v12 =	vand.u32 $0x3, v12;
	v18 =	vshll.u32 v14, $0x2;
	v19 =	vld [tilespmem:s30+$0xD0]  }
0xf2: {  	[tilespmem:s30+$0x20] =	vst v6;
	v6 =	vand.u32 $0xFFFFE000, v14;
	v18 =	vand.u32 $0x1FFC, v18;
	v14 =	vshrl.u32 v14, $0xB  }
0xf3: {  	[tilespmem:s30+$0x30] =	vst v8;
	v8 =	vor.u32 v15, v16;
	v6 =	vor.u32 v6, v18;
	v14 =	vand.u32 $0x3, v14  }
0xf4: {  	s29 =	sadd.s32 $0x4, s29;
	v11 =	vor.u32 v13, v11;
	[tilespmem:s30+$0x40] =	vst v4;
	v8 =	vor.u32 v12, v8;
	v4 =	vor.u32 v14, v6;
	v12 =	vld [tilespmem:s30+$0xE0]  }
0xf5: {  	p0 =	slt.u32 s29, $0xC4;
	[tilespmem:s30+$0x50] =	vst v5;
	v6 =	vand.u32 $0xFFFFE000, v17;
	v5 =	vshll.u32 v17, $0x2;
	v13 =	vshrl.u32 v17, $0xB  }
.Ltmp2:
0xf6: {  	[tilespmem:s30+$0x60] =	vst v9;
	v9 =	vand.u32 $0x1FFC, v5;
	v13 =	vand.u32 $0x3, v13;
	v14 =	vshll.u32 v19, $0x2;
	v5 =	vld [tilespmem:s30+$0xF0];
	(pc) =	sbr.rel @p0 .LBB2_2-.Ltmp2, $4  }
0xf7: {  	v15 =	vshrl.u32 v19, $0xB;
	[tilespmem:s30+$0x70] =	vst v10;
	v10 =	vand.u32 $0xFFFFE000, v19;
	v14 =	vand.u32 $0x1FFC, v14  }
0xf8: {  	v6 =	vor.u32 v6, v9;
	[tilespmem:s30+$0x80] =	vst v7;
	v9 =	vor.u32 v10, v14;
	v10 =	vand.u32 $0x3, v15  }
0xf9: {  	v7 =	vor.u32 v13, v6;
	[tilespmem:s30+$0x90] =	vst v11;
	v6 =	vor.u32 v10, v9;
	v9 =	vshll.u32 v12, $0x2  }
0xfa: {  	s30 =	sadd.s32 $0x200, s30;
	[tilespmem:s26+$0xA0] =	vst v8;
	v8 =	vand.u32 $0xFFFFE000, v12;
	v10 =	vand.u32 $0x1FFC, v9;
	v9 =	vshrl.u32 v12, $0xB  }
0xfb: {  	v8 =	vor.u32 v8, v10  }
0xfc: {  	[tilespmem:s26+$0xB0] =	vst v4;
	v56 =	vand.u32 $0x3, v9;
	v57 =	vshll.u32 v5, $0x2;
	v58 =	vand.u32 $0xFFFFE000, v5  }
0xfd: {  	[tilespmem:s26+$0xC0] =	vst v7;
	v60 =	vshrl.u32 v5, $0xB;
	v62 =	vand.u32 $0xFFFFE000, v1;
	v3 =	vand.u32 $0x1FFC, v3  }
0xfe: {  	[tilespmem:s26+$0xD0] =	vst v6;
	v1 =	vshrl.u32 v1, $0xB;
	v0 =	vor.u32 v2, v0;
	v59 =	vand.u32 $0x1FFC, v57  }
0xff: {  	v4 =	vor.u32 v56, v8;
	v3 =	vor.u32 v62, v3;
	v1 =	vand.u32 $0x3, v1;
	[tilespmem:s28+$0xFFFFFFF0] =	vst v0  }
0x100: {  	v5 =	vand.u32 $0x3, v60;
	v61 =	vor.u32 v58, v59;
	[tilespmem:s26+$0xE0] =	vst v4;
	v0 =	vor.u32 v1, v3  }
0x101: {  	v63 =	vor.u32 v5, v61;
	[tilespmem:s26+$0xFFFFFFF0] =	vst v0  }
0x102: {  	[tilespmem:s26+$0xF0] =	vst v63  }
0x103: {  	[tilespmem:s10], [sflag:$0x1] =	stream.indirect.gather [hbm4b:s3+s7], $0x20, s2, s7, $0xb8;
	[tilespmem:$0xC400] =	vst v63  }
0x104: {  	s26 =	simm.s32 $0x7400  }
0x105: {  	[tilespmem:s26], [sflag:$0x2] =	stream.indirect.gather [hbm4b:s3+s7], $0x20, s7, s7, $0xb8;
	[tilespmem:$0xC400] =	vst v63  }
0x106: {  	_ = 	snop  }
0x107: {  	[tilespmem:s12], [sflag:$0x3] =	stream.indirect.gather [hbm4b:s3+s7], $0x20, s11, s7, $0xb8;
	[tilespmem:$0xC400] =	vst v63  }
0x108: {  	_ = 	snop  }
0x109: {  	[tilespmem:s14], [sflag:$0x4] =	stream.indirect.gather [hbm4b:s3+s7], $0x20, s13, s7, $0xb8;
	[tilespmem:$0xC400] =	vst v63  }
0x10a: {  	_ =	swait.ge [sflag:s15], $0x1000  }
0x10b: {  	[sflag:s15] =	ssyncset.done $0x0  }
0x10c: {  	[sflag:s15] =	ssyncadd.s32 $0xFFFFF000  }
0x10d: {  	_ =	swait.ge [sflag:s16], $0x1000  }
0x10e: {  	[sflag:s16] =	ssyncset.done $0x0  }
0x10f: {  	[sflag:s16] =	ssyncadd.s32 $0xFFFFF000  }
0x110: {  	v0 =	vld [tilespmem:s26+$0xFFFFF000]  }
0x111: {  	v1 =	vld [tilespmem:s26+$0x0];
	_ =	sdelay $0x4  }
0x112: {  	v2 =	vand.u32 $0xFFFF0000, v0;
	v3 =	vand.u32 $0xFFFF0000, v1  }
0x113: {  	v0 =	vshll.u32 v0, $0x10;
	v1 =	vshll.u32 v1, $0x10;
	v2 =	vadd.f32 v3, v2  }
0x114: {  	s28 =	simm.s32 $0xA480;
	v0 =	vadd.f32 v1, v0  }
0x115: {  	[tilespmem:s28+$0xFFFFFFA0] =	vst v2  }
0x116: {  	[tilespmem:s28+$0xFFFFFF80] =	vst v0  }
0x117: {  	v0 =	vld [tilespmem:s26+$0xFFFFF010]  }
0x118: {  	v1 =	vld [tilespmem:s26+$0x10];
	_ =	sdelay $0x4  }
0x119: {  	v2 =	vshll.u32 v0, $0x10;
	v3 =	vshll.u32 v1, $0x10  }
0x11a: {  	v0 =	vand.u32 $0xFFFF0000, v0;
	v1 =	vand.u32 $0xFFFF0000, v1;
	v2 =	vadd.f32 v3, v2  }
0x11b: {  	v0 =	vadd.f32 v1, v0  }
0x11c: {  	[tilespmem:s28+$0xFFFFFF90] =	vst v2  }
0x11d: {  	[tilespmem:s28+$0xFFFFFFB0] =	vst v0  }
0x11e: {  	v0 =	vld [tilespmem:s26+$0xFFFFF020]  }
0x11f: {  	v1 =	vld [tilespmem:s26+$0x20];
	_ =	sdelay $0x4  }
0x120: {  	v2 =	vshll.u32 v0, $0x10;
	v3 =	vshll.u32 v1, $0x10  }
0x121: {  	v0 =	vand.u32 $0xFFFF0000, v0;
	v1 =	vand.u32 $0xFFFF0000, v1;
	v2 =	vadd.f32 v3, v2  }
0x122: {  	v0 =	vadd.f32 v1, v0  }
0x123: {  	[tilespmem:s28+$0xFFFFFFC0] =	vst v2  }
0x124: {  	[tilespmem:s28+$0xFFFFFFE0] =	vst v0  }
0x125: {  	v0 =	vld [tilespmem:s26+$0xFFFFF030]  }
0x126: {  	v1 =	vld [tilespmem:s26+$0x30];
	_ =	sdelay $0x4  }
0x127: {  	v2 =	vshll.u32 v0, $0x10;
	v3 =	vshll.u32 v1, $0x10  }
0x128: {  	v0 =	vand.u32 $0xFFFF0000, v0;
	v1 =	vand.u32 $0xFFFF0000, v1;
	v2 =	vadd.f32 v3, v2  }
0x129: {  	v0 =	vadd.f32 v1, v0  }
0x12a: {  	[tilespmem:s28+$0xFFFFFFD0] =	vst v2  }
0x12b: {  	[tilespmem:s28+$0xFFFFFFF0] =	vst v0  }
0x12c: {  	v0 =	vld [tilespmem:s26+$0xFFFFF040]  }
0x12d: {  	v1 =	vld [tilespmem:s26+$0x40];
	_ =	sdelay $0x4  }
0x12e: {  	v2 =	vshll.u32 v0, $0x10;
	v3 =	vshll.u32 v1, $0x10  }
0x12f: {  	v0 =	vand.u32 $0xFFFF0000, v0;
	v1 =	vand.u32 $0xFFFF0000, v1;
	v2 =	vadd.f32 v3, v2  }
0x130: {  	v0 =	vadd.f32 v1, v0  }
0x131: {  	[tilespmem:s28+$0x0] =	vst v2  }
0x132: {  	[tilespmem:s28+$0x20] =	vst v0  }
0x133: {  	v0 =	vld [tilespmem:s26+$0xFFFFF050]  }
0x134: {  	v1 =	vld [tilespmem:s26+$0x50];
	_ =	sdelay $0x4  }
0x135: {  	v2 =	vshll.u32 v0, $0x10;
	v3 =	vshll.u32 v1, $0x10  }
0x136: {  	v0 =	vand.u32 $0xFFFF0000, v0;
	v1 =	vand.u32 $0xFFFF0000, v1;
	v2 =	vadd.f32 v3, v2  }
0x137: {  	v0 =	vadd.f32 v1, v0  }
0x138: {  	[tilespmem:s28+$0x10] =	vst v2  }
0x139: {  	[tilespmem:s28+$0x30] =	vst v0  }
0x13a: {  	v2 =	vld [tilespmem:s26+$0xFFFFF060]  }
0x13b: {  	v0 =	vld [tilespmem:s26+$0x60];
	_ =	sdelay $0x3  }
0x13c: {  	s31 =	simm.s32 $0x0;
	s29 =	simm.s32 $0xA480;
	s30 =	simm.s32 $0x7400;
	v1 =	vshll.u32 v2, $0x10;
	v2 =	vand.u32 $0xFFFF0000, v2  }
.LBB2_4:
0x13d: {  	s31 =	sadd.s32 $0x4, s31;
	v3 =	vshll.u32 v0, $0x10;
	v0 =	vand.u32 $0xFFFF0000, v0;
	s26 =	sadd.s32 $0x80, s26;
	s28 =	sadd.s32 $0x100, s28  }
0x13e: {  	p0 =	slt.u32 s31, $0x7C;
	v1 =	vadd.f32 v3, v1;
	v0 =	vadd.f32 v0, v2;
	_ =	sdelay $0x1  }
0x13f: {  	[tilespmem:s29+$0x40] =	vst v1  }
0x140: {  	[tilespmem:s29+$0x60] =	vst v0  }
0x141: {  	v0 =	vld [tilespmem:s30+$0xFFFFF070]  }
0x142: {  	v1 =	vld [tilespmem:s30+$0x70];
	s30 =	smov.u32 s26;
	_ =	sdelay $0x3  }
0x143: {  	v2 =	vshll.u32 v0, $0x10;
	v0 =	vand.u32 $0xFFFF0000, v0  }
0x144: {  	v3 =	vshll.u32 v1, $0x10;
	v1 =	vand.u32 $0xFFFF0000, v1  }
0x145: {  	v2 =	vadd.f32 v3, v2;
	v0 =	vadd.f32 v1, v0;
	_ =	sdelay $0x1  }
0x146: {  	[tilespmem:s29+$0x50] =	vst v2  }
0x147: {  	[tilespmem:s29+$0x70] =	vst v0;
	s29 =	smov.u32 s28  }
0x148: {  	v0 =	vld [tilespmem:s26+$0xFFFFF000]  }
0x149: {  	v1 =	vld [tilespmem:s26+$0x0];
	_ =	sdelay $0x3  }
0x14a: {  	v2 =	vand.u32 $0xFFFF0000, v0  }
0x14b: {  	v0 =	vshll.u32 v0, $0x10;
	v3 =	vshll.u32 v1, $0x10;
	v1 =	vand.u32 $0xFFFF0000, v1  }
0x14c: {  	v0 =	vadd.f32 v3, v0;
	v1 =	vadd.f32 v1, v2;
	_ =	sdelay $0x1  }
0x14d: {  	[tilespmem:s28+$0xFFFFFFA0] =	vst v1  }
0x14e: {  	[tilespmem:s28+$0xFFFFFF80] =	vst v0  }
0x14f: {  	v0 =	vld [tilespmem:s26+$0xFFFFF010]  }
0x150: {  	v1 =	vld [tilespmem:s26+$0x10];
	_ =	sdelay $0x3  }
0x151: {  	v2 =	vshll.u32 v0, $0x10;
	v0 =	vand.u32 $0xFFFF0000, v0  }
0x152: {  	v3 =	vshll.u32 v1, $0x10;
	v1 =	vand.u32 $0xFFFF0000, v1  }
0x153: {  	v2 =	vadd.f32 v3, v2;
	v0 =	vadd.f32 v1, v0;
	_ =	sdelay $0x1  }
0x154: {  	[tilespmem:s28+$0xFFFFFF90] =	vst v2  }
0x155: {  	[tilespmem:s28+$0xFFFFFFB0] =	vst v0  }
0x156: {  	v0 =	vld [tilespmem:s26+$0xFFFFF020]  }
0x157: {  	v1 =	vld [tilespmem:s26+$0x20];
	_ =	sdelay $0x3  }
0x158: {  	v2 =	vshll.u32 v0, $0x10;
	v0 =	vand.u32 $0xFFFF0000, v0  }
0x159: {  	v3 =	vshll.u32 v1, $0x10;
	v1 =	vand.u32 $0xFFFF0000, v1  }
0x15a: {  	v2 =	vadd.f32 v3, v2;
	v0 =	vadd.f32 v1, v0;
	_ =	sdelay $0x1  }
0x15b: {  	[tilespmem:s28+$0xFFFFFFC0] =	vst v2  }
0x15c: {  	[tilespmem:s28+$0xFFFFFFE0] =	vst v0  }
0x15d: {  	v0 =	vld [tilespmem:s26+$0xFFFFF030]  }
0x15e: {  	v1 =	vld [tilespmem:s26+$0x30];
	_ =	sdelay $0x3  }
0x15f: {  	v2 =	vshll.u32 v0, $0x10;
	v0 =	vand.u32 $0xFFFF0000, v0  }
0x160: {  	v3 =	vshll.u32 v1, $0x10;
	v1 =	vand.u32 $0xFFFF0000, v1  }
0x161: {  	v2 =	vadd.f32 v3, v2;
	v0 =	vadd.f32 v1, v0;
	_ =	sdelay $0x1  }
0x162: {  	[tilespmem:s28+$0xFFFFFFD0] =	vst v2  }
0x163: {  	[tilespmem:s28+$0xFFFFFFF0] =	vst v0  }
0x164: {  	v0 =	vld [tilespmem:s26+$0xFFFFF040]  }
0x165: {  	v1 =	vld [tilespmem:s26+$0x40];
	_ =	sdelay $0x3  }
0x166: {  	v2 =	vshll.u32 v0, $0x10;
	v0 =	vand.u32 $0xFFFF0000, v0  }
0x167: {  	v3 =	vshll.u32 v1, $0x10;
	v1 =	vand.u32 $0xFFFF0000, v1  }
0x168: {  	v2 =	vadd.f32 v3, v2;
	v0 =	vadd.f32 v1, v0;
	_ =	sdelay $0x1  }
0x169: {  	[tilespmem:s28+$0x0] =	vst v2  }
0x16a: {  	[tilespmem:s28+$0x20] =	vst v0  }
0x16b: {  	v0 =	vld [tilespmem:s26+$0xFFFFF050]  }
0x16c: {  	v1 =	vld [tilespmem:s26+$0x50];
	_ =	sdelay $0x3  }
0x16d: {  	v2 =	vshll.u32 v0, $0x10;
	v0 =	vand.u32 $0xFFFF0000, v0  }
0x16e: {  	v3 =	vshll.u32 v1, $0x10;
	v1 =	vand.u32 $0xFFFF0000, v1  }
0x16f: {  	v2 =	vadd.f32 v3, v2;
	v0 =	vadd.f32 v1, v0;
	_ =	sdelay $0x1  }
0x170: {  	[tilespmem:s28+$0x10] =	vst v2  }
0x171: {  	[tilespmem:s28+$0x30] =	vst v0  }
0x172: {  	v2 =	vld [tilespmem:s26+$0xFFFFF060]  }
.Ltmp3:
0x173: {  	v0 =	vld [tilespmem:s26+$0x60];
	(pc) =	sbr.rel @p0 .LBB2_4-.Ltmp3, $2  }
0x174: {  	_ =	sdelay $0x2  }
0x175: {  	v1 =	vshll.u32 v2, $0x10;
	v2 =	vand.u32 $0xFFFF0000, v2  }
0x176: {  	v3 =	vshll.u32 v0, $0x10  }
0x177: {  	v0 =	vand.u32 $0xFFFF0000, v0;
	v1 =	vadd.f32 v3, v1  }
0x178: {  	v0 =	vadd.f32 v0, v2  }
0x179: {  	[tilespmem:s29+$0x40] =	vst v1  }
0x17a: {  	[tilespmem:s29+$0x60] =	vst v0  }
0x17b: {  	v0 =	vld [tilespmem:s30+$0xFFFFF070]  }
0x17c: {  	v1 =	vld [tilespmem:s30+$0x70];
	_ =	sdelay $0x4  }
0x17d: {  	v2 =	vshll.u32 v0, $0x10;
	v3 =	vshll.u32 v1, $0x10  }
0x17e: {  	v0 =	vand.u32 $0xFFFF0000, v0;
	v1 =	vand.u32 $0xFFFF0000, v1;
	v2 =	vadd.f32 v3, v2  }
0x17f: {  	v0 =	vadd.f32 v1, v0  }
0x180: {  	[tilespmem:s29+$0x50] =	vst v2  }
0x181: {  	[tilespmem:s29+$0x70] =	vst v0  }
0x182: {  	[tilespmem:s10], [sflag:$0x1] =	stream.indirect.gather [hbm4b:s3+s7], $0x20, s17, s7, $0xb8;
	[tilespmem:$0xC400] =	vst v63  }
0x183: {  	_ = 	snop  }
0x184: {  	[tilespmem:s19], [sflag:$0x2] =	stream.indirect.gather [hbm4b:s3+s7], $0x20, s18, s7, $0xb8;
	[tilespmem:$0xC400] =	vst v63  }
0x185: {  	_ =	swait.ge [sflag:s20], $0x1000  }
0x186: {  	[sflag:s20] =	ssyncset.done $0x0  }
0x187: {  	[sflag:s20] =	ssyncadd.s32 $0xFFFFF000  }
0x188: {  	_ =	swait.ge [sflag:s21], $0x1000  }
0x189: {  	[sflag:s21] =	ssyncset.done $0x0  }
0x18a: {  	s26 =	simm.s32 $0x9470;
	[sflag:s21] =	ssyncadd.s32 $0xFFFFF000  }
0x18b: {  	v0 =	vld [tilespmem:s26+$0xFFFFEF90]  }
0x18c: {  	v1 =	vld [tilespmem:s26+$0xFFFFFF90];
	_ =	sdelay $0x4  }
0x18d: {  	v2 =	vand.u32 $0xFFFF0000, v0;
	v3 =	vand.u32 $0xFFFF0000, v1  }
0x18e: {  	v0 =	vshll.u32 v0, $0x10;
	v1 =	vshll.u32 v1, $0x10;
	v2 =	vadd.f32 v3, v2  }
0x18f: {  	s28 =	simm.s32 $0xA4F0;
	v0 =	vadd.f32 v1, v0  }
0x190: {  	[tilespmem:s28+$0xFFFFFF30] =	vst.add.f32.msk $0xffff, v2  }
0x191: {  	[tilespmem:s28+$0xFFFFFF10] =	vst.add.f32.msk $0xffff, v0  }
0x192: {  	v0 =	vld [tilespmem:s26+$0xFFFFEFA0]  }
0x193: {  	v1 =	vld [tilespmem:s26+$0xFFFFFFA0];
	_ =	sdelay $0x4  }
0x194: {  	v2 =	vshll.u32 v0, $0x10;
	v3 =	vshll.u32 v1, $0x10  }
0x195: {  	v0 =	vand.u32 $0xFFFF0000, v0;
	v1 =	vand.u32 $0xFFFF0000, v1;
	v2 =	vadd.f32 v3, v2  }
0x196: {  	v0 =	vadd.f32 v1, v0  }
0x197: {  	[tilespmem:s28+$0xFFFFFF20] =	vst.add.f32.msk $0xffff, v2  }
0x198: {  	[tilespmem:s28+$0xFFFFFF40] =	vst.add.f32.msk $0xffff, v0  }
0x199: {  	v0 =	vld [tilespmem:s26+$0xFFFFEFB0]  }
0x19a: {  	v1 =	vld [tilespmem:s26+$0xFFFFFFB0];
	_ =	sdelay $0x4  }
0x19b: {  	v2 =	vshll.u32 v0, $0x10;
	v3 =	vshll.u32 v1, $0x10  }
0x19c: {  	v0 =	vand.u32 $0xFFFF0000, v0;
	v1 =	vand.u32 $0xFFFF0000, v1;
	v2 =	vadd.f32 v3, v2  }
0x19d: {  	v0 =	vadd.f32 v1, v0  }
0x19e: {  	[tilespmem:s28+$0xFFFFFF50] =	vst.add.f32.msk $0xffff, v2  }
0x19f: {  	[tilespmem:s28+$0xFFFFFF70] =	vst.add.f32.msk $0xffff, v0  }
0x1a0: {  	v0 =	vld [tilespmem:s26+$0xFFFFEFC0]  }
0x1a1: {  	v1 =	vld [tilespmem:s26+$0xFFFFFFC0];
	_ =	sdelay $0x4  }
0x1a2: {  	v2 =	vshll.u32 v0, $0x10;
	v3 =	vshll.u32 v1, $0x10  }
0x1a3: {  	v0 =	vand.u32 $0xFFFF0000, v0;
	v1 =	vand.u32 $0xFFFF0000, v1;
	v2 =	vadd.f32 v3, v2  }
0x1a4: {  	v0 =	vadd.f32 v1, v0  }
0x1a5: {  	[tilespmem:s28+$0xFFFFFF60] =	vst.add.f32.msk $0xffff, v2  }
0x1a6: {  	[tilespmem:s28+$0xFFFFFF80] =	vst.add.f32.msk $0xffff, v0  }
0x1a7: {  	v0 =	vld [tilespmem:s26+$0xFFFFEFD0]  }
0x1a8: {  	v1 =	vld [tilespmem:s26+$0xFFFFFFD0];
	_ =	sdelay $0x4  }
0x1a9: {  	v2 =	vshll.u32 v0, $0x10;
	v3 =	vshll.u32 v1, $0x10  }
0x1aa: {  	v0 =	vand.u32 $0xFFFF0000, v0;
	v1 =	vand.u32 $0xFFFF0000, v1;
	v2 =	vadd.f32 v3, v2  }
0x1ab: {  	v0 =	vadd.f32 v1, v0  }
0x1ac: {  	[tilespmem:s28+$0xFFFFFF90] =	vst.add.f32.msk $0xffff, v2  }
0x1ad: {  	[tilespmem:s28+$0xFFFFFFB0] =	vst.add.f32.msk $0xffff, v0  }
0x1ae: {  	v0 =	vld [tilespmem:s26+$0xFFFFEFE0]  }
0x1af: {  	v1 =	vld [tilespmem:s26+$0xFFFFFFE0];
	_ =	sdelay $0x4  }
0x1b0: {  	v2 =	vshll.u32 v0, $0x10;
	v3 =	vshll.u32 v1, $0x10  }
0x1b1: {  	v0 =	vand.u32 $0xFFFF0000, v0;
	v1 =	vand.u32 $0xFFFF0000, v1;
	v2 =	vadd.f32 v3, v2  }
0x1b2: {  	v0 =	vadd.f32 v1, v0  }
0x1b3: {  	[tilespmem:s28+$0xFFFFFFA0] =	vst.add.f32.msk $0xffff, v2  }
0x1b4: {  	[tilespmem:s28+$0xFFFFFFC0] =	vst.add.f32.msk $0xffff, v0  }
0x1b5: {  	v2 =	vld [tilespmem:s26+$0xFFFFEFF0]  }
0x1b6: {  	v0 =	vld [tilespmem:s26+$0xFFFFFFF0];
	_ =	sdelay $0x3  }
0x1b7: {  	s31 =	simm.s32 $0x0;
	s30 =	simm.s32 $0x9470;
	s29 =	simm.s32 $0xA4F0;
	v1 =	vshll.u32 v2, $0x10;
	v2 =	vand.u32 $0xFFFF0000, v2  }
.LBB2_6:
0x1b8: {  	s31 =	sadd.s32 $0x4, s31;
	v3 =	vshll.u32 v0, $0x10;
	v0 =	vand.u32 $0xFFFF0000, v0;
	s28 =	sadd.s32 $0x100, s28;
	s26 =	sadd.s32 $0x80, s26  }
0x1b9: {  	p0 =	slt.u32 s31, $0x7C;
	v1 =	vadd.f32 v3, v1;
	v0 =	vadd.f32 v0, v2;
	_ =	sdelay $0x1  }
0x1ba: {  	[tilespmem:s29+$0xFFFFFFD0] =	vst.add.f32.msk $0xffff, v1  }
0x1bb: {  	[tilespmem:s29+$0xFFFFFFF0] =	vst.add.f32.msk $0xffff, v0  }
0x1bc: {  	v0 =	vld [tilespmem:s30+$0xFFFFF000]  }
0x1bd: {  	v1 =	vld [tilespmem:s30+$0x0];
	s30 =	smov.u32 s26;
	_ =	sdelay $0x3  }
0x1be: {  	v2 =	vshll.u32 v0, $0x10;
	v0 =	vand.u32 $0xFFFF0000, v0  }
0x1bf: {  	v3 =	vshll.u32 v1, $0x10;
	v1 =	vand.u32 $0xFFFF0000, v1  }
0x1c0: {  	v2 =	vadd.f32 v3, v2;
	v0 =	vadd.f32 v1, v0;
	_ =	sdelay $0x1  }
0x1c1: {  	[tilespmem:s29+$0xFFFFFFE0] =	vst.add.f32.msk $0xffff, v2  }
0x1c2: {  	[tilespmem:s29+$0x0] =	vst.add.f32.msk $0xffff, v0;
	s29 =	smov.u32 s28  }
0x1c3: {  	v0 =	vld [tilespmem:s26+$0xFFFFEF90]  }
0x1c4: {  	v1 =	vld [tilespmem:s26+$0xFFFFFF90];
	_ =	sdelay $0x3  }
0x1c5: {  	v2 =	vand.u32 $0xFFFF0000, v0  }
0x1c6: {  	v0 =	vshll.u32 v0, $0x10;
	v3 =	vshll.u32 v1, $0x10;
	v1 =	vand.u32 $0xFFFF0000, v1  }
0x1c7: {  	v0 =	vadd.f32 v3, v0;
	v1 =	vadd.f32 v1, v2;
	_ =	sdelay $0x1  }
0x1c8: {  	[tilespmem:s28+$0xFFFFFF30] =	vst.add.f32.msk $0xffff, v1  }
0x1c9: {  	[tilespmem:s28+$0xFFFFFF10] =	vst.add.f32.msk $0xffff, v0  }
0x1ca: {  	v0 =	vld [tilespmem:s26+$0xFFFFEFA0]  }
0x1cb: {  	v1 =	vld [tilespmem:s26+$0xFFFFFFA0];
	_ =	sdelay $0x3  }
0x1cc: {  	v2 =	vshll.u32 v0, $0x10;
	v0 =	vand.u32 $0xFFFF0000, v0  }
0x1cd: {  	v3 =	vshll.u32 v1, $0x10;
	v1 =	vand.u32 $0xFFFF0000, v1  }
0x1ce: {  	v2 =	vadd.f32 v3, v2;
	v0 =	vadd.f32 v1, v0;
	_ =	sdelay $0x1  }
0x1cf: {  	[tilespmem:s28+$0xFFFFFF20] =	vst.add.f32.msk $0xffff, v2  }
0x1d0: {  	[tilespmem:s28+$0xFFFFFF40] =	vst.add.f32.msk $0xffff, v0  }
0x1d1: {  	v0 =	vld [tilespmem:s26+$0xFFFFEFB0]  }
0x1d2: {  	v1 =	vld [tilespmem:s26+$0xFFFFFFB0];
	_ =	sdelay $0x3  }
0x1d3: {  	v2 =	vshll.u32 v0, $0x10;
	v0 =	vand.u32 $0xFFFF0000, v0  }
0x1d4: {  	v3 =	vshll.u32 v1, $0x10;
	v1 =	vand.u32 $0xFFFF0000, v1  }
0x1d5: {  	v2 =	vadd.f32 v3, v2;
	v0 =	vadd.f32 v1, v0;
	_ =	sdelay $0x1  }
0x1d6: {  	[tilespmem:s28+$0xFFFFFF50] =	vst.add.f32.msk $0xffff, v2  }
0x1d7: {  	[tilespmem:s28+$0xFFFFFF70] =	vst.add.f32.msk $0xffff, v0  }
0x1d8: {  	v0 =	vld [tilespmem:s26+$0xFFFFEFC0]  }
0x1d9: {  	v1 =	vld [tilespmem:s26+$0xFFFFFFC0];
	_ =	sdelay $0x3  }
0x1da: {  	v2 =	vshll.u32 v0, $0x10;
	v0 =	vand.u32 $0xFFFF0000, v0  }
0x1db: {  	v3 =	vshll.u32 v1, $0x10;
	v1 =	vand.u32 $0xFFFF0000, v1  }
0x1dc: {  	v2 =	vadd.f32 v3, v2;
	v0 =	vadd.f32 v1, v0;
	_ =	sdelay $0x1  }
0x1dd: {  	[tilespmem:s28+$0xFFFFFF60] =	vst.add.f32.msk $0xffff, v2  }
0x1de: {  	[tilespmem:s28+$0xFFFFFF80] =	vst.add.f32.msk $0xffff, v0  }
0x1df: {  	v0 =	vld [tilespmem:s26+$0xFFFFEFD0]  }
0x1e0: {  	v1 =	vld [tilespmem:s26+$0xFFFFFFD0];
	_ =	sdelay $0x3  }
0x1e1: {  	v2 =	vshll.u32 v0, $0x10;
	v0 =	vand.u32 $0xFFFF0000, v0  }
0x1e2: {  	v3 =	vshll.u32 v1, $0x10;
	v1 =	vand.u32 $0xFFFF0000, v1  }
0x1e3: {  	v2 =	vadd.f32 v3, v2;
	v0 =	vadd.f32 v1, v0;
	_ =	sdelay $0x1  }
0x1e4: {  	[tilespmem:s28+$0xFFFFFF90] =	vst.add.f32.msk $0xffff, v2  }
0x1e5: {  	[tilespmem:s28+$0xFFFFFFB0] =	vst.add.f32.msk $0xffff, v0  }
0x1e6: {  	v0 =	vld [tilespmem:s26+$0xFFFFEFE0]  }
0x1e7: {  	v1 =	vld [tilespmem:s26+$0xFFFFFFE0];
	_ =	sdelay $0x3  }
0x1e8: {  	v2 =	vshll.u32 v0, $0x10;
	v0 =	vand.u32 $0xFFFF0000, v0  }
0x1e9: {  	v3 =	vshll.u32 v1, $0x10;
	v1 =	vand.u32 $0xFFFF0000, v1  }
0x1ea: {  	v2 =	vadd.f32 v3, v2;
	v0 =	vadd.f32 v1, v0;
	_ =	sdelay $0x1  }
0x1eb: {  	[tilespmem:s28+$0xFFFFFFA0] =	vst.add.f32.msk $0xffff, v2  }
0x1ec: {  	[tilespmem:s28+$0xFFFFFFC0] =	vst.add.f32.msk $0xffff, v0  }
0x1ed: {  	v2 =	vld [tilespmem:s26+$0xFFFFEFF0]  }
.Ltmp4:
0x1ee: {  	v0 =	vld [tilespmem:s26+$0xFFFFFFF0];
	(pc) =	sbr.rel @p0 .LBB2_6-.Ltmp4, $2  }
0x1ef: {  	_ =	sdelay $0x2  }
0x1f0: {  	v1 =	vshll.u32 v2, $0x10;
	v2 =	vand.u32 $0xFFFF0000, v2  }
0x1f1: {  	v3 =	vshll.u32 v0, $0x10  }
0x1f2: {  	v61 =	vand.u32 $0xFFFF0000, v0;
	v1 =	vadd.f32 v3, v1  }
0x1f3: {  	v0 =	vadd.f32 v61, v2  }
0x1f4: {  	[tilespmem:s29+$0xFFFFFFD0] =	vst.add.f32.msk $0xffff, v1  }
0x1f5: {  	[tilespmem:s29+$0xFFFFFFF0] =	vst.add.f32.msk $0xffff, v0  }
0x1f6: {  	v0 =	vld [tilespmem:s30+$0xFFFFF000]  }
0x1f7: {  	v1 =	vld [tilespmem:s30+$0x0];
	_ =	sdelay $0x4  }
0x1f8: {  	v62 =	vshll.u32 v0, $0x10;
	v63 =	vshll.u32 v1, $0x10  }
0x1f9: {  	v0 =	vand.u32 $0xFFFF0000, v0;
	v1 =	vand.u32 $0xFFFF0000, v1;
	v2 =	vadd.f32 v63, v62  }
0x1fa: {  	v0 =	vadd.f32 v1, v0  }
0x1fb: {  	[tilespmem:s29+$0xFFFFFFE0] =	vst.add.f32.msk $0xffff, v2  }
0x1fc: {  	[tilespmem:s29+$0x0] =	vst.add.f32.msk $0xffff, v0  }
0x1fd: {  	[tilespmem:s12], [sflag:$0x3] =	stream.indirect.gather [hbm4b:s3+s7], $0x20, s22, s7, $0xb8;
	[tilespmem:$0xC400] =	vst v63  }
0x1fe: {  	s26 =	simm.s32 $0x1  }
0x1ff: {  	[tilespmem:s14], [sflag:$0x4] =	stream.indirect.gather [hbm4b:s3+s7], $0x20, s23, s7, $0xb8;
	[tilespmem:$0xC400] =	vst v63  }
.LBB2_8:
0x200: {  	_ =	swait.ge [sflag:s15], $0x1000  }
0x201: {  	[sflag:s15] =	ssyncset.done $0x0  }
0x202: {  	[sflag:s15] =	ssyncadd.s32 $0xFFFFF000  }
0x203: {  	_ =	swait.ge [sflag:s16], $0x1000  }
0x204: {  	[sflag:s16] =	ssyncset.done $0x0  }
0x205: {  	s28 =	simm.s32 $0x7400;
	[sflag:s16] =	ssyncadd.s32 $0xFFFFF000  }
0x206: {  	v0 =	vld [tilespmem:s28+$0xFFFFF000]  }
0x207: {  	v1 =	vld [tilespmem:s28+$0x0];
	_ =	sdelay $0x4  }
0x208: {  	v2 =	vand.u32 $0xFFFF0000, v0;
	v3 =	vand.u32 $0xFFFF0000, v1  }
0x209: {  	v0 =	vshll.u32 v0, $0x10;
	v1 =	vshll.u32 v1, $0x10;
	v2 =	vadd.f32 v3, v2  }
0x20a: {  	s29 =	simm.s32 $0xA4F0;
	v0 =	vadd.f32 v1, v0  }
0x20b: {  	[tilespmem:s29+$0xFFFFFF30] =	vst.add.f32.msk $0xffff, v2  }
0x20c: {  	[tilespmem:s29+$0xFFFFFF10] =	vst.add.f32.msk $0xffff, v0  }
0x20d: {  	v0 =	vld [tilespmem:s28+$0xFFFFF010]  }
0x20e: {  	v1 =	vld [tilespmem:s28+$0x10];
	_ =	sdelay $0x4  }
0x20f: {  	v2 =	vshll.u32 v0, $0x10;
	v3 =	vshll.u32 v1, $0x10  }
0x210: {  	v0 =	vand.u32 $0xFFFF0000, v0;
	v1 =	vand.u32 $0xFFFF0000, v1;
	v2 =	vadd.f32 v3, v2  }
0x211: {  	v0 =	vadd.f32 v1, v0  }
0x212: {  	[tilespmem:s29+$0xFFFFFF20] =	vst.add.f32.msk $0xffff, v2  }
0x213: {  	[tilespmem:s29+$0xFFFFFF40] =	vst.add.f32.msk $0xffff, v0  }
0x214: {  	v0 =	vld [tilespmem:s28+$0xFFFFF020]  }
0x215: {  	v1 =	vld [tilespmem:s28+$0x20];
	_ =	sdelay $0x4  }
0x216: {  	v2 =	vshll.u32 v0, $0x10;
	v3 =	vshll.u32 v1, $0x10  }
0x217: {  	v0 =	vand.u32 $0xFFFF0000, v0;
	v1 =	vand.u32 $0xFFFF0000, v1;
	v2 =	vadd.f32 v3, v2  }
0x218: {  	v0 =	vadd.f32 v1, v0  }
0x219: {  	[tilespmem:s29+$0xFFFFFF50] =	vst.add.f32.msk $0xffff, v2  }
0x21a: {  	[tilespmem:s29+$0xFFFFFF70] =	vst.add.f32.msk $0xffff, v0  }
0x21b: {  	v0 =	vld [tilespmem:s28+$0xFFFFF030]  }
0x21c: {  	v1 =	vld [tilespmem:s28+$0x30];
	_ =	sdelay $0x4  }
0x21d: {  	v2 =	vshll.u32 v0, $0x10;
	v3 =	vshll.u32 v1, $0x10  }
0x21e: {  	v0 =	vand.u32 $0xFFFF0000, v0;
	v1 =	vand.u32 $0xFFFF0000, v1;
	v2 =	vadd.f32 v3, v2  }
0x21f: {  	v0 =	vadd.f32 v1, v0  }
0x220: {  	[tilespmem:s29+$0xFFFFFF60] =	vst.add.f32.msk $0xffff, v2  }
0x221: {  	[tilespmem:s29+$0xFFFFFF80] =	vst.add.f32.msk $0xffff, v0  }
0x222: {  	v0 =	vld [tilespmem:s28+$0xFFFFF040]  }
0x223: {  	v1 =	vld [tilespmem:s28+$0x40];
	_ =	sdelay $0x4  }
0x224: {  	v2 =	vshll.u32 v0, $0x10;
	v3 =	vshll.u32 v1, $0x10  }
0x225: {  	v0 =	vand.u32 $0xFFFF0000, v0;
	v1 =	vand.u32 $0xFFFF0000, v1;
	v2 =	vadd.f32 v3, v2  }
0x226: {  	v0 =	vadd.f32 v1, v0  }
0x227: {  	[tilespmem:s29+$0xFFFFFF90] =	vst.add.f32.msk $0xffff, v2  }
0x228: {  	[tilespmem:s29+$0xFFFFFFB0] =	vst.add.f32.msk $0xffff, v0  }
0x229: {  	v0 =	vld [tilespmem:s28+$0xFFFFF050]  }
0x22a: {  	v1 =	vld [tilespmem:s28+$0x50];
	_ =	sdelay $0x4  }
0x22b: {  	v2 =	vshll.u32 v0, $0x10;
	v3 =	vshll.u32 v1, $0x10  }
0x22c: {  	v0 =	vand.u32 $0xFFFF0000, v0;
	v1 =	vand.u32 $0xFFFF0000, v1;
	v2 =	vadd.f32 v3, v2  }
0x22d: {  	v0 =	vadd.f32 v1, v0  }
0x22e: {  	[tilespmem:s29+$0xFFFFFFA0] =	vst.add.f32.msk $0xffff, v2  }
0x22f: {  	[tilespmem:s29+$0xFFFFFFC0] =	vst.add.f32.msk $0xffff, v0  }
0x230: {  	v2 =	vld [tilespmem:s28+$0xFFFFF060]  }
0x231: {  	v0 =	vld [tilespmem:s28+$0x60];
	_ =	sdelay $0x3  }
0x232: {  	s1 =	simm.s32 $0x0;
	s30 =	simm.s32 $0xA4F0;
	s31 =	simm.s32 $0x7400;
	v1 =	vshll.u32 v2, $0x10;
	v2 =	vand.u32 $0xFFFF0000, v2  }
.LBB2_9:
0x233: {  	s1 =	sadd.s32 $0x4, s1;
	v3 =	vshll.u32 v0, $0x10;
	v0 =	vand.u32 $0xFFFF0000, v0;
	s29 =	sadd.s32 $0x100, s29;
	s28 =	sadd.s32 $0x80, s28  }
0x234: {  	p0 =	slt.u32 s1, $0x7C;
	v1 =	vadd.f32 v3, v1;
	v0 =	vadd.f32 v0, v2;
	_ =	sdelay $0x1  }
0x235: {  	[tilespmem:s30+$0xFFFFFFD0] =	vst.add.f32.msk $0xffff, v1  }
0x236: {  	[tilespmem:s30+$0xFFFFFFF0] =	vst.add.f32.msk $0xffff, v0  }
0x237: {  	v0 =	vld [tilespmem:s31+$0xFFFFF070]  }
0x238: {  	v1 =	vld [tilespmem:s31+$0x70];
	s31 =	smov.u32 s28;
	_ =	sdelay $0x3  }
0x239: {  	v2 =	vshll.u32 v0, $0x10;
	v0 =	vand.u32 $0xFFFF0000, v0  }
0x23a: {  	v3 =	vshll.u32 v1, $0x10;
	v1 =	vand.u32 $0xFFFF0000, v1  }
0x23b: {  	v2 =	vadd.f32 v3, v2;
	v0 =	vadd.f32 v1, v0;
	_ =	sdelay $0x1  }
0x23c: {  	[tilespmem:s30+$0xFFFFFFE0] =	vst.add.f32.msk $0xffff, v2  }
0x23d: {  	[tilespmem:s30+$0x0] =	vst.add.f32.msk $0xffff, v0;
	s30 =	smov.u32 s29  }
0x23e: {  	v0 =	vld [tilespmem:s28+$0xFFFFF000]  }
0x23f: {  	v1 =	vld [tilespmem:s28+$0x0];
	_ =	sdelay $0x3  }
0x240: {  	v2 =	vand.u32 $0xFFFF0000, v0  }
0x241: {  	v0 =	vshll.u32 v0, $0x10;
	v3 =	vshll.u32 v1, $0x10;
	v1 =	vand.u32 $0xFFFF0000, v1  }
0x242: {  	v0 =	vadd.f32 v3, v0;
	v1 =	vadd.f32 v1, v2;
	_ =	sdelay $0x1  }
0x243: {  	[tilespmem:s29+$0xFFFFFF30] =	vst.add.f32.msk $0xffff, v1  }
0x244: {  	[tilespmem:s29+$0xFFFFFF10] =	vst.add.f32.msk $0xffff, v0  }
0x245: {  	v0 =	vld [tilespmem:s28+$0xFFFFF010]  }
0x246: {  	v1 =	vld [tilespmem:s28+$0x10];
	_ =	sdelay $0x3  }
0x247: {  	v2 =	vshll.u32 v0, $0x10;
	v0 =	vand.u32 $0xFFFF0000, v0  }
0x248: {  	v3 =	vshll.u32 v1, $0x10;
	v1 =	vand.u32 $0xFFFF0000, v1  }
0x249: {  	v2 =	vadd.f32 v3, v2;
	v0 =	vadd.f32 v1, v0;
	_ =	sdelay $0x1  }
0x24a: {  	[tilespmem:s29+$0xFFFFFF20] =	vst.add.f32.msk $0xffff, v2  }
0x24b: {  	[tilespmem:s29+$0xFFFFFF40] =	vst.add.f32.msk $0xffff, v0  }
0x24c: {  	v0 =	vld [tilespmem:s28+$0xFFFFF020]  }
0x24d: {  	v1 =	vld [tilespmem:s28+$0x20];
	_ =	sdelay $0x3  }
0x24e: {  	v2 =	vshll.u32 v0, $0x10;
	v0 =	vand.u32 $0xFFFF0000, v0  }
0x24f: {  	v3 =	vshll.u32 v1, $0x10;
	v1 =	vand.u32 $0xFFFF0000, v1  }
0x250: {  	v2 =	vadd.f32 v3, v2;
	v0 =	vadd.f32 v1, v0;
	_ =	sdelay $0x1  }
0x251: {  	[tilespmem:s29+$0xFFFFFF50] =	vst.add.f32.msk $0xffff, v2  }
0x252: {  	[tilespmem:s29+$0xFFFFFF70] =	vst.add.f32.msk $0xffff, v0  }
0x253: {  	v0 =	vld [tilespmem:s28+$0xFFFFF030]  }
0x254: {  	v1 =	vld [tilespmem:s28+$0x30];
	_ =	sdelay $0x3  }
0x255: {  	v2 =	vshll.u32 v0, $0x10;
	v0 =	vand.u32 $0xFFFF0000, v0  }
0x256: {  	v3 =	vshll.u32 v1, $0x10;
	v1 =	vand.u32 $0xFFFF0000, v1  }
0x257: {  	v2 =	vadd.f32 v3, v2;
	v0 =	vadd.f32 v1, v0;
	_ =	sdelay $0x1  }
0x258: {  	[tilespmem:s29+$0xFFFFFF60] =	vst.add.f32.msk $0xffff, v2  }
0x259: {  	[tilespmem:s29+$0xFFFFFF80] =	vst.add.f32.msk $0xffff, v0  }
0x25a: {  	v0 =	vld [tilespmem:s28+$0xFFFFF040]  }
0x25b: {  	v1 =	vld [tilespmem:s28+$0x40];
	_ =	sdelay $0x3  }
0x25c: {  	v2 =	vshll.u32 v0, $0x10;
	v0 =	vand.u32 $0xFFFF0000, v0  }
0x25d: {  	v3 =	vshll.u32 v1, $0x10;
	v1 =	vand.u32 $0xFFFF0000, v1  }
0x25e: {  	v2 =	vadd.f32 v3, v2;
	v0 =	vadd.f32 v1, v0;
	_ =	sdelay $0x1  }
0x25f: {  	[tilespmem:s29+$0xFFFFFF90] =	vst.add.f32.msk $0xffff, v2  }
0x260: {  	[tilespmem:s29+$0xFFFFFFB0] =	vst.add.f32.msk $0xffff, v0  }
0x261: {  	v0 =	vld [tilespmem:s28+$0xFFFFF050]  }
0x262: {  	v1 =	vld [tilespmem:s28+$0x50];
	_ =	sdelay $0x3  }
0x263: {  	v2 =	vshll.u32 v0, $0x10;
	v0 =	vand.u32 $0xFFFF0000, v0  }
0x264: {  	v3 =	vshll.u32 v1, $0x10;
	v1 =	vand.u32 $0xFFFF0000, v1  }
0x265: {  	v2 =	vadd.f32 v3, v2;
	v0 =	vadd.f32 v1, v0;
	_ =	sdelay $0x1  }
0x266: {  	[tilespmem:s29+$0xFFFFFFA0] =	vst.add.f32.msk $0xffff, v2  }
0x267: {  	[tilespmem:s29+$0xFFFFFFC0] =	vst.add.f32.msk $0xffff, v0  }
0x268: {  	v2 =	vld [tilespmem:s28+$0xFFFFF060]  }
.Ltmp5:
0x269: {  	v0 =	vld [tilespmem:s28+$0x60];
	(pc) =	sbr.rel @p0 .LBB2_9-.Ltmp5, $2  }
0x26a: {  	_ =	sdelay $0x2  }
0x26b: {  	v1 =	vshll.u32 v2, $0x10;
	v2 =	vand.u32 $0xFFFF0000, v2  }
0x26c: {  	v3 =	vshll.u32 v0, $0x10  }
0x26d: {  	v0 =	vand.u32 $0xFFFF0000, v0;
	v1 =	vadd.f32 v3, v1  }
0x26e: {  	v0 =	vadd.f32 v0, v2  }
0x26f: {  	[tilespmem:s30+$0xFFFFFFD0] =	vst.add.f32.msk $0xffff, v1  }
0x270: {  	[tilespmem:s30+$0xFFFFFFF0] =	vst.add.f32.msk $0xffff, v0  }
0x271: {  	v0 =	vld [tilespmem:s31+$0xFFFFF070]  }
0x272: {  	v1 =	vld [tilespmem:s31+$0x70];
	_ =	sdelay $0x4  }
0x273: {  	v2 =	vshll.u32 v0, $0x10;
	v3 =	vshll.u32 v1, $0x10  }
0x274: {  	p0 =	seq.s32 s26, $0x31;
	v0 =	vand.u32 $0xFFFF0000, v0;
	v1 =	vand.u32 $0xFFFF0000, v1;
	v2 =	vadd.f32 v3, v2  }
0x275: {  	s1 =	sshll.u32 @!p0 s26, $0x9;
	v0 =	vadd.f32 v1, v0  }
0x276: {  	s1 =	sand.u32 @!p0 $0x3FFFFE00, s1;
	[tilespmem:s30+$0xFFFFFFE0] =	vst.add.f32.msk $0xffff, v2  }
0x277: {  	s29 =	simm.s32 @!p0 $0x80;
	s28 =	sadd.s32 @!p0 $0x200, s1;
	[tilespmem:s30+$0x0] =	vst.add.f32.msk $0xffff, v0;
	s30 =	simm.s32 @!p0 $0x6400  }
0x278: {  	[tilespmem:s30], [sflag:$0x1] =	stream.indirect.gather @!p0 [hbm4b:s3+s29], $0x20, s28, s29, $0xb8;
	[tilespmem:$0xC400] =	vst v63  }
0x279: {  	s1 =	sadd.s32 @!p0 $0x280, s1;
	s28 =	simm.s32 @!p0 $0x7400  }
0x27a: {  	[tilespmem:s28], [sflag:$0x2] =	stream.indirect.gather @!p0 [hbm4b:s3+s29], $0x20, s1, s29, $0xb8;
	[tilespmem:$0xC400] =	vst v63  }
0x27b: {  	_ =	swait.ge [sflag:s20], $0x1000  }
0x27c: {  	[sflag:s20] =	ssyncset.done $0x0  }
0x27d: {  	[sflag:s20] =	ssyncadd.s32 $0xFFFFF000  }
0x27e: {  	_ =	swait.ge [sflag:s21], $0x1000  }
0x27f: {  	[sflag:s21] =	ssyncset.done $0x0  }
0x280: {  	s28 =	simm.s32 $0x9470;
	[sflag:s21] =	ssyncadd.s32 $0xFFFFF000  }
0x281: {  	v0 =	vld [tilespmem:s28+$0xFFFFEF90]  }
0x282: {  	v1 =	vld [tilespmem:s28+$0xFFFFFF90];
	_ =	sdelay $0x4  }
0x283: {  	v2 =	vand.u32 $0xFFFF0000, v0;
	v3 =	vand.u32 $0xFFFF0000, v1  }
0x284: {  	v0 =	vshll.u32 v0, $0x10;
	v1 =	vshll.u32 v1, $0x10;
	v2 =	vadd.f32 v3, v2  }
0x285: {  	s29 =	simm.s32 $0xA4F0;
	v0 =	vadd.f32 v1, v0  }
0x286: {  	[tilespmem:s29+$0xFFFFFF30] =	vst.add.f32.msk $0xffff, v2  }
0x287: {  	[tilespmem:s29+$0xFFFFFF10] =	vst.add.f32.msk $0xffff, v0  }
0x288: {  	v0 =	vld [tilespmem:s28+$0xFFFFEFA0]  }
0x289: {  	v1 =	vld [tilespmem:s28+$0xFFFFFFA0];
	_ =	sdelay $0x4  }
0x28a: {  	v2 =	vshll.u32 v0, $0x10;
	v3 =	vshll.u32 v1, $0x10  }
0x28b: {  	v0 =	vand.u32 $0xFFFF0000, v0;
	v1 =	vand.u32 $0xFFFF0000, v1;
	v2 =	vadd.f32 v3, v2  }
0x28c: {  	v0 =	vadd.f32 v1, v0  }
0x28d: {  	[tilespmem:s29+$0xFFFFFF20] =	vst.add.f32.msk $0xffff, v2  }
0x28e: {  	[tilespmem:s29+$0xFFFFFF40] =	vst.add.f32.msk $0xffff, v0  }
0x28f: {  	v0 =	vld [tilespmem:s28+$0xFFFFEFB0]  }
0x290: {  	v1 =	vld [tilespmem:s28+$0xFFFFFFB0];
	_ =	sdelay $0x4  }
0x291: {  	v2 =	vshll.u32 v0, $0x10;
	v3 =	vshll.u32 v1, $0x10  }
0x292: {  	v0 =	vand.u32 $0xFFFF0000, v0;
	v1 =	vand.u32 $0xFFFF0000, v1;
	v2 =	vadd.f32 v3, v2  }
0x293: {  	v0 =	vadd.f32 v1, v0  }
0x294: {  	[tilespmem:s29+$0xFFFFFF50] =	vst.add.f32.msk $0xffff, v2  }
0x295: {  	[tilespmem:s29+$0xFFFFFF70] =	vst.add.f32.msk $0xffff, v0  }
0x296: {  	v0 =	vld [tilespmem:s28+$0xFFFFEFC0]  }
0x297: {  	v1 =	vld [tilespmem:s28+$0xFFFFFFC0];
	_ =	sdelay $0x4  }
0x298: {  	v2 =	vshll.u32 v0, $0x10;
	v3 =	vshll.u32 v1, $0x10  }
0x299: {  	v0 =	vand.u32 $0xFFFF0000, v0;
	v1 =	vand.u32 $0xFFFF0000, v1;
	v2 =	vadd.f32 v3, v2  }
0x29a: {  	v0 =	vadd.f32 v1, v0  }
0x29b: {  	[tilespmem:s29+$0xFFFFFF60] =	vst.add.f32.msk $0xffff, v2  }
0x29c: {  	[tilespmem:s29+$0xFFFFFF80] =	vst.add.f32.msk $0xffff, v0  }
0x29d: {  	v0 =	vld [tilespmem:s28+$0xFFFFEFD0]  }
0x29e: {  	v1 =	vld [tilespmem:s28+$0xFFFFFFD0];
	_ =	sdelay $0x4  }
0x29f: {  	v2 =	vshll.u32 v0, $0x10;
	v3 =	vshll.u32 v1, $0x10  }
0x2a0: {  	v0 =	vand.u32 $0xFFFF0000, v0;
	v1 =	vand.u32 $0xFFFF0000, v1;
	v2 =	vadd.f32 v3, v2  }
0x2a1: {  	v0 =	vadd.f32 v1, v0  }
0x2a2: {  	[tilespmem:s29+$0xFFFFFF90] =	vst.add.f32.msk $0xffff, v2  }
0x2a3: {  	[tilespmem:s29+$0xFFFFFFB0] =	vst.add.f32.msk $0xffff, v0  }
0x2a4: {  	v0 =	vld [tilespmem:s28+$0xFFFFEFE0]  }
0x2a5: {  	v1 =	vld [tilespmem:s28+$0xFFFFFFE0];
	_ =	sdelay $0x4  }
0x2a6: {  	v2 =	vshll.u32 v0, $0x10;
	v3 =	vshll.u32 v1, $0x10  }
0x2a7: {  	v0 =	vand.u32 $0xFFFF0000, v0;
	v1 =	vand.u32 $0xFFFF0000, v1;
	v2 =	vadd.f32 v3, v2  }
0x2a8: {  	v0 =	vadd.f32 v1, v0  }
0x2a9: {  	[tilespmem:s29+$0xFFFFFFA0] =	vst.add.f32.msk $0xffff, v2  }
0x2aa: {  	[tilespmem:s29+$0xFFFFFFC0] =	vst.add.f32.msk $0xffff, v0  }
0x2ab: {  	v2 =	vld [tilespmem:s28+$0xFFFFEFF0]  }
0x2ac: {  	v0 =	vld [tilespmem:s28+$0xFFFFFFF0];
	_ =	sdelay $0x3  }
0x2ad: {  	s31 =	simm.s32 $0x9470;
	s30 =	simm.s32 $0xA4F0;
	s1 =	simm.s32 $0x0;
	v1 =	vshll.u32 v2, $0x10;
	v2 =	vand.u32 $0xFFFF0000, v2  }
.LBB2_11:
0x2ae: {  	s1 =	sadd.s32 $0x4, s1;
	v3 =	vshll.u32 v0, $0x10;
	v0 =	vand.u32 $0xFFFF0000, v0;
	s29 =	sadd.s32 $0x100, s29;
	s28 =	sadd.s32 $0x80, s28  }
0x2af: {  	p1 =	slt.u32 s1, $0x7C;
	v1 =	vadd.f32 v3, v1;
	v0 =	vadd.f32 v0, v2;
	_ =	sdelay $0x1  }
0x2b0: {  	[tilespmem:s30+$0xFFFFFFD0] =	vst.add.f32.msk $0xffff, v1  }
0x2b1: {  	[tilespmem:s30+$0xFFFFFFF0] =	vst.add.f32.msk $0xffff, v0  }
0x2b2: {  	v0 =	vld [tilespmem:s31+$0xFFFFF000]  }
0x2b3: {  	v1 =	vld [tilespmem:s31+$0x0];
	s31 =	smov.u32 s28;
	_ =	sdelay $0x3  }
0x2b4: {  	v2 =	vshll.u32 v0, $0x10;
	v0 =	vand.u32 $0xFFFF0000, v0  }
0x2b5: {  	v3 =	vshll.u32 v1, $0x10;
	v1 =	vand.u32 $0xFFFF0000, v1  }
0x2b6: {  	v2 =	vadd.f32 v3, v2;
	v0 =	vadd.f32 v1, v0;
	_ =	sdelay $0x1  }
0x2b7: {  	[tilespmem:s30+$0xFFFFFFE0] =	vst.add.f32.msk $0xffff, v2  }
0x2b8: {  	[tilespmem:s30+$0x0] =	vst.add.f32.msk $0xffff, v0;
	s30 =	smov.u32 s29  }
0x2b9: {  	v0 =	vld [tilespmem:s28+$0xFFFFEF90]  }
0x2ba: {  	v1 =	vld [tilespmem:s28+$0xFFFFFF90];
	_ =	sdelay $0x3  }
0x2bb: {  	v2 =	vand.u32 $0xFFFF0000, v0  }
0x2bc: {  	v0 =	vshll.u32 v0, $0x10;
	v3 =	vshll.u32 v1, $0x10;
	v1 =	vand.u32 $0xFFFF0000, v1  }
0x2bd: {  	v0 =	vadd.f32 v3, v0;
	v1 =	vadd.f32 v1, v2;
	_ =	sdelay $0x1  }
0x2be: {  	[tilespmem:s29+$0xFFFFFF30] =	vst.add.f32.msk $0xffff, v1  }
0x2bf: {  	[tilespmem:s29+$0xFFFFFF10] =	vst.add.f32.msk $0xffff, v0  }
0x2c0: {  	v0 =	vld [tilespmem:s28+$0xFFFFEFA0]  }
0x2c1: {  	v1 =	vld [tilespmem:s28+$0xFFFFFFA0];
	_ =	sdelay $0x3  }
0x2c2: {  	v2 =	vshll.u32 v0, $0x10;
	v0 =	vand.u32 $0xFFFF0000, v0  }
0x2c3: {  	v3 =	vshll.u32 v1, $0x10;
	v1 =	vand.u32 $0xFFFF0000, v1  }
0x2c4: {  	v2 =	vadd.f32 v3, v2;
	v0 =	vadd.f32 v1, v0;
	_ =	sdelay $0x1  }
0x2c5: {  	[tilespmem:s29+$0xFFFFFF20] =	vst.add.f32.msk $0xffff, v2  }
0x2c6: {  	[tilespmem:s29+$0xFFFFFF40] =	vst.add.f32.msk $0xffff, v0  }
0x2c7: {  	v0 =	vld [tilespmem:s28+$0xFFFFEFB0]  }
0x2c8: {  	v1 =	vld [tilespmem:s28+$0xFFFFFFB0];
	_ =	sdelay $0x3  }
0x2c9: {  	v2 =	vshll.u32 v0, $0x10;
	v0 =	vand.u32 $0xFFFF0000, v0  }
0x2ca: {  	v3 =	vshll.u32 v1, $0x10;
	v1 =	vand.u32 $0xFFFF0000, v1  }
0x2cb: {  	v2 =	vadd.f32 v3, v2;
	v0 =	vadd.f32 v1, v0;
	_ =	sdelay $0x1  }
0x2cc: {  	[tilespmem:s29+$0xFFFFFF50] =	vst.add.f32.msk $0xffff, v2  }
0x2cd: {  	[tilespmem:s29+$0xFFFFFF70] =	vst.add.f32.msk $0xffff, v0  }
0x2ce: {  	v0 =	vld [tilespmem:s28+$0xFFFFEFC0]  }
0x2cf: {  	v1 =	vld [tilespmem:s28+$0xFFFFFFC0];
	_ =	sdelay $0x3  }
0x2d0: {  	v2 =	vshll.u32 v0, $0x10;
	v0 =	vand.u32 $0xFFFF0000, v0  }
0x2d1: {  	v3 =	vshll.u32 v1, $0x10;
	v1 =	vand.u32 $0xFFFF0000, v1  }
0x2d2: {  	v2 =	vadd.f32 v3, v2;
	v0 =	vadd.f32 v1, v0;
	_ =	sdelay $0x1  }
0x2d3: {  	[tilespmem:s29+$0xFFFFFF60] =	vst.add.f32.msk $0xffff, v2  }
0x2d4: {  	[tilespmem:s29+$0xFFFFFF80] =	vst.add.f32.msk $0xffff, v0  }
0x2d5: {  	v0 =	vld [tilespmem:s28+$0xFFFFEFD0]  }
0x2d6: {  	v1 =	vld [tilespmem:s28+$0xFFFFFFD0];
	_ =	sdelay $0x3  }
0x2d7: {  	v2 =	vshll.u32 v0, $0x10;
	v0 =	vand.u32 $0xFFFF0000, v0  }
0x2d8: {  	v3 =	vshll.u32 v1, $0x10;
	v1 =	vand.u32 $0xFFFF0000, v1  }
0x2d9: {  	v2 =	vadd.f32 v3, v2;
	v0 =	vadd.f32 v1, v0;
	_ =	sdelay $0x1  }
0x2da: {  	[tilespmem:s29+$0xFFFFFF90] =	vst.add.f32.msk $0xffff, v2  }
0x2db: {  	[tilespmem:s29+$0xFFFFFFB0] =	vst.add.f32.msk $0xffff, v0  }
0x2dc: {  	v0 =	vld [tilespmem:s28+$0xFFFFEFE0]  }
0x2dd: {  	v1 =	vld [tilespmem:s28+$0xFFFFFFE0];
	_ =	sdelay $0x3  }
0x2de: {  	v2 =	vshll.u32 v0, $0x10;
	v0 =	vand.u32 $0xFFFF0000, v0  }
0x2df: {  	v3 =	vshll.u32 v1, $0x10;
	v1 =	vand.u32 $0xFFFF0000, v1  }
0x2e0: {  	v2 =	vadd.f32 v3, v2;
	v0 =	vadd.f32 v1, v0;
	_ =	sdelay $0x1  }
0x2e1: {  	[tilespmem:s29+$0xFFFFFFA0] =	vst.add.f32.msk $0xffff, v2  }
0x2e2: {  	[tilespmem:s29+$0xFFFFFFC0] =	vst.add.f32.msk $0xffff, v0  }
0x2e3: {  	v2 =	vld [tilespmem:s28+$0xFFFFEFF0]  }
.Ltmp6:
0x2e4: {  	v0 =	vld [tilespmem:s28+$0xFFFFFFF0];
	(pc) =	sbr.rel @p1 .LBB2_11-.Ltmp6, $2  }
0x2e5: {  	_ =	sdelay $0x2  }
0x2e6: {  	v1 =	vshll.u32 v2, $0x10;
	v2 =	vand.u32 $0xFFFF0000, v2  }
0x2e7: {  	v3 =	vshll.u32 v0, $0x10  }
0x2e8: {  	v61 =	vand.u32 $0xFFFF0000, v0;
	v1 =	vadd.f32 v3, v1  }
0x2e9: {  	v0 =	vadd.f32 v61, v2  }
0x2ea: {  	[tilespmem:s30+$0xFFFFFFD0] =	vst.add.f32.msk $0xffff, v1  }
0x2eb: {  	[tilespmem:s30+$0xFFFFFFF0] =	vst.add.f32.msk $0xffff, v0  }
0x2ec: {  	v0 =	vld [tilespmem:s31+$0xFFFFF000]  }
0x2ed: {  	v1 =	vld [tilespmem:s31+$0x0];
	_ =	sdelay $0x4  }
.Ltmp7:
0x2ee: {  	v62 =	vshll.u32 v0, $0x10;
	v63 =	vshll.u32 v1, $0x10;
	(pc) =	sbr.rel @p0 .LBB2_14-.Ltmp7, $4  }
0x2ef: {  	v0 =	vand.u32 $0xFFFF0000, v0;
	v1 =	vand.u32 $0xFFFF0000, v1;
	v2 =	vadd.f32 v63, v62  }
0x2f0: {  	v0 =	vadd.f32 v1, v0  }
0x2f1: {  	[tilespmem:s30+$0xFFFFFFE0] =	vst.add.f32.msk $0xffff, v2  }
0x2f2: {  	[tilespmem:s30+$0x0] =	vst.add.f32.msk $0xffff, v0  }
0x2f3: {  	s1 =	sshll.u32 s26, $0x9  }
.Ltmp8:
0x2f4: {  	s1 =	sand.u32 $0x3FFFFE00, s1;
	(pc) =	sbr.rel .LBB2_8-.Ltmp8, $4  }
0x2f5: {  	s28 =	sadd.s32 $0x300, s1  }
0x2f6: {  	[tilespmem:s12], [sflag:$0x3] =	stream.indirect.gather [hbm4b:s3+s7], $0x20, s28, s7, $0xb8;
	[tilespmem:$0xC400] =	vst v63  }
0x2f7: {  	s26 =	sadd.s32 $0x1, s26;
	s1 =	sadd.s32 $0x380, s1  }
0x2f8: {  	[tilespmem:s14], [sflag:$0x4] =	stream.indirect.gather [hbm4b:s3+s7], $0x20, s1, s7, $0xb8;
	[tilespmem:$0xC400] =	vst v63  }
.LBB2_15:
0x2f9: {  	_ =	sfence.sel $0x180000  }
0x2fa: {  	[bflag:$0x0] =	sbarrier.arrive $0xFFFF  }
0x2fb: {  	_ =	strace $0x90000047  }
0x2fc: {  	[bflag:$0x2] =	sbarrier.arrive $0xFFFF  }
0x2fd: {  	p0 =	sne.s32 s0, $0x0;
	s0 =	rddreg [dreg:$0x1]  }
0x2fe: {  	s0 =	sadd.s32 @!p0 $0x100000, s0  }
0x2ff: {  	[sflag:s0] =	ssyncadd.tile.s32 @!p0 $0x1;
	_ =	shalt  }
.Lfunc_end2:
_tile_overlayer_lowered:
.L_overlay_start_2:
0x300: {  	(tag) =	ssettag $0x2  }
0x301: {  	s0 =	rddreg [dreg:$0x0];
	s2 =	stileid.u32  }
0x302: {  	s1 =	rddreg [dreg:$0x1];
	p0 =	sne.s32 s2, $0x0  }
0x303: {  	s3 =	rddreg [dreg:$0x2];
	[bflag:$0x3] =	sbarrier.arrive $0xFFFF;
	s2 =	simm.s32 @!p0 $0x1C05  }
0x304: {  	[timem:s3], [sflag:s2] =	dma.local @!p0 [hbm:s0], s1  }
0x305: {  	s0 =	simm.s32 @!p0 $0x5  }
0x306: {  	_ =	swait.ge @!p0 [sflag:s0], s1  }
0x307: {  	s1 =	ssub.s32 @!p0 $0x0, s1;
	[sflag:s0] =	ssyncset.done @!p0 $0x0  }
0x308: {  	[sflag:s0] =	ssyncadd.s32 @!p0 s1  }
0x309: {  	[bflag:$0x3] =	sbarrier.arrive $0xFFFF  }
0x30a: {  	_ =	shalt  }

</sc_bundles>
